<compile_context>
chip_gen: v7x
topology: tpu7x:2x2x1
jax: 0.10.2.dev20260603
libtpu: 0.0.44.dev20260713+nightly
codegen_flags: <defaults>
</compile_context>

<pallas_src>
import functools

import jax
import jax.numpy as jnp
from jax import lax
from jax.experimental import pallas as pl
from jax.experimental.pallas import tpu as pltpu
from jax.experimental.pallas import tpu_sc as plsc

N = 10000
E = 320000
D = 128
DH = 64
DW = 80
NPAD = 10240
K = 64
NCHUNKS = E // K
CPT = 320
IB = 5
NBUF = 5
ROWS_PER_TILE = NPAD // 16
XPT = N // 16


def _sc_segment_sum(x, src2d, dst2d):
  mesh = plsc.VectorSubcoreMesh(core_axis_name="c", subcore_axis_name="s")

  @functools.partial(
      pl.kernel,
      mesh=mesh,
      out_type=jax.ShapeDtypeStruct((2 * NPAD, DW), jnp.float32),
      scratch_types=[
          pltpu.VMEM((4, IB, K), jnp.int32),
          pltpu.VMEM((4, IB, K), jnp.int32),
          pltpu.VMEM((NBUF, K, DW), jnp.float32),
          pltpu.VMEM_SHARED((NPAD, DW), jnp.float32),
          pltpu.VMEM_SHARED((N, DW), jnp.float32),
          [pltpu.SemaphoreType.DMA] * NBUF,
          [pltpu.SemaphoreType.DMA] * NBUF,
          [pltpu.SemaphoreType.DMA] * 4,
          [pltpu.SemaphoreType.DMA] * 4,
      ],
      compiler_params=pltpu.CompilerParams(use_tc_tiling_on_sc=False),
  )
  def k(x_hbm, src_hbm, dst_hbm, stamp_hbm, out_hbm,
        src_v, dst_v, rows_v, acc_sh, xtab_sh, sem_g, sem_s,
        sem_is, sem_id):
    cid = lax.axis_index("c")
    sid = lax.axis_index("s")

    xr0 = sid * XPT
    pltpu.async_copy(x_hbm.at[pl.ds(xr0, XPT), pl.ds(cid * DH, DH)],
                     xtab_sh.at[pl.ds(xr0, XPT), pl.ds(0, DH)], sem_g[0])

    def zrow(r, carry):
      for c in range(DW // 16):
        rows_v[jnp.int32(0), r, pl.ds(c * 16, 16)] = jnp.zeros(
            (16,), jnp.float32)
      return carry

    lax.fori_loop(jnp.int32(0), jnp.int32(K), zrow, jnp.int32(0))
    pltpu.make_async_copy(x_hbm.at[pl.ds(0, XPT), pl.ds(0, DH)],
                          xtab_sh.at[pl.ds(0, XPT), pl.ds(0, DH)],
                          sem_g[0]).wait()

    def zslab(j, carry):
      pltpu.sync_copy(rows_v.at[jnp.int32(0)],
                      acc_sh.at[pl.ds(sid * ROWS_PER_TILE + j * K, K)])
      return carry

    lax.fori_loop(jnp.int32(0), jnp.int32(ROWS_PER_TILE // K), zslab,
                  jnp.int32(0))

    def ocol(q, carry):
      pltpu.sync_copy(stamp_hbm,
                      xtab_sh.at[pl.ds(xr0 + q * 125, 125), pl.ds(DH, 16)])
      return carry

    lax.fori_loop(jnp.int32(0), jnp.int32(XPT // 125), ocol, jnp.int32(0))
    plsc.subcore_barrier()

    cbase = sid * CPT
    nchunk = jnp.where(sid == 15, jnp.int32(NCHUNKS - 15 * CPT),
                       jnp.int32(CPT))
    nblk = nchunk // jnp.int32(IB)

    def load_idx_block(j, p):
      pi = jnp.int32(p)
      pltpu.async_copy(src_hbm.at[pl.ds(cbase + j * IB, IB)], src_v.at[pi],
                       sem_is[p])
      pltpu.async_copy(dst_hbm.at[pl.ds(cbase + j * IB, IB)], dst_v.at[pi],
                       sem_id[p])

    def wait_idx_block(p):
      pi = jnp.int32(p)
      pltpu.make_async_copy(src_hbm.at[pl.ds(0, IB)], src_v.at[pi],
                            sem_is[p]).wait()
      pltpu.make_async_copy(dst_hbm.at[pl.ds(0, IB)], dst_v.at[pi],
                            sem_id[p]).wait()

    load_idx_block(jnp.int32(0), 0)
    load_idx_block(jnp.int32(1), 1)
    load_idx_block(jnp.int32(2), 2)
    wait_idx_block(0)

    for b in range(NBUF):
      bi = jnp.int32(b)
      pltpu.async_copy(xtab_sh.at[src_v.at[jnp.int32(0), bi]],
                       rows_v.at[bi], sem_g[b])

    scat_dummy = out_hbm.at[pl.ds(0, K)]

    def block_quad(i, carry):
      for q in range(4):
        p, pn, pl3 = q, (q + 1) % 4, (q + 3) % 4
        j = i * jnp.int32(4) + jnp.int32(q)
        have_next = j + jnp.int32(1) < nblk

        @pl.when(have_next)
        def _():
          wait_idx_block(pn)

        for u in range(IB):
          bi = jnp.int32(u)
          pltpu.make_async_copy(scat_dummy, rows_v.at[bi],
                                sem_g[u]).wait()
          pltpu.async_copy(rows_v.at[bi],
                           acc_sh.at[dst_v.at[jnp.int32(p), bi]],
                           sem_s[u], add=True)

          @pl.when(have_next)
          def _():
            pltpu.make_async_copy(scat_dummy, rows_v.at[bi],
                                  sem_s[u]).wait()
            pltpu.async_copy(xtab_sh.at[src_v.at[jnp.int32(pn), bi]],
                             rows_v.at[bi], sem_g[u])

        @pl.when(j + jnp.int32(3) < nblk)
        def _():
          load_idx_block(j + jnp.int32(3), pl3)
      return carry

    lax.fori_loop(jnp.int32(0), nblk // jnp.int32(4), block_quad,
                  jnp.int32(0), unroll=False)

    for b in range(NBUF):
      bi = jnp.int32(b)
      pltpu.make_async_copy(scat_dummy, rows_v.at[bi], sem_s[b]).wait()

    plsc.subcore_barrier()

    pltpu.sync_copy(
        acc_sh.at[pl.ds(sid * ROWS_PER_TILE, ROWS_PER_TILE)],
        out_hbm.at[pl.ds(cid * NPAD + sid * ROWS_PER_TILE, ROWS_PER_TILE)])

  stamp = jnp.zeros((125, 16), jnp.float32).at[:, 0].set(1.0)
  return k(x, src2d, dst2d, stamp)


def _tc_finish(acc, x, Wl_lo, Wl_hi, b_l, W_r):
  BN = 640

  def body(a0_ref, a1_ref, x_ref, wlo_ref, whi_ref, wr_ref, b_ref, o_ref):
    lo = a0_ref[...]
    hi = a1_ref[...]
    cnt = jnp.maximum(lo[:, DH:DH + 1], 1.0)
    mean_lo = lo[:, :DH] / cnt
    mean_hi = hi[:, :DH] / cnt
    dn = (((1,), (1,)), ((), ()))
    o_ref[...] = (
        lax.dot_general(mean_lo, wlo_ref[...], dn,
                        preferred_element_type=jnp.float32)
        + lax.dot_general(mean_hi, whi_ref[...], dn,
                          preferred_element_type=jnp.float32)
        + lax.dot_general(x_ref[...], wr_ref[...], dn,
                          preferred_element_type=jnp.float32)
        + b_ref[...])

  nblk = NPAD // BN
  return pl.pallas_call(
      body,
      grid=(pl.cdiv(N, BN),),
      in_specs=[
          pl.BlockSpec((BN, DW), lambda i: (i, jnp.int32(0))),
          pl.BlockSpec((BN, DW), lambda i: (i + jnp.int32(nblk),
                                            jnp.int32(0))),
          pl.BlockSpec((BN, D), lambda i: (i, jnp.int32(0))),
          pl.BlockSpec((D, DH), lambda i: (jnp.int32(0), jnp.int32(0))),
          pl.BlockSpec((D, DH), lambda i: (jnp.int32(0), jnp.int32(0))),
          pl.BlockSpec((D, D), lambda i: (jnp.int32(0), jnp.int32(0))),
          pl.BlockSpec((1, D), lambda i: (jnp.int32(0), jnp.int32(0))),
      ],
      out_specs=pl.BlockSpec((BN, D), lambda i: (i, jnp.int32(0))),
      out_shape=jax.ShapeDtypeStruct((N, D), jnp.float32),
  )(acc, acc, x, Wl_lo, Wl_hi, W_r, b_l.reshape(1, D))


def kernel(x, edge_index, edge_attr, W_l, b_l, W_r):
  src2d = edge_index[0].astype(jnp.int32).reshape(NCHUNKS, K)
  dst2d = edge_index[1].astype(jnp.int32).reshape(NCHUNKS, K)
  xf = x.astype(jnp.float32)

  acc = _sc_segment_sum(xf, src2d, dst2d)
  Wl = W_l.astype(jnp.float32)
  out = _tc_finish(acc, xf, Wl[:, :DH], Wl[:, DH:],
                   b_l.astype(jnp.float32), W_r.astype(jnp.float32))
  out_dtype = jnp.result_type(x.dtype, W_l.dtype)
  return out.astype(out_dtype)

# --- scband reference (transcript-rebuilt; emitter-appended) ---
"""Pipeline reference for scband-gnnlayer-py-g-12257836663487 (READ-ONLY COPY).

The authoritative reference and input builder live on the scoring server;
editing this copy changes nothing except your own understanding.
"""

import jax
jax.config.update("jax_enable_x64", True)
import jax.numpy as jnp
import numpy as np

N = 10000
E = 320000
D_IN = 128
D_OUT = 128
D_EDGE = 4


def setup_inputs(seed: int = 0) -> dict:
    key = jax.random.key(seed)
    k1, k2, k3, k4, k5, k6 = jax.random.split(key, 6)
    x = jax.random.normal(k1, (N, D_IN), dtype=jnp.float32)
    edge_index = jax.random.randint(k2, (2, E), 0, N, dtype=jnp.int64)
    edge_attr = jax.random.normal(k3, (E, D_EDGE), dtype=jnp.float32)
    # SAGEConv parameters: lin_l (applied to aggregated neighbors, with bias),
    # lin_r (applied to root/self features, no bias)
    scale = 1.0 / np.sqrt(D_IN)
    W_l = jax.random.normal(k4, (D_OUT, D_IN), dtype=jnp.float32) * scale
    b_l = jnp.zeros((D_OUT,), dtype=jnp.float32)
    W_r = jax.random.normal(k5, (D_OUT, D_IN), dtype=jnp.float32) * scale
    return {"x": x, "edge_index": edge_index, "edge_attr": edge_attr,
            "W_l": W_l, "b_l": b_l, "W_r": W_r}


def reference(x, edge_index, edge_attr, W_l, b_l, W_r):
    # GNNLayerPyG with gnn_type='sage' on a single (unbatched) graph.
    # The wrapper unsqueezes to batch=1, flattens, and calls SAGEConv(x, edge_index);
    # edge_attr is ignored for 'sage'. SAGEConv (PyG default): mean aggregation of
    # source-node features into destination nodes, then
    #   out = lin_l(mean_agg) + lin_r(x)
    src = edge_index[0]
    dst = edge_index[1]
    msgs = jnp.take(x, src, axis=0)                          # gather [E, D_IN]
    summed = jax.ops.segment_sum(msgs, dst, num_segments=N)  # scatter-add [N, D_IN]
    counts = jax.ops.segment_sum(jnp.ones((msgs.shape[0],), dtype=x.dtype), dst,
                                 num_segments=N)
    mean_agg = summed / jnp.clip(counts, 1.0)[:, None]
    out = mean_agg @ W_l.T + b_l + x @ W_r.T
    return out

if __name__ == "__main__":
    import jax
    _d = setup_inputs()
    print(jax.jit(kernel)(*tuple(_d.values())))

</pallas_src>

<mosaic_0001>
#map = affine_map<(d0, d1) -> (0, 0)>
module attributes {stable_mosaic.version = 14 : i64} {
  func.func @k(%arg0: i32, %arg1: i32, %arg2: memref<10000x128xf32, #tpu.memory_space<hbm>>, %arg3: memref<5000x64xi32, #tpu.memory_space<hbm>>, %arg4: memref<5000x64xi32, #tpu.memory_space<hbm>>, %arg5: memref<125x16xf32, #tpu.memory_space<hbm>>, %arg6: memref<20480x80xf32, #tpu.memory_space<hbm>>, %arg7: memref<4x5x64xi32, #tpu.memory_space<vmem>>, %arg8: memref<4x5x64xi32, #tpu.memory_space<vmem>>, %arg9: memref<5x64x80xf32, #tpu.memory_space<vmem>>, %arg10: memref<10240x80xf32, #tpu.memory_space<vmem_shared>>, %arg11: memref<10000x80xf32, #tpu.memory_space<vmem_shared>>, %arg12: memref<!tpu.dma_semaphore, #tpu.memory_space<semaphore_mem>>, %arg13: memref<!tpu.dma_semaphore, #tpu.memory_space<semaphore_mem>>, %arg14: memref<!tpu.dma_semaphore, #tpu.memory_space<semaphore_mem>>, %arg15: memref<!tpu.dma_semaphore, #tpu.memory_space<semaphore_mem>>, %arg16: memref<!tpu.dma_semaphore, #tpu.memory_space<semaphore_mem>>, %arg17: memref<!tpu.dma_semaphore, #tpu.memory_space<semaphore_mem>>, %arg18: memref<!tpu.dma_semaphore, #tpu.memory_space<semaphore_mem>>, %arg19: memref<!tpu.dma_semaphore, #tpu.memory_space<semaphore_mem>>, %arg20: memref<!tpu.dma_semaphore, #tpu.memory_space<semaphore_mem>>, %arg21: memref<!tpu.dma_semaphore, #tpu.memory_space<semaphore_mem>>, %arg22: memref<!tpu.dma_semaphore, #tpu.memory_space<semaphore_mem>>, %arg23: memref<!tpu.dma_semaphore, #tpu.memory_space<semaphore_mem>>, %arg24: memref<!tpu.dma_semaphore, #tpu.memory_space<semaphore_mem>>, %arg25: memref<!tpu.dma_semaphore, #tpu.memory_space<semaphore_mem>>, %arg26: memref<!tpu.dma_semaphore, #tpu.memory_space<semaphore_mem>>, %arg27: memref<!tpu.dma_semaphore, #tpu.memory_space<semaphore_mem>>, %arg28: memref<!tpu.dma_semaphore, #tpu.memory_space<semaphore_mem>>, %arg29: memref<!tpu.dma_semaphore, #tpu.memory_space<semaphore_mem>>) attributes {dimension_semantics = [#tpu.dimension_semantics<core_parallel>, #tpu.dimension_semantics<subcore_parallel>], iteration_bounds = array<i64: 2, 16>, scalar_prefetch = 0 : i64, scratch_operands = 23 : i64, tpu.core_type = #tpu.core_type<sc_vector_subcore>, window_params = [{transform_indices = #map}, {transform_indices = #map}, {transform_indices = #map}, {transform_indices = #map}, {transform_indices = #map}]} {
    %mul3A = arith.constant 625 : i32
    %mul3A_0 = arith.muli %arg1, %mul3A : i32
    %mul3A_1 = arith.constant 64 : i32
    %mul3A_2 = arith.muli %arg0, %mul3A_1 : i32
    %dma_start3A = arith.constant 0 : i32
    %dma_start3A_3 = tpu.memref_slice %arg11[%mul3A_0, %dma_start3A] : memref<10000x80xf32, #tpu.memory_space<vmem_shared>> -> memref<625x64xf32, #tpu.memory_space<vmem_shared>>
    %dma_start3A_4 = tpu.memref_slice %arg2[%mul3A_0, %mul3A_2] : memref<10000x128xf32, #tpu.memory_space<hbm>> -> memref<625x64xf32, #tpu.memory_space<hbm>>
    tpu.enqueue_dma source(%dma_start3A_4 : memref<625x64xf32, #tpu.memory_space<hbm>>) target(%dma_start3A_3 : memref<625x64xf32, #tpu.memory_space<vmem_shared>>) target_semaphore(%arg12 : memref<!tpu.dma_semaphore, #tpu.memory_space<semaphore_mem>>)
    %while3A = arith.constant 0 : i32
    %while3A_5 = arith.constant 0 : i32
    %while3A_6 = arith.constant 64 : i32
    %while3A_7 = arith.subi %while3A_6, %while3A_5 : i32
    %while3A_8 = arith.addi %while3A_5, %while3A_7 : i32
    %while3A_9 = arith.constant 1 : i32
    %while3A_10 = arith.divsi %while3A_7, %while3A_9 : i32
    %while3A_11 = arith.muli %while3A_10, %while3A_9 : i32
    %while3A_12 = arith.addi %while3A_5, %while3A_11 : i32
    %while3A_13 = arith.constant 1 : i32
    scf.for %while3A_377 = %while3A_5 to %while3A_12 step %while3A_13  : i32 {
      %broadcast_in_dim3A = arith.constant 0.000000e+00 : f32
      %broadcast_in_dim3A_378 = vector.broadcast %broadcast_in_dim3A : f32 to vector<16xf32>
      %swap3A = arith.constant 0 : i32
      %swap3A_379 = arith.index_cast %swap3A : i32 to index
      %swap3A_380 = arith.index_cast %while3A_377 : i32 to index
      %swap3A_381 = arith.constant 0 : index
      %swap3A_382 = tpu.vector_load %arg9[%swap3A_379, %swap3A_380, %swap3A_381] {strides = array<i32>} : memref<5x64x80xf32, #tpu.memory_space<vmem>>, vector<1x1x16xf32>,
      %swap3A_383 = vector.shape_cast %swap3A_382 : vector<1x1x16xf32> to vector<16xf32>
      %swap3A_384 = vector.shape_cast %broadcast_in_dim3A_378 : vector<16xf32> to vector<1x1x16xf32>
      tpu.vector_store %arg9[%swap3A_379, %swap3A_380, %swap3A_381], %swap3A_384 {strides = array<i32>} : memref<5x64x80xf32, #tpu.memory_space<vmem>>, vector<1x1x16xf32>,
      %broadcast_in_dim3A_385 = arith.constant 0.000000e+00 : f32
      %broadcast_in_dim3A_386 = vector.broadcast %broadcast_in_dim3A_385 : f32 to vector<16xf32>
      %swap3A_387 = arith.constant 0 : i32
      %swap3A_388 = arith.index_cast %swap3A_387 : i32 to index
      %swap3A_389 = arith.index_cast %while3A_377 : i32 to index
      %swap3A_390 = arith.constant 16 : index
      %swap3A_391 = tpu.vector_load %arg9[%swap3A_388, %swap3A_389, %swap3A_390] {strides = array<i32>} : memref<5x64x80xf32, #tpu.memory_space<vmem>>, vector<1x1x16xf32>,
      %swap3A_392 = vector.shape_cast %swap3A_391 : vector<1x1x16xf32> to vector<16xf32>
      %swap3A_393 = vector.shape_cast %broadcast_in_dim3A_386 : vector<16xf32> to vector<1x1x16xf32>
      tpu.vector_store %arg9[%swap3A_388, %swap3A_389, %swap3A_390], %swap3A_393 {strides = array<i32>} : memref<5x64x80xf32, #tpu.memory_space<vmem>>, vector<1x1x16xf32>,
      %broadcast_in_dim3A_394 = arith.constant 0.000000e+00 : f32
      %broadcast_in_dim3A_395 = vector.broadcast %broadcast_in_dim3A_394 : f32 to vector<16xf32>
      %swap3A_396 = arith.constant 0 : i32
      %swap3A_397 = arith.index_cast %swap3A_396 : i32 to index
      %swap3A_398 = arith.index_cast %while3A_377 : i32 to index
      %swap3A_399 = arith.constant 32 : index
      %swap3A_400 = tpu.vector_load %arg9[%swap3A_397, %swap3A_398, %swap3A_399] {strides = array<i32>} : memref<5x64x80xf32, #tpu.memory_space<vmem>>, vector<1x1x16xf32>,
      %swap3A_401 = vector.shape_cast %swap3A_400 : vector<1x1x16xf32> to vector<16xf32>
      %swap3A_402 = vector.shape_cast %broadcast_in_dim3A_395 : vector<16xf32> to vector<1x1x16xf32>
      tpu.vector_store %arg9[%swap3A_397, %swap3A_398, %swap3A_399], %swap3A_402 {strides = array<i32>} : memref<5x64x80xf32, #tpu.memory_space<vmem>>, vector<1x1x16xf32>,
      %broadcast_in_dim3A_403 = arith.constant 0.000000e+00 : f32
      %broadcast_in_dim3A_404 = vector.broadcast %broadcast_in_dim3A_403 : f32 to vector<16xf32>
      %swap3A_405 = arith.constant 0 : i32
      %swap3A_406 = arith.index_cast %swap3A_405 : i32 to index
      %swap3A_407 = arith.index_cast %while3A_377 : i32 to index
      %swap3A_408 = arith.constant 48 : index
      %swap3A_409 = tpu.vector_load %arg9[%swap3A_406, %swap3A_407, %swap3A_408] {strides = array<i32>} : memref<5x64x80xf32, #tpu.memory_space<vmem>>, vector<1x1x16xf32>,
      %swap3A_410 = vector.shape_cast %swap3A_409 : vector<1x1x16xf32> to vector<16xf32>
      %swap3A_411 = vector.shape_cast %broadcast_in_dim3A_404 : vector<16xf32> to vector<1x1x16xf32>
      tpu.vector_store %arg9[%swap3A_406, %swap3A_407, %swap3A_408], %swap3A_411 {strides = array<i32>} : memref<5x64x80xf32, #tpu.memory_space<vmem>>, vector<1x1x16xf32>,
      %broadcast_in_dim3A_412 = arith.constant 0.000000e+00 : f32
      %broadcast_in_dim3A_413 = vector.broadcast %broadcast_in_dim3A_412 : f32 to vector<16xf32>
      %swap3A_414 = arith.constant 0 : i32
      %swap3A_415 = arith.index_cast %swap3A_414 : i32 to index
      %swap3A_416 = arith.index_cast %while3A_377 : i32 to index
      %swap3A_417 = arith.constant 64 : index
      %swap3A_418 = tpu.vector_load %arg9[%swap3A_415, %swap3A_416, %swap3A_417] {strides = array<i32>} : memref<5x64x80xf32, #tpu.memory_space<vmem>>, vector<1x1x16xf32>,
      %swap3A_419 = vector.shape_cast %swap3A_418 : vector<1x1x16xf32> to vector<16xf32>
      %swap3A_420 = vector.shape_cast %broadcast_in_dim3A_413 : vector<16xf32> to vector<1x1x16xf32>
      tpu.vector_store %arg9[%swap3A_415, %swap3A_416, %swap3A_417], %swap3A_420 {strides = array<i32>} : memref<5x64x80xf32, #tpu.memory_space<vmem>>, vector<1x1x16xf32>,
    }
    %while3A_14 = arith.constant 1 : i32
    scf.for %while3A_377 = %while3A_12 to %while3A_8 step %while3A_14  : i32 {
      %broadcast_in_dim3A = arith.constant 0.000000e+00 : f32
      %broadcast_in_dim3A_378 = vector.broadcast %broadcast_in_dim3A : f32 to vector<16xf32>
      %swap3A = arith.constant 0 : i32
      %swap3A_379 = arith.index_cast %swap3A : i32 to index
      %swap3A_380 = arith.index_cast %while3A_377 : i32 to index
      %swap3A_381 = arith.constant 0 : index
      %swap3A_382 = tpu.vector_load %arg9[%swap3A_379, %swap3A_380, %swap3A_381] {strides = array<i32>} : memref<5x64x80xf32, #tpu.memory_space<vmem>>, vector<1x1x16xf32>,
      %swap3A_383 = vector.shape_cast %swap3A_382 : vector<1x1x16xf32> to vector<16xf32>
      %swap3A_384 = vector.shape_cast %broadcast_in_dim3A_378 : vector<16xf32> to vector<1x1x16xf32>
      tpu.vector_store %arg9[%swap3A_379, %swap3A_380, %swap3A_381], %swap3A_384 {strides = array<i32>} : memref<5x64x80xf32, #tpu.memory_space<vmem>>, vector<1x1x16xf32>,
      %broadcast_in_dim3A_385 = arith.constant 0.000000e+00 : f32
      %broadcast_in_dim3A_386 = vector.broadcast %broadcast_in_dim3A_385 : f32 to vector<16xf32>
      %swap3A_387 = arith.constant 0 : i32
      %swap3A_388 = arith.index_cast %swap3A_387 : i32 to index
      %swap3A_389 = arith.index_cast %while3A_377 : i32 to index
      %swap3A_390 = arith.constant 16 : index
      %swap3A_391 = tpu.vector_load %arg9[%swap3A_388, %swap3A_389, %swap3A_390] {strides = array<i32>} : memref<5x64x80xf32, #tpu.memory_space<vmem>>, vector<1x1x16xf32>,
      %swap3A_392 = vector.shape_cast %swap3A_391 : vector<1x1x16xf32> to vector<16xf32>
      %swap3A_393 = vector.shape_cast %broadcast_in_dim3A_386 : vector<16xf32> to vector<1x1x16xf32>
      tpu.vector_store %arg9[%swap3A_388, %swap3A_389, %swap3A_390], %swap3A_393 {strides = array<i32>} : memref<5x64x80xf32, #tpu.memory_space<vmem>>, vector<1x1x16xf32>,
      %broadcast_in_dim3A_394 = arith.constant 0.000000e+00 : f32
      %broadcast_in_dim3A_395 = vector.broadcast %broadcast_in_dim3A_394 : f32 to vector<16xf32>
      %swap3A_396 = arith.constant 0 : i32
      %swap3A_397 = arith.index_cast %swap3A_396 : i32 to index
      %swap3A_398 = arith.index_cast %while3A_377 : i32 to index
      %swap3A_399 = arith.constant 32 : index
      %swap3A_400 = tpu.vector_load %arg9[%swap3A_397, %swap3A_398, %swap3A_399] {strides = array<i32>} : memref<5x64x80xf32, #tpu.memory_space<vmem>>, vector<1x1x16xf32>,
      %swap3A_401 = vector.shape_cast %swap3A_400 : vector<1x1x16xf32> to vector<16xf32>
      %swap3A_402 = vector.shape_cast %broadcast_in_dim3A_395 : vector<16xf32> to vector<1x1x16xf32>
      tpu.vector_store %arg9[%swap3A_397, %swap3A_398, %swap3A_399], %swap3A_402 {strides = array<i32>} : memref<5x64x80xf32, #tpu.memory_space<vmem>>, vector<1x1x16xf32>,
      %broadcast_in_dim3A_403 = arith.constant 0.000000e+00 : f32
      %broadcast_in_dim3A_404 = vector.broadcast %broadcast_in_dim3A_403 : f32 to vector<16xf32>
      %swap3A_405 = arith.constant 0 : i32
      %swap3A_406 = arith.index_cast %swap3A_405 : i32 to index
      %swap3A_407 = arith.index_cast %while3A_377 : i32 to index
      %swap3A_408 = arith.constant 48 : index
      %swap3A_409 = tpu.vector_load %arg9[%swap3A_406, %swap3A_407, %swap3A_408] {strides = array<i32>} : memref<5x64x80xf32, #tpu.memory_space<vmem>>, vector<1x1x16xf32>,
      %swap3A_410 = vector.shape_cast %swap3A_409 : vector<1x1x16xf32> to vector<16xf32>
      %swap3A_411 = vector.shape_cast %broadcast_in_dim3A_404 : vector<16xf32> to vector<1x1x16xf32>
      tpu.vector_store %arg9[%swap3A_406, %swap3A_407, %swap3A_408], %swap3A_411 {strides = array<i32>} : memref<5x64x80xf32, #tpu.memory_space<vmem>>, vector<1x1x16xf32>,
      %broadcast_in_dim3A_412 = arith.constant 0.000000e+00 : f32
      %broadcast_in_dim3A_413 = vector.broadcast %broadcast_in_dim3A_412 : f32 to vector<16xf32>
      %swap3A_414 = arith.constant 0 : i32
      %swap3A_415 = arith.index_cast %swap3A_414 : i32 to index
      %swap3A_416 = arith.index_cast %while3A_377 : i32 to index
      %swap3A_417 = arith.constant 64 : index
      %swap3A_418 = tpu.vector_load %arg9[%swap3A_415, %swap3A_416, %swap3A_417] {strides = array<i32>} : memref<5x64x80xf32, #tpu.memory_space<vmem>>, vector<1x1x16xf32>,
      %swap3A_419 = vector.shape_cast %swap3A_418 : vector<1x1x16xf32> to vector<16xf32>
      %swap3A_420 = vector.shape_cast %broadcast_in_dim3A_413 : vector<16xf32> to vector<1x1x16xf32>
      tpu.vector_store %arg9[%swap3A_415, %swap3A_416, %swap3A_417], %swap3A_420 {strides = array<i32>} : memref<5x64x80xf32, #tpu.memory_space<vmem>>, vector<1x1x16xf32>,
    }
    %dma_wait3A = arith.constant 0 : i32
    %dma_wait3A_15 = arith.constant 0 : i32
    %dma_wait3A_16 = tpu.memref_slice %arg11[%dma_wait3A, %dma_wait3A_15] : memref<10000x80xf32, #tpu.memory_space<vmem_shared>> -> memref<625x64xf32, #tpu.memory_space<vmem_shared>>
    %dma_wait3A_17 = arith.constant 0 : i32
    %dma_wait3A_18 = arith.constant 0 : i32
    %dma_wait3A_19 = tpu.memref_slice %arg2[%dma_wait3A_17, %dma_wait3A_18] : memref<10000x128xf32, #tpu.memory_space<hbm>> -> memref<625x64xf32, #tpu.memory_space<hbm>>
    tpu.wait_dma2 semaphore(%arg12 : memref<!tpu.dma_semaphore, #tpu.memory_space<semaphore_mem>>) src(%dma_wait3A_19 : memref<625x64xf32, #tpu.memory_space<hbm>>) dst(%dma_wait3A_16 : memref<625x64xf32, #tpu.memory_space<vmem_shared>>)
    %while3A_20 = arith.constant 0 : i32
    %while3A_21 = arith.constant 0 : i32
    %while3A_22 = arith.constant 10 : i32
    %while3A_23 = arith.subi %while3A_22, %while3A_21 : i32
    %while3A_24 = arith.addi %while3A_21, %while3A_23 : i32
    %while3A_25 = arith.constant 1 : i32
    %while3A_26 = arith.divsi %while3A_23, %while3A_25 : i32
    %while3A_27 = arith.muli %while3A_26, %while3A_25 : i32
    %while3A_28 = arith.addi %while3A_21, %while3A_27 : i32
    %while3A_29 = arith.constant 1 : i32
    scf.for %while3A_377 = %while3A_21 to %while3A_28 step %while3A_29  : i32 {
      %mul3A_378 = arith.constant 640 : i32
      %mul3A_379 = arith.muli %arg1, %mul3A_378 : i32
      %mul3A_380 = arith.constant 64 : i32
      %mul3A_381 = arith.muli %while3A_377, %mul3A_380 : i32
      %add3A_382 = arith.addi %mul3A_379, %mul3A_381 : i32
      %run_scoped3A = arith.constant 0 : i32
      "tpu.region"() ({
        %run_scoped3A_383 = tpu.sem_alloc : memref<!tpu.dma_semaphore, #tpu.memory_space<semaphore_mem>>
        %dma_start3A_384 = arith.constant 0 : i32
        %dma_start3A_385 = arith.constant 0 : i32
        %dma_start3A_386 = tpu.memref_slice %arg9[%run_scoped3A, %dma_start3A_384, %dma_start3A_385] : memref<5x64x80xf32, #tpu.memory_space<vmem>> -> memref<1x64x80xf32, #tpu.memory_space<vmem>>
        %dma_start3A_387 = tpu.memref_squeeze %dma_start3A_386 : memref<1x64x80xf32, #tpu.memory_space<vmem>> -> memref<64x80xf32, #tpu.memory_space<vmem>>
        %dma_start3A_388 = arith.constant 0 : i32
        %dma_start3A_389 = tpu.memref_slice %arg10[%add3A_382, %dma_start3A_388] : memref<10240x80xf32, #tpu.memory_space<vmem_shared>> -> memref<64x80xf32, #tpu.memory_space<vmem_shared>>
        %dma_start3A_390 = arith.constant 0 : i32
        %dma_start3A_391 = tpu.memref_slice %arg10[%add3A_382, %dma_start3A_390] : memref<10240x80xf32, #tpu.memory_space<vmem_shared>> -> memref<64x80xf32, #tpu.memory_space<vmem_shared>>
        %dma_start3A_392 = arith.constant 0 : i32
        %dma_start3A_393 = arith.constant 0 : i32
        %dma_start3A_394 = tpu.memref_slice %arg9[%run_scoped3A, %dma_start3A_392, %dma_start3A_393] : memref<5x64x80xf32, #tpu.memory_space<vmem>> -> memref<1x64x80xf32, #tpu.memory_space<vmem>>
        %dma_start3A_395 = tpu.memref_squeeze %dma_start3A_394 : memref<1x64x80xf32, #tpu.memory_space<vmem>> -> memref<64x80xf32, #tpu.memory_space<vmem>>
        tpu.enqueue_dma source(%dma_start3A_395 : memref<64x80xf32, #tpu.memory_space<vmem>>) target(%dma_start3A_391 : memref<64x80xf32, #tpu.memory_space<vmem_shared>>) target_semaphore(%run_scoped3A_383 : memref<!tpu.dma_semaphore, #tpu.memory_space<semaphore_mem>>)
        %dma_wait3A_396 = arith.constant 0 : i32
        %dma_wait3A_397 = arith.constant 0 : i32
        %dma_wait3A_398 = tpu.memref_slice %arg9[%run_scoped3A, %dma_wait3A_396, %dma_wait3A_397] : memref<5x64x80xf32, #tpu.memory_space<vmem>> -> memref<1x64x80xf32, #tpu.memory_space<vmem>>
        %dma_wait3A_399 = tpu.memref_squeeze %dma_wait3A_398 : memref<1x64x80xf32, #tpu.memory_space<vmem>> -> memref<64x80xf32, #tpu.memory_space<vmem>>
        %dma_wait3A_400 = arith.constant 0 : i32
        %dma_wait3A_401 = tpu.memref_slice %arg10[%add3A_382, %dma_wait3A_400] : memref<10240x80xf32, #tpu.memory_space<vmem_shared>> -> memref<64x80xf32, #tpu.memory_space<vmem_shared>>
        %dma_wait3A_402 = arith.constant 0 : i32
        %dma_wait3A_403 = tpu.memref_slice %arg10[%add3A_382, %dma_wait3A_402] : memref<10240x80xf32, #tpu.memory_space<vmem_shared>> -> memref<64x80xf32, #tpu.memory_space<vmem_shared>>
        %dma_wait3A_404 = arith.constant 0 : i32
        %dma_wait3A_405 = arith.constant 0 : i32
        %dma_wait3A_406 = tpu.memref_slice %arg9[%run_scoped3A, %dma_wait3A_404, %dma_wait3A_405] : memref<5x64x80xf32, #tpu.memory_space<vmem>> -> memref<1x64x80xf32, #tpu.memory_space<vmem>>
        %dma_wait3A_407 = tpu.memref_squeeze %dma_wait3A_406 : memref<1x64x80xf32, #tpu.memory_space<vmem>> -> memref<64x80xf32, #tpu.memory_space<vmem>>
        tpu.wait_dma2 semaphore(%run_scoped3A_383 : memref<!tpu.dma_semaphore, #tpu.memory_space<semaphore_mem>>) src(%dma_wait3A_407 : memref<64x80xf32, #tpu.memory_space<vmem>>) dst(%dma_wait3A_403 : memref<64x80xf32, #tpu.memory_space<vmem_shared>>)
        tpu.yield
      }) : () -> ()
    }
    %while3A_30 = arith.constant 1 : i32
    scf.for %while3A_377 = %while3A_28 to %while3A_24 step %while3A_30  : i32 {
      %mul3A_378 = arith.constant 640 : i32
      %mul3A_379 = arith.muli %arg1, %mul3A_378 : i32
      %mul3A_380 = arith.constant 64 : i32
      %mul3A_381 = arith.muli %while3A_377, %mul3A_380 : i32
      %add3A_382 = arith.addi %mul3A_379, %mul3A_381 : i32
      %run_scoped3A = arith.constant 0 : i32
      "tpu.region"() ({
        %run_scoped3A_383 = tpu.sem_alloc : memref<!tpu.dma_semaphore, #tpu.memory_space<semaphore_mem>>
        %dma_start3A_384 = arith.constant 0 : i32
        %dma_start3A_385 = arith.constant 0 : i32
        %dma_start3A_386 = tpu.memref_slice %arg9[%run_scoped3A, %dma_start3A_384, %dma_start3A_385] : memref<5x64x80xf32, #tpu.memory_space<vmem>> -> memref<1x64x80xf32, #tpu.memory_space<vmem>>
        %dma_start3A_387 = tpu.memref_squeeze %dma_start3A_386 : memref<1x64x80xf32, #tpu.memory_space<vmem>> -> memref<64x80xf32, #tpu.memory_space<vmem>>
        %dma_start3A_388 = arith.constant 0 : i32
        %dma_start3A_389 = tpu.memref_slice %arg10[%add3A_382, %dma_start3A_388] : memref<10240x80xf32, #tpu.memory_space<vmem_shared>> -> memref<64x80xf32, #tpu.memory_space<vmem_shared>>
        %dma_start3A_390 = arith.constant 0 : i32
        %dma_start3A_391 = tpu.memref_slice %arg10[%add3A_382, %dma_start3A_390] : memref<10240x80xf32, #tpu.memory_space<vmem_shared>> -> memref<64x80xf32, #tpu.memory_space<vmem_shared>>
        %dma_start3A_392 = arith.constant 0 : i32
        %dma_start3A_393 = arith.constant 0 : i32
        %dma_start3A_394 = tpu.memref_slice %arg9[%run_scoped3A, %dma_start3A_392, %dma_start3A_393] : memref<5x64x80xf32, #tpu.memory_space<vmem>> -> memref<1x64x80xf32, #tpu.memory_space<vmem>>
        %dma_start3A_395 = tpu.memref_squeeze %dma_start3A_394 : memref<1x64x80xf32, #tpu.memory_space<vmem>> -> memref<64x80xf32, #tpu.memory_space<vmem>>
        tpu.enqueue_dma source(%dma_start3A_395 : memref<64x80xf32, #tpu.memory_space<vmem>>) target(%dma_start3A_391 : memref<64x80xf32, #tpu.memory_space<vmem_shared>>) target_semaphore(%run_scoped3A_383 : memref<!tpu.dma_semaphore, #tpu.memory_space<semaphore_mem>>)
        %dma_wait3A_396 = arith.constant 0 : i32
        %dma_wait3A_397 = arith.constant 0 : i32
        %dma_wait3A_398 = tpu.memref_slice %arg9[%run_scoped3A, %dma_wait3A_396, %dma_wait3A_397] : memref<5x64x80xf32, #tpu.memory_space<vmem>> -> memref<1x64x80xf32, #tpu.memory_space<vmem>>
        %dma_wait3A_399 = tpu.memref_squeeze %dma_wait3A_398 : memref<1x64x80xf32, #tpu.memory_space<vmem>> -> memref<64x80xf32, #tpu.memory_space<vmem>>
        %dma_wait3A_400 = arith.constant 0 : i32
        %dma_wait3A_401 = tpu.memref_slice %arg10[%add3A_382, %dma_wait3A_400] : memref<10240x80xf32, #tpu.memory_space<vmem_shared>> -> memref<64x80xf32, #tpu.memory_space<vmem_shared>>
        %dma_wait3A_402 = arith.constant 0 : i32
        %dma_wait3A_403 = tpu.memref_slice %arg10[%add3A_382, %dma_wait3A_402] : memref<10240x80xf32, #tpu.memory_space<vmem_shared>> -> memref<64x80xf32, #tpu.memory_space<vmem_shared>>
        %dma_wait3A_404 = arith.constant 0 : i32
        %dma_wait3A_405 = arith.constant 0 : i32
        %dma_wait3A_406 = tpu.memref_slice %arg9[%run_scoped3A, %dma_wait3A_404, %dma_wait3A_405] : memref<5x64x80xf32, #tpu.memory_space<vmem>> -> memref<1x64x80xf32, #tpu.memory_space<vmem>>
        %dma_wait3A_407 = tpu.memref_squeeze %dma_wait3A_406 : memref<1x64x80xf32, #tpu.memory_space<vmem>> -> memref<64x80xf32, #tpu.memory_space<vmem>>
        tpu.wait_dma2 semaphore(%run_scoped3A_383 : memref<!tpu.dma_semaphore, #tpu.memory_space<semaphore_mem>>) src(%dma_wait3A_407 : memref<64x80xf32, #tpu.memory_space<vmem>>) dst(%dma_wait3A_403 : memref<64x80xf32, #tpu.memory_space<vmem_shared>>)
        tpu.yield
      }) : () -> ()
    }
    %while3A_31 = arith.constant 0 : i32
    %while3A_32 = arith.constant 0 : i32
    %while3A_33 = arith.constant 5 : i32
    %while3A_34 = arith.subi %while3A_33, %while3A_32 : i32
    %while3A_35 = arith.addi %while3A_32, %while3A_34 : i32
    %while3A_36 = arith.constant 1 : i32
    %while3A_37 = arith.divsi %while3A_34, %while3A_36 : i32
    %while3A_38 = arith.muli %while3A_37, %while3A_36 : i32
    %while3A_39 = arith.addi %while3A_32, %while3A_38 : i32
    %while3A_40 = arith.constant 1 : i32
    scf.for %while3A_377 = %while3A_32 to %while3A_39 step %while3A_40  : i32 {
      %mul3A_378 = arith.constant 125 : i32
      %mul3A_379 = arith.muli %while3A_377, %mul3A_378 : i32
      %add3A_380 = arith.addi %mul3A_0, %mul3A_379 : i32
      "tpu.region"() ({
        %run_scoped3A = tpu.sem_alloc : memref<!tpu.dma_semaphore, #tpu.memory_space<semaphore_mem>>
        %dma_start3A_381 = arith.constant 64 : i32
        %dma_start3A_382 = tpu.memref_slice %arg11[%add3A_380, %dma_start3A_381] : memref<10000x80xf32, #tpu.memory_space<vmem_shared>> -> memref<125x16xf32, #tpu.memory_space<vmem_shared>>
        tpu.enqueue_dma source(%arg5 : memref<125x16xf32, #tpu.memory_space<hbm>>) target(%dma_start3A_382 : memref<125x16xf32, #tpu.memory_space<vmem_shared>>) target_semaphore(%run_scoped3A : memref<!tpu.dma_semaphore, #tpu.memory_space<semaphore_mem>>)
        %dma_wait3A_383 = arith.constant 64 : i32
        %dma_wait3A_384 = tpu.memref_slice %arg11[%add3A_380, %dma_wait3A_383] : memref<10000x80xf32, #tpu.memory_space<vmem_shared>> -> memref<125x16xf32, #tpu.memory_space<vmem_shared>>
        tpu.wait_dma2 semaphore(%run_scoped3A : memref<!tpu.dma_semaphore, #tpu.memory_space<semaphore_mem>>) src(%arg5 : memref<125x16xf32, #tpu.memory_space<hbm>>) dst(%dma_wait3A_384 : memref<125x16xf32, #tpu.memory_space<vmem_shared>>)
        tpu.yield
      }) : () -> ()
    }
    %while3A_41 = arith.constant 1 : i32
    scf.for %while3A_377 = %while3A_39 to %while3A_35 step %while3A_41  : i32 {
      %mul3A_378 = arith.constant 125 : i32
      %mul3A_379 = arith.muli %while3A_377, %mul3A_378 : i32
      %add3A_380 = arith.addi %mul3A_0, %mul3A_379 : i32
      "tpu.region"() ({
        %run_scoped3A = tpu.sem_alloc : memref<!tpu.dma_semaphore, #tpu.memory_space<semaphore_mem>>
        %dma_start3A_381 = arith.constant 64 : i32
        %dma_start3A_382 = tpu.memref_slice %arg11[%add3A_380, %dma_start3A_381] : memref<10000x80xf32, #tpu.memory_space<vmem_shared>> -> memref<125x16xf32, #tpu.memory_space<vmem_shared>>
        tpu.enqueue_dma source(%arg5 : memref<125x16xf32, #tpu.memory_space<hbm>>) target(%dma_start3A_382 : memref<125x16xf32, #tpu.memory_space<vmem_shared>>) target_semaphore(%run_scoped3A : memref<!tpu.dma_semaphore, #tpu.memory_space<semaphore_mem>>)
        %dma_wait3A_383 = arith.constant 64 : i32
        %dma_wait3A_384 = tpu.memref_slice %arg11[%add3A_380, %dma_wait3A_383] : memref<10000x80xf32, #tpu.memory_space<vmem_shared>> -> memref<125x16xf32, #tpu.memory_space<vmem_shared>>
        tpu.wait_dma2 semaphore(%run_scoped3A : memref<!tpu.dma_semaphore, #tpu.memory_space<semaphore_mem>>) src(%arg5 : memref<125x16xf32, #tpu.memory_space<hbm>>) dst(%dma_wait3A_384 : memref<125x16xf32, #tpu.memory_space<vmem_shared>>)
        tpu.yield
      }) : () -> ()
    }
    %barrier3A = arith.constant 0 : index
    tpu.barrier barrier_id(%barrier3A)
    %mul3A_42 = arith.constant 320 : i32
    %mul3A_43 = arith.muli %arg1, %mul3A_42 : i32
    %eq3A = arith.constant 15 : i32
    %eq3A_44 = arith.cmpi eq, %arg1, %eq3A : i32
    %jit3A = arith.constant 200 : i32
    %jit3A_45 = arith.constant 320 : i32
    %select_n3A = arith.select %eq3A_44, %jit3A, %jit3A_45 : i32
    %jit3A_46 = arith.constant 5 : i32
    %div3A = arith.divsi %select_n3A, %jit3A_46 : i32
    %sign3A = arith.constant 0 : i32
    %sign3A_47 = arith.cmpi sgt, %select_n3A, %sign3A : i32
    %sign3A_48 = arith.extui %sign3A_47 : i1 to i32
    %sign3A_49 = arith.constant 0 : i32
    %sign3A_50 = arith.cmpi slt, %select_n3A, %sign3A_49 : i32
    %sign3A_51 = arith.extui %sign3A_50 : i1 to i32
    %sign3A_52 = arith.subi %sign3A_48, %sign3A_51 : i32
    %sign3A_53 = arith.constant 0 : i32
    %sign3A_54 = arith.cmpi sgt, %jit3A_46, %sign3A_53 : i32
    %sign3A_55 = arith.extui %sign3A_54 : i1 to i32
    %sign3A_56 = arith.constant 0 : i32
    %sign3A_57 = arith.cmpi slt, %jit3A_46, %sign3A_56 : i32
    %sign3A_58 = arith.extui %sign3A_57 : i1 to i32
    %sign3A_59 = arith.subi %sign3A_55, %sign3A_58 : i32
    %ne3A = arith.cmpi ne, %sign3A_52, %sign3A_59 : i32
    %rem3A = arith.remsi %select_n3A, %jit3A_46 : i32
    %ne3A_60 = arith.constant 0 : i32
    %ne3A_61 = arith.cmpi ne, %rem3A, %ne3A_60 : i32
    %and3A = arith.andi %ne3A, %ne3A_61 : i1
    %sub3A = arith.constant 1 : i32
    %sub3A_62 = arith.subi %div3A, %sub3A : i32
    %select_n3A_63 = arith.select %and3A, %sub3A_62, %div3A : i32
    %mul3A_64 = arith.constant 0 : i32
    %mul3A_65 = arith.constant 5 : i32
    %mul3A_66 = arith.muli %mul3A_64, %mul3A_65 : i32
    %add3A = arith.addi %mul3A_43, %mul3A_66 : i32
    %dma_start3A_67 = arith.constant 0 : i32
    %dma_start3A_68 = arith.constant 0 : i32
    %dma_start3A_69 = arith.constant 0 : i32
    %dma_start3A_70 = tpu.memref_slice %arg7[%dma_start3A_67, %dma_start3A_68, %dma_start3A_69] : memref<4x5x64xi32, #tpu.memory_space<vmem>> -> memref<1x5x64xi32, #tpu.memory_space<vmem>>
    %dma_start3A_71 = tpu.memref_squeeze %dma_start3A_70 : memref<1x5x64xi32, #tpu.memory_space<vmem>> -> memref<5x64xi32, #tpu.memory_space<vmem>>
    %dma_start3A_72 = arith.constant 0 : i32
    %dma_start3A_73 = tpu.memref_slice %arg3[%add3A, %dma_start3A_72] : memref<5000x64xi32, #tpu.memory_space<hbm>> -> memref<5x64xi32, #tpu.memory_space<hbm>>
    %dma_start3A_74 = arith.constant 0 : i32
    %dma_start3A_75 = arith.constant 0 : i32
    %dma_start3A_76 = tpu.memref_slice %arg7[%dma_start3A_67, %dma_start3A_74, %dma_start3A_75] : memref<4x5x64xi32, #tpu.memory_space<vmem>> -> memref<1x5x64xi32, #tpu.memory_space<vmem>>
    %dma_start3A_77 = tpu.memref_squeeze %dma_start3A_76 : memref<1x5x64xi32, #tpu.memory_space<vmem>> -> memref<5x64xi32, #tpu.memory_space<vmem>>
    %dma_start3A_78 = arith.constant 0 : i32
    %dma_start3A_79 = tpu.memref_slice %arg3[%add3A, %dma_start3A_78] : memref<5000x64xi32, #tpu.memory_space<hbm>> -> memref<5x64xi32, #tpu.memory_space<hbm>>
    tpu.enqueue_dma source(%dma_start3A_79 : memref<5x64xi32, #tpu.memory_space<hbm>>) target(%dma_start3A_77 : memref<5x64xi32, #tpu.memory_space<vmem>>) target_semaphore(%arg22 : memref<!tpu.dma_semaphore, #tpu.memory_space<semaphore_mem>>)
    %mul3A_80 = arith.constant 0 : i32
    %mul3A_81 = arith.constant 5 : i32
    %mul3A_82 = arith.muli %mul3A_80, %mul3A_81 : i32
    %add3A_83 = arith.addi %mul3A_43, %mul3A_82 : i32
    %dma_start3A_84 = arith.constant 0 : i32
    %dma_start3A_85 = arith.constant 0 : i32
    %dma_start3A_86 = arith.constant 0 : i32
    %dma_start3A_87 = tpu.memref_slice %arg8[%dma_start3A_84, %dma_start3A_85, %dma_start3A_86] : memref<4x5x64xi32, #tpu.memory_space<vmem>> -> memref<1x5x64xi32, #tpu.memory_space<vmem>>
    %dma_start3A_88 = tpu.memref_squeeze %dma_start3A_87 : memref<1x5x64xi32, #tpu.memory_space<vmem>> -> memref<5x64xi32, #tpu.memory_space<vmem>>
    %dma_start3A_89 = arith.constant 0 : i32
    %dma_start3A_90 = tpu.memref_slice %arg4[%add3A_83, %dma_start3A_89] : memref<5000x64xi32, #tpu.memory_space<hbm>> -> memref<5x64xi32, #tpu.memory_space<hbm>>
    %dma_start3A_91 = arith.constant 0 : i32
    %dma_start3A_92 = arith.constant 0 : i32
    %dma_start3A_93 = tpu.memref_slice %arg8[%dma_start3A_84, %dma_start3A_91, %dma_start3A_92] : memref<4x5x64xi32, #tpu.memory_space<vmem>> -> memref<1x5x64xi32, #tpu.memory_space<vmem>>
    %dma_start3A_94 = tpu.memref_squeeze %dma_start3A_93 : memref<1x5x64xi32, #tpu.memory_space<vmem>> -> memref<5x64xi32, #tpu.memory_space<vmem>>
    %dma_start3A_95 = arith.constant 0 : i32
    %dma_start3A_96 = tpu.memref_slice %arg4[%add3A_83, %dma_start3A_95] : memref<5000x64xi32, #tpu.memory_space<hbm>> -> memref<5x64xi32, #tpu.memory_space<hbm>>
    tpu.enqueue_dma source(%dma_start3A_96 : memref<5x64xi32, #tpu.memory_space<hbm>>) target(%dma_start3A_94 : memref<5x64xi32, #tpu.memory_space<vmem>>) target_semaphore(%arg26 : memref<!tpu.dma_semaphore, #tpu.memory_space<semaphore_mem>>)
    %mul3A_97 = arith.constant 1 : i32
    %mul3A_98 = arith.constant 5 : i32
    %mul3A_99 = arith.muli %mul3A_97, %mul3A_98 : i32
    %add3A_100 = arith.addi %mul3A_43, %mul3A_99 : i32
    %dma_start3A_101 = arith.constant 1 : i32
    %dma_start3A_102 = arith.constant 0 : i32
    %dma_start3A_103 = arith.constant 0 : i32
    %dma_start3A_104 = tpu.memref_slice %arg7[%dma_start3A_101, %dma_start3A_102, %dma_start3A_103] : memref<4x5x64xi32, #tpu.memory_space<vmem>> -> memref<1x5x64xi32, #tpu.memory_space<vmem>>
    %dma_start3A_105 = tpu.memref_squeeze %dma_start3A_104 : memref<1x5x64xi32, #tpu.memory_space<vmem>> -> memref<5x64xi32, #tpu.memory_space<vmem>>
    %dma_start3A_106 = arith.constant 0 : i32
    %dma_start3A_107 = tpu.memref_slice %arg3[%add3A_100, %dma_start3A_106] : memref<5000x64xi32, #tpu.memory_space<hbm>> -> memref<5x64xi32, #tpu.memory_space<hbm>>
    %dma_start3A_108 = arith.constant 0 : i32
    %dma_start3A_109 = arith.constant 0 : i32
    %dma_start3A_110 = tpu.memref_slice %arg7[%dma_start3A_101, %dma_start3A_108, %dma_start3A_109] : memref<4x5x64xi32, #tpu.memory_space<vmem>> -> memref<1x5x64xi32, #tpu.memory_space<vmem>>
    %dma_start3A_111 = tpu.memref_squeeze %dma_start3A_110 : memref<1x5x64xi32, #tpu.memory_space<vmem>> -> memref<5x64xi32, #tpu.memory_space<vmem>>
    %dma_start3A_112 = arith.constant 0 : i32
    %dma_start3A_113 = tpu.memref_slice %arg3[%add3A_100, %dma_start3A_112] : memref<5000x64xi32, #tpu.memory_space<hbm>> -> memref<5x64xi32, #tpu.memory_space<hbm>>
    tpu.enqueue_dma source(%dma_start3A_113 : memref<5x64xi32, #tpu.memory_space<hbm>>) target(%dma_start3A_111 : memref<5x64xi32, #tpu.memory_space<vmem>>) target_semaphore(%arg23 : memref<!tpu.dma_semaphore, #tpu.memory_space<semaphore_mem>>)
    %mul3A_114 = arith.constant 1 : i32
    %mul3A_115 = arith.constant 5 : i32
    %mul3A_116 = arith.muli %mul3A_114, %mul3A_115 : i32
    %add3A_117 = arith.addi %mul3A_43, %mul3A_116 : i32
    %dma_start3A_118 = arith.constant 1 : i32
    %dma_start3A_119 = arith.constant 0 : i32
    %dma_start3A_120 = arith.constant 0 : i32
    %dma_start3A_121 = tpu.memref_slice %arg8[%dma_start3A_118, %dma_start3A_119, %dma_start3A_120] : memref<4x5x64xi32, #tpu.memory_space<vmem>> -> memref<1x5x64xi32, #tpu.memory_space<vmem>>
    %dma_start3A_122 = tpu.memref_squeeze %dma_start3A_121 : memref<1x5x64xi32, #tpu.memory_space<vmem>> -> memref<5x64xi32, #tpu.memory_space<vmem>>
    %dma_start3A_123 = arith.constant 0 : i32
    %dma_start3A_124 = tpu.memref_slice %arg4[%add3A_117, %dma_start3A_123] : memref<5000x64xi32, #tpu.memory_space<hbm>> -> memref<5x64xi32, #tpu.memory_space<hbm>>
    %dma_start3A_125 = arith.constant 0 : i32
    %dma_start3A_126 = arith.constant 0 : i32
    %dma_start3A_127 = tpu.memref_slice %arg8[%dma_start3A_118, %dma_start3A_125, %dma_start3A_126] : memref<4x5x64xi32, #tpu.memory_space<vmem>> -> memref<1x5x64xi32, #tpu.memory_space<vmem>>
    %dma_start3A_128 = tpu.memref_squeeze %dma_start3A_127 : memref<1x5x64xi32, #tpu.memory_space<vmem>> -> memref<5x64xi32, #tpu.memory_space<vmem>>
    %dma_start3A_129 = arith.constant 0 : i32
    %dma_start3A_130 = tpu.memref_slice %arg4[%add3A_117, %dma_start3A_129] : memref<5000x64xi32, #tpu.memory_space<hbm>> -> memref<5x64xi32, #tpu.memory_space<hbm>>
    tpu.enqueue_dma source(%dma_start3A_130 : memref<5x64xi32, #tpu.memory_space<hbm>>) target(%dma_start3A_128 : memref<5x64xi32, #tpu.memory_space<vmem>>) target_semaphore(%arg27 : memref<!tpu.dma_semaphore, #tpu.memory_space<semaphore_mem>>)
    %mul3A_131 = arith.constant 2 : i32
    %mul3A_132 = arith.constant 5 : i32
    %mul3A_133 = arith.muli %mul3A_131, %mul3A_132 : i32
    %add3A_134 = arith.addi %mul3A_43, %mul3A_133 : i32
    %dma_start3A_135 = arith.constant 2 : i32
    %dma_start3A_136 = arith.constant 0 : i32
    %dma_start3A_137 = arith.constant 0 : i32
    %dma_start3A_138 = tpu.memref_slice %arg7[%dma_start3A_135, %dma_start3A_136, %dma_start3A_137] : memref<4x5x64xi32, #tpu.memory_space<vmem>> -> memref<1x5x64xi32, #tpu.memory_space<vmem>>
    %dma_start3A_139 = tpu.memref_squeeze %dma_start3A_138 : memref<1x5x64xi32, #tpu.memory_space<vmem>> -> memref<5x64xi32, #tpu.memory_space<vmem>>
    %dma_start3A_140 = arith.constant 0 : i32
    %dma_start3A_141 = tpu.memref_slice %arg3[%add3A_134, %dma_start3A_140] : memref<5000x64xi32, #tpu.memory_space<hbm>> -> memref<5x64xi32, #tpu.memory_space<hbm>>
    %dma_start3A_142 = arith.constant 0 : i32
    %dma_start3A_143 = arith.constant 0 : i32
    %dma_start3A_144 = tpu.memref_slice %arg7[%dma_start3A_135, %dma_start3A_142, %dma_start3A_143] : memref<4x5x64xi32, #tpu.memory_space<vmem>> -> memref<1x5x64xi32, #tpu.memory_space<vmem>>
    %dma_start3A_145 = tpu.memref_squeeze %dma_start3A_144 : memref<1x5x64xi32, #tpu.memory_space<vmem>> -> memref<5x64xi32, #tpu.memory_space<vmem>>
    %dma_start3A_146 = arith.constant 0 : i32
    %dma_start3A_147 = tpu.memref_slice %arg3[%add3A_134, %dma_start3A_146] : memref<5000x64xi32, #tpu.memory_space<hbm>> -> memref<5x64xi32, #tpu.memory_space<hbm>>
    tpu.enqueue_dma source(%dma_start3A_147 : memref<5x64xi32, #tpu.memory_space<hbm>>) target(%dma_start3A_145 : memref<5x64xi32, #tpu.memory_space<vmem>>) target_semaphore(%arg24 : memref<!tpu.dma_semaphore, #tpu.memory_space<semaphore_mem>>)
    %mul3A_148 = arith.constant 2 : i32
    %mul3A_149 = arith.constant 5 : i32
    %mul3A_150 = arith.muli %mul3A_148, %mul3A_149 : i32
    %add3A_151 = arith.addi %mul3A_43, %mul3A_150 : i32
    %dma_start3A_152 = arith.constant 2 : i32
    %dma_start3A_153 = arith.constant 0 : i32
    %dma_start3A_154 = arith.constant 0 : i32
    %dma_start3A_155 = tpu.memref_slice %arg8[%dma_start3A_152, %dma_start3A_153, %dma_start3A_154] : memref<4x5x64xi32, #tpu.memory_space<vmem>> -> memref<1x5x64xi32, #tpu.memory_space<vmem>>
    %dma_start3A_156 = tpu.memref_squeeze %dma_start3A_155 : memref<1x5x64xi32, #tpu.memory_space<vmem>> -> memref<5x64xi32, #tpu.memory_space<vmem>>
    %dma_start3A_157 = arith.constant 0 : i32
    %dma_start3A_158 = tpu.memref_slice %arg4[%add3A_151, %dma_start3A_157] : memref<5000x64xi32, #tpu.memory_space<hbm>> -> memref<5x64xi32, #tpu.memory_space<hbm>>
    %dma_start3A_159 = arith.constant 0 : i32
    %dma_start3A_160 = arith.constant 0 : i32
    %dma_start3A_161 = tpu.memref_slice %arg8[%dma_start3A_152, %dma_start3A_159, %dma_start3A_160] : memref<4x5x64xi32, #tpu.memory_space<vmem>> -> memref<1x5x64xi32, #tpu.memory_space<vmem>>
    %dma_start3A_162 = tpu.memref_squeeze %dma_start3A_161 : memref<1x5x64xi32, #tpu.memory_space<vmem>> -> memref<5x64xi32, #tpu.memory_space<vmem>>
    %dma_start3A_163 = arith.constant 0 : i32
    %dma_start3A_164 = tpu.memref_slice %arg4[%add3A_151, %dma_start3A_163] : memref<5000x64xi32, #tpu.memory_space<hbm>> -> memref<5x64xi32, #tpu.memory_space<hbm>>
    tpu.enqueue_dma source(%dma_start3A_164 : memref<5x64xi32, #tpu.memory_space<hbm>>) target(%dma_start3A_162 : memref<5x64xi32, #tpu.memory_space<vmem>>) target_semaphore(%arg28 : memref<!tpu.dma_semaphore, #tpu.memory_space<semaphore_mem>>)
    %dma_wait3A_165 = arith.constant 0 : i32
    %dma_wait3A_166 = arith.constant 0 : i32
    %dma_wait3A_167 = arith.constant 0 : i32
    %dma_wait3A_168 = tpu.memref_slice %arg7[%dma_wait3A_165, %dma_wait3A_166, %dma_wait3A_167] : memref<4x5x64xi32, #tpu.memory_space<vmem>> -> memref<1x5x64xi32, #tpu.memory_space<vmem>>
    %dma_wait3A_169 = tpu.memref_squeeze %dma_wait3A_168 : memref<1x5x64xi32, #tpu.memory_space<vmem>> -> memref<5x64xi32, #tpu.memory_space<vmem>>
    %dma_wait3A_170 = arith.constant 0 : i32
    %dma_wait3A_171 = arith.constant 0 : i32
    %dma_wait3A_172 = tpu.memref_slice %arg3[%dma_wait3A_170, %dma_wait3A_171] : memref<5000x64xi32, #tpu.memory_space<hbm>> -> memref<5x64xi32, #tpu.memory_space<hbm>>
    %dma_wait3A_173 = arith.constant 0 : i32
    %dma_wait3A_174 = arith.constant 0 : i32
    %dma_wait3A_175 = tpu.memref_slice %arg7[%dma_wait3A_165, %dma_wait3A_173, %dma_wait3A_174] : memref<4x5x64xi32, #tpu.memory_space<vmem>> -> memref<1x5x64xi32, #tpu.memory_space<vmem>>
    %dma_wait3A_176 = tpu.memref_squeeze %dma_wait3A_175 : memref<1x5x64xi32, #tpu.memory_space<vmem>> -> memref<5x64xi32, #tpu.memory_space<vmem>>
    %dma_wait3A_177 = arith.constant 0 : i32
    %dma_wait3A_178 = arith.constant 0 : i32
    %dma_wait3A_179 = tpu.memref_slice %arg3[%dma_wait3A_177, %dma_wait3A_178] : memref<5000x64xi32, #tpu.memory_space<hbm>> -> memref<5x64xi32, #tpu.memory_space<hbm>>
    tpu.wait_dma2 semaphore(%arg22 : memref<!tpu.dma_semaphore, #tpu.memory_space<semaphore_mem>>) src(%dma_wait3A_179 : memref<5x64xi32, #tpu.memory_space<hbm>>) dst(%dma_wait3A_176 : memref<5x64xi32, #tpu.memory_space<vmem>>)
    %dma_wait3A_180 = arith.constant 0 : i32
    %dma_wait3A_181 = arith.constant 0 : i32
    %dma_wait3A_182 = arith.constant 0 : i32
    %dma_wait3A_183 = tpu.memref_slice %arg8[%dma_wait3A_180, %dma_wait3A_181, %dma_wait3A_182] : memref<4x5x64xi32, #tpu.memory_space<vmem>> -> memref<1x5x64xi32, #tpu.memory_space<vmem>>
    %dma_wait3A_184 = tpu.memref_squeeze %dma_wait3A_183 : memref<1x5x64xi32, #tpu.memory_space<vmem>> -> memref<5x64xi32, #tpu.memory_space<vmem>>
    %dma_wait3A_185 = arith.constant 0 : i32
    %dma_wait3A_186 = arith.constant 0 : i32
    %dma_wait3A_187 = tpu.memref_slice %arg4[%dma_wait3A_185, %dma_wait3A_186] : memref<5000x64xi32, #tpu.memory_space<hbm>> -> memref<5x64xi32, #tpu.memory_space<hbm>>
    %dma_wait3A_188 = arith.constant 0 : i32
    %dma_wait3A_189 = arith.constant 0 : i32
    %dma_wait3A_190 = tpu.memref_slice %arg8[%dma_wait3A_180, %dma_wait3A_188, %dma_wait3A_189] : memref<4x5x64xi32, #tpu.memory_space<vmem>> -> memref<1x5x64xi32, #tpu.memory_space<vmem>>
    %dma_wait3A_191 = tpu.memref_squeeze %dma_wait3A_190 : memref<1x5x64xi32, #tpu.memory_space<vmem>> -> memref<5x64xi32, #tpu.memory_space<vmem>>
    %dma_wait3A_192 = arith.constant 0 : i32
    %dma_wait3A_193 = arith.constant 0 : i32
    %dma_wait3A_194 = tpu.memref_slice %arg4[%dma_wait3A_192, %dma_wait3A_193] : memref<5000x64xi32, #tpu.memory_space<hbm>> -> memref<5x64xi32, #tpu.memory_space<hbm>>
    tpu.wait_dma2 semaphore(%arg26 : memref<!tpu.dma_semaphore, #tpu.memory_space<semaphore_mem>>) src(%dma_wait3A_194 : memref<5x64xi32, #tpu.memory_space<hbm>>) dst(%dma_wait3A_191 : memref<5x64xi32, #tpu.memory_space<vmem>>)
    %dma_start3A_195 = arith.constant 0 : i32
    %dma_start3A_196 = arith.constant 0 : i32
    %dma_start3A_197 = arith.constant 0 : i32
    %dma_start3A_198 = arith.constant 0 : i32
    %dma_start3A_199 = arith.constant 0 : i32
    %dma_start3A_200 = tpu.memref_slice %arg9[%dma_start3A_197, %dma_start3A_198, %dma_start3A_199] : memref<5x64x80xf32, #tpu.memory_space<vmem>> -> memref<1x64x80xf32, #tpu.memory_space<vmem>>
    %dma_start3A_201 = tpu.memref_squeeze %dma_start3A_200 : memref<1x64x80xf32, #tpu.memory_space<vmem>> -> memref<64x80xf32, #tpu.memory_space<vmem>>
    %dma_start3A_202 = arith.constant 0 : i32
    %dma_start3A_203 = tpu.memref_slice %arg7[%dma_start3A_195, %dma_start3A_196, %dma_start3A_202] : memref<4x5x64xi32, #tpu.memory_space<vmem>> -> memref<1x1x64xi32, #tpu.memory_space<vmem>>
    %dma_start3A_204 = tpu.memref_squeeze %dma_start3A_203 : memref<1x1x64xi32, #tpu.memory_space<vmem>> -> memref<64xi32, #tpu.memory_space<vmem>>
    %dma_start3A_205 = arith.constant 0 : i32
    %dma_start3A_206 = arith.constant 0 : i32
    %dma_start3A_207 = tpu.memref_slice %arg11[%dma_start3A_205, %dma_start3A_206] : memref<10000x80xf32, #tpu.memory_space<vmem_shared>> -> memref<10000x80xf32, #tpu.memory_space<vmem_shared>>
    tpu.enqueue_indirect_dma source(%dma_start3A_207 : memref<10000x80xf32, #tpu.memory_space<vmem_shared>>) target(%dma_start3A_201 : memref<64x80xf32, #tpu.memory_space<vmem>>) offsets(%dma_start3A_204 : memref<64xi32, #tpu.memory_space<vmem>>) semaphore(%arg12 : memref<!tpu.dma_semaphore, #tpu.memory_space<semaphore_mem>>)
    %dma_start3A_208 = arith.constant 0 : i32
    %dma_start3A_209 = arith.constant 1 : i32
    %dma_start3A_210 = arith.constant 1 : i32
    %dma_start3A_211 = arith.constant 0 : i32
    %dma_start3A_212 = arith.constant 0 : i32
    %dma_start3A_213 = tpu.memref_slice %arg9[%dma_start3A_210, %dma_start3A_211, %dma_start3A_212] : memref<5x64x80xf32, #tpu.memory_space<vmem>> -> memref<1x64x80xf32, #tpu.memory_space<vmem>>
    %dma_start3A_214 = tpu.memref_squeeze %dma_start3A_213 : memref<1x64x80xf32, #tpu.memory_space<vmem>> -> memref<64x80xf32, #tpu.memory_space<vmem>>
    %dma_start3A_215 = arith.constant 0 : i32
    %dma_start3A_216 = tpu.memref_slice %arg7[%dma_start3A_208, %dma_start3A_209, %dma_start3A_215] : memref<4x5x64xi32, #tpu.memory_space<vmem>> -> memref<1x1x64xi32, #tpu.memory_space<vmem>>
    %dma_start3A_217 = tpu.memref_squeeze %dma_start3A_216 : memref<1x1x64xi32, #tpu.memory_space<vmem>> -> memref<64xi32, #tpu.memory_space<vmem>>
    %dma_start3A_218 = arith.constant 0 : i32
    %dma_start3A_219 = arith.constant 0 : i32
    %dma_start3A_220 = tpu.memref_slice %arg11[%dma_start3A_218, %dma_start3A_219] : memref<10000x80xf32, #tpu.memory_space<vmem_shared>> -> memref<10000x80xf32, #tpu.memory_space<vmem_shared>>
    tpu.enqueue_indirect_dma source(%dma_start3A_220 : memref<10000x80xf32, #tpu.memory_space<vmem_shared>>) target(%dma_start3A_214 : memref<64x80xf32, #tpu.memory_space<vmem>>) offsets(%dma_start3A_217 : memref<64xi32, #tpu.memory_space<vmem>>) semaphore(%arg13 : memref<!tpu.dma_semaphore, #tpu.memory_space<semaphore_mem>>)
    %dma_start3A_221 = arith.constant 0 : i32
    %dma_start3A_222 = arith.constant 2 : i32
    %dma_start3A_223 = arith.constant 2 : i32
    %dma_start3A_224 = arith.constant 0 : i32
    %dma_start3A_225 = arith.constant 0 : i32
    %dma_start3A_226 = tpu.memref_slice %arg9[%dma_start3A_223, %dma_start3A_224, %dma_start3A_225] : memref<5x64x80xf32, #tpu.memory_space<vmem>> -> memref<1x64x80xf32, #tpu.memory_space<vmem>>
    %dma_start3A_227 = tpu.memref_squeeze %dma_start3A_226 : memref<1x64x80xf32, #tpu.memory_space<vmem>> -> memref<64x80xf32, #tpu.memory_space<vmem>>
    %dma_start3A_228 = arith.constant 0 : i32
    %dma_start3A_229 = tpu.memref_slice %arg7[%dma_start3A_221, %dma_start3A_222, %dma_start3A_228] : memref<4x5x64xi32, #tpu.memory_space<vmem>> -> memref<1x1x64xi32, #tpu.memory_space<vmem>>
    %dma_start3A_230 = tpu.memref_squeeze %dma_start3A_229 : memref<1x1x64xi32, #tpu.memory_space<vmem>> -> memref<64xi32, #tpu.memory_space<vmem>>
    %dma_start3A_231 = arith.constant 0 : i32
    %dma_start3A_232 = arith.constant 0 : i32
    %dma_start3A_233 = tpu.memref_slice %arg11[%dma_start3A_231, %dma_start3A_232] : memref<10000x80xf32, #tpu.memory_space<vmem_shared>> -> memref<10000x80xf32, #tpu.memory_space<vmem_shared>>
    tpu.enqueue_indirect_dma source(%dma_start3A_233 : memref<10000x80xf32, #tpu.memory_space<vmem_shared>>) target(%dma_start3A_227 : memref<64x80xf32, #tpu.memory_space<vmem>>) offsets(%dma_start3A_230 : memref<64xi32, #tpu.memory_space<vmem>>) semaphore(%arg14 : memref<!tpu.dma_semaphore, #tpu.memory_space<semaphore_mem>>)
    %dma_start3A_234 = arith.constant 0 : i32
    %dma_start3A_235 = arith.constant 3 : i32
    %dma_start3A_236 = arith.constant 3 : i32
    %dma_start3A_237 = arith.constant 0 : i32
    %dma_start3A_238 = arith.constant 0 : i32
    %dma_start3A_239 = tpu.memref_slice %arg9[%dma_start3A_236, %dma_start3A_237, %dma_start3A_238] : memref<5x64x80xf32, #tpu.memory_space<vmem>> -> memref<1x64x80xf32, #tpu.memory_space<vmem>>
    %dma_start3A_240 = tpu.memref_squeeze %dma_start3A_239 : memref<1x64x80xf32, #tpu.memory_space<vmem>> -> memref<64x80xf32, #tpu.memory_space<vmem>>
    %dma_start3A_241 = arith.constant 0 : i32
    %dma_start3A_242 = tpu.memref_slice %arg7[%dma_start3A_234, %dma_start3A_235, %dma_start3A_241] : memref<4x5x64xi32, #tpu.memory_space<vmem>> -> memref<1x1x64xi32, #tpu.memory_space<vmem>>
    %dma_start3A_243 = tpu.memref_squeeze %dma_start3A_242 : memref<1x1x64xi32, #tpu.memory_space<vmem>> -> memref<64xi32, #tpu.memory_space<vmem>>
    %dma_start3A_244 = arith.constant 0 : i32
    %dma_start3A_245 = arith.constant 0 : i32
    %dma_start3A_246 = tpu.memref_slice %arg11[%dma_start3A_244, %dma_start3A_245] : memref<10000x80xf32, #tpu.memory_space<vmem_shared>> -> memref<10000x80xf32, #tpu.memory_space<vmem_shared>>
    tpu.enqueue_indirect_dma source(%dma_start3A_246 : memref<10000x80xf32, #tpu.memory_space<vmem_shared>>) target(%dma_start3A_240 : memref<64x80xf32, #tpu.memory_space<vmem>>) offsets(%dma_start3A_243 : memref<64xi32, #tpu.memory_space<vmem>>) semaphore(%arg15 : memref<!tpu.dma_semaphore, #tpu.memory_space<semaphore_mem>>)
    %dma_start3A_247 = arith.constant 0 : i32
    %dma_start3A_248 = arith.constant 4 : i32
    %dma_start3A_249 = arith.constant 4 : i32
    %dma_start3A_250 = arith.constant 0 : i32
    %dma_start3A_251 = arith.constant 0 : i32
    %dma_start3A_252 = tpu.memref_slice %arg9[%dma_start3A_249, %dma_start3A_250, %dma_start3A_251] : memref<5x64x80xf32, #tpu.memory_space<vmem>> -> memref<1x64x80xf32, #tpu.memory_space<vmem>>
    %dma_start3A_253 = tpu.memref_squeeze %dma_start3A_252 : memref<1x64x80xf32, #tpu.memory_space<vmem>> -> memref<64x80xf32, #tpu.memory_space<vmem>>
    %dma_start3A_254 = arith.constant 0 : i32
    %dma_start3A_255 = tpu.memref_slice %arg7[%dma_start3A_247, %dma_start3A_248, %dma_start3A_254] : memref<4x5x64xi32, #tpu.memory_space<vmem>> -> memref<1x1x64xi32, #tpu.memory_space<vmem>>
    %dma_start3A_256 = tpu.memref_squeeze %dma_start3A_255 : memref<1x1x64xi32, #tpu.memory_space<vmem>> -> memref<64xi32, #tpu.memory_space<vmem>>
    %dma_start3A_257 = arith.constant 0 : i32
    %dma_start3A_258 = arith.constant 0 : i32
    %dma_start3A_259 = tpu.memref_slice %arg11[%dma_start3A_257, %dma_start3A_258] : memref<10000x80xf32, #tpu.memory_space<vmem_shared>> -> memref<10000x80xf32, #tpu.memory_space<vmem_shared>>
    tpu.enqueue_indirect_dma source(%dma_start3A_259 : memref<10000x80xf32, #tpu.memory_space<vmem_shared>>) target(%dma_start3A_253 : memref<64x80xf32, #tpu.memory_space<vmem>>) offsets(%dma_start3A_256 : memref<64xi32, #tpu.memory_space<vmem>>) semaphore(%arg16 : memref<!tpu.dma_semaphore, #tpu.memory_space<semaphore_mem>>)
    %jit3A_260 = arith.constant 4 : i32
    %div3A_261 = arith.divsi %select_n3A_63, %jit3A_260 : i32
    %sign3A_262 = arith.constant 0 : i32
    %sign3A_263 = arith.cmpi sgt, %select_n3A_63, %sign3A_262 : i32
    %sign3A_264 = arith.extui %sign3A_263 : i1 to i32
    %sign3A_265 = arith.constant 0 : i32
    %sign3A_266 = arith.cmpi slt, %select_n3A_63, %sign3A_265 : i32
    %sign3A_267 = arith.extui %sign3A_266 : i1 to i32
    %sign3A_268 = arith.subi %sign3A_264, %sign3A_267 : i32
    %sign3A_269 = arith.constant 0 : i32
    %sign3A_270 = arith.cmpi sgt, %jit3A_260, %sign3A_269 : i32
    %sign3A_271 = arith.extui %sign3A_270 : i1 to i32
    %sign3A_272 = arith.constant 0 : i32
    %sign3A_273 = arith.cmpi slt, %jit3A_260, %sign3A_272 : i32
    %sign3A_274 = arith.extui %sign3A_273 : i1 to i32
    %sign3A_275 = arith.subi %sign3A_271, %sign3A_274 : i32
    %ne3A_276 = arith.cmpi ne, %sign3A_268, %sign3A_275 : i32
    %rem3A_277 = arith.remsi %select_n3A_63, %jit3A_260 : i32
    %ne3A_278 = arith.constant 0 : i32
    %ne3A_279 = arith.cmpi ne, %rem3A_277, %ne3A_278 : i32
    %and3A_280 = arith.andi %ne3A_276, %ne3A_279 : i1
    %sub3A_281 = arith.constant 1 : i32
    %sub3A_282 = arith.subi %div3A_261, %sub3A_281 : i32
    %select_n3A_283 = arith.select %and3A_280, %sub3A_282, %div3A_261 : i32
    %while3A_284 = arith.constant 0 : i32
    %while3A_285 = arith.constant 0 : i32
    %while3A_286 = arith.subi %select_n3A_283, %while3A_285 : i32
    %while3A_287 = arith.addi %while3A_285, %while3A_286 : i32
    %while3A_288 = arith.constant 1 : i32
    %while3A_289 = arith.divsi %while3A_286, %while3A_288 : i32
    %while3A_290 = arith.muli %while3A_289, %while3A_288 : i32
    %while3A_291 = arith.addi %while3A_285, %while3A_290 : i32
    %while3A_292 = arith.constant 1 : i32
    scf.for %while3A_377 = %while3A_285 to %while3A_291 step %while3A_292  : i32 {
      %mul3A_378 = arith.constant 4 : i32
      %mul3A_379 = arith.muli %while3A_377, %mul3A_378 : i32
      %add3A_380 = arith.constant 0 : i32
      %add3A_381 = arith.addi %mul3A_379, %add3A_380 : i32
      %add3A_382 = arith.constant 1 : i32
      %add3A_383 = arith.addi %add3A_381, %add3A_382 : i32
      %lt3A = arith.cmpi slt, %add3A_383, %select_n3A_63 : i32
      %convert_element_type3A = arith.extui %lt3A : i1 to i32
      %cond3A = arith.constant 0 : i32
      %cond3A_384 = arith.cmpi ne, %convert_element_type3A, %cond3A : i32
      scf.if %cond3A_384 {
        %dma_wait3A_1079 = arith.constant 1 : i32
        %dma_wait3A_1080 = arith.constant 0 : i32
        %dma_wait3A_1081 = arith.constant 0 : i32
        %dma_wait3A_1082 = tpu.memref_slice %arg7[%dma_wait3A_1079, %dma_wait3A_1080, %dma_wait3A_1081] : memref<4x5x64xi32, #tpu.memory_space<vmem>> -> memref<1x5x64xi32, #tpu.memory_space<vmem>>
        %dma_wait3A_1083 = tpu.memref_squeeze %dma_wait3A_1082 : memref<1x5x64xi32, #tpu.memory_space<vmem>> -> memref<5x64xi32, #tpu.memory_space<vmem>>
        %dma_wait3A_1084 = arith.constant 0 : i32
        %dma_wait3A_1085 = arith.constant 0 : i32
        %dma_wait3A_1086 = tpu.memref_slice %arg3[%dma_wait3A_1084, %dma_wait3A_1085] : memref<5000x64xi32, #tpu.memory_space<hbm>> -> memref<5x64xi32, #tpu.memory_space<hbm>>
        %dma_wait3A_1087 = arith.constant 0 : i32
        %dma_wait3A_1088 = arith.constant 0 : i32
        %dma_wait3A_1089 = tpu.memref_slice %arg7[%dma_wait3A_1079, %dma_wait3A_1087, %dma_wait3A_1088] : memref<4x5x64xi32, #tpu.memory_space<vmem>> -> memref<1x5x64xi32, #tpu.memory_space<vmem>>
        %dma_wait3A_1090 = tpu.memref_squeeze %dma_wait3A_1089 : memref<1x5x64xi32, #tpu.memory_space<vmem>> -> memref<5x64xi32, #tpu.memory_space<vmem>>
        %dma_wait3A_1091 = arith.constant 0 : i32
        %dma_wait3A_1092 = arith.constant 0 : i32
        %dma_wait3A_1093 = tpu.memref_slice %arg3[%dma_wait3A_1091, %dma_wait3A_1092] : memref<5000x64xi32, #tpu.memory_space<hbm>> -> memref<5x64xi32, #tpu.memory_space<hbm>>
        tpu.wait_dma2 semaphore(%arg23 : memref<!tpu.dma_semaphore, #tpu.memory_space<semaphore_mem>>) src(%dma_wait3A_1093 : memref<5x64xi32, #tpu.memory_space<hbm>>) dst(%dma_wait3A_1090 : memref<5x64xi32, #tpu.memory_space<vmem>>)
        %dma_wait3A_1094 = arith.constant 1 : i32
        %dma_wait3A_1095 = arith.constant 0 : i32
        %dma_wait3A_1096 = arith.constant 0 : i32
        %dma_wait3A_1097 = tpu.memref_slice %arg8[%dma_wait3A_1094, %dma_wait3A_1095, %dma_wait3A_1096] : memref<4x5x64xi32, #tpu.memory_space<vmem>> -> memref<1x5x64xi32, #tpu.memory_space<vmem>>
        %dma_wait3A_1098 = tpu.memref_squeeze %dma_wait3A_1097 : memref<1x5x64xi32, #tpu.memory_space<vmem>> -> memref<5x64xi32, #tpu.memory_space<vmem>>
        %dma_wait3A_1099 = arith.constant 0 : i32
        %dma_wait3A_1100 = arith.constant 0 : i32
        %dma_wait3A_1101 = tpu.memref_slice %arg4[%dma_wait3A_1099, %dma_wait3A_1100] : memref<5000x64xi32, #tpu.memory_space<hbm>> -> memref<5x64xi32, #tpu.memory_space<hbm>>
        %dma_wait3A_1102 = arith.constant 0 : i32
        %dma_wait3A_1103 = arith.constant 0 : i32
        %dma_wait3A_1104 = tpu.memref_slice %arg8[%dma_wait3A_1094, %dma_wait3A_1102, %dma_wait3A_1103] : memref<4x5x64xi32, #tpu.memory_space<vmem>> -> memref<1x5x64xi32, #tpu.memory_space<vmem>>
        %dma_wait3A_1105 = tpu.memref_squeeze %dma_wait3A_1104 : memref<1x5x64xi32, #tpu.memory_space<vmem>> -> memref<5x64xi32, #tpu.memory_space<vmem>>
        %dma_wait3A_1106 = arith.constant 0 : i32
        %dma_wait3A_1107 = arith.constant 0 : i32
        %dma_wait3A_1108 = tpu.memref_slice %arg4[%dma_wait3A_1106, %dma_wait3A_1107] : memref<5000x64xi32, #tpu.memory_space<hbm>> -> memref<5x64xi32, #tpu.memory_space<hbm>>
        tpu.wait_dma2 semaphore(%arg27 : memref<!tpu.dma_semaphore, #tpu.memory_space<semaphore_mem>>) src(%dma_wait3A_1108 : memref<5x64xi32, #tpu.memory_space<hbm>>) dst(%dma_wait3A_1105 : memref<5x64xi32, #tpu.memory_space<vmem>>)
      } else {
      }
      %dma_wait3A_385 = arith.constant 0 : i32
      %dma_wait3A_386 = arith.constant 0 : i32
      %dma_wait3A_387 = arith.constant 0 : i32
      %dma_wait3A_388 = tpu.memref_slice %arg9[%dma_wait3A_385, %dma_wait3A_386, %dma_wait3A_387] : memref<5x64x80xf32, #tpu.memory_space<vmem>> -> memref<1x64x80xf32, #tpu.memory_space<vmem>>
      %dma_wait3A_389 = tpu.memref_squeeze %dma_wait3A_388 : memref<1x64x80xf32, #tpu.memory_space<vmem>> -> memref<64x80xf32, #tpu.memory_space<vmem>>
      %dma_wait3A_390 = arith.constant 0 : i32
      %dma_wait3A_391 = arith.constant 0 : i32
      %dma_wait3A_392 = tpu.memref_slice %arg6[%dma_wait3A_390, %dma_wait3A_391] : memref<20480x80xf32, #tpu.memory_space<hbm>> -> memref<64x80xf32, #tpu.memory_space<hbm>>
      %dma_wait3A_393 = arith.constant 0 : i32
      %dma_wait3A_394 = arith.constant 0 : i32
      %dma_wait3A_395 = tpu.memref_slice %arg9[%dma_wait3A_385, %dma_wait3A_393, %dma_wait3A_394] : memref<5x64x80xf32, #tpu.memory_space<vmem>> -> memref<1x64x80xf32, #tpu.memory_space<vmem>>
      %dma_wait3A_396 = tpu.memref_squeeze %dma_wait3A_395 : memref<1x64x80xf32, #tpu.memory_space<vmem>> -> memref<64x80xf32, #tpu.memory_space<vmem>>
      %dma_wait3A_397 = arith.constant 0 : i32
      %dma_wait3A_398 = arith.constant 0 : i32
      %dma_wait3A_399 = tpu.memref_slice %arg6[%dma_wait3A_397, %dma_wait3A_398] : memref<20480x80xf32, #tpu.memory_space<hbm>> -> memref<64x80xf32, #tpu.memory_space<hbm>>
      tpu.wait_dma2 semaphore(%arg12 : memref<!tpu.dma_semaphore, #tpu.memory_space<semaphore_mem>>) src(%dma_wait3A_399 : memref<64x80xf32, #tpu.memory_space<hbm>>) dst(%dma_wait3A_396 : memref<64x80xf32, #tpu.memory_space<vmem>>)
      %dma_start3A_400 = arith.constant 0 : i32
      %dma_start3A_401 = arith.constant 0 : i32
      %dma_start3A_402 = arith.constant 0 : i32
      %dma_start3A_403 = arith.constant 0 : i32
      %dma_start3A_404 = arith.constant 0 : i32
      %dma_start3A_405 = tpu.memref_slice %arg9[%dma_start3A_400, %dma_start3A_403, %dma_start3A_404] : memref<5x64x80xf32, #tpu.memory_space<vmem>> -> memref<1x64x80xf32, #tpu.memory_space<vmem>>
      %dma_start3A_406 = tpu.memref_squeeze %dma_start3A_405 : memref<1x64x80xf32, #tpu.memory_space<vmem>> -> memref<64x80xf32, #tpu.memory_space<vmem>>
      %dma_start3A_407 = arith.constant 0 : i32
      %dma_start3A_408 = tpu.memref_slice %arg8[%dma_start3A_401, %dma_start3A_402, %dma_start3A_407] : memref<4x5x64xi32, #tpu.memory_space<vmem>> -> memref<1x1x64xi32, #tpu.memory_space<vmem>>
      %dma_start3A_409 = tpu.memref_squeeze %dma_start3A_408 : memref<1x1x64xi32, #tpu.memory_space<vmem>> -> memref<64xi32, #tpu.memory_space<vmem>>
      %dma_start3A_410 = arith.constant 0 : i32
      %dma_start3A_411 = arith.constant 0 : i32
      %dma_start3A_412 = tpu.memref_slice %arg10[%dma_start3A_410, %dma_start3A_411] : memref<10240x80xf32, #tpu.memory_space<vmem_shared>> -> memref<10240x80xf32, #tpu.memory_space<vmem_shared>>
      tpu.enqueue_indirect_dma source(%dma_start3A_406 : memref<64x80xf32, #tpu.memory_space<vmem>>) target(%dma_start3A_412 : memref<10240x80xf32, #tpu.memory_space<vmem_shared>>) offsets(%dma_start3A_409 : memref<64xi32, #tpu.memory_space<vmem>>) semaphore(%arg17 : memref<!tpu.dma_semaphore, #tpu.memory_space<semaphore_mem>>) {add = true}
      %convert_element_type3A_413 = arith.extui %lt3A : i1 to i32
      %cond3A_414 = arith.constant 0 : i32
      %cond3A_415 = arith.constant 0 : i32
      %cond3A_416 = arith.cmpi ne, %convert_element_type3A_413, %cond3A_415 : i32
      scf.if %cond3A_416 {
        %dma_wait3A_1079 = arith.constant 0 : i32
        %dma_wait3A_1080 = arith.constant 0 : i32
        %dma_wait3A_1081 = tpu.memref_slice %arg9[%cond3A_414, %dma_wait3A_1079, %dma_wait3A_1080] : memref<5x64x80xf32, #tpu.memory_space<vmem>> -> memref<1x64x80xf32, #tpu.memory_space<vmem>>
        %dma_wait3A_1082 = tpu.memref_squeeze %dma_wait3A_1081 : memref<1x64x80xf32, #tpu.memory_space<vmem>> -> memref<64x80xf32, #tpu.memory_space<vmem>>
        %dma_wait3A_1083 = arith.constant 0 : i32
        %dma_wait3A_1084 = arith.constant 0 : i32
        %dma_wait3A_1085 = tpu.memref_slice %arg6[%dma_wait3A_1083, %dma_wait3A_1084] : memref<20480x80xf32, #tpu.memory_space<hbm>> -> memref<64x80xf32, #tpu.memory_space<hbm>>
        %dma_wait3A_1086 = arith.constant 0 : i32
        %dma_wait3A_1087 = arith.constant 0 : i32
        %dma_wait3A_1088 = tpu.memref_slice %arg9[%cond3A_414, %dma_wait3A_1086, %dma_wait3A_1087] : memref<5x64x80xf32, #tpu.memory_space<vmem>> -> memref<1x64x80xf32, #tpu.memory_space<vmem>>
        %dma_wait3A_1089 = tpu.memref_squeeze %dma_wait3A_1088 : memref<1x64x80xf32, #tpu.memory_space<vmem>> -> memref<64x80xf32, #tpu.memory_space<vmem>>
        %dma_wait3A_1090 = arith.constant 0 : i32
        %dma_wait3A_1091 = arith.constant 0 : i32
        %dma_wait3A_1092 = tpu.memref_slice %arg6[%dma_wait3A_1090, %dma_wait3A_1091] : memref<20480x80xf32, #tpu.memory_space<hbm>> -> memref<64x80xf32, #tpu.memory_space<hbm>>
        tpu.wait_dma2 semaphore(%arg17 : memref<!tpu.dma_semaphore, #tpu.memory_space<semaphore_mem>>) src(%dma_wait3A_1092 : memref<64x80xf32, #tpu.memory_space<hbm>>) dst(%dma_wait3A_1089 : memref<64x80xf32, #tpu.memory_space<vmem>>)
        %dma_start3A_1093 = arith.constant 1 : i32
        %dma_start3A_1094 = arith.constant 0 : i32
        %dma_start3A_1095 = arith.constant 0 : i32
        %dma_start3A_1096 = tpu.memref_slice %arg9[%cond3A_414, %dma_start3A_1094, %dma_start3A_1095] : memref<5x64x80xf32, #tpu.memory_space<vmem>> -> memref<1x64x80xf32, #tpu.memory_space<vmem>>
        %dma_start3A_1097 = tpu.memref_squeeze %dma_start3A_1096 : memref<1x64x80xf32, #tpu.memory_space<vmem>> -> memref<64x80xf32, #tpu.memory_space<vmem>>
        %dma_start3A_1098 = arith.constant 0 : i32
        %dma_start3A_1099 = tpu.memref_slice %arg7[%dma_start3A_1093, %cond3A_414, %dma_start3A_1098] : memref<4x5x64xi32, #tpu.memory_space<vmem>> -> memref<1x1x64xi32, #tpu.memory_space<vmem>>
        %dma_start3A_1100 = tpu.memref_squeeze %dma_start3A_1099 : memref<1x1x64xi32, #tpu.memory_space<vmem>> -> memref<64xi32, #tpu.memory_space<vmem>>
        %dma_start3A_1101 = arith.constant 0 : i32
        %dma_start3A_1102 = arith.constant 0 : i32
        %dma_start3A_1103 = tpu.memref_slice %arg11[%dma_start3A_1101, %dma_start3A_1102] : memref<10000x80xf32, #tpu.memory_space<vmem_shared>> -> memref<10000x80xf32, #tpu.memory_space<vmem_shared>>
        tpu.enqueue_indirect_dma source(%dma_start3A_1103 : memref<10000x80xf32, #tpu.memory_space<vmem_shared>>) target(%dma_start3A_1097 : memref<64x80xf32, #tpu.memory_space<vmem>>) offsets(%dma_start3A_1100 : memref<64xi32, #tpu.memory_space<vmem>>) semaphore(%arg12 : memref<!tpu.dma_semaphore, #tpu.memory_space<semaphore_mem>>)
      } else {
      }
      %dma_wait3A_417 = arith.constant 1 : i32
      %dma_wait3A_418 = arith.constant 0 : i32
      %dma_wait3A_419 = arith.constant 0 : i32
      %dma_wait3A_420 = tpu.memref_slice %arg9[%dma_wait3A_417, %dma_wait3A_418, %dma_wait3A_419] : memref<5x64x80xf32, #tpu.memory_space<vmem>> -> memref<1x64x80xf32, #tpu.memory_space<vmem>>
      %dma_wait3A_421 = tpu.memref_squeeze %dma_wait3A_420 : memref<1x64x80xf32, #tpu.memory_space<vmem>> -> memref<64x80xf32, #tpu.memory_space<vmem>>
      %dma_wait3A_422 = arith.constant 0 : i32
      %dma_wait3A_423 = arith.constant 0 : i32
      %dma_wait3A_424 = tpu.memref_slice %arg6[%dma_wait3A_422, %dma_wait3A_423] : memref<20480x80xf32, #tpu.memory_space<hbm>> -> memref<64x80xf32, #tpu.memory_space<hbm>>
      %dma_wait3A_425 = arith.constant 0 : i32
      %dma_wait3A_426 = arith.constant 0 : i32
      %dma_wait3A_427 = tpu.memref_slice %arg9[%dma_wait3A_417, %dma_wait3A_425, %dma_wait3A_426] : memref<5x64x80xf32, #tpu.memory_space<vmem>> -> memref<1x64x80xf32, #tpu.memory_space<vmem>>
      %dma_wait3A_428 = tpu.memref_squeeze %dma_wait3A_427 : memref<1x64x80xf32, #tpu.memory_space<vmem>> -> memref<64x80xf32, #tpu.memory_space<vmem>>
      %dma_wait3A_429 = arith.constant 0 : i32
      %dma_wait3A_430 = arith.constant 0 : i32
      %dma_wait3A_431 = tpu.memref_slice %arg6[%dma_wait3A_429, %dma_wait3A_430] : memref<20480x80xf32, #tpu.memory_space<hbm>> -> memref<64x80xf32, #tpu.memory_space<hbm>>
      tpu.wait_dma2 semaphore(%arg13 : memref<!tpu.dma_semaphore, #tpu.memory_space<semaphore_mem>>) src(%dma_wait3A_431 : memref<64x80xf32, #tpu.memory_space<hbm>>) dst(%dma_wait3A_428 : memref<64x80xf32, #tpu.memory_space<vmem>>)
      %dma_start3A_432 = arith.constant 1 : i32
      %dma_start3A_433 = arith.constant 0 : i32
      %dma_start3A_434 = arith.constant 1 : i32
      %dma_start3A_435 = arith.constant 0 : i32
      %dma_start3A_436 = arith.constant 0 : i32
      %dma_start3A_437 = tpu.memref_slice %arg9[%dma_start3A_432, %dma_start3A_435, %dma_start3A_436] : memref<5x64x80xf32, #tpu.memory_space<vmem>> -> memref<1x64x80xf32, #tpu.memory_space<vmem>>
      %dma_start3A_438 = tpu.memref_squeeze %dma_start3A_437 : memref<1x64x80xf32, #tpu.memory_space<vmem>> -> memref<64x80xf32, #tpu.memory_space<vmem>>
      %dma_start3A_439 = arith.constant 0 : i32
      %dma_start3A_440 = tpu.memref_slice %arg8[%dma_start3A_433, %dma_start3A_434, %dma_start3A_439] : memref<4x5x64xi32, #tpu.memory_space<vmem>> -> memref<1x1x64xi32, #tpu.memory_space<vmem>>
      %dma_start3A_441 = tpu.memref_squeeze %dma_start3A_440 : memref<1x1x64xi32, #tpu.memory_space<vmem>> -> memref<64xi32, #tpu.memory_space<vmem>>
      %dma_start3A_442 = arith.constant 0 : i32
      %dma_start3A_443 = arith.constant 0 : i32
      %dma_start3A_444 = tpu.memref_slice %arg10[%dma_start3A_442, %dma_start3A_443] : memref<10240x80xf32, #tpu.memory_space<vmem_shared>> -> memref<10240x80xf32, #tpu.memory_space<vmem_shared>>
      tpu.enqueue_indirect_dma source(%dma_start3A_438 : memref<64x80xf32, #tpu.memory_space<vmem>>) target(%dma_start3A_444 : memref<10240x80xf32, #tpu.memory_space<vmem_shared>>) offsets(%dma_start3A_441 : memref<64xi32, #tpu.memory_space<vmem>>) semaphore(%arg18 : memref<!tpu.dma_semaphore, #tpu.memory_space<semaphore_mem>>) {add = true}
      %convert_element_type3A_445 = arith.extui %lt3A : i1 to i32
      %cond3A_446 = arith.constant 1 : i32
      %cond3A_447 = arith.constant 0 : i32
      %cond3A_448 = arith.cmpi ne, %convert_element_type3A_445, %cond3A_447 : i32
      scf.if %cond3A_448 {
        %dma_wait3A_1079 = arith.constant 0 : i32
        %dma_wait3A_1080 = arith.constant 0 : i32
        %dma_wait3A_1081 = tpu.memref_slice %arg9[%cond3A_446, %dma_wait3A_1079, %dma_wait3A_1080] : memref<5x64x80xf32, #tpu.memory_space<vmem>> -> memref<1x64x80xf32, #tpu.memory_space<vmem>>
        %dma_wait3A_1082 = tpu.memref_squeeze %dma_wait3A_1081 : memref<1x64x80xf32, #tpu.memory_space<vmem>> -> memref<64x80xf32, #tpu.memory_space<vmem>>
        %dma_wait3A_1083 = arith.constant 0 : i32
        %dma_wait3A_1084 = arith.constant 0 : i32
        %dma_wait3A_1085 = tpu.memref_slice %arg6[%dma_wait3A_1083, %dma_wait3A_1084] : memref<20480x80xf32, #tpu.memory_space<hbm>> -> memref<64x80xf32, #tpu.memory_space<hbm>>
        %dma_wait3A_1086 = arith.constant 0 : i32
        %dma_wait3A_1087 = arith.constant 0 : i32
        %dma_wait3A_1088 = tpu.memref_slice %arg9[%cond3A_446, %dma_wait3A_1086, %dma_wait3A_1087] : memref<5x64x80xf32, #tpu.memory_space<vmem>> -> memref<1x64x80xf32, #tpu.memory_space<vmem>>
        %dma_wait3A_1089 = tpu.memref_squeeze %dma_wait3A_1088 : memref<1x64x80xf32, #tpu.memory_space<vmem>> -> memref<64x80xf32, #tpu.memory_space<vmem>>
        %dma_wait3A_1090 = arith.constant 0 : i32
        %dma_wait3A_1091 = arith.constant 0 : i32
        %dma_wait3A_1092 = tpu.memref_slice %arg6[%dma_wait3A_1090, %dma_wait3A_1091] : memref<20480x80xf32, #tpu.memory_space<hbm>> -> memref<64x80xf32, #tpu.memory_space<hbm>>
        tpu.wait_dma2 semaphore(%arg18 : memref<!tpu.dma_semaphore, #tpu.memory_space<semaphore_mem>>) src(%dma_wait3A_1092 : memref<64x80xf32, #tpu.memory_space<hbm>>) dst(%dma_wait3A_1089 : memref<64x80xf32, #tpu.memory_space<vmem>>)
        %dma_start3A_1093 = arith.constant 1 : i32
        %dma_start3A_1094 = arith.constant 0 : i32
        %dma_start3A_1095 = arith.constant 0 : i32
        %dma_start3A_1096 = tpu.memref_slice %arg9[%cond3A_446, %dma_start3A_1094, %dma_start3A_1095] : memref<5x64x80xf32, #tpu.memory_space<vmem>> -> memref<1x64x80xf32, #tpu.memory_space<vmem>>
        %dma_start3A_1097 = tpu.memref_squeeze %dma_start3A_1096 : memref<1x64x80xf32, #tpu.memory_space<vmem>> -> memref<64x80xf32, #tpu.memory_space<vmem>>
        %dma_start3A_1098 = arith.constant 0 : i32
        %dma_start3A_1099 = tpu.memref_slice %arg7[%dma_start3A_1093, %cond3A_446, %dma_start3A_1098] : memref<4x5x64xi32, #tpu.memory_space<vmem>> -> memref<1x1x64xi32, #tpu.memory_space<vmem>>
        %dma_start3A_1100 = tpu.memref_squeeze %dma_start3A_1099 : memref<1x1x64xi32, #tpu.memory_space<vmem>> -> memref<64xi32, #tpu.memory_space<vmem>>
        %dma_start3A_1101 = arith.constant 0 : i32
        %dma_start3A_1102 = arith.constant 0 : i32
        %dma_start3A_1103 = tpu.memref_slice %arg11[%dma_start3A_1101, %dma_start3A_1102] : memref<10000x80xf32, #tpu.memory_space<vmem_shared>> -> memref<10000x80xf32, #tpu.memory_space<vmem_shared>>
        tpu.enqueue_indirect_dma source(%dma_start3A_1103 : memref<10000x80xf32, #tpu.memory_space<vmem_shared>>) target(%dma_start3A_1097 : memref<64x80xf32, #tpu.memory_space<vmem>>) offsets(%dma_start3A_1100 : memref<64xi32, #tpu.memory_space<vmem>>) semaphore(%arg13 : memref<!tpu.dma_semaphore, #tpu.memory_space<semaphore_mem>>)
      } else {
      }
      %dma_wait3A_449 = arith.constant 2 : i32
      %dma_wait3A_450 = arith.constant 0 : i32
      %dma_wait3A_451 = arith.constant 0 : i32
      %dma_wait3A_452 = tpu.memref_slice %arg9[%dma_wait3A_449, %dma_wait3A_450, %dma_wait3A_451] : memref<5x64x80xf32, #tpu.memory_space<vmem>> -> memref<1x64x80xf32, #tpu.memory_space<vmem>>
      %dma_wait3A_453 = tpu.memref_squeeze %dma_wait3A_452 : memref<1x64x80xf32, #tpu.memory_space<vmem>> -> memref<64x80xf32, #tpu.memory_space<vmem>>
      %dma_wait3A_454 = arith.constant 0 : i32
      %dma_wait3A_455 = arith.constant 0 : i32
      %dma_wait3A_456 = tpu.memref_slice %arg6[%dma_wait3A_454, %dma_wait3A_455] : memref<20480x80xf32, #tpu.memory_space<hbm>> -> memref<64x80xf32, #tpu.memory_space<hbm>>
      %dma_wait3A_457 = arith.constant 0 : i32
      %dma_wait3A_458 = arith.constant 0 : i32
      %dma_wait3A_459 = tpu.memref_slice %arg9[%dma_wait3A_449, %dma_wait3A_457, %dma_wait3A_458] : memref<5x64x80xf32, #tpu.memory_space<vmem>> -> memref<1x64x80xf32, #tpu.memory_space<vmem>>
      %dma_wait3A_460 = tpu.memref_squeeze %dma_wait3A_459 : memref<1x64x80xf32, #tpu.memory_space<vmem>> -> memref<64x80xf32, #tpu.memory_space<vmem>>
      %dma_wait3A_461 = arith.constant 0 : i32
      %dma_wait3A_462 = arith.constant 0 : i32
      %dma_wait3A_463 = tpu.memref_slice %arg6[%dma_wait3A_461, %dma_wait3A_462] : memref<20480x80xf32, #tpu.memory_space<hbm>> -> memref<64x80xf32, #tpu.memory_space<hbm>>
      tpu.wait_dma2 semaphore(%arg14 : memref<!tpu.dma_semaphore, #tpu.memory_space<semaphore_mem>>) src(%dma_wait3A_463 : memref<64x80xf32, #tpu.memory_space<hbm>>) dst(%dma_wait3A_460 : memref<64x80xf32, #tpu.memory_space<vmem>>)
      %dma_start3A_464 = arith.constant 2 : i32
      %dma_start3A_465 = arith.constant 0 : i32
      %dma_start3A_466 = arith.constant 2 : i32
      %dma_start3A_467 = arith.constant 0 : i32
      %dma_start3A_468 = arith.constant 0 : i32
      %dma_start3A_469 = tpu.memref_slice %arg9[%dma_start3A_464, %dma_start3A_467, %dma_start3A_468] : memref<5x64x80xf32, #tpu.memory_space<vmem>> -> memref<1x64x80xf32, #tpu.memory_space<vmem>>
      %dma_start3A_470 = tpu.memref_squeeze %dma_start3A_469 : memref<1x64x80xf32, #tpu.memory_space<vmem>> -> memref<64x80xf32, #tpu.memory_space<vmem>>
      %dma_start3A_471 = arith.constant 0 : i32
      %dma_start3A_472 = tpu.memref_slice %arg8[%dma_start3A_465, %dma_start3A_466, %dma_start3A_471] : memref<4x5x64xi32, #tpu.memory_space<vmem>> -> memref<1x1x64xi32, #tpu.memory_space<vmem>>
      %dma_start3A_473 = tpu.memref_squeeze %dma_start3A_472 : memref<1x1x64xi32, #tpu.memory_space<vmem>> -> memref<64xi32, #tpu.memory_space<vmem>>
      %dma_start3A_474 = arith.constant 0 : i32
      %dma_start3A_475 = arith.constant 0 : i32
      %dma_start3A_476 = tpu.memref_slice %arg10[%dma_start3A_474, %dma_start3A_475] : memref<10240x80xf32, #tpu.memory_space<vmem_shared>> -> memref<10240x80xf32, #tpu.memory_space<vmem_shared>>
      tpu.enqueue_indirect_dma source(%dma_start3A_470 : memref<64x80xf32, #tpu.memory_space<vmem>>) target(%dma_start3A_476 : memref<10240x80xf32, #tpu.memory_space<vmem_shared>>) offsets(%dma_start3A_473 : memref<64xi32, #tpu.memory_space<vmem>>) semaphore(%arg19 : memref<!tpu.dma_semaphore, #tpu.memory_space<semaphore_mem>>) {add = true}
      %convert_element_type3A_477 = arith.extui %lt3A : i1 to i32
      %cond3A_478 = arith.constant 2 : i32
      %cond3A_479 = arith.constant 0 : i32
      %cond3A_480 = arith.cmpi ne, %convert_element_type3A_477, %cond3A_479 : i32
      scf.if %cond3A_480 {
        %dma_wait3A_1079 = arith.constant 0 : i32
        %dma_wait3A_1080 = arith.constant 0 : i32
        %dma_wait3A_1081 = tpu.memref_slice %arg9[%cond3A_478, %dma_wait3A_1079, %dma_wait3A_1080] : memref<5x64x80xf32, #tpu.memory_space<vmem>> -> memref<1x64x80xf32, #tpu.memory_space<vmem>>
        %dma_wait3A_1082 = tpu.memref_squeeze %dma_wait3A_1081 : memref<1x64x80xf32, #tpu.memory_space<vmem>> -> memref<64x80xf32, #tpu.memory_space<vmem>>
        %dma_wait3A_1083 = arith.constant 0 : i32
        %dma_wait3A_1084 = arith.constant 0 : i32
        %dma_wait3A_1085 = tpu.memref_slice %arg6[%dma_wait3A_1083, %dma_wait3A_1084] : memref<20480x80xf32, #tpu.memory_space<hbm>> -> memref<64x80xf32, #tpu.memory_space<hbm>>
        %dma_wait3A_1086 = arith.constant 0 : i32
        %dma_wait3A_1087 = arith.constant 0 : i32
        %dma_wait3A_1088 = tpu.memref_slice %arg9[%cond3A_478, %dma_wait3A_1086, %dma_wait3A_1087] : memref<5x64x80xf32, #tpu.memory_space<vmem>> -> memref<1x64x80xf32, #tpu.memory_space<vmem>>
        %dma_wait3A_1089 = tpu.memref_squeeze %dma_wait3A_1088 : memref<1x64x80xf32, #tpu.memory_space<vmem>> -> memref<64x80xf32, #tpu.memory_space<vmem>>
        %dma_wait3A_1090 = arith.constant 0 : i32
        %dma_wait3A_1091 = arith.constant 0 : i32
        %dma_wait3A_1092 = tpu.memref_slice %arg6[%dma_wait3A_1090, %dma_wait3A_1091] : memref<20480x80xf32, #tpu.memory_space<hbm>> -> memref<64x80xf32, #tpu.memory_space<hbm>>
        tpu.wait_dma2 semaphore(%arg19 : memref<!tpu.dma_semaphore, #tpu.memory_space<semaphore_mem>>) src(%dma_wait3A_1092 : memref<64x80xf32, #tpu.memory_space<hbm>>) dst(%dma_wait3A_1089 : memref<64x80xf32, #tpu.memory_space<vmem>>)
        %dma_start3A_1093 = arith.constant 1 : i32
        %dma_start3A_1094 = arith.constant 0 : i32
        %dma_start3A_1095 = arith.constant 0 : i32
        %dma_start3A_1096 = tpu.memref_slice %arg9[%cond3A_478, %dma_start3A_1094, %dma_start3A_1095] : memref<5x64x80xf32, #tpu.memory_space<vmem>> -> memref<1x64x80xf32, #tpu.memory_space<vmem>>
        %dma_start3A_1097 = tpu.memref_squeeze %dma_start3A_1096 : memref<1x64x80xf32, #tpu.memory_space<vmem>> -> memref<64x80xf32, #tpu.memory_space<vmem>>
        %dma_start3A_1098 = arith.constant 0 : i32
        %dma_start3A_1099 = tpu.memref_slice %arg7[%dma_start3A_1093, %cond3A_478, %dma_start3A_1098] : memref<4x5x64xi32, #tpu.memory_space<vmem>> -> memref<1x1x64xi32, #tpu.memory_space<vmem>>
        %dma_start3A_1100 = tpu.memref_squeeze %dma_start3A_1099 : memref<1x1x64xi32, #tpu.memory_space<vmem>> -> memref<64xi32, #tpu.memory_space<vmem>>
        %dma_start3A_1101 = arith.constant 0 : i32
        %dma_start3A_1102 = arith.constant 0 : i32
        %dma_start3A_1103 = tpu.memref_slice %arg11[%dma_start3A_1101, %dma_start3A_1102] : memref<10000x80xf32, #tpu.memory_space<vmem_shared>> -> memref<10000x80xf32, #tpu.memory_space<vmem_shared>>
        tpu.enqueue_indirect_dma source(%dma_start3A_1103 : memref<10000x80xf32, #tpu.memory_space<vmem_shared>>) target(%dma_start3A_1097 : memref<64x80xf32, #tpu.memory_space<vmem>>) offsets(%dma_start3A_1100 : memref<64xi32, #tpu.memory_space<vmem>>) semaphore(%arg14 : memref<!tpu.dma_semaphore, #tpu.memory_space<semaphore_mem>>)
      } else {
      }
      %dma_wait3A_481 = arith.constant 3 : i32
      %dma_wait3A_482 = arith.constant 0 : i32
      %dma_wait3A_483 = arith.constant 0 : i32
      %dma_wait3A_484 = tpu.memref_slice %arg9[%dma_wait3A_481, %dma_wait3A_482, %dma_wait3A_483] : memref<5x64x80xf32, #tpu.memory_space<vmem>> -> memref<1x64x80xf32, #tpu.memory_space<vmem>>
      %dma_wait3A_485 = tpu.memref_squeeze %dma_wait3A_484 : memref<1x64x80xf32, #tpu.memory_space<vmem>> -> memref<64x80xf32, #tpu.memory_space<vmem>>
      %dma_wait3A_486 = arith.constant 0 : i32
      %dma_wait3A_487 = arith.constant 0 : i32
      %dma_wait3A_488 = tpu.memref_slice %arg6[%dma_wait3A_486, %dma_wait3A_487] : memref<20480x80xf32, #tpu.memory_space<hbm>> -> memref<64x80xf32, #tpu.memory_space<hbm>>
      %dma_wait3A_489 = arith.constant 0 : i32
      %dma_wait3A_490 = arith.constant 0 : i32
      %dma_wait3A_491 = tpu.memref_slice %arg9[%dma_wait3A_481, %dma_wait3A_489, %dma_wait3A_490] : memref<5x64x80xf32, #tpu.memory_space<vmem>> -> memref<1x64x80xf32, #tpu.memory_space<vmem>>
      %dma_wait3A_492 = tpu.memref_squeeze %dma_wait3A_491 : memref<1x64x80xf32, #tpu.memory_space<vmem>> -> memref<64x80xf32, #tpu.memory_space<vmem>>
      %dma_wait3A_493 = arith.constant 0 : i32
      %dma_wait3A_494 = arith.constant 0 : i32
      %dma_wait3A_495 = tpu.memref_slice %arg6[%dma_wait3A_493, %dma_wait3A_494] : memref<20480x80xf32, #tpu.memory_space<hbm>> -> memref<64x80xf32, #tpu.memory_space<hbm>>
      tpu.wait_dma2 semaphore(%arg15 : memref<!tpu.dma_semaphore, #tpu.memory_space<semaphore_mem>>) src(%dma_wait3A_495 : memref<64x80xf32, #tpu.memory_space<hbm>>) dst(%dma_wait3A_492 : memref<64x80xf32, #tpu.memory_space<vmem>>)
      %dma_start3A_496 = arith.constant 3 : i32
      %dma_start3A_497 = arith.constant 0 : i32
      %dma_start3A_498 = arith.constant 3 : i32
      %dma_start3A_499 = arith.constant 0 : i32
      %dma_start3A_500 = arith.constant 0 : i32
      %dma_start3A_501 = tpu.memref_slice %arg9[%dma_start3A_496, %dma_start3A_499, %dma_start3A_500] : memref<5x64x80xf32, #tpu.memory_space<vmem>> -> memref<1x64x80xf32, #tpu.memory_space<vmem>>
      %dma_start3A_502 = tpu.memref_squeeze %dma_start3A_501 : memref<1x64x80xf32, #tpu.memory_space<vmem>> -> memref<64x80xf32, #tpu.memory_space<vmem>>
      %dma_start3A_503 = arith.constant 0 : i32
      %dma_start3A_504 = tpu.memref_slice %arg8[%dma_start3A_497, %dma_start3A_498, %dma_start3A_503] : memref<4x5x64xi32, #tpu.memory_space<vmem>> -> memref<1x1x64xi32, #tpu.memory_space<vmem>>
      %dma_start3A_505 = tpu.memref_squeeze %dma_start3A_504 : memref<1x1x64xi32, #tpu.memory_space<vmem>> -> memref<64xi32, #tpu.memory_space<vmem>>
      %dma_start3A_506 = arith.constant 0 : i32
      %dma_start3A_507 = arith.constant 0 : i32
      %dma_start3A_508 = tpu.memref_slice %arg10[%dma_start3A_506, %dma_start3A_507] : memref<10240x80xf32, #tpu.memory_space<vmem_shared>> -> memref<10240x80xf32, #tpu.memory_space<vmem_shared>>
      tpu.enqueue_indirect_dma source(%dma_start3A_502 : memref<64x80xf32, #tpu.memory_space<vmem>>) target(%dma_start3A_508 : memref<10240x80xf32, #tpu.memory_space<vmem_shared>>) offsets(%dma_start3A_505 : memref<64xi32, #tpu.memory_space<vmem>>) semaphore(%arg20 : memref<!tpu.dma_semaphore, #tpu.memory_space<semaphore_mem>>) {add = true}
      %convert_element_type3A_509 = arith.extui %lt3A : i1 to i32
      %cond3A_510 = arith.constant 3 : i32
      %cond3A_511 = arith.constant 0 : i32
      %cond3A_512 = arith.cmpi ne, %convert_element_type3A_509, %cond3A_511 : i32
      scf.if %cond3A_512 {
        %dma_wait3A_1079 = arith.constant 0 : i32
        %dma_wait3A_1080 = arith.constant 0 : i32
        %dma_wait3A_1081 = tpu.memref_slice %arg9[%cond3A_510, %dma_wait3A_1079, %dma_wait3A_1080] : memref<5x64x80xf32, #tpu.memory_space<vmem>> -> memref<1x64x80xf32, #tpu.memory_space<vmem>>
        %dma_wait3A_1082 = tpu.memref_squeeze %dma_wait3A_1081 : memref<1x64x80xf32, #tpu.memory_space<vmem>> -> memref<64x80xf32, #tpu.memory_space<vmem>>
        %dma_wait3A_1083 = arith.constant 0 : i32
        %dma_wait3A_1084 = arith.constant 0 : i32
        %dma_wait3A_1085 = tpu.memref_slice %arg6[%dma_wait3A_1083, %dma_wait3A_1084] : memref<20480x80xf32, #tpu.memory_space<hbm>> -> memref<64x80xf32, #tpu.memory_space<hbm>>
        %dma_wait3A_1086 = arith.constant 0 : i32
        %dma_wait3A_1087 = arith.constant 0 : i32
        %dma_wait3A_1088 = tpu.memref_slice %arg9[%cond3A_510, %dma_wait3A_1086, %dma_wait3A_1087] : memref<5x64x80xf32, #tpu.memory_space<vmem>> -> memref<1x64x80xf32, #tpu.memory_space<vmem>>
        %dma_wait3A_1089 = tpu.memref_squeeze %dma_wait3A_1088 : memref<1x64x80xf32, #tpu.memory_space<vmem>> -> memref<64x80xf32, #tpu.memory_space<vmem>>
        %dma_wait3A_1090 = arith.constant 0 : i32
        %dma_wait3A_1091 = arith.constant 0 : i32
        %dma_wait3A_1092 = tpu.memref_slice %arg6[%dma_wait3A_1090, %dma_wait3A_1091] : memref<20480x80xf32, #tpu.memory_space<hbm>> -> memref<64x80xf32, #tpu.memory_space<hbm>>
        tpu.wait_dma2 semaphore(%arg20 : memref<!tpu.dma_semaphore, #tpu.memory_space<semaphore_mem>>) src(%dma_wait3A_1092 : memref<64x80xf32, #tpu.memory_space<hbm>>) dst(%dma_wait3A_1089 : memref<64x80xf32, #tpu.memory_space<vmem>>)
        %dma_start3A_1093 = arith.constant 1 : i32
        %dma_start3A_1094 = arith.constant 0 : i32
        %dma_start3A_1095 = arith.constant 0 : i32
        %dma_start3A_1096 = tpu.memref_slice %arg9[%cond3A_510, %dma_start3A_1094, %dma_start3A_1095] : memref<5x64x80xf32, #tpu.memory_space<vmem>> -> memref<1x64x80xf32, #tpu.memory_space<vmem>>
        %dma_start3A_1097 = tpu.memref_squeeze %dma_start3A_1096 : memref<1x64x80xf32, #tpu.memory_space<vmem>> -> memref<64x80xf32, #tpu.memory_space<vmem>>
        %dma_start3A_1098 = arith.constant 0 : i32
        %dma_start3A_1099 = tpu.memref_slice %arg7[%dma_start3A_1093, %cond3A_510, %dma_start3A_1098] : memref<4x5x64xi32, #tpu.memory_space<vmem>> -> memref<1x1x64xi32, #tpu.memory_space<vmem>>
        %dma_start3A_1100 = tpu.memref_squeeze %dma_start3A_1099 : memref<1x1x64xi32, #tpu.memory_space<vmem>> -> memref<64xi32, #tpu.memory_space<vmem>>
        %dma_start3A_1101 = arith.constant 0 : i32
        %dma_start3A_1102 = arith.constant 0 : i32
        %dma_start3A_1103 = tpu.memref_slice %arg11[%dma_start3A_1101, %dma_start3A_1102] : memref<10000x80xf32, #tpu.memory_space<vmem_shared>> -> memref<10000x80xf32, #tpu.memory_space<vmem_shared>>
        tpu.enqueue_indirect_dma source(%dma_start3A_1103 : memref<10000x80xf32, #tpu.memory_space<vmem_shared>>) target(%dma_start3A_1097 : memref<64x80xf32, #tpu.memory_space<vmem>>) offsets(%dma_start3A_1100 : memref<64xi32, #tpu.memory_space<vmem>>) semaphore(%arg15 : memref<!tpu.dma_semaphore, #tpu.memory_space<semaphore_mem>>)
      } else {
      }
      %dma_wait3A_513 = arith.constant 4 : i32
      %dma_wait3A_514 = arith.constant 0 : i32
      %dma_wait3A_515 = arith.constant 0 : i32
      %dma_wait3A_516 = tpu.memref_slice %arg9[%dma_wait3A_513, %dma_wait3A_514, %dma_wait3A_515] : memref<5x64x80xf32, #tpu.memory_space<vmem>> -> memref<1x64x80xf32, #tpu.memory_space<vmem>>
      %dma_wait3A_517 = tpu.memref_squeeze %dma_wait3A_516 : memref<1x64x80xf32, #tpu.memory_space<vmem>> -> memref<64x80xf32, #tpu.memory_space<vmem>>
      %dma_wait3A_518 = arith.constant 0 : i32
      %dma_wait3A_519 = arith.constant 0 : i32
      %dma_wait3A_520 = tpu.memref_slice %arg6[%dma_wait3A_518, %dma_wait3A_519] : memref<20480x80xf32, #tpu.memory_space<hbm>> -> memref<64x80xf32, #tpu.memory_space<hbm>>
      %dma_wait3A_521 = arith.constant 0 : i32
      %dma_wait3A_522 = arith.constant 0 : i32
      %dma_wait3A_523 = tpu.memref_slice %arg9[%dma_wait3A_513, %dma_wait3A_521, %dma_wait3A_522] : memref<5x64x80xf32, #tpu.memory_space<vmem>> -> memref<1x64x80xf32, #tpu.memory_space<vmem>>
      %dma_wait3A_524 = tpu.memref_squeeze %dma_wait3A_523 : memref<1x64x80xf32, #tpu.memory_space<vmem>> -> memref<64x80xf32, #tpu.memory_space<vmem>>
      %dma_wait3A_525 = arith.constant 0 : i32
      %dma_wait3A_526 = arith.constant 0 : i32
      %dma_wait3A_527 = tpu.memref_slice %arg6[%dma_wait3A_525, %dma_wait3A_526] : memref<20480x80xf32, #tpu.memory_space<hbm>> -> memref<64x80xf32, #tpu.memory_space<hbm>>
      tpu.wait_dma2 semaphore(%arg16 : memref<!tpu.dma_semaphore, #tpu.memory_space<semaphore_mem>>) src(%dma_wait3A_527 : memref<64x80xf32, #tpu.memory_space<hbm>>) dst(%dma_wait3A_524 : memref<64x80xf32, #tpu.memory_space<vmem>>)
      %dma_start3A_528 = arith.constant 4 : i32
      %dma_start3A_529 = arith.constant 0 : i32
      %dma_start3A_530 = arith.constant 4 : i32
      %dma_start3A_531 = arith.constant 0 : i32
      %dma_start3A_532 = arith.constant 0 : i32
      %dma_start3A_533 = tpu.memref_slice %arg9[%dma_start3A_528, %dma_start3A_531, %dma_start3A_532] : memref<5x64x80xf32, #tpu.memory_space<vmem>> -> memref<1x64x80xf32, #tpu.memory_space<vmem>>
      %dma_start3A_534 = tpu.memref_squeeze %dma_start3A_533 : memref<1x64x80xf32, #tpu.memory_space<vmem>> -> memref<64x80xf32, #tpu.memory_space<vmem>>
      %dma_start3A_535 = arith.constant 0 : i32
      %dma_start3A_536 = tpu.memref_slice %arg8[%dma_start3A_529, %dma_start3A_530, %dma_start3A_535] : memref<4x5x64xi32, #tpu.memory_space<vmem>> -> memref<1x1x64xi32, #tpu.memory_space<vmem>>
      %dma_start3A_537 = tpu.memref_squeeze %dma_start3A_536 : memref<1x1x64xi32, #tpu.memory_space<vmem>> -> memref<64xi32, #tpu.memory_space<vmem>>
      %dma_start3A_538 = arith.constant 0 : i32
      %dma_start3A_539 = arith.constant 0 : i32
      %dma_start3A_540 = tpu.memref_slice %arg10[%dma_start3A_538, %dma_start3A_539] : memref<10240x80xf32, #tpu.memory_space<vmem_shared>> -> memref<10240x80xf32, #tpu.memory_space<vmem_shared>>
      tpu.enqueue_indirect_dma source(%dma_start3A_534 : memref<64x80xf32, #tpu.memory_space<vmem>>) target(%dma_start3A_540 : memref<10240x80xf32, #tpu.memory_space<vmem_shared>>) offsets(%dma_start3A_537 : memref<64xi32, #tpu.memory_space<vmem>>) semaphore(%arg21 : memref<!tpu.dma_semaphore, #tpu.memory_space<semaphore_mem>>) {add = true}
      %convert_element_type3A_541 = arith.extui %lt3A : i1 to i32
      %cond3A_542 = arith.constant 4 : i32
      %cond3A_543 = arith.constant 0 : i32
      %cond3A_544 = arith.cmpi ne, %convert_element_type3A_541, %cond3A_543 : i32
      scf.if %cond3A_544 {
        %dma_wait3A_1079 = arith.constant 0 : i32
        %dma_wait3A_1080 = arith.constant 0 : i32
        %dma_wait3A_1081 = tpu.memref_slice %arg9[%cond3A_542, %dma_wait3A_1079, %dma_wait3A_1080] : memref<5x64x80xf32, #tpu.memory_space<vmem>> -> memref<1x64x80xf32, #tpu.memory_space<vmem>>
        %dma_wait3A_1082 = tpu.memref_squeeze %dma_wait3A_1081 : memref<1x64x80xf32, #tpu.memory_space<vmem>> -> memref<64x80xf32, #tpu.memory_space<vmem>>
        %dma_wait3A_1083 = arith.constant 0 : i32
        %dma_wait3A_1084 = arith.constant 0 : i32
        %dma_wait3A_1085 = tpu.memref_slice %arg6[%dma_wait3A_1083, %dma_wait3A_1084] : memref<20480x80xf32, #tpu.memory_space<hbm>> -> memref<64x80xf32, #tpu.memory_space<hbm>>
        %dma_wait3A_1086 = arith.constant 0 : i32
        %dma_wait3A_1087 = arith.constant 0 : i32
        %dma_wait3A_1088 = tpu.memref_slice %arg9[%cond3A_542, %dma_wait3A_1086, %dma_wait3A_1087] : memref<5x64x80xf32, #tpu.memory_space<vmem>> -> memref<1x64x80xf32, #tpu.memory_space<vmem>>
        %dma_wait3A_1089 = tpu.memref_squeeze %dma_wait3A_1088 : memref<1x64x80xf32, #tpu.memory_space<vmem>> -> memref<64x80xf32, #tpu.memory_space<vmem>>
        %dma_wait3A_1090 = arith.constant 0 : i32
        %dma_wait3A_1091 = arith.constant 0 : i32
        %dma_wait3A_1092 = tpu.memref_slice %arg6[%dma_wait3A_1090, %dma_wait3A_1091] : memref<20480x80xf32, #tpu.memory_space<hbm>> -> memref<64x80xf32, #tpu.memory_space<hbm>>
        tpu.wait_dma2 semaphore(%arg21 : memref<!tpu.dma_semaphore, #tpu.memory_space<semaphore_mem>>) src(%dma_wait3A_1092 : memref<64x80xf32, #tpu.memory_space<hbm>>) dst(%dma_wait3A_1089 : memref<64x80xf32, #tpu.memory_space<vmem>>)
        %dma_start3A_1093 = arith.constant 1 : i32
        %dma_start3A_1094 = arith.constant 0 : i32
        %dma_start3A_1095 = arith.constant 0 : i32
        %dma_start3A_1096 = tpu.memref_slice %arg9[%cond3A_542, %dma_start3A_1094, %dma_start3A_1095] : memref<5x64x80xf32, #tpu.memory_space<vmem>> -> memref<1x64x80xf32, #tpu.memory_space<vmem>>
        %dma_start3A_1097 = tpu.memref_squeeze %dma_start3A_1096 : memref<1x64x80xf32, #tpu.memory_space<vmem>> -> memref<64x80xf32, #tpu.memory_space<vmem>>
        %dma_start3A_1098 = arith.constant 0 : i32
        %dma_start3A_1099 = tpu.memref_slice %arg7[%dma_start3A_1093, %cond3A_542, %dma_start3A_1098] : memref<4x5x64xi32, #tpu.memory_space<vmem>> -> memref<1x1x64xi32, #tpu.memory_space<vmem>>
        %dma_start3A_1100 = tpu.memref_squeeze %dma_start3A_1099 : memref<1x1x64xi32, #tpu.memory_space<vmem>> -> memref<64xi32, #tpu.memory_space<vmem>>
        %dma_start3A_1101 = arith.constant 0 : i32
        %dma_start3A_1102 = arith.constant 0 : i32
        %dma_start3A_1103 = tpu.memref_slice %arg11[%dma_start3A_1101, %dma_start3A_1102] : memref<10000x80xf32, #tpu.memory_space<vmem_shared>> -> memref<10000x80xf32, #tpu.memory_space<vmem_shared>>
        tpu.enqueue_indirect_dma source(%dma_start3A_1103 : memref<10000x80xf32, #tpu.memory_space<vmem_shared>>) target(%dma_start3A_1097 : memref<64x80xf32, #tpu.memory_space<vmem>>) offsets(%dma_start3A_1100 : memref<64xi32, #tpu.memory_space<vmem>>) semaphore(%arg16 : memref<!tpu.dma_semaphore, #tpu.memory_space<semaphore_mem>>)
      } else {
      }
      %add3A_545 = arith.constant 3 : i32
      %add3A_546 = arith.addi %add3A_381, %add3A_545 : i32
      %lt3A_547 = arith.cmpi slt, %add3A_546, %select_n3A_63 : i32
      %convert_element_type3A_548 = arith.extui %lt3A_547 : i1 to i32
      %cond3A_549 = arith.constant 0 : i32
      %cond3A_550 = arith.cmpi ne, %convert_element_type3A_548, %cond3A_549 : i32
      scf.if %cond3A_550 {
        %add3A_1079 = arith.constant 3 : i32
        %add3A_1080 = arith.addi %add3A_381, %add3A_1079 : i32
        %mul3A_1081 = arith.constant 5 : i32
        %mul3A_1082 = arith.muli %add3A_1080, %mul3A_1081 : i32
        %add3A_1083 = arith.addi %mul3A_43, %mul3A_1082 : i32
        %dma_start3A_1084 = arith.constant 3 : i32
        %dma_start3A_1085 = arith.constant 0 : i32
        %dma_start3A_1086 = arith.constant 0 : i32
        %dma_start3A_1087 = tpu.memref_slice %arg7[%dma_start3A_1084, %dma_start3A_1085, %dma_start3A_1086] : memref<4x5x64xi32, #tpu.memory_space<vmem>> -> memref<1x5x64xi32, #tpu.memory_space<vmem>>
        %dma_start3A_1088 = tpu.memref_squeeze %dma_start3A_1087 : memref<1x5x64xi32, #tpu.memory_space<vmem>> -> memref<5x64xi32, #tpu.memory_space<vmem>>
        %dma_start3A_1089 = arith.constant 0 : i32
        %dma_start3A_1090 = tpu.memref_slice %arg3[%add3A_1083, %dma_start3A_1089] : memref<5000x64xi32, #tpu.memory_space<hbm>> -> memref<5x64xi32, #tpu.memory_space<hbm>>
        %dma_start3A_1091 = arith.constant 0 : i32
        %dma_start3A_1092 = arith.constant 0 : i32
        %dma_start3A_1093 = tpu.memref_slice %arg7[%dma_start3A_1084, %dma_start3A_1091, %dma_start3A_1092] : memref<4x5x64xi32, #tpu.memory_space<vmem>> -> memref<1x5x64xi32, #tpu.memory_space<vmem>>
        %dma_start3A_1094 = tpu.memref_squeeze %dma_start3A_1093 : memref<1x5x64xi32, #tpu.memory_space<vmem>> -> memref<5x64xi32, #tpu.memory_space<vmem>>
        %dma_start3A_1095 = arith.constant 0 : i32
        %dma_start3A_1096 = tpu.memref_slice %arg3[%add3A_1083, %dma_start3A_1095] : memref<5000x64xi32, #tpu.memory_space<hbm>> -> memref<5x64xi32, #tpu.memory_space<hbm>>
        tpu.enqueue_dma source(%dma_start3A_1096 : memref<5x64xi32, #tpu.memory_space<hbm>>) target(%dma_start3A_1094 : memref<5x64xi32, #tpu.memory_space<vmem>>) target_semaphore(%arg25 : memref<!tpu.dma_semaphore, #tpu.memory_space<semaphore_mem>>)
        %mul3A_1097 = arith.constant 5 : i32
        %mul3A_1098 = arith.muli %add3A_1080, %mul3A_1097 : i32
        %add3A_1099 = arith.addi %mul3A_43, %mul3A_1098 : i32
        %dma_start3A_1100 = arith.constant 3 : i32
        %dma_start3A_1101 = arith.constant 0 : i32
        %dma_start3A_1102 = arith.constant 0 : i32
        %dma_start3A_1103 = tpu.memref_slice %arg8[%dma_start3A_1100, %dma_start3A_1101, %dma_start3A_1102] : memref<4x5x64xi32, #tpu.memory_space<vmem>> -> memref<1x5x64xi32, #tpu.memory_space<vmem>>
        %dma_start3A_1104 = tpu.memref_squeeze %dma_start3A_1103 : memref<1x5x64xi32, #tpu.memory_space<vmem>> -> memref<5x64xi32, #tpu.memory_space<vmem>>
        %dma_start3A_1105 = arith.constant 0 : i32
        %dma_start3A_1106 = tpu.memref_slice %arg4[%add3A_1099, %dma_start3A_1105] : memref<5000x64xi32, #tpu.memory_space<hbm>> -> memref<5x64xi32, #tpu.memory_space<hbm>>
        %dma_start3A_1107 = arith.constant 0 : i32
        %dma_start3A_1108 = arith.constant 0 : i32
        %dma_start3A_1109 = tpu.memref_slice %arg8[%dma_start3A_1100, %dma_start3A_1107, %dma_start3A_1108] : memref<4x5x64xi32, #tpu.memory_space<vmem>> -> memref<1x5x64xi32, #tpu.memory_space<vmem>>
        %dma_start3A_1110 = tpu.memref_squeeze %dma_start3A_1109 : memref<1x5x64xi32, #tpu.memory_space<vmem>> -> memref<5x64xi32, #tpu.memory_space<vmem>>
        %dma_start3A_1111 = arith.constant 0 : i32
        %dma_start3A_1112 = tpu.memref_slice %arg4[%add3A_1099, %dma_start3A_1111] : memref<5000x64xi32, #tpu.memory_space<hbm>> -> memref<5x64xi32, #tpu.memory_space<hbm>>
        tpu.enqueue_dma source(%dma_start3A_1112 : memref<5x64xi32, #tpu.memory_space<hbm>>) target(%dma_start3A_1110 : memref<5x64xi32, #tpu.memory_space<vmem>>) target_semaphore(%arg29 : memref<!tpu.dma_semaphore, #tpu.memory_space<semaphore_mem>>)
      } else {
      }
      %mul3A_551 = arith.constant 4 : i32
      %mul3A_552 = arith.muli %while3A_377, %mul3A_551 : i32
      %add3A_553 = arith.constant 1 : i32
      %add3A_554 = arith.addi %mul3A_552, %add3A_553 : i32
      %add3A_555 = arith.constant 1 : i32
      %add3A_556 = arith.addi %add3A_554, %add3A_555 : i32
      %lt3A_557 = arith.cmpi slt, %add3A_556, %select_n3A_63 : i32
      %convert_element_type3A_558 = arith.extui %lt3A_557 : i1 to i32
      %cond3A_559 = arith.constant 0 : i32
      %cond3A_560 = arith.cmpi ne, %convert_element_type3A_558, %cond3A_559 : i32
      scf.if %cond3A_560 {
        %dma_wait3A_1079 = arith.constant 2 : i32
        %dma_wait3A_1080 = arith.constant 0 : i32
        %dma_wait3A_1081 = arith.constant 0 : i32
        %dma_wait3A_1082 = tpu.memref_slice %arg7[%dma_wait3A_1079, %dma_wait3A_1080, %dma_wait3A_1081] : memref<4x5x64xi32, #tpu.memory_space<vmem>> -> memref<1x5x64xi32, #tpu.memory_space<vmem>>
        %dma_wait3A_1083 = tpu.memref_squeeze %dma_wait3A_1082 : memref<1x5x64xi32, #tpu.memory_space<vmem>> -> memref<5x64xi32, #tpu.memory_space<vmem>>
        %dma_wait3A_1084 = arith.constant 0 : i32
        %dma_wait3A_1085 = arith.constant 0 : i32
        %dma_wait3A_1086 = tpu.memref_slice %arg3[%dma_wait3A_1084, %dma_wait3A_1085] : memref<5000x64xi32, #tpu.memory_space<hbm>> -> memref<5x64xi32, #tpu.memory_space<hbm>>
        %dma_wait3A_1087 = arith.constant 0 : i32
        %dma_wait3A_1088 = arith.constant 0 : i32
        %dma_wait3A_1089 = tpu.memref_slice %arg7[%dma_wait3A_1079, %dma_wait3A_1087, %dma_wait3A_1088] : memref<4x5x64xi32, #tpu.memory_space<vmem>> -> memref<1x5x64xi32, #tpu.memory_space<vmem>>
        %dma_wait3A_1090 = tpu.memref_squeeze %dma_wait3A_1089 : memref<1x5x64xi32, #tpu.memory_space<vmem>> -> memref<5x64xi32, #tpu.memory_space<vmem>>
        %dma_wait3A_1091 = arith.constant 0 : i32
        %dma_wait3A_1092 = arith.constant 0 : i32
        %dma_wait3A_1093 = tpu.memref_slice %arg3[%dma_wait3A_1091, %dma_wait3A_1092] : memref<5000x64xi32, #tpu.memory_space<hbm>> -> memref<5x64xi32, #tpu.memory_space<hbm>>
        tpu.wait_dma2 semaphore(%arg24 : memref<!tpu.dma_semaphore, #tpu.memory_space<semaphore_mem>>) src(%dma_wait3A_1093 : memref<5x64xi32, #tpu.memory_space<hbm>>) dst(%dma_wait3A_1090 : memref<5x64xi32, #tpu.memory_space<vmem>>)
        %dma_wait3A_1094 = arith.constant 2 : i32
        %dma_wait3A_1095 = arith.constant 0 : i32
        %dma_wait3A_1096 = arith.constant 0 : i32
        %dma_wait3A_1097 = tpu.memref_slice %arg8[%dma_wait3A_1094, %dma_wait3A_1095, %dma_wait3A_1096] : memref<4x5x64xi32, #tpu.memory_space<vmem>> -> memref<1x5x64xi32, #tpu.memory_space<vmem>>
        %dma_wait3A_1098 = tpu.memref_squeeze %dma_wait3A_1097 : memref<1x5x64xi32, #tpu.memory_space<vmem>> -> memref<5x64xi32, #tpu.memory_space<vmem>>
        %dma_wait3A_1099 = arith.constant 0 : i32
        %dma_wait3A_1100 = arith.constant 0 : i32
        %dma_wait3A_1101 = tpu.memref_slice %arg4[%dma_wait3A_1099, %dma_wait3A_1100] : memref<5000x64xi32, #tpu.memory_space<hbm>> -> memref<5x64xi32, #tpu.memory_space<hbm>>
        %dma_wait3A_1102 = arith.constant 0 : i32
        %dma_wait3A_1103 = arith.constant 0 : i32
        %dma_wait3A_1104 = tpu.memref_slice %arg8[%dma_wait3A_1094, %dma_wait3A_1102, %dma_wait3A_1103] : memref<4x5x64xi32, #tpu.memory_space<vmem>> -> memref<1x5x64xi32, #tpu.memory_space<vmem>>
        %dma_wait3A_1105 = tpu.memref_squeeze %dma_wait3A_1104 : memref<1x5x64xi32, #tpu.memory_space<vmem>> -> memref<5x64xi32, #tpu.memory_space<vmem>>
        %dma_wait3A_1106 = arith.constant 0 : i32
        %dma_wait3A_1107 = arith.constant 0 : i32
        %dma_wait3A_1108 = tpu.memref_slice %arg4[%dma_wait3A_1106, %dma_wait3A_1107] : memref<5000x64xi32, #tpu.memory_space<hbm>> -> memref<5x64xi32, #tpu.memory_space<hbm>>
        tpu.wait_dma2 semaphore(%arg28 : memref<!tpu.dma_semaphore, #tpu.memory_space<semaphore_mem>>) src(%dma_wait3A_1108 : memref<5x64xi32, #tpu.memory_space<hbm>>) dst(%dma_wait3A_1105 : memref<5x64xi32, #tpu.memory_space<vmem>>)
      } else {
      }
      %dma_wait3A_561 = arith.constant 0 : i32
      %dma_wait3A_562 = arith.constant 0 : i32
      %dma_wait3A_563 = arith.constant 0 : i32
      %dma_wait3A_564 = tpu.memref_slice %arg9[%dma_wait3A_561, %dma_wait3A_562, %dma_wait3A_563] : memref<5x64x80xf32, #tpu.memory_space<vmem>> -> memref<1x64x80xf32, #tpu.memory_space<vmem>>
      %dma_wait3A_565 = tpu.memref_squeeze %dma_wait3A_564 : memref<1x64x80xf32, #tpu.memory_space<vmem>> -> memref<64x80xf32, #tpu.memory_space<vmem>>
      %dma_wait3A_566 = arith.constant 0 : i32
      %dma_wait3A_567 = arith.constant 0 : i32
      %dma_wait3A_568 = tpu.memref_slice %arg6[%dma_wait3A_566, %dma_wait3A_567] : memref<20480x80xf32, #tpu.memory_space<hbm>> -> memref<64x80xf32, #tpu.memory_space<hbm>>
      %dma_wait3A_569 = arith.constant 0 : i32
      %dma_wait3A_570 = arith.constant 0 : i32
      %dma_wait3A_571 = tpu.memref_slice %arg9[%dma_wait3A_561, %dma_wait3A_569, %dma_wait3A_570] : memref<5x64x80xf32, #tpu.memory_space<vmem>> -> memref<1x64x80xf32, #tpu.memory_space<vmem>>
      %dma_wait3A_572 = tpu.memref_squeeze %dma_wait3A_571 : memref<1x64x80xf32, #tpu.memory_space<vmem>> -> memref<64x80xf32, #tpu.memory_space<vmem>>
      %dma_wait3A_573 = arith.constant 0 : i32
      %dma_wait3A_574 = arith.constant 0 : i32
      %dma_wait3A_575 = tpu.memref_slice %arg6[%dma_wait3A_573, %dma_wait3A_574] : memref<20480x80xf32, #tpu.memory_space<hbm>> -> memref<64x80xf32, #tpu.memory_space<hbm>>
      tpu.wait_dma2 semaphore(%arg12 : memref<!tpu.dma_semaphore, #tpu.memory_space<semaphore_mem>>) src(%dma_wait3A_575 : memref<64x80xf32, #tpu.memory_space<hbm>>) dst(%dma_wait3A_572 : memref<64x80xf32, #tpu.memory_space<vmem>>)
      %dma_start3A_576 = arith.constant 0 : i32
      %dma_start3A_577 = arith.constant 1 : i32
      %dma_start3A_578 = arith.constant 0 : i32
      %dma_start3A_579 = arith.constant 0 : i32
      %dma_start3A_580 = arith.constant 0 : i32
      %dma_start3A_581 = tpu.memref_slice %arg9[%dma_start3A_576, %dma_start3A_579, %dma_start3A_580] : memref<5x64x80xf32, #tpu.memory_space<vmem>> -> memref<1x64x80xf32, #tpu.memory_space<vmem>>
      %dma_start3A_582 = tpu.memref_squeeze %dma_start3A_581 : memref<1x64x80xf32, #tpu.memory_space<vmem>> -> memref<64x80xf32, #tpu.memory_space<vmem>>
      %dma_start3A_583 = arith.constant 0 : i32
      %dma_start3A_584 = tpu.memref_slice %arg8[%dma_start3A_577, %dma_start3A_578, %dma_start3A_583] : memref<4x5x64xi32, #tpu.memory_space<vmem>> -> memref<1x1x64xi32, #tpu.memory_space<vmem>>
      %dma_start3A_585 = tpu.memref_squeeze %dma_start3A_584 : memref<1x1x64xi32, #tpu.memory_space<vmem>> -> memref<64xi32, #tpu.memory_space<vmem>>
      %dma_start3A_586 = arith.constant 0 : i32
      %dma_start3A_587 = arith.constant 0 : i32
      %dma_start3A_588 = tpu.memref_slice %arg10[%dma_start3A_586, %dma_start3A_587] : memref<10240x80xf32, #tpu.memory_space<vmem_shared>> -> memref<10240x80xf32, #tpu.memory_space<vmem_shared>>
      tpu.enqueue_indirect_dma source(%dma_start3A_582 : memref<64x80xf32, #tpu.memory_space<vmem>>) target(%dma_start3A_588 : memref<10240x80xf32, #tpu.memory_space<vmem_shared>>) offsets(%dma_start3A_585 : memref<64xi32, #tpu.memory_space<vmem>>) semaphore(%arg17 : memref<!tpu.dma_semaphore, #tpu.memory_space<semaphore_mem>>) {add = true}
      %convert_element_type3A_589 = arith.extui %lt3A_557 : i1 to i32
      %cond3A_590 = arith.constant 0 : i32
      %cond3A_591 = arith.constant 0 : i32
      %cond3A_592 = arith.cmpi ne, %convert_element_type3A_589, %cond3A_591 : i32
      scf.if %cond3A_592 {
        %dma_wait3A_1079 = arith.constant 0 : i32
        %dma_wait3A_1080 = arith.constant 0 : i32
        %dma_wait3A_1081 = tpu.memref_slice %arg9[%cond3A_590, %dma_wait3A_1079, %dma_wait3A_1080] : memref<5x64x80xf32, #tpu.memory_space<vmem>> -> memref<1x64x80xf32, #tpu.memory_space<vmem>>
        %dma_wait3A_1082 = tpu.memref_squeeze %dma_wait3A_1081 : memref<1x64x80xf32, #tpu.memory_space<vmem>> -> memref<64x80xf32, #tpu.memory_space<vmem>>
        %dma_wait3A_1083 = arith.constant 0 : i32
        %dma_wait3A_1084 = arith.constant 0 : i32
        %dma_wait3A_1085 = tpu.memref_slice %arg6[%dma_wait3A_1083, %dma_wait3A_1084] : memref<20480x80xf32, #tpu.memory_space<hbm>> -> memref<64x80xf32, #tpu.memory_space<hbm>>
        %dma_wait3A_1086 = arith.constant 0 : i32
        %dma_wait3A_1087 = arith.constant 0 : i32
        %dma_wait3A_1088 = tpu.memref_slice %arg9[%cond3A_590, %dma_wait3A_1086, %dma_wait3A_1087] : memref<5x64x80xf32, #tpu.memory_space<vmem>> -> memref<1x64x80xf32, #tpu.memory_space<vmem>>
        %dma_wait3A_1089 = tpu.memref_squeeze %dma_wait3A_1088 : memref<1x64x80xf32, #tpu.memory_space<vmem>> -> memref<64x80xf32, #tpu.memory_space<vmem>>
        %dma_wait3A_1090 = arith.constant 0 : i32
        %dma_wait3A_1091 = arith.constant 0 : i32
        %dma_wait3A_1092 = tpu.memref_slice %arg6[%dma_wait3A_1090, %dma_wait3A_1091] : memref<20480x80xf32, #tpu.memory_space<hbm>> -> memref<64x80xf32, #tpu.memory_space<hbm>>
        tpu.wait_dma2 semaphore(%arg17 : memref<!tpu.dma_semaphore, #tpu.memory_space<semaphore_mem>>) src(%dma_wait3A_1092 : memref<64x80xf32, #tpu.memory_space<hbm>>) dst(%dma_wait3A_1089 : memref<64x80xf32, #tpu.memory_space<vmem>>)
        %dma_start3A_1093 = arith.constant 2 : i32
        %dma_start3A_1094 = arith.constant 0 : i32
        %dma_start3A_1095 = arith.constant 0 : i32
        %dma_start3A_1096 = tpu.memref_slice %arg9[%cond3A_590, %dma_start3A_1094, %dma_start3A_1095] : memref<5x64x80xf32, #tpu.memory_space<vmem>> -> memref<1x64x80xf32, #tpu.memory_space<vmem>>
        %dma_start3A_1097 = tpu.memref_squeeze %dma_start3A_1096 : memref<1x64x80xf32, #tpu.memory_space<vmem>> -> memref<64x80xf32, #tpu.memory_space<vmem>>
        %dma_start3A_1098 = arith.constant 0 : i32
        %dma_start3A_1099 = tpu.memref_slice %arg7[%dma_start3A_1093, %cond3A_590, %dma_start3A_1098] : memref<4x5x64xi32, #tpu.memory_space<vmem>> -> memref<1x1x64xi32, #tpu.memory_space<vmem>>
        %dma_start3A_1100 = tpu.memref_squeeze %dma_start3A_1099 : memref<1x1x64xi32, #tpu.memory_space<vmem>> -> memref<64xi32, #tpu.memory_space<vmem>>
        %dma_start3A_1101 = arith.constant 0 : i32
        %dma_start3A_1102 = arith.constant 0 : i32
        %dma_start3A_1103 = tpu.memref_slice %arg11[%dma_start3A_1101, %dma_start3A_1102] : memref<10000x80xf32, #tpu.memory_space<vmem_shared>> -> memref<10000x80xf32, #tpu.memory_space<vmem_shared>>
        tpu.enqueue_indirect_dma source(%dma_start3A_1103 : memref<10000x80xf32, #tpu.memory_space<vmem_shared>>) target(%dma_start3A_1097 : memref<64x80xf32, #tpu.memory_space<vmem>>) offsets(%dma_start3A_1100 : memref<64xi32, #tpu.memory_space<vmem>>) semaphore(%arg12 : memref<!tpu.dma_semaphore, #tpu.memory_space<semaphore_mem>>)
      } else {
      }
      %dma_wait3A_593 = arith.constant 1 : i32
      %dma_wait3A_594 = arith.constant 0 : i32
      %dma_wait3A_595 = arith.constant 0 : i32
      %dma_wait3A_596 = tpu.memref_slice %arg9[%dma_wait3A_593, %dma_wait3A_594, %dma_wait3A_595] : memref<5x64x80xf32, #tpu.memory_space<vmem>> -> memref<1x64x80xf32, #tpu.memory_space<vmem>>
      %dma_wait3A_597 = tpu.memref_squeeze %dma_wait3A_596 : memref<1x64x80xf32, #tpu.memory_space<vmem>> -> memref<64x80xf32, #tpu.memory_space<vmem>>
      %dma_wait3A_598 = arith.constant 0 : i32
      %dma_wait3A_599 = arith.constant 0 : i32
      %dma_wait3A_600 = tpu.memref_slice %arg6[%dma_wait3A_598, %dma_wait3A_599] : memref<20480x80xf32, #tpu.memory_space<hbm>> -> memref<64x80xf32, #tpu.memory_space<hbm>>
      %dma_wait3A_601 = arith.constant 0 : i32
      %dma_wait3A_602 = arith.constant 0 : i32
      %dma_wait3A_603 = tpu.memref_slice %arg9[%dma_wait3A_593, %dma_wait3A_601, %dma_wait3A_602] : memref<5x64x80xf32, #tpu.memory_space<vmem>> -> memref<1x64x80xf32, #tpu.memory_space<vmem>>
      %dma_wait3A_604 = tpu.memref_squeeze %dma_wait3A_603 : memref<1x64x80xf32, #tpu.memory_space<vmem>> -> memref<64x80xf32, #tpu.memory_space<vmem>>
      %dma_wait3A_605 = arith.constant 0 : i32
      %dma_wait3A_606 = arith.constant 0 : i32
      %dma_wait3A_607 = tpu.memref_slice %arg6[%dma_wait3A_605, %dma_wait3A_606] : memref<20480x80xf32, #tpu.memory_space<hbm>> -> memref<64x80xf32, #tpu.memory_space<hbm>>
      tpu.wait_dma2 semaphore(%arg13 : memref<!tpu.dma_semaphore, #tpu.memory_space<semaphore_mem>>) src(%dma_wait3A_607 : memref<64x80xf32, #tpu.memory_space<hbm>>) dst(%dma_wait3A_604 : memref<64x80xf32, #tpu.memory_space<vmem>>)
      %dma_start3A_608 = arith.constant 1 : i32
      %dma_start3A_609 = arith.constant 1 : i32
      %dma_start3A_610 = arith.constant 1 : i32
      %dma_start3A_611 = arith.constant 0 : i32
      %dma_start3A_612 = arith.constant 0 : i32
      %dma_start3A_613 = tpu.memref_slice %arg9[%dma_start3A_608, %dma_start3A_611, %dma_start3A_612] : memref<5x64x80xf32, #tpu.memory_space<vmem>> -> memref<1x64x80xf32, #tpu.memory_space<vmem>>
      %dma_start3A_614 = tpu.memref_squeeze %dma_start3A_613 : memref<1x64x80xf32, #tpu.memory_space<vmem>> -> memref<64x80xf32, #tpu.memory_space<vmem>>
      %dma_start3A_615 = arith.constant 0 : i32
      %dma_start3A_616 = tpu.memref_slice %arg8[%dma_start3A_609, %dma_start3A_610, %dma_start3A_615] : memref<4x5x64xi32, #tpu.memory_space<vmem>> -> memref<1x1x64xi32, #tpu.memory_space<vmem>>
      %dma_start3A_617 = tpu.memref_squeeze %dma_start3A_616 : memref<1x1x64xi32, #tpu.memory_space<vmem>> -> memref<64xi32, #tpu.memory_space<vmem>>
      %dma_start3A_618 = arith.constant 0 : i32
      %dma_start3A_619 = arith.constant 0 : i32
      %dma_start3A_620 = tpu.memref_slice %arg10[%dma_start3A_618, %dma_start3A_619] : memref<10240x80xf32, #tpu.memory_space<vmem_shared>> -> memref<10240x80xf32, #tpu.memory_space<vmem_shared>>
      tpu.enqueue_indirect_dma source(%dma_start3A_614 : memref<64x80xf32, #tpu.memory_space<vmem>>) target(%dma_start3A_620 : memref<10240x80xf32, #tpu.memory_space<vmem_shared>>) offsets(%dma_start3A_617 : memref<64xi32, #tpu.memory_space<vmem>>) semaphore(%arg18 : memref<!tpu.dma_semaphore, #tpu.memory_space<semaphore_mem>>) {add = true}
      %convert_element_type3A_621 = arith.extui %lt3A_557 : i1 to i32
      %cond3A_622 = arith.constant 1 : i32
      %cond3A_623 = arith.constant 0 : i32
      %cond3A_624 = arith.cmpi ne, %convert_element_type3A_621, %cond3A_623 : i32
      scf.if %cond3A_624 {
        %dma_wait3A_1079 = arith.constant 0 : i32
        %dma_wait3A_1080 = arith.constant 0 : i32
        %dma_wait3A_1081 = tpu.memref_slice %arg9[%cond3A_622, %dma_wait3A_1079, %dma_wait3A_1080] : memref<5x64x80xf32, #tpu.memory_space<vmem>> -> memref<1x64x80xf32, #tpu.memory_space<vmem>>
        %dma_wait3A_1082 = tpu.memref_squeeze %dma_wait3A_1081 : memref<1x64x80xf32, #tpu.memory_space<vmem>> -> memref<64x80xf32, #tpu.memory_space<vmem>>
        %dma_wait3A_1083 = arith.constant 0 : i32
        %dma_wait3A_1084 = arith.constant 0 : i32
        %dma_wait3A_1085 = tpu.memref_slice %arg6[%dma_wait3A_1083, %dma_wait3A_1084] : memref<20480x80xf32, #tpu.memory_space<hbm>> -> memref<64x80xf32, #tpu.memory_space<hbm>>
        %dma_wait3A_1086 = arith.constant 0 : i32
        %dma_wait3A_1087 = arith.constant 0 : i32
        %dma_wait3A_1088 = tpu.memref_slice %arg9[%cond3A_622, %dma_wait3A_1086, %dma_wait3A_1087] : memref<5x64x80xf32, #tpu.memory_space<vmem>> -> memref<1x64x80xf32, #tpu.memory_space<vmem>>
        %dma_wait3A_1089 = tpu.memref_squeeze %dma_wait3A_1088 : memref<1x64x80xf32, #tpu.memory_space<vmem>> -> memref<64x80xf32, #tpu.memory_space<vmem>>
        %dma_wait3A_1090 = arith.constant 0 : i32
        %dma_wait3A_1091 = arith.constant 0 : i32
        %dma_wait3A_1092 = tpu.memref_slice %arg6[%dma_wait3A_1090, %dma_wait3A_1091] : memref<20480x80xf32, #tpu.memory_space<hbm>> -> memref<64x80xf32, #tpu.memory_space<hbm>>
        tpu.wait_dma2 semaphore(%arg18 : memref<!tpu.dma_semaphore, #tpu.memory_space<semaphore_mem>>) src(%dma_wait3A_1092 : memref<64x80xf32, #tpu.memory_space<hbm>>) dst(%dma_wait3A_1089 : memref<64x80xf32, #tpu.memory_space<vmem>>)
        %dma_start3A_1093 = arith.constant 2 : i32
        %dma_start3A_1094 = arith.constant 0 : i32
        %dma_start3A_1095 = arith.constant 0 : i32
        %dma_start3A_1096 = tpu.memref_slice %arg9[%cond3A_622, %dma_start3A_1094, %dma_start3A_1095] : memref<5x64x80xf32, #tpu.memory_space<vmem>> -> memref<1x64x80xf32, #tpu.memory_space<vmem>>
        %dma_start3A_1097 = tpu.memref_squeeze %dma_start3A_1096 : memref<1x64x80xf32, #tpu.memory_space<vmem>> -> memref<64x80xf32, #tpu.memory_space<vmem>>
        %dma_start3A_1098 = arith.constant 0 : i32
        %dma_start3A_1099 = tpu.memref_slice %arg7[%dma_start3A_1093, %cond3A_622, %dma_start3A_1098] : memref<4x5x64xi32, #tpu.memory_space<vmem>> -> memref<1x1x64xi32, #tpu.memory_space<vmem>>
        %dma_start3A_1100 = tpu.memref_squeeze %dma_start3A_1099 : memref<1x1x64xi32, #tpu.memory_space<vmem>> -> memref<64xi32, #tpu.memory_space<vmem>>
        %dma_start3A_1101 = arith.constant 0 : i32
        %dma_start3A_1102 = arith.constant 0 : i32
        %dma_start3A_1103 = tpu.memref_slice %arg11[%dma_start3A_1101, %dma_start3A_1102] : memref<10000x80xf32, #tpu.memory_space<vmem_shared>> -> memref<10000x80xf32, #tpu.memory_space<vmem_shared>>
        tpu.enqueue_indirect_dma source(%dma_start3A_1103 : memref<10000x80xf32, #tpu.memory_space<vmem_shared>>) target(%dma_start3A_1097 : memref<64x80xf32, #tpu.memory_space<vmem>>) offsets(%dma_start3A_1100 : memref<64xi32, #tpu.memory_space<vmem>>) semaphore(%arg13 : memref<!tpu.dma_semaphore, #tpu.memory_space<semaphore_mem>>)
      } else {
      }
      %dma_wait3A_625 = arith.constant 2 : i32
      %dma_wait3A_626 = arith.constant 0 : i32
      %dma_wait3A_627 = arith.constant 0 : i32
      %dma_wait3A_628 = tpu.memref_slice %arg9[%dma_wait3A_625, %dma_wait3A_626, %dma_wait3A_627] : memref<5x64x80xf32, #tpu.memory_space<vmem>> -> memref<1x64x80xf32, #tpu.memory_space<vmem>>
      %dma_wait3A_629 = tpu.memref_squeeze %dma_wait3A_628 : memref<1x64x80xf32, #tpu.memory_space<vmem>> -> memref<64x80xf32, #tpu.memory_space<vmem>>
      %dma_wait3A_630 = arith.constant 0 : i32
      %dma_wait3A_631 = arith.constant 0 : i32
      %dma_wait3A_632 = tpu.memref_slice %arg6[%dma_wait3A_630, %dma_wait3A_631] : memref<20480x80xf32, #tpu.memory_space<hbm>> -> memref<64x80xf32, #tpu.memory_space<hbm>>
      %dma_wait3A_633 = arith.constant 0 : i32
      %dma_wait3A_634 = arith.constant 0 : i32
      %dma_wait3A_635 = tpu.memref_slice %arg9[%dma_wait3A_625, %dma_wait3A_633, %dma_wait3A_634] : memref<5x64x80xf32, #tpu.memory_space<vmem>> -> memref<1x64x80xf32, #tpu.memory_space<vmem>>
      %dma_wait3A_636 = tpu.memref_squeeze %dma_wait3A_635 : memref<1x64x80xf32, #tpu.memory_space<vmem>> -> memref<64x80xf32, #tpu.memory_space<vmem>>
      %dma_wait3A_637 = arith.constant 0 : i32
      %dma_wait3A_638 = arith.constant 0 : i32
      %dma_wait3A_639 = tpu.memref_slice %arg6[%dma_wait3A_637, %dma_wait3A_638] : memref<20480x80xf32, #tpu.memory_space<hbm>> -> memref<64x80xf32, #tpu.memory_space<hbm>>
      tpu.wait_dma2 semaphore(%arg14 : memref<!tpu.dma_semaphore, #tpu.memory_space<semaphore_mem>>) src(%dma_wait3A_639 : memref<64x80xf32, #tpu.memory_space<hbm>>) dst(%dma_wait3A_636 : memref<64x80xf32, #tpu.memory_space<vmem>>)
      %dma_start3A_640 = arith.constant 2 : i32
      %dma_start3A_641 = arith.constant 1 : i32
      %dma_start3A_642 = arith.constant 2 : i32
      %dma_start3A_643 = arith.constant 0 : i32
      %dma_start3A_644 = arith.constant 0 : i32
      %dma_start3A_645 = tpu.memref_slice %arg9[%dma_start3A_640, %dma_start3A_643, %dma_start3A_644] : memref<5x64x80xf32, #tpu.memory_space<vmem>> -> memref<1x64x80xf32, #tpu.memory_space<vmem>>
      %dma_start3A_646 = tpu.memref_squeeze %dma_start3A_645 : memref<1x64x80xf32, #tpu.memory_space<vmem>> -> memref<64x80xf32, #tpu.memory_space<vmem>>
      %dma_start3A_647 = arith.constant 0 : i32
      %dma_start3A_648 = tpu.memref_slice %arg8[%dma_start3A_641, %dma_start3A_642, %dma_start3A_647] : memref<4x5x64xi32, #tpu.memory_space<vmem>> -> memref<1x1x64xi32, #tpu.memory_space<vmem>>
      %dma_start3A_649 = tpu.memref_squeeze %dma_start3A_648 : memref<1x1x64xi32, #tpu.memory_space<vmem>> -> memref<64xi32, #tpu.memory_space<vmem>>
      %dma_start3A_650 = arith.constant 0 : i32
      %dma_start3A_651 = arith.constant 0 : i32
      %dma_start3A_652 = tpu.memref_slice %arg10[%dma_start3A_650, %dma_start3A_651] : memref<10240x80xf32, #tpu.memory_space<vmem_shared>> -> memref<10240x80xf32, #tpu.memory_space<vmem_shared>>
      tpu.enqueue_indirect_dma source(%dma_start3A_646 : memref<64x80xf32, #tpu.memory_space<vmem>>) target(%dma_start3A_652 : memref<10240x80xf32, #tpu.memory_space<vmem_shared>>) offsets(%dma_start3A_649 : memref<64xi32, #tpu.memory_space<vmem>>) semaphore(%arg19 : memref<!tpu.dma_semaphore, #tpu.memory_space<semaphore_mem>>) {add = true}
      %convert_element_type3A_653 = arith.extui %lt3A_557 : i1 to i32
      %cond3A_654 = arith.constant 2 : i32
      %cond3A_655 = arith.constant 0 : i32
      %cond3A_656 = arith.cmpi ne, %convert_element_type3A_653, %cond3A_655 : i32
      scf.if %cond3A_656 {
        %dma_wait3A_1079 = arith.constant 0 : i32
        %dma_wait3A_1080 = arith.constant 0 : i32
        %dma_wait3A_1081 = tpu.memref_slice %arg9[%cond3A_654, %dma_wait3A_1079, %dma_wait3A_1080] : memref<5x64x80xf32, #tpu.memory_space<vmem>> -> memref<1x64x80xf32, #tpu.memory_space<vmem>>
        %dma_wait3A_1082 = tpu.memref_squeeze %dma_wait3A_1081 : memref<1x64x80xf32, #tpu.memory_space<vmem>> -> memref<64x80xf32, #tpu.memory_space<vmem>>
        %dma_wait3A_1083 = arith.constant 0 : i32
        %dma_wait3A_1084 = arith.constant 0 : i32
        %dma_wait3A_1085 = tpu.memref_slice %arg6[%dma_wait3A_1083, %dma_wait3A_1084] : memref<20480x80xf32, #tpu.memory_space<hbm>> -> memref<64x80xf32, #tpu.memory_space<hbm>>
        %dma_wait3A_1086 = arith.constant 0 : i32
        %dma_wait3A_1087 = arith.constant 0 : i32
        %dma_wait3A_1088 = tpu.memref_slice %arg9[%cond3A_654, %dma_wait3A_1086, %dma_wait3A_1087] : memref<5x64x80xf32, #tpu.memory_space<vmem>> -> memref<1x64x80xf32, #tpu.memory_space<vmem>>
        %dma_wait3A_1089 = tpu.memref_squeeze %dma_wait3A_1088 : memref<1x64x80xf32, #tpu.memory_space<vmem>> -> memref<64x80xf32, #tpu.memory_space<vmem>>
        %dma_wait3A_1090 = arith.constant 0 : i32
        %dma_wait3A_1091 = arith.constant 0 : i32
        %dma_wait3A_1092 = tpu.memref_slice %arg6[%dma_wait3A_1090, %dma_wait3A_1091] : memref<20480x80xf32, #tpu.memory_space<hbm>> -> memref<64x80xf32, #tpu.memory_space<hbm>>
        tpu.wait_dma2 semaphore(%arg19 : memref<!tpu.dma_semaphore, #tpu.memory_space<semaphore_mem>>) src(%dma_wait3A_1092 : memref<64x80xf32, #tpu.memory_space<hbm>>) dst(%dma_wait3A_1089 : memref<64x80xf32, #tpu.memory_space<vmem>>)
        %dma_start3A_1093 = arith.constant 2 : i32
        %dma_start3A_1094 = arith.constant 0 : i32
        %dma_start3A_1095 = arith.constant 0 : i32
        %dma_start3A_1096 = tpu.memref_slice %arg9[%cond3A_654, %dma_start3A_1094, %dma_start3A_1095] : memref<5x64x80xf32, #tpu.memory_space<vmem>> -> memref<1x64x80xf32, #tpu.memory_space<vmem>>
        %dma_start3A_1097 = tpu.memref_squeeze %dma_start3A_1096 : memref<1x64x80xf32, #tpu.memory_space<vmem>> -> memref<64x80xf32, #tpu.memory_space<vmem>>
        %dma_start3A_1098 = arith.constant 0 : i32
        %dma_start3A_1099 = tpu.memref_slice %arg7[%dma_start3A_1093, %cond3A_654, %dma_start3A_1098] : memref<4x5x64xi32, #tpu.memory_space<vmem>> -> memref<1x1x64xi32, #tpu.memory_space<vmem>>
        %dma_start3A_1100 = tpu.memref_squeeze %dma_start3A_1099 : memref<1x1x64xi32, #tpu.memory_space<vmem>> -> memref<64xi32, #tpu.memory_space<vmem>>
        %dma_start3A_1101 = arith.constant 0 : i32
        %dma_start3A_1102 = arith.constant 0 : i32
        %dma_start3A_1103 = tpu.memref_slice %arg11[%dma_start3A_1101, %dma_start3A_1102] : memref<10000x80xf32, #tpu.memory_space<vmem_shared>> -> memref<10000x80xf32, #tpu.memory_space<vmem_shared>>
        tpu.enqueue_indirect_dma source(%dma_start3A_1103 : memref<10000x80xf32, #tpu.memory_space<vmem_shared>>) target(%dma_start3A_1097 : memref<64x80xf32, #tpu.memory_space<vmem>>) offsets(%dma_start3A_1100 : memref<64xi32, #tpu.memory_space<vmem>>) semaphore(%arg14 : memref<!tpu.dma_semaphore, #tpu.memory_space<semaphore_mem>>)
      } else {
      }
      %dma_wait3A_657 = arith.constant 3 : i32
      %dma_wait3A_658 = arith.constant 0 : i32
      %dma_wait3A_659 = arith.constant 0 : i32
      %dma_wait3A_660 = tpu.memref_slice %arg9[%dma_wait3A_657, %dma_wait3A_658, %dma_wait3A_659] : memref<5x64x80xf32, #tpu.memory_space<vmem>> -> memref<1x64x80xf32, #tpu.memory_space<vmem>>
      %dma_wait3A_661 = tpu.memref_squeeze %dma_wait3A_660 : memref<1x64x80xf32, #tpu.memory_space<vmem>> -> memref<64x80xf32, #tpu.memory_space<vmem>>
      %dma_wait3A_662 = arith.constant 0 : i32
      %dma_wait3A_663 = arith.constant 0 : i32
      %dma_wait3A_664 = tpu.memref_slice %arg6[%dma_wait3A_662, %dma_wait3A_663] : memref<20480x80xf32, #tpu.memory_space<hbm>> -> memref<64x80xf32, #tpu.memory_space<hbm>>
      %dma_wait3A_665 = arith.constant 0 : i32
      %dma_wait3A_666 = arith.constant 0 : i32
      %dma_wait3A_667 = tpu.memref_slice %arg9[%dma_wait3A_657, %dma_wait3A_665, %dma_wait3A_666] : memref<5x64x80xf32, #tpu.memory_space<vmem>> -> memref<1x64x80xf32, #tpu.memory_space<vmem>>
      %dma_wait3A_668 = tpu.memref_squeeze %dma_wait3A_667 : memref<1x64x80xf32, #tpu.memory_space<vmem>> -> memref<64x80xf32, #tpu.memory_space<vmem>>
      %dma_wait3A_669 = arith.constant 0 : i32
      %dma_wait3A_670 = arith.constant 0 : i32
      %dma_wait3A_671 = tpu.memref_slice %arg6[%dma_wait3A_669, %dma_wait3A_670] : memref<20480x80xf32, #tpu.memory_space<hbm>> -> memref<64x80xf32, #tpu.memory_space<hbm>>
      tpu.wait_dma2 semaphore(%arg15 : memref<!tpu.dma_semaphore, #tpu.memory_space<semaphore_mem>>) src(%dma_wait3A_671 : memref<64x80xf32, #tpu.memory_space<hbm>>) dst(%dma_wait3A_668 : memref<64x80xf32, #tpu.memory_space<vmem>>)
      %dma_start3A_672 = arith.constant 3 : i32
      %dma_start3A_673 = arith.constant 1 : i32
      %dma_start3A_674 = arith.constant 3 : i32
      %dma_start3A_675 = arith.constant 0 : i32
      %dma_start3A_676 = arith.constant 0 : i32
      %dma_start3A_677 = tpu.memref_slice %arg9[%dma_start3A_672, %dma_start3A_675, %dma_start3A_676] : memref<5x64x80xf32, #tpu.memory_space<vmem>> -> memref<1x64x80xf32, #tpu.memory_space<vmem>>
      %dma_start3A_678 = tpu.memref_squeeze %dma_start3A_677 : memref<1x64x80xf32, #tpu.memory_space<vmem>> -> memref<64x80xf32, #tpu.memory_space<vmem>>
      %dma_start3A_679 = arith.constant 0 : i32
      %dma_start3A_680 = tpu.memref_slice %arg8[%dma_start3A_673, %dma_start3A_674, %dma_start3A_679] : memref<4x5x64xi32, #tpu.memory_space<vmem>> -> memref<1x1x64xi32, #tpu.memory_space<vmem>>
      %dma_start3A_681 = tpu.memref_squeeze %dma_start3A_680 : memref<1x1x64xi32, #tpu.memory_space<vmem>> -> memref<64xi32, #tpu.memory_space<vmem>>
      %dma_start3A_682 = arith.constant 0 : i32
      %dma_start3A_683 = arith.constant 0 : i32
      %dma_start3A_684 = tpu.memref_slice %arg10[%dma_start3A_682, %dma_start3A_683] : memref<10240x80xf32, #tpu.memory_space<vmem_shared>> -> memref<10240x80xf32, #tpu.memory_space<vmem_shared>>
      tpu.enqueue_indirect_dma source(%dma_start3A_678 : memref<64x80xf32, #tpu.memory_space<vmem>>) target(%dma_start3A_684 : memref<10240x80xf32, #tpu.memory_space<vmem_shared>>) offsets(%dma_start3A_681 : memref<64xi32, #tpu.memory_space<vmem>>) semaphore(%arg20 : memref<!tpu.dma_semaphore, #tpu.memory_space<semaphore_mem>>) {add = true}
      %convert_element_type3A_685 = arith.extui %lt3A_557 : i1 to i32
      %cond3A_686 = arith.constant 3 : i32
      %cond3A_687 = arith.constant 0 : i32
      %cond3A_688 = arith.cmpi ne, %convert_element_type3A_685, %cond3A_687 : i32
      scf.if %cond3A_688 {
        %dma_wait3A_1079 = arith.constant 0 : i32
        %dma_wait3A_1080 = arith.constant 0 : i32
        %dma_wait3A_1081 = tpu.memref_slice %arg9[%cond3A_686, %dma_wait3A_1079, %dma_wait3A_1080] : memref<5x64x80xf32, #tpu.memory_space<vmem>> -> memref<1x64x80xf32, #tpu.memory_space<vmem>>
        %dma_wait3A_1082 = tpu.memref_squeeze %dma_wait3A_1081 : memref<1x64x80xf32, #tpu.memory_space<vmem>> -> memref<64x80xf32, #tpu.memory_space<vmem>>
        %dma_wait3A_1083 = arith.constant 0 : i32
        %dma_wait3A_1084 = arith.constant 0 : i32
        %dma_wait3A_1085 = tpu.memref_slice %arg6[%dma_wait3A_1083, %dma_wait3A_1084] : memref<20480x80xf32, #tpu.memory_space<hbm>> -> memref<64x80xf32, #tpu.memory_space<hbm>>
        %dma_wait3A_1086 = arith.constant 0 : i32
        %dma_wait3A_1087 = arith.constant 0 : i32
        %dma_wait3A_1088 = tpu.memref_slice %arg9[%cond3A_686, %dma_wait3A_1086, %dma_wait3A_1087] : memref<5x64x80xf32, #tpu.memory_space<vmem>> -> memref<1x64x80xf32, #tpu.memory_space<vmem>>
        %dma_wait3A_1089 = tpu.memref_squeeze %dma_wait3A_1088 : memref<1x64x80xf32, #tpu.memory_space<vmem>> -> memref<64x80xf32, #tpu.memory_space<vmem>>
        %dma_wait3A_1090 = arith.constant 0 : i32
        %dma_wait3A_1091 = arith.constant 0 : i32
        %dma_wait3A_1092 = tpu.memref_slice %arg6[%dma_wait3A_1090, %dma_wait3A_1091] : memref<20480x80xf32, #tpu.memory_space<hbm>> -> memref<64x80xf32, #tpu.memory_space<hbm>>
        tpu.wait_dma2 semaphore(%arg20 : memref<!tpu.dma_semaphore, #tpu.memory_space<semaphore_mem>>) src(%dma_wait3A_1092 : memref<64x80xf32, #tpu.memory_space<hbm>>) dst(%dma_wait3A_1089 : memref<64x80xf32, #tpu.memory_space<vmem>>)
        %dma_start3A_1093 = arith.constant 2 : i32
        %dma_start3A_1094 = arith.constant 0 : i32
        %dma_start3A_1095 = arith.constant 0 : i32
        %dma_start3A_1096 = tpu.memref_slice %arg9[%cond3A_686, %dma_start3A_1094, %dma_start3A_1095] : memref<5x64x80xf32, #tpu.memory_space<vmem>> -> memref<1x64x80xf32, #tpu.memory_space<vmem>>
        %dma_start3A_1097 = tpu.memref_squeeze %dma_start3A_1096 : memref<1x64x80xf32, #tpu.memory_space<vmem>> -> memref<64x80xf32, #tpu.memory_space<vmem>>
        %dma_start3A_1098 = arith.constant 0 : i32
        %dma_start3A_1099 = tpu.memref_slice %arg7[%dma_start3A_1093, %cond3A_686, %dma_start3A_1098] : memref<4x5x64xi32, #tpu.memory_space<vmem>> -> memref<1x1x64xi32, #tpu.memory_space<vmem>>
        %dma_start3A_1100 = tpu.memref_squeeze %dma_start3A_1099 : memref<1x1x64xi32, #tpu.memory_space<vmem>> -> memref<64xi32, #tpu.memory_space<vmem>>
        %dma_start3A_1101 = arith.constant 0 : i32
        %dma_start3A_1102 = arith.constant 0 : i32
        %dma_start3A_1103 = tpu.memref_slice %arg11[%dma_start3A_1101, %dma_start3A_1102] : memref<10000x80xf32, #tpu.memory_space<vmem_shared>> -> memref<10000x80xf32, #tpu.memory_space<vmem_shared>>
        tpu.enqueue_indirect_dma source(%dma_start3A_1103 : memref<10000x80xf32, #tpu.memory_space<vmem_shared>>) target(%dma_start3A_1097 : memref<64x80xf32, #tpu.memory_space<vmem>>) offsets(%dma_start3A_1100 : memref<64xi32, #tpu.memory_space<vmem>>) semaphore(%arg15 : memref<!tpu.dma_semaphore, #tpu.memory_space<semaphore_mem>>)
      } else {
      }
      %dma_wait3A_689 = arith.constant 4 : i32
      %dma_wait3A_690 = arith.constant 0 : i32
      %dma_wait3A_691 = arith.constant 0 : i32
      %dma_wait3A_692 = tpu.memref_slice %arg9[%dma_wait3A_689, %dma_wait3A_690, %dma_wait3A_691] : memref<5x64x80xf32, #tpu.memory_space<vmem>> -> memref<1x64x80xf32, #tpu.memory_space<vmem>>
      %dma_wait3A_693 = tpu.memref_squeeze %dma_wait3A_692 : memref<1x64x80xf32, #tpu.memory_space<vmem>> -> memref<64x80xf32, #tpu.memory_space<vmem>>
      %dma_wait3A_694 = arith.constant 0 : i32
      %dma_wait3A_695 = arith.constant 0 : i32
      %dma_wait3A_696 = tpu.memref_slice %arg6[%dma_wait3A_694, %dma_wait3A_695] : memref<20480x80xf32, #tpu.memory_space<hbm>> -> memref<64x80xf32, #tpu.memory_space<hbm>>
      %dma_wait3A_697 = arith.constant 0 : i32
      %dma_wait3A_698 = arith.constant 0 : i32
      %dma_wait3A_699 = tpu.memref_slice %arg9[%dma_wait3A_689, %dma_wait3A_697, %dma_wait3A_698] : memref<5x64x80xf32, #tpu.memory_space<vmem>> -> memref<1x64x80xf32, #tpu.memory_space<vmem>>
      %dma_wait3A_700 = tpu.memref_squeeze %dma_wait3A_699 : memref<1x64x80xf32, #tpu.memory_space<vmem>> -> memref<64x80xf32, #tpu.memory_space<vmem>>
      %dma_wait3A_701 = arith.constant 0 : i32
      %dma_wait3A_702 = arith.constant 0 : i32
      %dma_wait3A_703 = tpu.memref_slice %arg6[%dma_wait3A_701, %dma_wait3A_702] : memref<20480x80xf32, #tpu.memory_space<hbm>> -> memref<64x80xf32, #tpu.memory_space<hbm>>
      tpu.wait_dma2 semaphore(%arg16 : memref<!tpu.dma_semaphore, #tpu.memory_space<semaphore_mem>>) src(%dma_wait3A_703 : memref<64x80xf32, #tpu.memory_space<hbm>>) dst(%dma_wait3A_700 : memref<64x80xf32, #tpu.memory_space<vmem>>)
      %dma_start3A_704 = arith.constant 4 : i32
      %dma_start3A_705 = arith.constant 1 : i32
      %dma_start3A_706 = arith.constant 4 : i32
      %dma_start3A_707 = arith.constant 0 : i32
      %dma_start3A_708 = arith.constant 0 : i32
      %dma_start3A_709 = tpu.memref_slice %arg9[%dma_start3A_704, %dma_start3A_707, %dma_start3A_708] : memref<5x64x80xf32, #tpu.memory_space<vmem>> -> memref<1x64x80xf32, #tpu.memory_space<vmem>>
      %dma_start3A_710 = tpu.memref_squeeze %dma_start3A_709 : memref<1x64x80xf32, #tpu.memory_space<vmem>> -> memref<64x80xf32, #tpu.memory_space<vmem>>
      %dma_start3A_711 = arith.constant 0 : i32
      %dma_start3A_712 = tpu.memref_slice %arg8[%dma_start3A_705, %dma_start3A_706, %dma_start3A_711] : memref<4x5x64xi32, #tpu.memory_space<vmem>> -> memref<1x1x64xi32, #tpu.memory_space<vmem>>
      %dma_start3A_713 = tpu.memref_squeeze %dma_start3A_712 : memref<1x1x64xi32, #tpu.memory_space<vmem>> -> memref<64xi32, #tpu.memory_space<vmem>>
      %dma_start3A_714 = arith.constant 0 : i32
      %dma_start3A_715 = arith.constant 0 : i32
      %dma_start3A_716 = tpu.memref_slice %arg10[%dma_start3A_714, %dma_start3A_715] : memref<10240x80xf32, #tpu.memory_space<vmem_shared>> -> memref<10240x80xf32, #tpu.memory_space<vmem_shared>>
      tpu.enqueue_indirect_dma source(%dma_start3A_710 : memref<64x80xf32, #tpu.memory_space<vmem>>) target(%dma_start3A_716 : memref<10240x80xf32, #tpu.memory_space<vmem_shared>>) offsets(%dma_start3A_713 : memref<64xi32, #tpu.memory_space<vmem>>) semaphore(%arg21 : memref<!tpu.dma_semaphore, #tpu.memory_space<semaphore_mem>>) {add = true}
      %convert_element_type3A_717 = arith.extui %lt3A_557 : i1 to i32
      %cond3A_718 = arith.constant 4 : i32
      %cond3A_719 = arith.constant 0 : i32
      %cond3A_720 = arith.cmpi ne, %convert_element_type3A_717, %cond3A_719 : i32
      scf.if %cond3A_720 {
        %dma_wait3A_1079 = arith.constant 0 : i32
        %dma_wait3A_1080 = arith.constant 0 : i32
        %dma_wait3A_1081 = tpu.memref_slice %arg9[%cond3A_718, %dma_wait3A_1079, %dma_wait3A_1080] : memref<5x64x80xf32, #tpu.memory_space<vmem>> -> memref<1x64x80xf32, #tpu.memory_space<vmem>>
        %dma_wait3A_1082 = tpu.memref_squeeze %dma_wait3A_1081 : memref<1x64x80xf32, #tpu.memory_space<vmem>> -> memref<64x80xf32, #tpu.memory_space<vmem>>
        %dma_wait3A_1083 = arith.constant 0 : i32
        %dma_wait3A_1084 = arith.constant 0 : i32
        %dma_wait3A_1085 = tpu.memref_slice %arg6[%dma_wait3A_1083, %dma_wait3A_1084] : memref<20480x80xf32, #tpu.memory_space<hbm>> -> memref<64x80xf32, #tpu.memory_space<hbm>>
        %dma_wait3A_1086 = arith.constant 0 : i32
        %dma_wait3A_1087 = arith.constant 0 : i32
        %dma_wait3A_1088 = tpu.memref_slice %arg9[%cond3A_718, %dma_wait3A_1086, %dma_wait3A_1087] : memref<5x64x80xf32, #tpu.memory_space<vmem>> -> memref<1x64x80xf32, #tpu.memory_space<vmem>>
        %dma_wait3A_1089 = tpu.memref_squeeze %dma_wait3A_1088 : memref<1x64x80xf32, #tpu.memory_space<vmem>> -> memref<64x80xf32, #tpu.memory_space<vmem>>
        %dma_wait3A_1090 = arith.constant 0 : i32
        %dma_wait3A_1091 = arith.constant 0 : i32
        %dma_wait3A_1092 = tpu.memref_slice %arg6[%dma_wait3A_1090, %dma_wait3A_1091] : memref<20480x80xf32, #tpu.memory_space<hbm>> -> memref<64x80xf32, #tpu.memory_space<hbm>>
        tpu.wait_dma2 semaphore(%arg21 : memref<!tpu.dma_semaphore, #tpu.memory_space<semaphore_mem>>) src(%dma_wait3A_1092 : memref<64x80xf32, #tpu.memory_space<hbm>>) dst(%dma_wait3A_1089 : memref<64x80xf32, #tpu.memory_space<vmem>>)
        %dma_start3A_1093 = arith.constant 2 : i32
        %dma_start3A_1094 = arith.constant 0 : i32
        %dma_start3A_1095 = arith.constant 0 : i32
        %dma_start3A_1096 = tpu.memref_slice %arg9[%cond3A_718, %dma_start3A_1094, %dma_start3A_1095] : memref<5x64x80xf32, #tpu.memory_space<vmem>> -> memref<1x64x80xf32, #tpu.memory_space<vmem>>
        %dma_start3A_1097 = tpu.memref_squeeze %dma_start3A_1096 : memref<1x64x80xf32, #tpu.memory_space<vmem>> -> memref<64x80xf32, #tpu.memory_space<vmem>>
        %dma_start3A_1098 = arith.constant 0 : i32
        %dma_start3A_1099 = tpu.memref_slice %arg7[%dma_start3A_1093, %cond3A_718, %dma_start3A_1098] : memref<4x5x64xi32, #tpu.memory_space<vmem>> -> memref<1x1x64xi32, #tpu.memory_space<vmem>>
        %dma_start3A_1100 = tpu.memref_squeeze %dma_start3A_1099 : memref<1x1x64xi32, #tpu.memory_space<vmem>> -> memref<64xi32, #tpu.memory_space<vmem>>
        %dma_start3A_1101 = arith.constant 0 : i32
        %dma_start3A_1102 = arith.constant 0 : i32
        %dma_start3A_1103 = tpu.memref_slice %arg11[%dma_start3A_1101, %dma_start3A_1102] : memref<10000x80xf32, #tpu.memory_space<vmem_shared>> -> memref<10000x80xf32, #tpu.memory_space<vmem_shared>>
        tpu.enqueue_indirect_dma source(%dma_start3A_1103 : memref<10000x80xf32, #tpu.memory_space<vmem_shared>>) target(%dma_start3A_1097 : memref<64x80xf32, #tpu.memory_space<vmem>>) offsets(%dma_start3A_1100 : memref<64xi32, #tpu.memory_space<vmem>>) semaphore(%arg16 : memref<!tpu.dma_semaphore, #tpu.memory_space<semaphore_mem>>)
      } else {
      }
      %add3A_721 = arith.constant 3 : i32
      %add3A_722 = arith.addi %add3A_554, %add3A_721 : i32
      %lt3A_723 = arith.cmpi slt, %add3A_722, %select_n3A_63 : i32
      %convert_element_type3A_724 = arith.extui %lt3A_723 : i1 to i32
      %cond3A_725 = arith.constant 0 : i32
      %cond3A_726 = arith.cmpi ne, %convert_element_type3A_724, %cond3A_725 : i32
      scf.if %cond3A_726 {
        %add3A_1079 = arith.constant 3 : i32
        %add3A_1080 = arith.addi %add3A_554, %add3A_1079 : i32
        %mul3A_1081 = arith.constant 5 : i32
        %mul3A_1082 = arith.muli %add3A_1080, %mul3A_1081 : i32
        %add3A_1083 = arith.addi %mul3A_43, %mul3A_1082 : i32
        %dma_start3A_1084 = arith.constant 0 : i32
        %dma_start3A_1085 = arith.constant 0 : i32
        %dma_start3A_1086 = arith.constant 0 : i32
        %dma_start3A_1087 = tpu.memref_slice %arg7[%dma_start3A_1084, %dma_start3A_1085, %dma_start3A_1086] : memref<4x5x64xi32, #tpu.memory_space<vmem>> -> memref<1x5x64xi32, #tpu.memory_space<vmem>>
        %dma_start3A_1088 = tpu.memref_squeeze %dma_start3A_1087 : memref<1x5x64xi32, #tpu.memory_space<vmem>> -> memref<5x64xi32, #tpu.memory_space<vmem>>
        %dma_start3A_1089 = arith.constant 0 : i32
        %dma_start3A_1090 = tpu.memref_slice %arg3[%add3A_1083, %dma_start3A_1089] : memref<5000x64xi32, #tpu.memory_space<hbm>> -> memref<5x64xi32, #tpu.memory_space<hbm>>
        %dma_start3A_1091 = arith.constant 0 : i32
        %dma_start3A_1092 = arith.constant 0 : i32
        %dma_start3A_1093 = tpu.memref_slice %arg7[%dma_start3A_1084, %dma_start3A_1091, %dma_start3A_1092] : memref<4x5x64xi32, #tpu.memory_space<vmem>> -> memref<1x5x64xi32, #tpu.memory_space<vmem>>
        %dma_start3A_1094 = tpu.memref_squeeze %dma_start3A_1093 : memref<1x5x64xi32, #tpu.memory_space<vmem>> -> memref<5x64xi32, #tpu.memory_space<vmem>>
        %dma_start3A_1095 = arith.constant 0 : i32
        %dma_start3A_1096 = tpu.memref_slice %arg3[%add3A_1083, %dma_start3A_1095] : memref<5000x64xi32, #tpu.memory_space<hbm>> -> memref<5x64xi32, #tpu.memory_space<hbm>>
        tpu.enqueue_dma source(%dma_start3A_1096 : memref<5x64xi32, #tpu.memory_space<hbm>>) target(%dma_start3A_1094 : memref<5x64xi32, #tpu.memory_space<vmem>>) target_semaphore(%arg22 : memref<!tpu.dma_semaphore, #tpu.memory_space<semaphore_mem>>)
        %mul3A_1097 = arith.constant 5 : i32
        %mul3A_1098 = arith.muli %add3A_1080, %mul3A_1097 : i32
        %add3A_1099 = arith.addi %mul3A_43, %mul3A_1098 : i32
        %dma_start3A_1100 = arith.constant 0 : i32
        %dma_start3A_1101 = arith.constant 0 : i32
        %dma_start3A_1102 = arith.constant 0 : i32
        %dma_start3A_1103 = tpu.memref_slice %arg8[%dma_start3A_1100, %dma_start3A_1101, %dma_start3A_1102] : memref<4x5x64xi32, #tpu.memory_space<vmem>> -> memref<1x5x64xi32, #tpu.memory_space<vmem>>
        %dma_start3A_1104 = tpu.memref_squeeze %dma_start3A_1103 : memref<1x5x64xi32, #tpu.memory_space<vmem>> -> memref<5x64xi32, #tpu.memory_space<vmem>>
        %dma_start3A_1105 = arith.constant 0 : i32
        %dma_start3A_1106 = tpu.memref_slice %arg4[%add3A_1099, %dma_start3A_1105] : memref<5000x64xi32, #tpu.memory_space<hbm>> -> memref<5x64xi32, #tpu.memory_space<hbm>>
        %dma_start3A_1107 = arith.constant 0 : i32
        %dma_start3A_1108 = arith.constant 0 : i32
        %dma_start3A_1109 = tpu.memref_slice %arg8[%dma_start3A_1100, %dma_start3A_1107, %dma_start3A_1108] : memref<4x5x64xi32, #tpu.memory_space<vmem>> -> memref<1x5x64xi32, #tpu.memory_space<vmem>>
        %dma_start3A_1110 = tpu.memref_squeeze %dma_start3A_1109 : memref<1x5x64xi32, #tpu.memory_space<vmem>> -> memref<5x64xi32, #tpu.memory_space<vmem>>
        %dma_start3A_1111 = arith.constant 0 : i32
        %dma_start3A_1112 = tpu.memref_slice %arg4[%add3A_1099, %dma_start3A_1111] : memref<5000x64xi32, #tpu.memory_space<hbm>> -> memref<5x64xi32, #tpu.memory_space<hbm>>
        tpu.enqueue_dma source(%dma_start3A_1112 : memref<5x64xi32, #tpu.memory_space<hbm>>) target(%dma_start3A_1110 : memref<5x64xi32, #tpu.memory_space<vmem>>) target_semaphore(%arg26 : memref<!tpu.dma_semaphore, #tpu.memory_space<semaphore_mem>>)
      } else {
      }
      %mul3A_727 = arith.constant 4 : i32
      %mul3A_728 = arith.muli %while3A_377, %mul3A_727 : i32
      %add3A_729 = arith.constant 2 : i32
      %add3A_730 = arith.addi %mul3A_728, %add3A_729 : i32
      %add3A_731 = arith.constant 1 : i32
      %add3A_732 = arith.addi %add3A_730, %add3A_731 : i32
      %lt3A_733 = arith.cmpi slt, %add3A_732, %select_n3A_63 : i32
      %convert_element_type3A_734 = arith.extui %lt3A_733 : i1 to i32
      %cond3A_735 = arith.constant 0 : i32
      %cond3A_736 = arith.cmpi ne, %convert_element_type3A_734, %cond3A_735 : i32
      scf.if %cond3A_736 {
        %dma_wait3A_1079 = arith.constant 3 : i32
        %dma_wait3A_1080 = arith.constant 0 : i32
        %dma_wait3A_1081 = arith.constant 0 : i32
        %dma_wait3A_1082 = tpu.memref_slice %arg7[%dma_wait3A_1079, %dma_wait3A_1080, %dma_wait3A_1081] : memref<4x5x64xi32, #tpu.memory_space<vmem>> -> memref<1x5x64xi32, #tpu.memory_space<vmem>>
        %dma_wait3A_1083 = tpu.memref_squeeze %dma_wait3A_1082 : memref<1x5x64xi32, #tpu.memory_space<vmem>> -> memref<5x64xi32, #tpu.memory_space<vmem>>
        %dma_wait3A_1084 = arith.constant 0 : i32
        %dma_wait3A_1085 = arith.constant 0 : i32
        %dma_wait3A_1086 = tpu.memref_slice %arg3[%dma_wait3A_1084, %dma_wait3A_1085] : memref<5000x64xi32, #tpu.memory_space<hbm>> -> memref<5x64xi32, #tpu.memory_space<hbm>>
        %dma_wait3A_1087 = arith.constant 0 : i32
        %dma_wait3A_1088 = arith.constant 0 : i32
        %dma_wait3A_1089 = tpu.memref_slice %arg7[%dma_wait3A_1079, %dma_wait3A_1087, %dma_wait3A_1088] : memref<4x5x64xi32, #tpu.memory_space<vmem>> -> memref<1x5x64xi32, #tpu.memory_space<vmem>>
        %dma_wait3A_1090 = tpu.memref_squeeze %dma_wait3A_1089 : memref<1x5x64xi32, #tpu.memory_space<vmem>> -> memref<5x64xi32, #tpu.memory_space<vmem>>
        %dma_wait3A_1091 = arith.constant 0 : i32
        %dma_wait3A_1092 = arith.constant 0 : i32
        %dma_wait3A_1093 = tpu.memref_slice %arg3[%dma_wait3A_1091, %dma_wait3A_1092] : memref<5000x64xi32, #tpu.memory_space<hbm>> -> memref<5x64xi32, #tpu.memory_space<hbm>>
        tpu.wait_dma2 semaphore(%arg25 : memref<!tpu.dma_semaphore, #tpu.memory_space<semaphore_mem>>) src(%dma_wait3A_1093 : memref<5x64xi32, #tpu.memory_space<hbm>>) dst(%dma_wait3A_1090 : memref<5x64xi32, #tpu.memory_space<vmem>>)
        %dma_wait3A_1094 = arith.constant 3 : i32
        %dma_wait3A_1095 = arith.constant 0 : i32
        %dma_wait3A_1096 = arith.constant 0 : i32
        %dma_wait3A_1097 = tpu.memref_slice %arg8[%dma_wait3A_1094, %dma_wait3A_1095, %dma_wait3A_1096] : memref<4x5x64xi32, #tpu.memory_space<vmem>> -> memref<1x5x64xi32, #tpu.memory_space<vmem>>
        %dma_wait3A_1098 = tpu.memref_squeeze %dma_wait3A_1097 : memref<1x5x64xi32, #tpu.memory_space<vmem>> -> memref<5x64xi32, #tpu.memory_space<vmem>>
        %dma_wait3A_1099 = arith.constant 0 : i32
        %dma_wait3A_1100 = arith.constant 0 : i32
        %dma_wait3A_1101 = tpu.memref_slice %arg4[%dma_wait3A_1099, %dma_wait3A_1100] : memref<5000x64xi32, #tpu.memory_space<hbm>> -> memref<5x64xi32, #tpu.memory_space<hbm>>
        %dma_wait3A_1102 = arith.constant 0 : i32
        %dma_wait3A_1103 = arith.constant 0 : i32
        %dma_wait3A_1104 = tpu.memref_slice %arg8[%dma_wait3A_1094, %dma_wait3A_1102, %dma_wait3A_1103] : memref<4x5x64xi32, #tpu.memory_space<vmem>> -> memref<1x5x64xi32, #tpu.memory_space<vmem>>
        %dma_wait3A_1105 = tpu.memref_squeeze %dma_wait3A_1104 : memref<1x5x64xi32, #tpu.memory_space<vmem>> -> memref<5x64xi32, #tpu.memory_space<vmem>>
        %dma_wait3A_1106 = arith.constant 0 : i32
        %dma_wait3A_1107 = arith.constant 0 : i32
        %dma_wait3A_1108 = tpu.memref_slice %arg4[%dma_wait3A_1106, %dma_wait3A_1107] : memref<5000x64xi32, #tpu.memory_space<hbm>> -> memref<5x64xi32, #tpu.memory_space<hbm>>
        tpu.wait_dma2 semaphore(%arg29 : memref<!tpu.dma_semaphore, #tpu.memory_space<semaphore_mem>>) src(%dma_wait3A_1108 : memref<5x64xi32, #tpu.memory_space<hbm>>) dst(%dma_wait3A_1105 : memref<5x64xi32, #tpu.memory_space<vmem>>)
      } else {
      }
      %dma_wait3A_737 = arith.constant 0 : i32
      %dma_wait3A_738 = arith.constant 0 : i32
      %dma_wait3A_739 = arith.constant 0 : i32
      %dma_wait3A_740 = tpu.memref_slice %arg9[%dma_wait3A_737, %dma_wait3A_738, %dma_wait3A_739] : memref<5x64x80xf32, #tpu.memory_space<vmem>> -> memref<1x64x80xf32, #tpu.memory_space<vmem>>
      %dma_wait3A_741 = tpu.memref_squeeze %dma_wait3A_740 : memref<1x64x80xf32, #tpu.memory_space<vmem>> -> memref<64x80xf32, #tpu.memory_space<vmem>>
      %dma_wait3A_742 = arith.constant 0 : i32
      %dma_wait3A_743 = arith.constant 0 : i32
      %dma_wait3A_744 = tpu.memref_slice %arg6[%dma_wait3A_742, %dma_wait3A_743] : memref<20480x80xf32, #tpu.memory_space<hbm>> -> memref<64x80xf32, #tpu.memory_space<hbm>>
      %dma_wait3A_745 = arith.constant 0 : i32
      %dma_wait3A_746 = arith.constant 0 : i32
      %dma_wait3A_747 = tpu.memref_slice %arg9[%dma_wait3A_737, %dma_wait3A_745, %dma_wait3A_746] : memref<5x64x80xf32, #tpu.memory_space<vmem>> -> memref<1x64x80xf32, #tpu.memory_space<vmem>>
      %dma_wait3A_748 = tpu.memref_squeeze %dma_wait3A_747 : memref<1x64x80xf32, #tpu.memory_space<vmem>> -> memref<64x80xf32, #tpu.memory_space<vmem>>
      %dma_wait3A_749 = arith.constant 0 : i32
      %dma_wait3A_750 = arith.constant 0 : i32
      %dma_wait3A_751 = tpu.memref_slice %arg6[%dma_wait3A_749, %dma_wait3A_750] : memref<20480x80xf32, #tpu.memory_space<hbm>> -> memref<64x80xf32, #tpu.memory_space<hbm>>
      tpu.wait_dma2 semaphore(%arg12 : memref<!tpu.dma_semaphore, #tpu.memory_space<semaphore_mem>>) src(%dma_wait3A_751 : memref<64x80xf32, #tpu.memory_space<hbm>>) dst(%dma_wait3A_748 : memref<64x80xf32, #tpu.memory_space<vmem>>)
      %dma_start3A_752 = arith.constant 0 : i32
      %dma_start3A_753 = arith.constant 2 : i32
      %dma_start3A_754 = arith.constant 0 : i32
      %dma_start3A_755 = arith.constant 0 : i32
      %dma_start3A_756 = arith.constant 0 : i32
      %dma_start3A_757 = tpu.memref_slice %arg9[%dma_start3A_752, %dma_start3A_755, %dma_start3A_756] : memref<5x64x80xf32, #tpu.memory_space<vmem>> -> memref<1x64x80xf32, #tpu.memory_space<vmem>>
      %dma_start3A_758 = tpu.memref_squeeze %dma_start3A_757 : memref<1x64x80xf32, #tpu.memory_space<vmem>> -> memref<64x80xf32, #tpu.memory_space<vmem>>
      %dma_start3A_759 = arith.constant 0 : i32
      %dma_start3A_760 = tpu.memref_slice %arg8[%dma_start3A_753, %dma_start3A_754, %dma_start3A_759] : memref<4x5x64xi32, #tpu.memory_space<vmem>> -> memref<1x1x64xi32, #tpu.memory_space<vmem>>
      %dma_start3A_761 = tpu.memref_squeeze %dma_start3A_760 : memref<1x1x64xi32, #tpu.memory_space<vmem>> -> memref<64xi32, #tpu.memory_space<vmem>>
      %dma_start3A_762 = arith.constant 0 : i32
      %dma_start3A_763 = arith.constant 0 : i32
      %dma_start3A_764 = tpu.memref_slice %arg10[%dma_start3A_762, %dma_start3A_763] : memref<10240x80xf32, #tpu.memory_space<vmem_shared>> -> memref<10240x80xf32, #tpu.memory_space<vmem_shared>>
      tpu.enqueue_indirect_dma source(%dma_start3A_758 : memref<64x80xf32, #tpu.memory_space<vmem>>) target(%dma_start3A_764 : memref<10240x80xf32, #tpu.memory_space<vmem_shared>>) offsets(%dma_start3A_761 : memref<64xi32, #tpu.memory_space<vmem>>) semaphore(%arg17 : memref<!tpu.dma_semaphore, #tpu.memory_space<semaphore_mem>>) {add = true}
      %convert_element_type3A_765 = arith.extui %lt3A_733 : i1 to i32
      %cond3A_766 = arith.constant 0 : i32
      %cond3A_767 = arith.constant 0 : i32
      %cond3A_768 = arith.cmpi ne, %convert_element_type3A_765, %cond3A_767 : i32
      scf.if %cond3A_768 {
        %dma_wait3A_1079 = arith.constant 0 : i32
        %dma_wait3A_1080 = arith.constant 0 : i32
        %dma_wait3A_1081 = tpu.memref_slice %arg9[%cond3A_766, %dma_wait3A_1079, %dma_wait3A_1080] : memref<5x64x80xf32, #tpu.memory_space<vmem>> -> memref<1x64x80xf32, #tpu.memory_space<vmem>>
        %dma_wait3A_1082 = tpu.memref_squeeze %dma_wait3A_1081 : memref<1x64x80xf32, #tpu.memory_space<vmem>> -> memref<64x80xf32, #tpu.memory_space<vmem>>
        %dma_wait3A_1083 = arith.constant 0 : i32
        %dma_wait3A_1084 = arith.constant 0 : i32
        %dma_wait3A_1085 = tpu.memref_slice %arg6[%dma_wait3A_1083, %dma_wait3A_1084] : memref<20480x80xf32, #tpu.memory_space<hbm>> -> memref<64x80xf32, #tpu.memory_space<hbm>>
        %dma_wait3A_1086 = arith.constant 0 : i32
        %dma_wait3A_1087 = arith.constant 0 : i32
        %dma_wait3A_1088 = tpu.memref_slice %arg9[%cond3A_766, %dma_wait3A_1086, %dma_wait3A_1087] : memref<5x64x80xf32, #tpu.memory_space<vmem>> -> memref<1x64x80xf32, #tpu.memory_space<vmem>>
        %dma_wait3A_1089 = tpu.memref_squeeze %dma_wait3A_1088 : memref<1x64x80xf32, #tpu.memory_space<vmem>> -> memref<64x80xf32, #tpu.memory_space<vmem>>
        %dma_wait3A_1090 = arith.constant 0 : i32
        %dma_wait3A_1091 = arith.constant 0 : i32
        %dma_wait3A_1092 = tpu.memref_slice %arg6[%dma_wait3A_1090, %dma_wait3A_1091] : memref<20480x80xf32, #tpu.memory_space<hbm>> -> memref<64x80xf32, #tpu.memory_space<hbm>>
        tpu.wait_dma2 semaphore(%arg17 : memref<!tpu.dma_semaphore, #tpu.memory_space<semaphore_mem>>) src(%dma_wait3A_1092 : memref<64x80xf32, #tpu.memory_space<hbm>>) dst(%dma_wait3A_1089 : memref<64x80xf32, #tpu.memory_space<vmem>>)
        %dma_start3A_1093 = arith.constant 3 : i32
        %dma_start3A_1094 = arith.constant 0 : i32
        %dma_start3A_1095 = arith.constant 0 : i32
        %dma_start3A_1096 = tpu.memref_slice %arg9[%cond3A_766, %dma_start3A_1094, %dma_start3A_1095] : memref<5x64x80xf32, #tpu.memory_space<vmem>> -> memref<1x64x80xf32, #tpu.memory_space<vmem>>
        %dma_start3A_1097 = tpu.memref_squeeze %dma_start3A_1096 : memref<1x64x80xf32, #tpu.memory_space<vmem>> -> memref<64x80xf32, #tpu.memory_space<vmem>>
        %dma_start3A_1098 = arith.constant 0 : i32
        %dma_start3A_1099 = tpu.memref_slice %arg7[%dma_start3A_1093, %cond3A_766, %dma_start3A_1098] : memref<4x5x64xi32, #tpu.memory_space<vmem>> -> memref<1x1x64xi32, #tpu.memory_space<vmem>>
        %dma_start3A_1100 = tpu.memref_squeeze %dma_start3A_1099 : memref<1x1x64xi32, #tpu.memory_space<vmem>> -> memref<64xi32, #tpu.memory_space<vmem>>
        %dma_start3A_1101 = arith.constant 0 : i32
        %dma_start3A_1102 = arith.constant 0 : i32
        %dma_start3A_1103 = tpu.memref_slice %arg11[%dma_start3A_1101, %dma_start3A_1102] : memref<10000x80xf32, #tpu.memory_space<vmem_shared>> -> memref<10000x80xf32, #tpu.memory_space<vmem_shared>>
        tpu.enqueue_indirect_dma source(%dma_start3A_1103 : memref<10000x80xf32, #tpu.memory_space<vmem_shared>>) target(%dma_start3A_1097 : memref<64x80xf32, #tpu.memory_space<vmem>>) offsets(%dma_start3A_1100 : memref<64xi32, #tpu.memory_space<vmem>>) semaphore(%arg12 : memref<!tpu.dma_semaphore, #tpu.memory_space<semaphore_mem>>)
      } else {
      }
      %dma_wait3A_769 = arith.constant 1 : i32
      %dma_wait3A_770 = arith.constant 0 : i32
      %dma_wait3A_771 = arith.constant 0 : i32
      %dma_wait3A_772 = tpu.memref_slice %arg9[%dma_wait3A_769, %dma_wait3A_770, %dma_wait3A_771] : memref<5x64x80xf32, #tpu.memory_space<vmem>> -> memref<1x64x80xf32, #tpu.memory_space<vmem>>
      %dma_wait3A_773 = tpu.memref_squeeze %dma_wait3A_772 : memref<1x64x80xf32, #tpu.memory_space<vmem>> -> memref<64x80xf32, #tpu.memory_space<vmem>>
      %dma_wait3A_774 = arith.constant 0 : i32
      %dma_wait3A_775 = arith.constant 0 : i32
      %dma_wait3A_776 = tpu.memref_slice %arg6[%dma_wait3A_774, %dma_wait3A_775] : memref<20480x80xf32, #tpu.memory_space<hbm>> -> memref<64x80xf32, #tpu.memory_space<hbm>>
      %dma_wait3A_777 = arith.constant 0 : i32
      %dma_wait3A_778 = arith.constant 0 : i32
      %dma_wait3A_779 = tpu.memref_slice %arg9[%dma_wait3A_769, %dma_wait3A_777, %dma_wait3A_778] : memref<5x64x80xf32, #tpu.memory_space<vmem>> -> memref<1x64x80xf32, #tpu.memory_space<vmem>>
      %dma_wait3A_780 = tpu.memref_squeeze %dma_wait3A_779 : memref<1x64x80xf32, #tpu.memory_space<vmem>> -> memref<64x80xf32, #tpu.memory_space<vmem>>
      %dma_wait3A_781 = arith.constant 0 : i32
      %dma_wait3A_782 = arith.constant 0 : i32
      %dma_wait3A_783 = tpu.memref_slice %arg6[%dma_wait3A_781, %dma_wait3A_782] : memref<20480x80xf32, #tpu.memory_space<hbm>> -> memref<64x80xf32, #tpu.memory_space<hbm>>
      tpu.wait_dma2 semaphore(%arg13 : memref<!tpu.dma_semaphore, #tpu.memory_space<semaphore_mem>>) src(%dma_wait3A_783 : memref<64x80xf32, #tpu.memory_space<hbm>>) dst(%dma_wait3A_780 : memref<64x80xf32, #tpu.memory_space<vmem>>)
      %dma_start3A_784 = arith.constant 1 : i32
      %dma_start3A_785 = arith.constant 2 : i32
      %dma_start3A_786 = arith.constant 1 : i32
      %dma_start3A_787 = arith.constant 0 : i32
      %dma_start3A_788 = arith.constant 0 : i32
      %dma_start3A_789 = tpu.memref_slice %arg9[%dma_start3A_784, %dma_start3A_787, %dma_start3A_788] : memref<5x64x80xf32, #tpu.memory_space<vmem>> -> memref<1x64x80xf32, #tpu.memory_space<vmem>>
      %dma_start3A_790 = tpu.memref_squeeze %dma_start3A_789 : memref<1x64x80xf32, #tpu.memory_space<vmem>> -> memref<64x80xf32, #tpu.memory_space<vmem>>
      %dma_start3A_791 = arith.constant 0 : i32
      %dma_start3A_792 = tpu.memref_slice %arg8[%dma_start3A_785, %dma_start3A_786, %dma_start3A_791] : memref<4x5x64xi32, #tpu.memory_space<vmem>> -> memref<1x1x64xi32, #tpu.memory_space<vmem>>
      %dma_start3A_793 = tpu.memref_squeeze %dma_start3A_792 : memref<1x1x64xi32, #tpu.memory_space<vmem>> -> memref<64xi32, #tpu.memory_space<vmem>>
      %dma_start3A_794 = arith.constant 0 : i32
      %dma_start3A_795 = arith.constant 0 : i32
      %dma_start3A_796 = tpu.memref_slice %arg10[%dma_start3A_794, %dma_start3A_795] : memref<10240x80xf32, #tpu.memory_space<vmem_shared>> -> memref<10240x80xf32, #tpu.memory_space<vmem_shared>>
      tpu.enqueue_indirect_dma source(%dma_start3A_790 : memref<64x80xf32, #tpu.memory_space<vmem>>) target(%dma_start3A_796 : memref<10240x80xf32, #tpu.memory_space<vmem_shared>>) offsets(%dma_start3A_793 : memref<64xi32, #tpu.memory_space<vmem>>) semaphore(%arg18 : memref<!tpu.dma_semaphore, #tpu.memory_space<semaphore_mem>>) {add = true}
      %convert_element_type3A_797 = arith.extui %lt3A_733 : i1 to i32
      %cond3A_798 = arith.constant 1 : i32
      %cond3A_799 = arith.constant 0 : i32
      %cond3A_800 = arith.cmpi ne, %convert_element_type3A_797, %cond3A_799 : i32
      scf.if %cond3A_800 {
        %dma_wait3A_1079 = arith.constant 0 : i32
        %dma_wait3A_1080 = arith.constant 0 : i32
        %dma_wait3A_1081 = tpu.memref_slice %arg9[%cond3A_798, %dma_wait3A_1079, %dma_wait3A_1080] : memref<5x64x80xf32, #tpu.memory_space<vmem>> -> memref<1x64x80xf32, #tpu.memory_space<vmem>>
        %dma_wait3A_1082 = tpu.memref_squeeze %dma_wait3A_1081 : memref<1x64x80xf32, #tpu.memory_space<vmem>> -> memref<64x80xf32, #tpu.memory_space<vmem>>
        %dma_wait3A_1083 = arith.constant 0 : i32
        %dma_wait3A_1084 = arith.constant 0 : i32
        %dma_wait3A_1085 = tpu.memref_slice %arg6[%dma_wait3A_1083, %dma_wait3A_1084] : memref<20480x80xf32, #tpu.memory_space<hbm>> -> memref<64x80xf32, #tpu.memory_space<hbm>>
        %dma_wait3A_1086 = arith.constant 0 : i32
        %dma_wait3A_1087 = arith.constant 0 : i32
        %dma_wait3A_1088 = tpu.memref_slice %arg9[%cond3A_798, %dma_wait3A_1086, %dma_wait3A_1087] : memref<5x64x80xf32, #tpu.memory_space<vmem>> -> memref<1x64x80xf32, #tpu.memory_space<vmem>>
        %dma_wait3A_1089 = tpu.memref_squeeze %dma_wait3A_1088 : memref<1x64x80xf32, #tpu.memory_space<vmem>> -> memref<64x80xf32, #tpu.memory_space<vmem>>
        %dma_wait3A_1090 = arith.constant 0 : i32
        %dma_wait3A_1091 = arith.constant 0 : i32
        %dma_wait3A_1092 = tpu.memref_slice %arg6[%dma_wait3A_1090, %dma_wait3A_1091] : memref<20480x80xf32, #tpu.memory_space<hbm>> -> memref<64x80xf32, #tpu.memory_space<hbm>>
        tpu.wait_dma2 semaphore(%arg18 : memref<!tpu.dma_semaphore, #tpu.memory_space<semaphore_mem>>) src(%dma_wait3A_1092 : memref<64x80xf32, #tpu.memory_space<hbm>>) dst(%dma_wait3A_1089 : memref<64x80xf32, #tpu.memory_space<vmem>>)
        %dma_start3A_1093 = arith.constant 3 : i32
        %dma_start3A_1094 = arith.constant 0 : i32
        %dma_start3A_1095 = arith.constant 0 : i32
        %dma_start3A_1096 = tpu.memref_slice %arg9[%cond3A_798, %dma_start3A_1094, %dma_start3A_1095] : memref<5x64x80xf32, #tpu.memory_space<vmem>> -> memref<1x64x80xf32, #tpu.memory_space<vmem>>
        %dma_start3A_1097 = tpu.memref_squeeze %dma_start3A_1096 : memref<1x64x80xf32, #tpu.memory_space<vmem>> -> memref<64x80xf32, #tpu.memory_space<vmem>>
        %dma_start3A_1098 = arith.constant 0 : i32
        %dma_start3A_1099 = tpu.memref_slice %arg7[%dma_start3A_1093, %cond3A_798, %dma_start3A_1098] : memref<4x5x64xi32, #tpu.memory_space<vmem>> -> memref<1x1x64xi32, #tpu.memory_space<vmem>>
        %dma_start3A_1100 = tpu.memref_squeeze %dma_start3A_1099 : memref<1x1x64xi32, #tpu.memory_space<vmem>> -> memref<64xi32, #tpu.memory_space<vmem>>
        %dma_start3A_1101 = arith.constant 0 : i32
        %dma_start3A_1102 = arith.constant 0 : i32
        %dma_start3A_1103 = tpu.memref_slice %arg11[%dma_start3A_1101, %dma_start3A_1102] : memref<10000x80xf32, #tpu.memory_space<vmem_shared>> -> memref<10000x80xf32, #tpu.memory_space<vmem_shared>>
        tpu.enqueue_indirect_dma source(%dma_start3A_1103 : memref<10000x80xf32, #tpu.memory_space<vmem_shared>>) target(%dma_start3A_1097 : memref<64x80xf32, #tpu.memory_space<vmem>>) offsets(%dma_start3A_1100 : memref<64xi32, #tpu.memory_space<vmem>>) semaphore(%arg13 : memref<!tpu.dma_semaphore, #tpu.memory_space<semaphore_mem>>)
      } else {
      }
      %dma_wait3A_801 = arith.constant 2 : i32
      %dma_wait3A_802 = arith.constant 0 : i32
      %dma_wait3A_803 = arith.constant 0 : i32
      %dma_wait3A_804 = tpu.memref_slice %arg9[%dma_wait3A_801, %dma_wait3A_802, %dma_wait3A_803] : memref<5x64x80xf32, #tpu.memory_space<vmem>> -> memref<1x64x80xf32, #tpu.memory_space<vmem>>
      %dma_wait3A_805 = tpu.memref_squeeze %dma_wait3A_804 : memref<1x64x80xf32, #tpu.memory_space<vmem>> -> memref<64x80xf32, #tpu.memory_space<vmem>>
      %dma_wait3A_806 = arith.constant 0 : i32
      %dma_wait3A_807 = arith.constant 0 : i32
      %dma_wait3A_808 = tpu.memref_slice %arg6[%dma_wait3A_806, %dma_wait3A_807] : memref<20480x80xf32, #tpu.memory_space<hbm>> -> memref<64x80xf32, #tpu.memory_space<hbm>>
      %dma_wait3A_809 = arith.constant 0 : i32
      %dma_wait3A_810 = arith.constant 0 : i32
      %dma_wait3A_811 = tpu.memref_slice %arg9[%dma_wait3A_801, %dma_wait3A_809, %dma_wait3A_810] : memref<5x64x80xf32, #tpu.memory_space<vmem>> -> memref<1x64x80xf32, #tpu.memory_space<vmem>>
      %dma_wait3A_812 = tpu.memref_squeeze %dma_wait3A_811 : memref<1x64x80xf32, #tpu.memory_space<vmem>> -> memref<64x80xf32, #tpu.memory_space<vmem>>
      %dma_wait3A_813 = arith.constant 0 : i32
      %dma_wait3A_814 = arith.constant 0 : i32
      %dma_wait3A_815 = tpu.memref_slice %arg6[%dma_wait3A_813, %dma_wait3A_814] : memref<20480x80xf32, #tpu.memory_space<hbm>> -> memref<64x80xf32, #tpu.memory_space<hbm>>
      tpu.wait_dma2 semaphore(%arg14 : memref<!tpu.dma_semaphore, #tpu.memory_space<semaphore_mem>>) src(%dma_wait3A_815 : memref<64x80xf32, #tpu.memory_space<hbm>>) dst(%dma_wait3A_812 : memref<64x80xf32, #tpu.memory_space<vmem>>)
      %dma_start3A_816 = arith.constant 2 : i32
      %dma_start3A_817 = arith.constant 2 : i32
      %dma_start3A_818 = arith.constant 2 : i32
      %dma_start3A_819 = arith.constant 0 : i32
      %dma_start3A_820 = arith.constant 0 : i32
      %dma_start3A_821 = tpu.memref_slice %arg9[%dma_start3A_816, %dma_start3A_819, %dma_start3A_820] : memref<5x64x80xf32, #tpu.memory_space<vmem>> -> memref<1x64x80xf32, #tpu.memory_space<vmem>>
      %dma_start3A_822 = tpu.memref_squeeze %dma_start3A_821 : memref<1x64x80xf32, #tpu.memory_space<vmem>> -> memref<64x80xf32, #tpu.memory_space<vmem>>
      %dma_start3A_823 = arith.constant 0 : i32
      %dma_start3A_824 = tpu.memref_slice %arg8[%dma_start3A_817, %dma_start3A_818, %dma_start3A_823] : memref<4x5x64xi32, #tpu.memory_space<vmem>> -> memref<1x1x64xi32, #tpu.memory_space<vmem>>
      %dma_start3A_825 = tpu.memref_squeeze %dma_start3A_824 : memref<1x1x64xi32, #tpu.memory_space<vmem>> -> memref<64xi32, #tpu.memory_space<vmem>>
      %dma_start3A_826 = arith.constant 0 : i32
      %dma_start3A_827 = arith.constant 0 : i32
      %dma_start3A_828 = tpu.memref_slice %arg10[%dma_start3A_826, %dma_start3A_827] : memref<10240x80xf32, #tpu.memory_space<vmem_shared>> -> memref<10240x80xf32, #tpu.memory_space<vmem_shared>>
      tpu.enqueue_indirect_dma source(%dma_start3A_822 : memref<64x80xf32, #tpu.memory_space<vmem>>) target(%dma_start3A_828 : memref<10240x80xf32, #tpu.memory_space<vmem_shared>>) offsets(%dma_start3A_825 : memref<64xi32, #tpu.memory_space<vmem>>) semaphore(%arg19 : memref<!tpu.dma_semaphore, #tpu.memory_space<semaphore_mem>>) {add = true}
      %convert_element_type3A_829 = arith.extui %lt3A_733 : i1 to i32
      %cond3A_830 = arith.constant 2 : i32
      %cond3A_831 = arith.constant 0 : i32
      %cond3A_832 = arith.cmpi ne, %convert_element_type3A_829, %cond3A_831 : i32
      scf.if %cond3A_832 {
        %dma_wait3A_1079 = arith.constant 0 : i32
        %dma_wait3A_1080 = arith.constant 0 : i32
        %dma_wait3A_1081 = tpu.memref_slice %arg9[%cond3A_830, %dma_wait3A_1079, %dma_wait3A_1080] : memref<5x64x80xf32, #tpu.memory_space<vmem>> -> memref<1x64x80xf32, #tpu.memory_space<vmem>>
        %dma_wait3A_1082 = tpu.memref_squeeze %dma_wait3A_1081 : memref<1x64x80xf32, #tpu.memory_space<vmem>> -> memref<64x80xf32, #tpu.memory_space<vmem>>
        %dma_wait3A_1083 = arith.constant 0 : i32
        %dma_wait3A_1084 = arith.constant 0 : i32
        %dma_wait3A_1085 = tpu.memref_slice %arg6[%dma_wait3A_1083, %dma_wait3A_1084] : memref<20480x80xf32, #tpu.memory_space<hbm>> -> memref<64x80xf32, #tpu.memory_space<hbm>>
        %dma_wait3A_1086 = arith.constant 0 : i32
        %dma_wait3A_1087 = arith.constant 0 : i32
        %dma_wait3A_1088 = tpu.memref_slice %arg9[%cond3A_830, %dma_wait3A_1086, %dma_wait3A_1087] : memref<5x64x80xf32, #tpu.memory_space<vmem>> -> memref<1x64x80xf32, #tpu.memory_space<vmem>>
        %dma_wait3A_1089 = tpu.memref_squeeze %dma_wait3A_1088 : memref<1x64x80xf32, #tpu.memory_space<vmem>> -> memref<64x80xf32, #tpu.memory_space<vmem>>
        %dma_wait3A_1090 = arith.constant 0 : i32
        %dma_wait3A_1091 = arith.constant 0 : i32
        %dma_wait3A_1092 = tpu.memref_slice %arg6[%dma_wait3A_1090, %dma_wait3A_1091] : memref<20480x80xf32, #tpu.memory_space<hbm>> -> memref<64x80xf32, #tpu.memory_space<hbm>>
        tpu.wait_dma2 semaphore(%arg19 : memref<!tpu.dma_semaphore, #tpu.memory_space<semaphore_mem>>) src(%dma_wait3A_1092 : memref<64x80xf32, #tpu.memory_space<hbm>>) dst(%dma_wait3A_1089 : memref<64x80xf32, #tpu.memory_space<vmem>>)
        %dma_start3A_1093 = arith.constant 3 : i32
        %dma_start3A_1094 = arith.constant 0 : i32
        %dma_start3A_1095 = arith.constant 0 : i32
        %dma_start3A_1096 = tpu.memref_slice %arg9[%cond3A_830, %dma_start3A_1094, %dma_start3A_1095] : memref<5x64x80xf32, #tpu.memory_space<vmem>> -> memref<1x64x80xf32, #tpu.memory_space<vmem>>
        %dma_start3A_1097 = tpu.memref_squeeze %dma_start3A_1096 : memref<1x64x80xf32, #tpu.memory_space<vmem>> -> memref<64x80xf32, #tpu.memory_space<vmem>>
        %dma_start3A_1098 = arith.constant 0 : i32
        %dma_start3A_1099 = tpu.memref_slice %arg7[%dma_start3A_1093, %cond3A_830, %dma_start3A_1098] : memref<4x5x64xi32, #tpu.memory_space<vmem>> -> memref<1x1x64xi32, #tpu.memory_space<vmem>>
        %dma_start3A_1100 = tpu.memref_squeeze %dma_start3A_1099 : memref<1x1x64xi32, #tpu.memory_space<vmem>> -> memref<64xi32, #tpu.memory_space<vmem>>
        %dma_start3A_1101 = arith.constant 0 : i32
        %dma_start3A_1102 = arith.constant 0 : i32
        %dma_start3A_1103 = tpu.memref_slice %arg11[%dma_start3A_1101, %dma_start3A_1102] : memref<10000x80xf32, #tpu.memory_space<vmem_shared>> -> memref<10000x80xf32, #tpu.memory_space<vmem_shared>>
        tpu.enqueue_indirect_dma source(%dma_start3A_1103 : memref<10000x80xf32, #tpu.memory_space<vmem_shared>>) target(%dma_start3A_1097 : memref<64x80xf32, #tpu.memory_space<vmem>>) offsets(%dma_start3A_1100 : memref<64xi32, #tpu.memory_space<vmem>>) semaphore(%arg14 : memref<!tpu.dma_semaphore, #tpu.memory_space<semaphore_mem>>)
      } else {
      }
      %dma_wait3A_833 = arith.constant 3 : i32
      %dma_wait3A_834 = arith.constant 0 : i32
      %dma_wait3A_835 = arith.constant 0 : i32
      %dma_wait3A_836 = tpu.memref_slice %arg9[%dma_wait3A_833, %dma_wait3A_834, %dma_wait3A_835] : memref<5x64x80xf32, #tpu.memory_space<vmem>> -> memref<1x64x80xf32, #tpu.memory_space<vmem>>
      %dma_wait3A_837 = tpu.memref_squeeze %dma_wait3A_836 : memref<1x64x80xf32, #tpu.memory_space<vmem>> -> memref<64x80xf32, #tpu.memory_space<vmem>>
      %dma_wait3A_838 = arith.constant 0 : i32
      %dma_wait3A_839 = arith.constant 0 : i32
      %dma_wait3A_840 = tpu.memref_slice %arg6[%dma_wait3A_838, %dma_wait3A_839] : memref<20480x80xf32, #tpu.memory_space<hbm>> -> memref<64x80xf32, #tpu.memory_space<hbm>>
      %dma_wait3A_841 = arith.constant 0 : i32
      %dma_wait3A_842 = arith.constant 0 : i32
      %dma_wait3A_843 = tpu.memref_slice %arg9[%dma_wait3A_833, %dma_wait3A_841, %dma_wait3A_842] : memref<5x64x80xf32, #tpu.memory_space<vmem>> -> memref<1x64x80xf32, #tpu.memory_space<vmem>>
      %dma_wait3A_844 = tpu.memref_squeeze %dma_wait3A_843 : memref<1x64x80xf32, #tpu.memory_space<vmem>> -> memref<64x80xf32, #tpu.memory_space<vmem>>
      %dma_wait3A_845 = arith.constant 0 : i32
      %dma_wait3A_846 = arith.constant 0 : i32
      %dma_wait3A_847 = tpu.memref_slice %arg6[%dma_wait3A_845, %dma_wait3A_846] : memref<20480x80xf32, #tpu.memory_space<hbm>> -> memref<64x80xf32, #tpu.memory_space<hbm>>
      tpu.wait_dma2 semaphore(%arg15 : memref<!tpu.dma_semaphore, #tpu.memory_space<semaphore_mem>>) src(%dma_wait3A_847 : memref<64x80xf32, #tpu.memory_space<hbm>>) dst(%dma_wait3A_844 : memref<64x80xf32, #tpu.memory_space<vmem>>)
      %dma_start3A_848 = arith.constant 3 : i32
      %dma_start3A_849 = arith.constant 2 : i32
      %dma_start3A_850 = arith.constant 3 : i32
      %dma_start3A_851 = arith.constant 0 : i32
      %dma_start3A_852 = arith.constant 0 : i32
      %dma_start3A_853 = tpu.memref_slice %arg9[%dma_start3A_848, %dma_start3A_851, %dma_start3A_852] : memref<5x64x80xf32, #tpu.memory_space<vmem>> -> memref<1x64x80xf32, #tpu.memory_space<vmem>>
      %dma_start3A_854 = tpu.memref_squeeze %dma_start3A_853 : memref<1x64x80xf32, #tpu.memory_space<vmem>> -> memref<64x80xf32, #tpu.memory_space<vmem>>
      %dma_start3A_855 = arith.constant 0 : i32
      %dma_start3A_856 = tpu.memref_slice %arg8[%dma_start3A_849, %dma_start3A_850, %dma_start3A_855] : memref<4x5x64xi32, #tpu.memory_space<vmem>> -> memref<1x1x64xi32, #tpu.memory_space<vmem>>
      %dma_start3A_857 = tpu.memref_squeeze %dma_start3A_856 : memref<1x1x64xi32, #tpu.memory_space<vmem>> -> memref<64xi32, #tpu.memory_space<vmem>>
      %dma_start3A_858 = arith.constant 0 : i32
      %dma_start3A_859 = arith.constant 0 : i32
      %dma_start3A_860 = tpu.memref_slice %arg10[%dma_start3A_858, %dma_start3A_859] : memref<10240x80xf32, #tpu.memory_space<vmem_shared>> -> memref<10240x80xf32, #tpu.memory_space<vmem_shared>>
      tpu.enqueue_indirect_dma source(%dma_start3A_854 : memref<64x80xf32, #tpu.memory_space<vmem>>) target(%dma_start3A_860 : memref<10240x80xf32, #tpu.memory_space<vmem_shared>>) offsets(%dma_start3A_857 : memref<64xi32, #tpu.memory_space<vmem>>) semaphore(%arg20 : memref<!tpu.dma_semaphore, #tpu.memory_space<semaphore_mem>>) {add = true}
      %convert_element_type3A_861 = arith.extui %lt3A_733 : i1 to i32
      %cond3A_862 = arith.constant 3 : i32
      %cond3A_863 = arith.constant 0 : i32
      %cond3A_864 = arith.cmpi ne, %convert_element_type3A_861, %cond3A_863 : i32
      scf.if %cond3A_864 {
        %dma_wait3A_1079 = arith.constant 0 : i32
        %dma_wait3A_1080 = arith.constant 0 : i32
        %dma_wait3A_1081 = tpu.memref_slice %arg9[%cond3A_862, %dma_wait3A_1079, %dma_wait3A_1080] : memref<5x64x80xf32, #tpu.memory_space<vmem>> -> memref<1x64x80xf32, #tpu.memory_space<vmem>>
        %dma_wait3A_1082 = tpu.memref_squeeze %dma_wait3A_1081 : memref<1x64x80xf32, #tpu.memory_space<vmem>> -> memref<64x80xf32, #tpu.memory_space<vmem>>
        %dma_wait3A_1083 = arith.constant 0 : i32
        %dma_wait3A_1084 = arith.constant 0 : i32
        %dma_wait3A_1085 = tpu.memref_slice %arg6[%dma_wait3A_1083, %dma_wait3A_1084] : memref<20480x80xf32, #tpu.memory_space<hbm>> -> memref<64x80xf32, #tpu.memory_space<hbm>>
        %dma_wait3A_1086 = arith.constant 0 : i32
        %dma_wait3A_1087 = arith.constant 0 : i32
        %dma_wait3A_1088 = tpu.memref_slice %arg9[%cond3A_862, %dma_wait3A_1086, %dma_wait3A_1087] : memref<5x64x80xf32, #tpu.memory_space<vmem>> -> memref<1x64x80xf32, #tpu.memory_space<vmem>>
        %dma_wait3A_1089 = tpu.memref_squeeze %dma_wait3A_1088 : memref<1x64x80xf32, #tpu.memory_space<vmem>> -> memref<64x80xf32, #tpu.memory_space<vmem>>
        %dma_wait3A_1090 = arith.constant 0 : i32
        %dma_wait3A_1091 = arith.constant 0 : i32
        %dma_wait3A_1092 = tpu.memref_slice %arg6[%dma_wait3A_1090, %dma_wait3A_1091] : memref<20480x80xf32, #tpu.memory_space<hbm>> -> memref<64x80xf32, #tpu.memory_space<hbm>>
        tpu.wait_dma2 semaphore(%arg20 : memref<!tpu.dma_semaphore, #tpu.memory_space<semaphore_mem>>) src(%dma_wait3A_1092 : memref<64x80xf32, #tpu.memory_space<hbm>>) dst(%dma_wait3A_1089 : memref<64x80xf32, #tpu.memory_space<vmem>>)
        %dma_start3A_1093 = arith.constant 3 : i32
        %dma_start3A_1094 = arith.constant 0 : i32
        %dma_start3A_1095 = arith.constant 0 : i32
        %dma_start3A_1096 = tpu.memref_slice %arg9[%cond3A_862, %dma_start3A_1094, %dma_start3A_1095] : memref<5x64x80xf32, #tpu.memory_space<vmem>> -> memref<1x64x80xf32, #tpu.memory_space<vmem>>
        %dma_start3A_1097 = tpu.memref_squeeze %dma_start3A_1096 : memref<1x64x80xf32, #tpu.memory_space<vmem>> -> memref<64x80xf32, #tpu.memory_space<vmem>>
        %dma_start3A_1098 = arith.constant 0 : i32
        %dma_start3A_1099 = tpu.memref_slice %arg7[%dma_start3A_1093, %cond3A_862, %dma_start3A_1098] : memref<4x5x64xi32, #tpu.memory_space<vmem>> -> memref<1x1x64xi32, #tpu.memory_space<vmem>>
        %dma_start3A_1100 = tpu.memref_squeeze %dma_start3A_1099 : memref<1x1x64xi32, #tpu.memory_space<vmem>> -> memref<64xi32, #tpu.memory_space<vmem>>
        %dma_start3A_1101 = arith.constant 0 : i32
        %dma_start3A_1102 = arith.constant 0 : i32
        %dma_start3A_1103 = tpu.memref_slice %arg11[%dma_start3A_1101, %dma_start3A_1102] : memref<10000x80xf32, #tpu.memory_space<vmem_shared>> -> memref<10000x80xf32, #tpu.memory_space<vmem_shared>>
        tpu.enqueue_indirect_dma source(%dma_start3A_1103 : memref<10000x80xf32, #tpu.memory_space<vmem_shared>>) target(%dma_start3A_1097 : memref<64x80xf32, #tpu.memory_space<vmem>>) offsets(%dma_start3A_1100 : memref<64xi32, #tpu.memory_space<vmem>>) semaphore(%arg15 : memref<!tpu.dma_semaphore, #tpu.memory_space<semaphore_mem>>)
      } else {
      }
      %dma_wait3A_865 = arith.constant 4 : i32
      %dma_wait3A_866 = arith.constant 0 : i32
      %dma_wait3A_867 = arith.constant 0 : i32
      %dma_wait3A_868 = tpu.memref_slice %arg9[%dma_wait3A_865, %dma_wait3A_866, %dma_wait3A_867] : memref<5x64x80xf32, #tpu.memory_space<vmem>> -> memref<1x64x80xf32, #tpu.memory_space<vmem>>
      %dma_wait3A_869 = tpu.memref_squeeze %dma_wait3A_868 : memref<1x64x80xf32, #tpu.memory_space<vmem>> -> memref<64x80xf32, #tpu.memory_space<vmem>>
      %dma_wait3A_870 = arith.constant 0 : i32
      %dma_wait3A_871 = arith.constant 0 : i32
      %dma_wait3A_872 = tpu.memref_slice %arg6[%dma_wait3A_870, %dma_wait3A_871] : memref<20480x80xf32, #tpu.memory_space<hbm>> -> memref<64x80xf32, #tpu.memory_space<hbm>>
      %dma_wait3A_873 = arith.constant 0 : i32
      %dma_wait3A_874 = arith.constant 0 : i32
      %dma_wait3A_875 = tpu.memref_slice %arg9[%dma_wait3A_865, %dma_wait3A_873, %dma_wait3A_874] : memref<5x64x80xf32, #tpu.memory_space<vmem>> -> memref<1x64x80xf32, #tpu.memory_space<vmem>>
      %dma_wait3A_876 = tpu.memref_squeeze %dma_wait3A_875 : memref<1x64x80xf32, #tpu.memory_space<vmem>> -> memref<64x80xf32, #tpu.memory_space<vmem>>
      %dma_wait3A_877 = arith.constant 0 : i32
      %dma_wait3A_878 = arith.constant 0 : i32
      %dma_wait3A_879 = tpu.memref_slice %arg6[%dma_wait3A_877, %dma_wait3A_878] : memref<20480x80xf32, #tpu.memory_space<hbm>> -> memref<64x80xf32, #tpu.memory_space<hbm>>
      tpu.wait_dma2 semaphore(%arg16 : memref<!tpu.dma_semaphore, #tpu.memory_space<semaphore_mem>>) src(%dma_wait3A_879 : memref<64x80xf32, #tpu.memory_space<hbm>>) dst(%dma_wait3A_876 : memref<64x80xf32, #tpu.memory_space<vmem>>)
      %dma_start3A_880 = arith.constant 4 : i32
      %dma_start3A_881 = arith.constant 2 : i32
      %dma_start3A_882 = arith.constant 4 : i32
      %dma_start3A_883 = arith.constant 0 : i32
      %dma_start3A_884 = arith.constant 0 : i32
      %dma_start3A_885 = tpu.memref_slice %arg9[%dma_start3A_880, %dma_start3A_883, %dma_start3A_884] : memref<5x64x80xf32, #tpu.memory_space<vmem>> -> memref<1x64x80xf32, #tpu.memory_space<vmem>>
      %dma_start3A_886 = tpu.memref_squeeze %dma_start3A_885 : memref<1x64x80xf32, #tpu.memory_space<vmem>> -> memref<64x80xf32, #tpu.memory_space<vmem>>
      %dma_start3A_887 = arith.constant 0 : i32
      %dma_start3A_888 = tpu.memref_slice %arg8[%dma_start3A_881, %dma_start3A_882, %dma_start3A_887] : memref<4x5x64xi32, #tpu.memory_space<vmem>> -> memref<1x1x64xi32, #tpu.memory_space<vmem>>
      %dma_start3A_889 = tpu.memref_squeeze %dma_start3A_888 : memref<1x1x64xi32, #tpu.memory_space<vmem>> -> memref<64xi32, #tpu.memory_space<vmem>>
      %dma_start3A_890 = arith.constant 0 : i32
      %dma_start3A_891 = arith.constant 0 : i32
      %dma_start3A_892 = tpu.memref_slice %arg10[%dma_start3A_890, %dma_start3A_891] : memref<10240x80xf32, #tpu.memory_space<vmem_shared>> -> memref<10240x80xf32, #tpu.memory_space<vmem_shared>>
      tpu.enqueue_indirect_dma source(%dma_start3A_886 : memref<64x80xf32, #tpu.memory_space<vmem>>) target(%dma_start3A_892 : memref<10240x80xf32, #tpu.memory_space<vmem_shared>>) offsets(%dma_start3A_889 : memref<64xi32, #tpu.memory_space<vmem>>) semaphore(%arg21 : memref<!tpu.dma_semaphore, #tpu.memory_space<semaphore_mem>>) {add = true}
      %convert_element_type3A_893 = arith.extui %lt3A_733 : i1 to i32
      %cond3A_894 = arith.constant 4 : i32
      %cond3A_895 = arith.constant 0 : i32
      %cond3A_896 = arith.cmpi ne, %convert_element_type3A_893, %cond3A_895 : i32
      scf.if %cond3A_896 {
        %dma_wait3A_1079 = arith.constant 0 : i32
        %dma_wait3A_1080 = arith.constant 0 : i32
        %dma_wait3A_1081 = tpu.memref_slice %arg9[%cond3A_894, %dma_wait3A_1079, %dma_wait3A_1080] : memref<5x64x80xf32, #tpu.memory_space<vmem>> -> memref<1x64x80xf32, #tpu.memory_space<vmem>>
        %dma_wait3A_1082 = tpu.memref_squeeze %dma_wait3A_1081 : memref<1x64x80xf32, #tpu.memory_space<vmem>> -> memref<64x80xf32, #tpu.memory_space<vmem>>
        %dma_wait3A_1083 = arith.constant 0 : i32
        %dma_wait3A_1084 = arith.constant 0 : i32
        %dma_wait3A_1085 = tpu.memref_slice %arg6[%dma_wait3A_1083, %dma_wait3A_1084] : memref<20480x80xf32, #tpu.memory_space<hbm>> -> memref<64x80xf32, #tpu.memory_space<hbm>>
        %dma_wait3A_1086 = arith.constant 0 : i32
        %dma_wait3A_1087 = arith.constant 0 : i32
        %dma_wait3A_1088 = tpu.memref_slice %arg9[%cond3A_894, %dma_wait3A_1086, %dma_wait3A_1087] : memref<5x64x80xf32, #tpu.memory_space<vmem>> -> memref<1x64x80xf32, #tpu.memory_space<vmem>>
        %dma_wait3A_1089 = tpu.memref_squeeze %dma_wait3A_1088 : memref<1x64x80xf32, #tpu.memory_space<vmem>> -> memref<64x80xf32, #tpu.memory_space<vmem>>
        %dma_wait3A_1090 = arith.constant 0 : i32
        %dma_wait3A_1091 = arith.constant 0 : i32
        %dma_wait3A_1092 = tpu.memref_slice %arg6[%dma_wait3A_1090, %dma_wait3A_1091] : memref<20480x80xf32, #tpu.memory_space<hbm>> -> memref<64x80xf32, #tpu.memory_space<hbm>>
        tpu.wait_dma2 semaphore(%arg21 : memref<!tpu.dma_semaphore, #tpu.memory_space<semaphore_mem>>) src(%dma_wait3A_1092 : memref<64x80xf32, #tpu.memory_space<hbm>>) dst(%dma_wait3A_1089 : memref<64x80xf32, #tpu.memory_space<vmem>>)
        %dma_start3A_1093 = arith.constant 3 : i32
        %dma_start3A_1094 = arith.constant 0 : i32
        %dma_start3A_1095 = arith.constant 0 : i32
        %dma_start3A_1096 = tpu.memref_slice %arg9[%cond3A_894, %dma_start3A_1094, %dma_start3A_1095] : memref<5x64x80xf32, #tpu.memory_space<vmem>> -> memref<1x64x80xf32, #tpu.memory_space<vmem>>
        %dma_start3A_1097 = tpu.memref_squeeze %dma_start3A_1096 : memref<1x64x80xf32, #tpu.memory_space<vmem>> -> memref<64x80xf32, #tpu.memory_space<vmem>>
        %dma_start3A_1098 = arith.constant 0 : i32
        %dma_start3A_1099 = tpu.memref_slice %arg7[%dma_start3A_1093, %cond3A_894, %dma_start3A_1098] : memref<4x5x64xi32, #tpu.memory_space<vmem>> -> memref<1x1x64xi32, #tpu.memory_space<vmem>>
        %dma_start3A_1100 = tpu.memref_squeeze %dma_start3A_1099 : memref<1x1x64xi32, #tpu.memory_space<vmem>> -> memref<64xi32, #tpu.memory_space<vmem>>
        %dma_start3A_1101 = arith.constant 0 : i32
        %dma_start3A_1102 = arith.constant 0 : i32
        %dma_start3A_1103 = tpu.memref_slice %arg11[%dma_start3A_1101, %dma_start3A_1102] : memref<10000x80xf32, #tpu.memory_space<vmem_shared>> -> memref<10000x80xf32, #tpu.memory_space<vmem_shared>>
        tpu.enqueue_indirect_dma source(%dma_start3A_1103 : memref<10000x80xf32, #tpu.memory_space<vmem_shared>>) target(%dma_start3A_1097 : memref<64x80xf32, #tpu.memory_space<vmem>>) offsets(%dma_start3A_1100 : memref<64xi32, #tpu.memory_space<vmem>>) semaphore(%arg16 : memref<!tpu.dma_semaphore, #tpu.memory_space<semaphore_mem>>)
      } else {
      }
      %add3A_897 = arith.constant 3 : i32
      %add3A_898 = arith.addi %add3A_730, %add3A_897 : i32
      %lt3A_899 = arith.cmpi slt, %add3A_898, %select_n3A_63 : i32
      %convert_element_type3A_900 = arith.extui %lt3A_899 : i1 to i32
      %cond3A_901 = arith.constant 0 : i32
      %cond3A_902 = arith.cmpi ne, %convert_element_type3A_900, %cond3A_901 : i32
      scf.if %cond3A_902 {
        %add3A_1079 = arith.constant 3 : i32
        %add3A_1080 = arith.addi %add3A_730, %add3A_1079 : i32
        %mul3A_1081 = arith.constant 5 : i32
        %mul3A_1082 = arith.muli %add3A_1080, %mul3A_1081 : i32
        %add3A_1083 = arith.addi %mul3A_43, %mul3A_1082 : i32
        %dma_start3A_1084 = arith.constant 1 : i32
        %dma_start3A_1085 = arith.constant 0 : i32
        %dma_start3A_1086 = arith.constant 0 : i32
        %dma_start3A_1087 = tpu.memref_slice %arg7[%dma_start3A_1084, %dma_start3A_1085, %dma_start3A_1086] : memref<4x5x64xi32, #tpu.memory_space<vmem>> -> memref<1x5x64xi32, #tpu.memory_space<vmem>>
        %dma_start3A_1088 = tpu.memref_squeeze %dma_start3A_1087 : memref<1x5x64xi32, #tpu.memory_space<vmem>> -> memref<5x64xi32, #tpu.memory_space<vmem>>
        %dma_start3A_1089 = arith.constant 0 : i32
        %dma_start3A_1090 = tpu.memref_slice %arg3[%add3A_1083, %dma_start3A_1089] : memref<5000x64xi32, #tpu.memory_space<hbm>> -> memref<5x64xi32, #tpu.memory_space<hbm>>
        %dma_start3A_1091 = arith.constant 0 : i32
        %dma_start3A_1092 = arith.constant 0 : i32
        %dma_start3A_1093 = tpu.memref_slice %arg7[%dma_start3A_1084, %dma_start3A_1091, %dma_start3A_1092] : memref<4x5x64xi32, #tpu.memory_space<vmem>> -> memref<1x5x64xi32, #tpu.memory_space<vmem>>
        %dma_start3A_1094 = tpu.memref_squeeze %dma_start3A_1093 : memref<1x5x64xi32, #tpu.memory_space<vmem>> -> memref<5x64xi32, #tpu.memory_space<vmem>>
        %dma_start3A_1095 = arith.constant 0 : i32
        %dma_start3A_1096 = tpu.memref_slice %arg3[%add3A_1083, %dma_start3A_1095] : memref<5000x64xi32, #tpu.memory_space<hbm>> -> memref<5x64xi32, #tpu.memory_space<hbm>>
        tpu.enqueue_dma source(%dma_start3A_1096 : memref<5x64xi32, #tpu.memory_space<hbm>>) target(%dma_start3A_1094 : memref<5x64xi32, #tpu.memory_space<vmem>>) target_semaphore(%arg23 : memref<!tpu.dma_semaphore, #tpu.memory_space<semaphore_mem>>)
        %mul3A_1097 = arith.constant 5 : i32
        %mul3A_1098 = arith.muli %add3A_1080, %mul3A_1097 : i32
        %add3A_1099 = arith.addi %mul3A_43, %mul3A_1098 : i32
        %dma_start3A_1100 = arith.constant 1 : i32
        %dma_start3A_1101 = arith.constant 0 : i32
        %dma_start3A_1102 = arith.constant 0 : i32
        %dma_start3A_1103 = tpu.memref_slice %arg8[%dma_start3A_1100, %dma_start3A_1101, %dma_start3A_1102] : memref<4x5x64xi32, #tpu.memory_space<vmem>> -> memref<1x5x64xi32, #tpu.memory_space<vmem>>
        %dma_start3A_1104 = tpu.memref_squeeze %dma_start3A_1103 : memref<1x5x64xi32, #tpu.memory_space<vmem>> -> memref<5x64xi32, #tpu.memory_space<vmem>>
        %dma_start3A_1105 = arith.constant 0 : i32
        %dma_start3A_1106 = tpu.memref_slice %arg4[%add3A_1099, %dma_start3A_1105] : memref<5000x64xi32, #tpu.memory_space<hbm>> -> memref<5x64xi32, #tpu.memory_space<hbm>>
        %dma_start3A_1107 = arith.constant 0 : i32
        %dma_start3A_1108 = arith.constant 0 : i32
        %dma_start3A_1109 = tpu.memref_slice %arg8[%dma_start3A_1100, %dma_start3A_1107, %dma_start3A_1108] : memref<4x5x64xi32, #tpu.memory_space<vmem>> -> memref<1x5x64xi32, #tpu.memory_space<vmem>>
        %dma_start3A_1110 = tpu.memref_squeeze %dma_start3A_1109 : memref<1x5x64xi32, #tpu.memory_space<vmem>> -> memref<5x64xi32, #tpu.memory_space<vmem>>
        %dma_start3A_1111 = arith.constant 0 : i32
        %dma_start3A_1112 = tpu.memref_slice %arg4[%add3A_1099, %dma_start3A_1111] : memref<5000x64xi32, #tpu.memory_space<hbm>> -> memref<5x64xi32, #tpu.memory_space<hbm>>
        tpu.enqueue_dma source(%dma_start3A_1112 : memref<5x64xi32, #tpu.memory_space<hbm>>) target(%dma_start3A_1110 : memref<5x64xi32, #tpu.memory_space<vmem>>) target_semaphore(%arg27 : memref<!tpu.dma_semaphore, #tpu.memory_space<semaphore_mem>>)
      } else {
      }
      %mul3A_903 = arith.constant 4 : i32
      %mul3A_904 = arith.muli %while3A_377, %mul3A_903 : i32
      %add3A_905 = arith.constant 3 : i32
      %add3A_906 = arith.addi %mul3A_904, %add3A_905 : i32
      %add3A_907 = arith.constant 1 : i32
      %add3A_908 = arith.addi %add3A_906, %add3A_907 : i32
      %lt3A_909 = arith.cmpi slt, %add3A_908, %select_n3A_63 : i32
      %convert_element_type3A_910 = arith.extui %lt3A_909 : i1 to i32
      %cond3A_911 = arith.constant 0 : i32
      %cond3A_912 = arith.cmpi ne, %convert_element_type3A_910, %cond3A_911 : i32
      scf.if %cond3A_912 {
        %dma_wait3A_1079 = arith.constant 0 : i32
        %dma_wait3A_1080 = arith.constant 0 : i32
        %dma_wait3A_1081 = arith.constant 0 : i32
        %dma_wait3A_1082 = tpu.memref_slice %arg7[%dma_wait3A_1079, %dma_wait3A_1080, %dma_wait3A_1081] : memref<4x5x64xi32, #tpu.memory_space<vmem>> -> memref<1x5x64xi32, #tpu.memory_space<vmem>>
        %dma_wait3A_1083 = tpu.memref_squeeze %dma_wait3A_1082 : memref<1x5x64xi32, #tpu.memory_space<vmem>> -> memref<5x64xi32, #tpu.memory_space<vmem>>
        %dma_wait3A_1084 = arith.constant 0 : i32
        %dma_wait3A_1085 = arith.constant 0 : i32
        %dma_wait3A_1086 = tpu.memref_slice %arg3[%dma_wait3A_1084, %dma_wait3A_1085] : memref<5000x64xi32, #tpu.memory_space<hbm>> -> memref<5x64xi32, #tpu.memory_space<hbm>>
        %dma_wait3A_1087 = arith.constant 0 : i32
        %dma_wait3A_1088 = arith.constant 0 : i32
        %dma_wait3A_1089 = tpu.memref_slice %arg7[%dma_wait3A_1079, %dma_wait3A_1087, %dma_wait3A_1088] : memref<4x5x64xi32, #tpu.memory_space<vmem>> -> memref<1x5x64xi32, #tpu.memory_space<vmem>>
        %dma_wait3A_1090 = tpu.memref_squeeze %dma_wait3A_1089 : memref<1x5x64xi32, #tpu.memory_space<vmem>> -> memref<5x64xi32, #tpu.memory_space<vmem>>
        %dma_wait3A_1091 = arith.constant 0 : i32
        %dma_wait3A_1092 = arith.constant 0 : i32
        %dma_wait3A_1093 = tpu.memref_slice %arg3[%dma_wait3A_1091, %dma_wait3A_1092] : memref<5000x64xi32, #tpu.memory_space<hbm>> -> memref<5x64xi32, #tpu.memory_space<hbm>>
        tpu.wait_dma2 semaphore(%arg22 : memref<!tpu.dma_semaphore, #tpu.memory_space<semaphore_mem>>) src(%dma_wait3A_1093 : memref<5x64xi32, #tpu.memory_space<hbm>>) dst(%dma_wait3A_1090 : memref<5x64xi32, #tpu.memory_space<vmem>>)
        %dma_wait3A_1094 = arith.constant 0 : i32
        %dma_wait3A_1095 = arith.constant 0 : i32
        %dma_wait3A_1096 = arith.constant 0 : i32
        %dma_wait3A_1097 = tpu.memref_slice %arg8[%dma_wait3A_1094, %dma_wait3A_1095, %dma_wait3A_1096] : memref<4x5x64xi32, #tpu.memory_space<vmem>> -> memref<1x5x64xi32, #tpu.memory_space<vmem>>
        %dma_wait3A_1098 = tpu.memref_squeeze %dma_wait3A_1097 : memref<1x5x64xi32, #tpu.memory_space<vmem>> -> memref<5x64xi32, #tpu.memory_space<vmem>>
        %dma_wait3A_1099 = arith.constant 0 : i32
        %dma_wait3A_1100 = arith.constant 0 : i32
        %dma_wait3A_1101 = tpu.memref_slice %arg4[%dma_wait3A_1099, %dma_wait3A_1100] : memref<5000x64xi32, #tpu.memory_space<hbm>> -> memref<5x64xi32, #tpu.memory_space<hbm>>
        %dma_wait3A_1102 = arith.constant 0 : i32
        %dma_wait3A_1103 = arith.constant 0 : i32
        %dma_wait3A_1104 = tpu.memref_slice %arg8[%dma_wait3A_1094, %dma_wait3A_1102, %dma_wait3A_1103] : memref<4x5x64xi32, #tpu.memory_space<vmem>> -> memref<1x5x64xi32, #tpu.memory_space<vmem>>
        %dma_wait3A_1105 = tpu.memref_squeeze %dma_wait3A_1104 : memref<1x5x64xi32, #tpu.memory_space<vmem>> -> memref<5x64xi32, #tpu.memory_space<vmem>>
        %dma_wait3A_1106 = arith.constant 0 : i32
        %dma_wait3A_1107 = arith.constant 0 : i32
        %dma_wait3A_1108 = tpu.memref_slice %arg4[%dma_wait3A_1106, %dma_wait3A_1107] : memref<5000x64xi32, #tpu.memory_space<hbm>> -> memref<5x64xi32, #tpu.memory_space<hbm>>
        tpu.wait_dma2 semaphore(%arg26 : memref<!tpu.dma_semaphore, #tpu.memory_space<semaphore_mem>>) src(%dma_wait3A_1108 : memref<5x64xi32, #tpu.memory_space<hbm>>) dst(%dma_wait3A_1105 : memref<5x64xi32, #tpu.memory_space<vmem>>)
      } else {
      }
      %dma_wait3A_913 = arith.constant 0 : i32
      %dma_wait3A_914 = arith.constant 0 : i32
      %dma_wait3A_915 = arith.constant 0 : i32
      %dma_wait3A_916 = tpu.memref_slice %arg9[%dma_wait3A_913, %dma_wait3A_914, %dma_wait3A_915] : memref<5x64x80xf32, #tpu.memory_space<vmem>> -> memref<1x64x80xf32, #tpu.memory_space<vmem>>
      %dma_wait3A_917 = tpu.memref_squeeze %dma_wait3A_916 : memref<1x64x80xf32, #tpu.memory_space<vmem>> -> memref<64x80xf32, #tpu.memory_space<vmem>>
      %dma_wait3A_918 = arith.constant 0 : i32
      %dma_wait3A_919 = arith.constant 0 : i32
      %dma_wait3A_920 = tpu.memref_slice %arg6[%dma_wait3A_918, %dma_wait3A_919] : memref<20480x80xf32, #tpu.memory_space<hbm>> -> memref<64x80xf32, #tpu.memory_space<hbm>>
      %dma_wait3A_921 = arith.constant 0 : i32
      %dma_wait3A_922 = arith.constant 0 : i32
      %dma_wait3A_923 = tpu.memref_slice %arg9[%dma_wait3A_913, %dma_wait3A_921, %dma_wait3A_922] : memref<5x64x80xf32, #tpu.memory_space<vmem>> -> memref<1x64x80xf32, #tpu.memory_space<vmem>>
      %dma_wait3A_924 = tpu.memref_squeeze %dma_wait3A_923 : memref<1x64x80xf32, #tpu.memory_space<vmem>> -> memref<64x80xf32, #tpu.memory_space<vmem>>
      %dma_wait3A_925 = arith.constant 0 : i32
      %dma_wait3A_926 = arith.constant 0 : i32
      %dma_wait3A_927 = tpu.memref_slice %arg6[%dma_wait3A_925, %dma_wait3A_926] : memref<20480x80xf32, #tpu.memory_space<hbm>> -> memref<64x80xf32, #tpu.memory_space<hbm>>
      tpu.wait_dma2 semaphore(%arg12 : memref<!tpu.dma_semaphore, #tpu.memory_space<semaphore_mem>>) src(%dma_wait3A_927 : memref<64x80xf32, #tpu.memory_space<hbm>>) dst(%dma_wait3A_924 : memref<64x80xf32, #tpu.memory_space<vmem>>)
      %dma_start3A_928 = arith.constant 0 : i32
      %dma_start3A_929 = arith.constant 3 : i32
      %dma_start3A_930 = arith.constant 0 : i32
      %dma_start3A_931 = arith.constant 0 : i32
      %dma_start3A_932 = arith.constant 0 : i32
      %dma_start3A_933 = tpu.memref_slice %arg9[%dma_start3A_928, %dma_start3A_931, %dma_start3A_932] : memref<5x64x80xf32, #tpu.memory_space<vmem>> -> memref<1x64x80xf32, #tpu.memory_space<vmem>>
      %dma_start3A_934 = tpu.memref_squeeze %dma_start3A_933 : memref<1x64x80xf32, #tpu.memory_space<vmem>> -> memref<64x80xf32, #tpu.memory_space<vmem>>
      %dma_start3A_935 = arith.constant 0 : i32
      %dma_start3A_936 = tpu.memref_slice %arg8[%dma_start3A_929, %dma_start3A_930, %dma_start3A_935] : memref<4x5x64xi32, #tpu.memory_space<vmem>> -> memref<1x1x64xi32, #tpu.memory_space<vmem>>
      %dma_start3A_937 = tpu.memref_squeeze %dma_start3A_936 : memref<1x1x64xi32, #tpu.memory_space<vmem>> -> memref<64xi32, #tpu.memory_space<vmem>>
      %dma_start3A_938 = arith.constant 0 : i32
      %dma_start3A_939 = arith.constant 0 : i32
      %dma_start3A_940 = tpu.memref_slice %arg10[%dma_start3A_938, %dma_start3A_939] : memref<10240x80xf32, #tpu.memory_space<vmem_shared>> -> memref<10240x80xf32, #tpu.memory_space<vmem_shared>>
      tpu.enqueue_indirect_dma source(%dma_start3A_934 : memref<64x80xf32, #tpu.memory_space<vmem>>) target(%dma_start3A_940 : memref<10240x80xf32, #tpu.memory_space<vmem_shared>>) offsets(%dma_start3A_937 : memref<64xi32, #tpu.memory_space<vmem>>) semaphore(%arg17 : memref<!tpu.dma_semaphore, #tpu.memory_space<semaphore_mem>>) {add = true}
      %convert_element_type3A_941 = arith.extui %lt3A_909 : i1 to i32
      %cond3A_942 = arith.constant 0 : i32
      %cond3A_943 = arith.constant 0 : i32
      %cond3A_944 = arith.cmpi ne, %convert_element_type3A_941, %cond3A_943 : i32
      scf.if %cond3A_944 {
        %dma_wait3A_1079 = arith.constant 0 : i32
        %dma_wait3A_1080 = arith.constant 0 : i32
        %dma_wait3A_1081 = tpu.memref_slice %arg9[%cond3A_942, %dma_wait3A_1079, %dma_wait3A_1080] : memref<5x64x80xf32, #tpu.memory_space<vmem>> -> memref<1x64x80xf32, #tpu.memory_space<vmem>>
        %dma_wait3A_1082 = tpu.memref_squeeze %dma_wait3A_1081 : memref<1x64x80xf32, #tpu.memory_space<vmem>> -> memref<64x80xf32, #tpu.memory_space<vmem>>
        %dma_wait3A_1083 = arith.constant 0 : i32
        %dma_wait3A_1084 = arith.constant 0 : i32
        %dma_wait3A_1085 = tpu.memref_slice %arg6[%dma_wait3A_1083, %dma_wait3A_1084] : memref<20480x80xf32, #tpu.memory_space<hbm>> -> memref<64x80xf32, #tpu.memory_space<hbm>>
        %dma_wait3A_1086 = arith.constant 0 : i32
        %dma_wait3A_1087 = arith.constant 0 : i32
        %dma_wait3A_1088 = tpu.memref_slice %arg9[%cond3A_942, %dma_wait3A_1086, %dma_wait3A_1087] : memref<5x64x80xf32, #tpu.memory_space<vmem>> -> memref<1x64x80xf32, #tpu.memory_space<vmem>>
        %dma_wait3A_1089 = tpu.memref_squeeze %dma_wait3A_1088 : memref<1x64x80xf32, #tpu.memory_space<vmem>> -> memref<64x80xf32, #tpu.memory_space<vmem>>
        %dma_wait3A_1090 = arith.constant 0 : i32
        %dma_wait3A_1091 = arith.constant 0 : i32
        %dma_wait3A_1092 = tpu.memref_slice %arg6[%dma_wait3A_1090, %dma_wait3A_1091] : memref<20480x80xf32, #tpu.memory_space<hbm>> -> memref<64x80xf32, #tpu.memory_space<hbm>>
        tpu.wait_dma2 semaphore(%arg17 : memref<!tpu.dma_semaphore, #tpu.memory_space<semaphore_mem>>) src(%dma_wait3A_1092 : memref<64x80xf32, #tpu.memory_space<hbm>>) dst(%dma_wait3A_1089 : memref<64x80xf32, #tpu.memory_space<vmem>>)
        %dma_start3A_1093 = arith.constant 0 : i32
        %dma_start3A_1094 = arith.constant 0 : i32
        %dma_start3A_1095 = arith.constant 0 : i32
        %dma_start3A_1096 = tpu.memref_slice %arg9[%cond3A_942, %dma_start3A_1094, %dma_start3A_1095] : memref<5x64x80xf32, #tpu.memory_space<vmem>> -> memref<1x64x80xf32, #tpu.memory_space<vmem>>
        %dma_start3A_1097 = tpu.memref_squeeze %dma_start3A_1096 : memref<1x64x80xf32, #tpu.memory_space<vmem>> -> memref<64x80xf32, #tpu.memory_space<vmem>>
        %dma_start3A_1098 = arith.constant 0 : i32
        %dma_start3A_1099 = tpu.memref_slice %arg7[%dma_start3A_1093, %cond3A_942, %dma_start3A_1098] : memref<4x5x64xi32, #tpu.memory_space<vmem>> -> memref<1x1x64xi32, #tpu.memory_space<vmem>>
        %dma_start3A_1100 = tpu.memref_squeeze %dma_start3A_1099 : memref<1x1x64xi32, #tpu.memory_space<vmem>> -> memref<64xi32, #tpu.memory_space<vmem>>
        %dma_start3A_1101 = arith.constant 0 : i32
        %dma_start3A_1102 = arith.constant 0 : i32
        %dma_start3A_1103 = tpu.memref_slice %arg11[%dma_start3A_1101, %dma_start3A_1102] : memref<10000x80xf32, #tpu.memory_space<vmem_shared>> -> memref<10000x80xf32, #tpu.memory_space<vmem_shared>>
        tpu.enqueue_indirect_dma source(%dma_start3A_1103 : memref<10000x80xf32, #tpu.memory_space<vmem_shared>>) target(%dma_start3A_1097 : memref<64x80xf32, #tpu.memory_space<vmem>>) offsets(%dma_start3A_1100 : memref<64xi32, #tpu.memory_space<vmem>>) semaphore(%arg12 : memref<!tpu.dma_semaphore, #tpu.memory_space<semaphore_mem>>)
      } else {
      }
      %dma_wait3A_945 = arith.constant 1 : i32
      %dma_wait3A_946 = arith.constant 0 : i32
      %dma_wait3A_947 = arith.constant 0 : i32
      %dma_wait3A_948 = tpu.memref_slice %arg9[%dma_wait3A_945, %dma_wait3A_946, %dma_wait3A_947] : memref<5x64x80xf32, #tpu.memory_space<vmem>> -> memref<1x64x80xf32, #tpu.memory_space<vmem>>
      %dma_wait3A_949 = tpu.memref_squeeze %dma_wait3A_948 : memref<1x64x80xf32, #tpu.memory_space<vmem>> -> memref<64x80xf32, #tpu.memory_space<vmem>>
      %dma_wait3A_950 = arith.constant 0 : i32
      %dma_wait3A_951 = arith.constant 0 : i32
      %dma_wait3A_952 = tpu.memref_slice %arg6[%dma_wait3A_950, %dma_wait3A_951] : memref<20480x80xf32, #tpu.memory_space<hbm>> -> memref<64x80xf32, #tpu.memory_space<hbm>>
      %dma_wait3A_953 = arith.constant 0 : i32
      %dma_wait3A_954 = arith.constant 0 : i32
      %dma_wait3A_955 = tpu.memref_slice %arg9[%dma_wait3A_945, %dma_wait3A_953, %dma_wait3A_954] : memref<5x64x80xf32, #tpu.memory_space<vmem>> -> memref<1x64x80xf32, #tpu.memory_space<vmem>>
      %dma_wait3A_956 = tpu.memref_squeeze %dma_wait3A_955 : memref<1x64x80xf32, #tpu.memory_space<vmem>> -> memref<64x80xf32, #tpu.memory_space<vmem>>
      %dma_wait3A_957 = arith.constant 0 : i32
      %dma_wait3A_958 = arith.constant 0 : i32
      %dma_wait3A_959 = tpu.memref_slice %arg6[%dma_wait3A_957, %dma_wait3A_958] : memref<20480x80xf32, #tpu.memory_space<hbm>> -> memref<64x80xf32, #tpu.memory_space<hbm>>
      tpu.wait_dma2 semaphore(%arg13 : memref<!tpu.dma_semaphore, #tpu.memory_space<semaphore_mem>>) src(%dma_wait3A_959 : memref<64x80xf32, #tpu.memory_space<hbm>>) dst(%dma_wait3A_956 : memref<64x80xf32, #tpu.memory_space<vmem>>)
      %dma_start3A_960 = arith.constant 1 : i32
      %dma_start3A_961 = arith.constant 3 : i32
      %dma_start3A_962 = arith.constant 1 : i32
      %dma_start3A_963 = arith.constant 0 : i32
      %dma_start3A_964 = arith.constant 0 : i32
      %dma_start3A_965 = tpu.memref_slice %arg9[%dma_start3A_960, %dma_start3A_963, %dma_start3A_964] : memref<5x64x80xf32, #tpu.memory_space<vmem>> -> memref<1x64x80xf32, #tpu.memory_space<vmem>>
      %dma_start3A_966 = tpu.memref_squeeze %dma_start3A_965 : memref<1x64x80xf32, #tpu.memory_space<vmem>> -> memref<64x80xf32, #tpu.memory_space<vmem>>
      %dma_start3A_967 = arith.constant 0 : i32
      %dma_start3A_968 = tpu.memref_slice %arg8[%dma_start3A_961, %dma_start3A_962, %dma_start3A_967] : memref<4x5x64xi32, #tpu.memory_space<vmem>> -> memref<1x1x64xi32, #tpu.memory_space<vmem>>
      %dma_start3A_969 = tpu.memref_squeeze %dma_start3A_968 : memref<1x1x64xi32, #tpu.memory_space<vmem>> -> memref<64xi32, #tpu.memory_space<vmem>>
      %dma_start3A_970 = arith.constant 0 : i32
      %dma_start3A_971 = arith.constant 0 : i32
      %dma_start3A_972 = tpu.memref_slice %arg10[%dma_start3A_970, %dma_start3A_971] : memref<10240x80xf32, #tpu.memory_space<vmem_shared>> -> memref<10240x80xf32, #tpu.memory_space<vmem_shared>>
      tpu.enqueue_indirect_dma source(%dma_start3A_966 : memref<64x80xf32, #tpu.memory_space<vmem>>) target(%dma_start3A_972 : memref<10240x80xf32, #tpu.memory_space<vmem_shared>>) offsets(%dma_start3A_969 : memref<64xi32, #tpu.memory_space<vmem>>) semaphore(%arg18 : memref<!tpu.dma_semaphore, #tpu.memory_space<semaphore_mem>>) {add = true}
      %convert_element_type3A_973 = arith.extui %lt3A_909 : i1 to i32
      %cond3A_974 = arith.constant 1 : i32
      %cond3A_975 = arith.constant 0 : i32
      %cond3A_976 = arith.cmpi ne, %convert_element_type3A_973, %cond3A_975 : i32
      scf.if %cond3A_976 {
        %dma_wait3A_1079 = arith.constant 0 : i32
        %dma_wait3A_1080 = arith.constant 0 : i32
        %dma_wait3A_1081 = tpu.memref_slice %arg9[%cond3A_974, %dma_wait3A_1079, %dma_wait3A_1080] : memref<5x64x80xf32, #tpu.memory_space<vmem>> -> memref<1x64x80xf32, #tpu.memory_space<vmem>>
        %dma_wait3A_1082 = tpu.memref_squeeze %dma_wait3A_1081 : memref<1x64x80xf32, #tpu.memory_space<vmem>> -> memref<64x80xf32, #tpu.memory_space<vmem>>
        %dma_wait3A_1083 = arith.constant 0 : i32
        %dma_wait3A_1084 = arith.constant 0 : i32
        %dma_wait3A_1085 = tpu.memref_slice %arg6[%dma_wait3A_1083, %dma_wait3A_1084] : memref<20480x80xf32, #tpu.memory_space<hbm>> -> memref<64x80xf32, #tpu.memory_space<hbm>>
        %dma_wait3A_1086 = arith.constant 0 : i32
        %dma_wait3A_1087 = arith.constant 0 : i32
        %dma_wait3A_1088 = tpu.memref_slice %arg9[%cond3A_974, %dma_wait3A_1086, %dma_wait3A_1087] : memref<5x64x80xf32, #tpu.memory_space<vmem>> -> memref<1x64x80xf32, #tpu.memory_space<vmem>>
        %dma_wait3A_1089 = tpu.memref_squeeze %dma_wait3A_1088 : memref<1x64x80xf32, #tpu.memory_space<vmem>> -> memref<64x80xf32, #tpu.memory_space<vmem>>
        %dma_wait3A_1090 = arith.constant 0 : i32
        %dma_wait3A_1091 = arith.constant 0 : i32
        %dma_wait3A_1092 = tpu.memref_slice %arg6[%dma_wait3A_1090, %dma_wait3A_1091] : memref<20480x80xf32, #tpu.memory_space<hbm>> -> memref<64x80xf32, #tpu.memory_space<hbm>>
        tpu.wait_dma2 semaphore(%arg18 : memref<!tpu.dma_semaphore, #tpu.memory_space<semaphore_mem>>) src(%dma_wait3A_1092 : memref<64x80xf32, #tpu.memory_space<hbm>>) dst(%dma_wait3A_1089 : memref<64x80xf32, #tpu.memory_space<vmem>>)
        %dma_start3A_1093 = arith.constant 0 : i32
        %dma_start3A_1094 = arith.constant 0 : i32
        %dma_start3A_1095 = arith.constant 0 : i32
        %dma_start3A_1096 = tpu.memref_slice %arg9[%cond3A_974, %dma_start3A_1094, %dma_start3A_1095] : memref<5x64x80xf32, #tpu.memory_space<vmem>> -> memref<1x64x80xf32, #tpu.memory_space<vmem>>
        %dma_start3A_1097 = tpu.memref_squeeze %dma_start3A_1096 : memref<1x64x80xf32, #tpu.memory_space<vmem>> -> memref<64x80xf32, #tpu.memory_space<vmem>>
        %dma_start3A_1098 = arith.constant 0 : i32
        %dma_start3A_1099 = tpu.memref_slice %arg7[%dma_start3A_1093, %cond3A_974, %dma_start3A_1098] : memref<4x5x64xi32, #tpu.memory_space<vmem>> -> memref<1x1x64xi32, #tpu.memory_space<vmem>>
        %dma_start3A_1100 = tpu.memref_squeeze %dma_start3A_1099 : memref<1x1x64xi32, #tpu.memory_space<vmem>> -> memref<64xi32, #tpu.memory_space<vmem>>
        %dma_start3A_1101 = arith.constant 0 : i32
        %dma_start3A_1102 = arith.constant 0 : i32
        %dma_start3A_1103 = tpu.memref_slice %arg11[%dma_start3A_1101, %dma_start3A_1102] : memref<10000x80xf32, #tpu.memory_space<vmem_shared>> -> memref<10000x80xf32, #tpu.memory_space<vmem_shared>>
        tpu.enqueue_indirect_dma source(%dma_start3A_1103 : memref<10000x80xf32, #tpu.memory_space<vmem_shared>>) target(%dma_start3A_1097 : memref<64x80xf32, #tpu.memory_space<vmem>>) offsets(%dma_start3A_1100 : memref<64xi32, #tpu.memory_space<vmem>>) semaphore(%arg13 : memref<!tpu.dma_semaphore, #tpu.memory_space<semaphore_mem>>)
      } else {
      }
      %dma_wait3A_977 = arith.constant 2 : i32
      %dma_wait3A_978 = arith.constant 0 : i32
      %dma_wait3A_979 = arith.constant 0 : i32
      %dma_wait3A_980 = tpu.memref_slice %arg9[%dma_wait3A_977, %dma_wait3A_978, %dma_wait3A_979] : memref<5x64x80xf32, #tpu.memory_space<vmem>> -> memref<1x64x80xf32, #tpu.memory_space<vmem>>
      %dma_wait3A_981 = tpu.memref_squeeze %dma_wait3A_980 : memref<1x64x80xf32, #tpu.memory_space<vmem>> -> memref<64x80xf32, #tpu.memory_space<vmem>>
      %dma_wait3A_982 = arith.constant 0 : i32
      %dma_wait3A_983 = arith.constant 0 : i32
      %dma_wait3A_984 = tpu.memref_slice %arg6[%dma_wait3A_982, %dma_wait3A_983] : memref<20480x80xf32, #tpu.memory_space<hbm>> -> memref<64x80xf32, #tpu.memory_space<hbm>>
      %dma_wait3A_985 = arith.constant 0 : i32
      %dma_wait3A_986 = arith.constant 0 : i32
      %dma_wait3A_987 = tpu.memref_slice %arg9[%dma_wait3A_977, %dma_wait3A_985, %dma_wait3A_986] : memref<5x64x80xf32, #tpu.memory_space<vmem>> -> memref<1x64x80xf32, #tpu.memory_space<vmem>>
      %dma_wait3A_988 = tpu.memref_squeeze %dma_wait3A_987 : memref<1x64x80xf32, #tpu.memory_space<vmem>> -> memref<64x80xf32, #tpu.memory_space<vmem>>
      %dma_wait3A_989 = arith.constant 0 : i32
      %dma_wait3A_990 = arith.constant 0 : i32
      %dma_wait3A_991 = tpu.memref_slice %arg6[%dma_wait3A_989, %dma_wait3A_990] : memref<20480x80xf32, #tpu.memory_space<hbm>> -> memref<64x80xf32, #tpu.memory_space<hbm>>
      tpu.wait_dma2 semaphore(%arg14 : memref<!tpu.dma_semaphore, #tpu.memory_space<semaphore_mem>>) src(%dma_wait3A_991 : memref<64x80xf32, #tpu.memory_space<hbm>>) dst(%dma_wait3A_988 : memref<64x80xf32, #tpu.memory_space<vmem>>)
      %dma_start3A_992 = arith.constant 2 : i32
      %dma_start3A_993 = arith.constant 3 : i32
      %dma_start3A_994 = arith.constant 2 : i32
      %dma_start3A_995 = arith.constant 0 : i32
      %dma_start3A_996 = arith.constant 0 : i32
      %dma_start3A_997 = tpu.memref_slice %arg9[%dma_start3A_992, %dma_start3A_995, %dma_start3A_996] : memref<5x64x80xf32, #tpu.memory_space<vmem>> -> memref<1x64x80xf32, #tpu.memory_space<vmem>>
      %dma_start3A_998 = tpu.memref_squeeze %dma_start3A_997 : memref<1x64x80xf32, #tpu.memory_space<vmem>> -> memref<64x80xf32, #tpu.memory_space<vmem>>
      %dma_start3A_999 = arith.constant 0 : i32
      %dma_start3A_1000 = tpu.memref_slice %arg8[%dma_start3A_993, %dma_start3A_994, %dma_start3A_999] : memref<4x5x64xi32, #tpu.memory_space<vmem>> -> memref<1x1x64xi32, #tpu.memory_space<vmem>>
      %dma_start3A_1001 = tpu.memref_squeeze %dma_start3A_1000 : memref<1x1x64xi32, #tpu.memory_space<vmem>> -> memref<64xi32, #tpu.memory_space<vmem>>
      %dma_start3A_1002 = arith.constant 0 : i32
      %dma_start3A_1003 = arith.constant 0 : i32
      %dma_start3A_1004 = tpu.memref_slice %arg10[%dma_start3A_1002, %dma_start3A_1003] : memref<10240x80xf32, #tpu.memory_space<vmem_shared>> -> memref<10240x80xf32, #tpu.memory_space<vmem_shared>>
      tpu.enqueue_indirect_dma source(%dma_start3A_998 : memref<64x80xf32, #tpu.memory_space<vmem>>) target(%dma_start3A_1004 : memref<10240x80xf32, #tpu.memory_space<vmem_shared>>) offsets(%dma_start3A_1001 : memref<64xi32, #tpu.memory_space<vmem>>) semaphore(%arg19 : memref<!tpu.dma_semaphore, #tpu.memory_space<semaphore_mem>>) {add = true}
      %convert_element_type3A_1005 = arith.extui %lt3A_909 : i1 to i32
      %cond3A_1006 = arith.constant 2 : i32
      %cond3A_1007 = arith.constant 0 : i32
      %cond3A_1008 = arith.cmpi ne, %convert_element_type3A_1005, %cond3A_1007 : i32
      scf.if %cond3A_1008 {
        %dma_wait3A_1079 = arith.constant 0 : i32
        %dma_wait3A_1080 = arith.constant 0 : i32
        %dma_wait3A_1081 = tpu.memref_slice %arg9[%cond3A_1006, %dma_wait3A_1079, %dma_wait3A_1080] : memref<5x64x80xf32, #tpu.memory_space<vmem>> -> memref<1x64x80xf32, #tpu.memory_space<vmem>>
        %dma_wait3A_1082 = tpu.memref_squeeze %dma_wait3A_1081 : memref<1x64x80xf32, #tpu.memory_space<vmem>> -> memref<64x80xf32, #tpu.memory_space<vmem>>
        %dma_wait3A_1083 = arith.constant 0 : i32
        %dma_wait3A_1084 = arith.constant 0 : i32
        %dma_wait3A_1085 = tpu.memref_slice %arg6[%dma_wait3A_1083, %dma_wait3A_1084] : memref<20480x80xf32, #tpu.memory_space<hbm>> -> memref<64x80xf32, #tpu.memory_space<hbm>>
        %dma_wait3A_1086 = arith.constant 0 : i32
        %dma_wait3A_1087 = arith.constant 0 : i32
        %dma_wait3A_1088 = tpu.memref_slice %arg9[%cond3A_1006, %dma_wait3A_1086, %dma_wait3A_1087] : memref<5x64x80xf32, #tpu.memory_space<vmem>> -> memref<1x64x80xf32, #tpu.memory_space<vmem>>
        %dma_wait3A_1089 = tpu.memref_squeeze %dma_wait3A_1088 : memref<1x64x80xf32, #tpu.memory_space<vmem>> -> memref<64x80xf32, #tpu.memory_space<vmem>>
        %dma_wait3A_1090 = arith.constant 0 : i32
        %dma_wait3A_1091 = arith.constant 0 : i32
        %dma_wait3A_1092 = tpu.memref_slice %arg6[%dma_wait3A_1090, %dma_wait3A_1091] : memref<20480x80xf32, #tpu.memory_space<hbm>> -> memref<64x80xf32, #tpu.memory_space<hbm>>
        tpu.wait_dma2 semaphore(%arg19 : memref<!tpu.dma_semaphore, #tpu.memory_space<semaphore_mem>>) src(%dma_wait3A_1092 : memref<64x80xf32, #tpu.memory_space<hbm>>) dst(%dma_wait3A_1089 : memref<64x80xf32, #tpu.memory_space<vmem>>)
        %dma_start3A_1093 = arith.constant 0 : i32
        %dma_start3A_1094 = arith.constant 0 : i32
        %dma_start3A_1095 = arith.constant 0 : i32
        %dma_start3A_1096 = tpu.memref_slice %arg9[%cond3A_1006, %dma_start3A_1094, %dma_start3A_1095] : memref<5x64x80xf32, #tpu.memory_space<vmem>> -> memref<1x64x80xf32, #tpu.memory_space<vmem>>
        %dma_start3A_1097 = tpu.memref_squeeze %dma_start3A_1096 : memref<1x64x80xf32, #tpu.memory_space<vmem>> -> memref<64x80xf32, #tpu.memory_space<vmem>>
        %dma_start3A_1098 = arith.constant 0 : i32
        %dma_start3A_1099 = tpu.memref_slice %arg7[%dma_start3A_1093, %cond3A_1006, %dma_start3A_1098] : memref<4x5x64xi32, #tpu.memory_space<vmem>> -> memref<1x1x64xi32, #tpu.memory_space<vmem>>
        %dma_start3A_1100 = tpu.memref_squeeze %dma_start3A_1099 : memref<1x1x64xi32, #tpu.memory_space<vmem>> -> memref<64xi32, #tpu.memory_space<vmem>>
        %dma_start3A_1101 = arith.constant 0 : i32
        %dma_start3A_1102 = arith.constant 0 : i32
        %dma_start3A_1103 = tpu.memref_slice %arg11[%dma_start3A_1101, %dma_start3A_1102] : memref<10000x80xf32, #tpu.memory_space<vmem_shared>> -> memref<10000x80xf32, #tpu.memory_space<vmem_shared>>
        tpu.enqueue_indirect_dma source(%dma_start3A_1103 : memref<10000x80xf32, #tpu.memory_space<vmem_shared>>) target(%dma_start3A_1097 : memref<64x80xf32, #tpu.memory_space<vmem>>) offsets(%dma_start3A_1100 : memref<64xi32, #tpu.memory_space<vmem>>) semaphore(%arg14 : memref<!tpu.dma_semaphore, #tpu.memory_space<semaphore_mem>>)
      } else {
      }
      %dma_wait3A_1009 = arith.constant 3 : i32
      %dma_wait3A_1010 = arith.constant 0 : i32
      %dma_wait3A_1011 = arith.constant 0 : i32
      %dma_wait3A_1012 = tpu.memref_slice %arg9[%dma_wait3A_1009, %dma_wait3A_1010, %dma_wait3A_1011] : memref<5x64x80xf32, #tpu.memory_space<vmem>> -> memref<1x64x80xf32, #tpu.memory_space<vmem>>
      %dma_wait3A_1013 = tpu.memref_squeeze %dma_wait3A_1012 : memref<1x64x80xf32, #tpu.memory_space<vmem>> -> memref<64x80xf32, #tpu.memory_space<vmem>>
      %dma_wait3A_1014 = arith.constant 0 : i32
      %dma_wait3A_1015 = arith.constant 0 : i32
      %dma_wait3A_1016 = tpu.memref_slice %arg6[%dma_wait3A_1014, %dma_wait3A_1015] : memref<20480x80xf32, #tpu.memory_space<hbm>> -> memref<64x80xf32, #tpu.memory_space<hbm>>
      %dma_wait3A_1017 = arith.constant 0 : i32
      %dma_wait3A_1018 = arith.constant 0 : i32
      %dma_wait3A_1019 = tpu.memref_slice %arg9[%dma_wait3A_1009, %dma_wait3A_1017, %dma_wait3A_1018] : memref<5x64x80xf32, #tpu.memory_space<vmem>> -> memref<1x64x80xf32, #tpu.memory_space<vmem>>
      %dma_wait3A_1020 = tpu.memref_squeeze %dma_wait3A_1019 : memref<1x64x80xf32, #tpu.memory_space<vmem>> -> memref<64x80xf32, #tpu.memory_space<vmem>>
      %dma_wait3A_1021 = arith.constant 0 : i32
      %dma_wait3A_1022 = arith.constant 0 : i32
      %dma_wait3A_1023 = tpu.memref_slice %arg6[%dma_wait3A_1021, %dma_wait3A_1022] : memref<20480x80xf32, #tpu.memory_space<hbm>> -> memref<64x80xf32, #tpu.memory_space<hbm>>
      tpu.wait_dma2 semaphore(%arg15 : memref<!tpu.dma_semaphore, #tpu.memory_space<semaphore_mem>>) src(%dma_wait3A_1023 : memref<64x80xf32, #tpu.memory_space<hbm>>) dst(%dma_wait3A_1020 : memref<64x80xf32, #tpu.memory_space<vmem>>)
      %dma_start3A_1024 = arith.constant 3 : i32
      %dma_start3A_1025 = arith.constant 3 : i32
      %dma_start3A_1026 = arith.constant 3 : i32
      %dma_start3A_1027 = arith.constant 0 : i32
      %dma_start3A_1028 = arith.constant 0 : i32
      %dma_start3A_1029 = tpu.memref_slice %arg9[%dma_start3A_1024, %dma_start3A_1027, %dma_start3A_1028] : memref<5x64x80xf32, #tpu.memory_space<vmem>> -> memref<1x64x80xf32, #tpu.memory_space<vmem>>
      %dma_start3A_1030 = tpu.memref_squeeze %dma_start3A_1029 : memref<1x64x80xf32, #tpu.memory_space<vmem>> -> memref<64x80xf32, #tpu.memory_space<vmem>>
      %dma_start3A_1031 = arith.constant 0 : i32
      %dma_start3A_1032 = tpu.memref_slice %arg8[%dma_start3A_1025, %dma_start3A_1026, %dma_start3A_1031] : memref<4x5x64xi32, #tpu.memory_space<vmem>> -> memref<1x1x64xi32, #tpu.memory_space<vmem>>
      %dma_start3A_1033 = tpu.memref_squeeze %dma_start3A_1032 : memref<1x1x64xi32, #tpu.memory_space<vmem>> -> memref<64xi32, #tpu.memory_space<vmem>>
      %dma_start3A_1034 = arith.constant 0 : i32
      %dma_start3A_1035 = arith.constant 0 : i32
      %dma_start3A_1036 = tpu.memref_slice %arg10[%dma_start3A_1034, %dma_start3A_1035] : memref<10240x80xf32, #tpu.memory_space<vmem_shared>> -> memref<10240x80xf32, #tpu.memory_space<vmem_shared>>
      tpu.enqueue_indirect_dma source(%dma_start3A_1030 : memref<64x80xf32, #tpu.memory_space<vmem>>) target(%dma_start3A_1036 : memref<10240x80xf32, #tpu.memory_space<vmem_shared>>) offsets(%dma_start3A_1033 : memref<64xi32, #tpu.memory_space<vmem>>) semaphore(%arg20 : memref<!tpu.dma_semaphore, #tpu.memory_space<semaphore_mem>>) {add = true}
      %convert_element_type3A_1037 = arith.extui %lt3A_909 : i1 to i32
      %cond3A_1038 = arith.constant 3 : i32
      %cond3A_1039 = arith.constant 0 : i32
      %cond3A_1040 = arith.cmpi ne, %convert_element_type3A_1037, %cond3A_1039 : i32
      scf.if %cond3A_1040 {
        %dma_wait3A_1079 = arith.constant 0 : i32
        %dma_wait3A_1080 = arith.constant 0 : i32
        %dma_wait3A_1081 = tpu.memref_slice %arg9[%cond3A_1038, %dma_wait3A_1079, %dma_wait3A_1080] : memref<5x64x80xf32, #tpu.memory_space<vmem>> -> memref<1x64x80xf32, #tpu.memory_space<vmem>>
        %dma_wait3A_1082 = tpu.memref_squeeze %dma_wait3A_1081 : memref<1x64x80xf32, #tpu.memory_space<vmem>> -> memref<64x80xf32, #tpu.memory_space<vmem>>
        %dma_wait3A_1083 = arith.constant 0 : i32
        %dma_wait3A_1084 = arith.constant 0 : i32
        %dma_wait3A_1085 = tpu.memref_slice %arg6[%dma_wait3A_1083, %dma_wait3A_1084] : memref<20480x80xf32, #tpu.memory_space<hbm>> -> memref<64x80xf32, #tpu.memory_space<hbm>>
        %dma_wait3A_1086 = arith.constant 0 : i32
        %dma_wait3A_1087 = arith.constant 0 : i32
        %dma_wait3A_1088 = tpu.memref_slice %arg9[%cond3A_1038, %dma_wait3A_1086, %dma_wait3A_1087] : memref<5x64x80xf32, #tpu.memory_space<vmem>> -> memref<1x64x80xf32, #tpu.memory_space<vmem>>
        %dma_wait3A_1089 = tpu.memref_squeeze %dma_wait3A_1088 : memref<1x64x80xf32, #tpu.memory_space<vmem>> -> memref<64x80xf32, #tpu.memory_space<vmem>>
        %dma_wait3A_1090 = arith.constant 0 : i32
        %dma_wait3A_1091 = arith.constant 0 : i32
        %dma_wait3A_1092 = tpu.memref_slice %arg6[%dma_wait3A_1090, %dma_wait3A_1091] : memref<20480x80xf32, #tpu.memory_space<hbm>> -> memref<64x80xf32, #tpu.memory_space<hbm>>
        tpu.wait_dma2 semaphore(%arg20 : memref<!tpu.dma_semaphore, #tpu.memory_space<semaphore_mem>>) src(%dma_wait3A_1092 : memref<64x80xf32, #tpu.memory_space<hbm>>) dst(%dma_wait3A_1089 : memref<64x80xf32, #tpu.memory_space<vmem>>)
        %dma_start3A_1093 = arith.constant 0 : i32
        %dma_start3A_1094 = arith.constant 0 : i32
        %dma_start3A_1095 = arith.constant 0 : i32
        %dma_start3A_1096 = tpu.memref_slice %arg9[%cond3A_1038, %dma_start3A_1094, %dma_start3A_1095] : memref<5x64x80xf32, #tpu.memory_space<vmem>> -> memref<1x64x80xf32, #tpu.memory_space<vmem>>
        %dma_start3A_1097 = tpu.memref_squeeze %dma_start3A_1096 : memref<1x64x80xf32, #tpu.memory_space<vmem>> -> memref<64x80xf32, #tpu.memory_space<vmem>>
        %dma_start3A_1098 = arith.constant 0 : i32
        %dma_start3A_1099 = tpu.memref_slice %arg7[%dma_start3A_1093, %cond3A_1038, %dma_start3A_1098] : memref<4x5x64xi32, #tpu.memory_space<vmem>> -> memref<1x1x64xi32, #tpu.memory_space<vmem>>
        %dma_start3A_1100 = tpu.memref_squeeze %dma_start3A_1099 : memref<1x1x64xi32, #tpu.memory_space<vmem>> -> memref<64xi32, #tpu.memory_space<vmem>>
        %dma_start3A_1101 = arith.constant 0 : i32
        %dma_start3A_1102 = arith.constant 0 : i32
        %dma_start3A_1103 = tpu.memref_slice %arg11[%dma_start3A_1101, %dma_start3A_1102] : memref<10000x80xf32, #tpu.memory_space<vmem_shared>> -> memref<10000x80xf32, #tpu.memory_space<vmem_shared>>
        tpu.enqueue_indirect_dma source(%dma_start3A_1103 : memref<10000x80xf32, #tpu.memory_space<vmem_shared>>) target(%dma_start3A_1097 : memref<64x80xf32, #tpu.memory_space<vmem>>) offsets(%dma_start3A_1100 : memref<64xi32, #tpu.memory_space<vmem>>) semaphore(%arg15 : memref<!tpu.dma_semaphore, #tpu.memory_space<semaphore_mem>>)
      } else {
      }
      %dma_wait3A_1041 = arith.constant 4 : i32
      %dma_wait3A_1042 = arith.constant 0 : i32
      %dma_wait3A_1043 = arith.constant 0 : i32
      %dma_wait3A_1044 = tpu.memref_slice %arg9[%dma_wait3A_1041, %dma_wait3A_1042, %dma_wait3A_1043] : memref<5x64x80xf32, #tpu.memory_space<vmem>> -> memref<1x64x80xf32, #tpu.memory_space<vmem>>
      %dma_wait3A_1045 = tpu.memref_squeeze %dma_wait3A_1044 : memref<1x64x80xf32, #tpu.memory_space<vmem>> -> memref<64x80xf32, #tpu.memory_space<vmem>>
      %dma_wait3A_1046 = arith.constant 0 : i32
      %dma_wait3A_1047 = arith.constant 0 : i32
      %dma_wait3A_1048 = tpu.memref_slice %arg6[%dma_wait3A_1046, %dma_wait3A_1047] : memref<20480x80xf32, #tpu.memory_space<hbm>> -> memref<64x80xf32, #tpu.memory_space<hbm>>
      %dma_wait3A_1049 = arith.constant 0 : i32
      %dma_wait3A_1050 = arith.constant 0 : i32
      %dma_wait3A_1051 = tpu.memref_slice %arg9[%dma_wait3A_1041, %dma_wait3A_1049, %dma_wait3A_1050] : memref<5x64x80xf32, #tpu.memory_space<vmem>> -> memref<1x64x80xf32, #tpu.memory_space<vmem>>
      %dma_wait3A_1052 = tpu.memref_squeeze %dma_wait3A_1051 : memref<1x64x80xf32, #tpu.memory_space<vmem>> -> memref<64x80xf32, #tpu.memory_space<vmem>>
      %dma_wait3A_1053 = arith.constant 0 : i32
      %dma_wait3A_1054 = arith.constant 0 : i32
      %dma_wait3A_1055 = tpu.memref_slice %arg6[%dma_wait3A_1053, %dma_wait3A_1054] : memref<20480x80xf32, #tpu.memory_space<hbm>> -> memref<64x80xf32, #tpu.memory_space<hbm>>
      tpu.wait_dma2 semaphore(%arg16 : memref<!tpu.dma_semaphore, #tpu.memory_space<semaphore_mem>>) src(%dma_wait3A_1055 : memref<64x80xf32, #tpu.memory_space<hbm>>) dst(%dma_wait3A_1052 : memref<64x80xf32, #tpu.memory_space<vmem>>)
      %dma_start3A_1056 = arith.constant 4 : i32
      %dma_start3A_1057 = arith.constant 3 : i32
      %dma_start3A_1058 = arith.constant 4 : i32
      %dma_start3A_1059 = arith.constant 0 : i32
      %dma_start3A_1060 = arith.constant 0 : i32
      %dma_start3A_1061 = tpu.memref_slice %arg9[%dma_start3A_1056, %dma_start3A_1059, %dma_start3A_1060] : memref<5x64x80xf32, #tpu.memory_space<vmem>> -> memref<1x64x80xf32, #tpu.memory_space<vmem>>
      %dma_start3A_1062 = tpu.memref_squeeze %dma_start3A_1061 : memref<1x64x80xf32, #tpu.memory_space<vmem>> -> memref<64x80xf32, #tpu.memory_space<vmem>>
      %dma_start3A_1063 = arith.constant 0 : i32
      %dma_start3A_1064 = tpu.memref_slice %arg8[%dma_start3A_1057, %dma_start3A_1058, %dma_start3A_1063] : memref<4x5x64xi32, #tpu.memory_space<vmem>> -> memref<1x1x64xi32, #tpu.memory_space<vmem>>
      %dma_start3A_1065 = tpu.memref_squeeze %dma_start3A_1064 : memref<1x1x64xi32, #tpu.memory_space<vmem>> -> memref<64xi32, #tpu.memory_space<vmem>>
      %dma_start3A_1066 = arith.constant 0 : i32
      %dma_start3A_1067 = arith.constant 0 : i32
      %dma_start3A_1068 = tpu.memref_slice %arg10[%dma_start3A_1066, %dma_start3A_1067] : memref<10240x80xf32, #tpu.memory_space<vmem_shared>> -> memref<10240x80xf32, #tpu.memory_space<vmem_shared>>
      tpu.enqueue_indirect_dma source(%dma_start3A_1062 : memref<64x80xf32, #tpu.memory_space<vmem>>) target(%dma_start3A_1068 : memref<10240x80xf32, #tpu.memory_space<vmem_shared>>) offsets(%dma_start3A_1065 : memref<64xi32, #tpu.memory_space<vmem>>) semaphore(%arg21 : memref<!tpu.dma_semaphore, #tpu.memory_space<semaphore_mem>>) {add = true}
      %convert_element_type3A_1069 = arith.extui %lt3A_909 : i1 to i32
      %cond3A_1070 = arith.constant 4 : i32
      %cond3A_1071 = arith.constant 0 : i32
      %cond3A_1072 = arith.cmpi ne, %convert_element_type3A_1069, %cond3A_1071 : i32
      scf.if %cond3A_1072 {
        %dma_wait3A_1079 = arith.constant 0 : i32
        %dma_wait3A_1080 = arith.constant 0 : i32
        %dma_wait3A_1081 = tpu.memref_slice %arg9[%cond3A_1070, %dma_wait3A_1079, %dma_wait3A_1080] : memref<5x64x80xf32, #tpu.memory_space<vmem>> -> memref<1x64x80xf32, #tpu.memory_space<vmem>>
        %dma_wait3A_1082 = tpu.memref_squeeze %dma_wait3A_1081 : memref<1x64x80xf32, #tpu.memory_space<vmem>> -> memref<64x80xf32, #tpu.memory_space<vmem>>
        %dma_wait3A_1083 = arith.constant 0 : i32
        %dma_wait3A_1084 = arith.constant 0 : i32
        %dma_wait3A_1085 = tpu.memref_slice %arg6[%dma_wait3A_1083, %dma_wait3A_1084] : memref<20480x80xf32, #tpu.memory_space<hbm>> -> memref<64x80xf32, #tpu.memory_space<hbm>>
        %dma_wait3A_1086 = arith.constant 0 : i32
        %dma_wait3A_1087 = arith.constant 0 : i32
        %dma_wait3A_1088 = tpu.memref_slice %arg9[%cond3A_1070, %dma_wait3A_1086, %dma_wait3A_1087] : memref<5x64x80xf32, #tpu.memory_space<vmem>> -> memref<1x64x80xf32, #tpu.memory_space<vmem>>
        %dma_wait3A_1089 = tpu.memref_squeeze %dma_wait3A_1088 : memref<1x64x80xf32, #tpu.memory_space<vmem>> -> memref<64x80xf32, #tpu.memory_space<vmem>>
        %dma_wait3A_1090 = arith.constant 0 : i32
        %dma_wait3A_1091 = arith.constant 0 : i32
        %dma_wait3A_1092 = tpu.memref_slice %arg6[%dma_wait3A_1090, %dma_wait3A_1091] : memref<20480x80xf32, #tpu.memory_space<hbm>> -> memref<64x80xf32, #tpu.memory_space<hbm>>
        tpu.wait_dma2 semaphore(%arg21 : memref<!tpu.dma_semaphore, #tpu.memory_space<semaphore_mem>>) src(%dma_wait3A_1092 : memref<64x80xf32, #tpu.memory_space<hbm>>) dst(%dma_wait3A_1089 : memref<64x80xf32, #tpu.memory_space<vmem>>)
        %dma_start3A_1093 = arith.constant 0 : i32
        %dma_start3A_1094 = arith.constant 0 : i32
        %dma_start3A_1095 = arith.constant 0 : i32
        %dma_start3A_1096 = tpu.memref_slice %arg9[%cond3A_1070, %dma_start3A_1094, %dma_start3A_1095] : memref<5x64x80xf32, #tpu.memory_space<vmem>> -> memref<1x64x80xf32, #tpu.memory_space<vmem>>
        %dma_start3A_1097 = tpu.memref_squeeze %dma_start3A_1096 : memref<1x64x80xf32, #tpu.memory_space<vmem>> -> memref<64x80xf32, #tpu.memory_space<vmem>>
        %dma_start3A_1098 = arith.constant 0 : i32
        %dma_start3A_1099 = tpu.memref_slice %arg7[%dma_start3A_1093, %cond3A_1070, %dma_start3A_1098] : memref<4x5x64xi32, #tpu.memory_space<vmem>> -> memref<1x1x64xi32, #tpu.memory_space<vmem>>
        %dma_start3A_1100 = tpu.memref_squeeze %dma_start3A_1099 : memref<1x1x64xi32, #tpu.memory_space<vmem>> -> memref<64xi32, #tpu.memory_space<vmem>>
        %dma_start3A_1101 = arith.constant 0 : i32
        %dma_start3A_1102 = arith.constant 0 : i32
        %dma_start3A_1103 = tpu.memref_slice %arg11[%dma_start3A_1101, %dma_start3A_1102] : memref<10000x80xf32, #tpu.memory_space<vmem_shared>> -> memref<10000x80xf32, #tpu.memory_space<vmem_shared>>
        tpu.enqueue_indirect_dma source(%dma_start3A_1103 : memref<10000x80xf32, #tpu.memory_space<vmem_shared>>) target(%dma_start3A_1097 : memref<64x80xf32, #tpu.memory_space<vmem>>) offsets(%dma_start3A_1100 : memref<64xi32, #tpu.memory_space<vmem>>) semaphore(%arg16 : memref<!tpu.dma_semaphore, #tpu.memory_space<semaphore_mem>>)
      } else {
      }
      %add3A_1073 = arith.constant 3 : i32
      %add3A_1074 = arith.addi %add3A_906, %add3A_1073 : i32
      %lt3A_1075 = arith.cmpi slt, %add3A_1074, %select_n3A_63 : i32
      %convert_element_type3A_1076 = arith.extui %lt3A_1075 : i1 to i32
      %cond3A_1077 = arith.constant 0 : i32
      %cond3A_1078 = arith.cmpi ne, %convert_element_type3A_1076, %cond3A_1077 : i32
      scf.if %cond3A_1078 {
        %add3A_1079 = arith.constant 3 : i32
        %add3A_1080 = arith.addi %add3A_906, %add3A_1079 : i32
        %mul3A_1081 = arith.constant 5 : i32
        %mul3A_1082 = arith.muli %add3A_1080, %mul3A_1081 : i32
        %add3A_1083 = arith.addi %mul3A_43, %mul3A_1082 : i32
        %dma_start3A_1084 = arith.constant 2 : i32
        %dma_start3A_1085 = arith.constant 0 : i32
        %dma_start3A_1086 = arith.constant 0 : i32
        %dma_start3A_1087 = tpu.memref_slice %arg7[%dma_start3A_1084, %dma_start3A_1085, %dma_start3A_1086] : memref<4x5x64xi32, #tpu.memory_space<vmem>> -> memref<1x5x64xi32, #tpu.memory_space<vmem>>
        %dma_start3A_1088 = tpu.memref_squeeze %dma_start3A_1087 : memref<1x5x64xi32, #tpu.memory_space<vmem>> -> memref<5x64xi32, #tpu.memory_space<vmem>>
        %dma_start3A_1089 = arith.constant 0 : i32
        %dma_start3A_1090 = tpu.memref_slice %arg3[%add3A_1083, %dma_start3A_1089] : memref<5000x64xi32, #tpu.memory_space<hbm>> -> memref<5x64xi32, #tpu.memory_space<hbm>>
        %dma_start3A_1091 = arith.constant 0 : i32
        %dma_start3A_1092 = arith.constant 0 : i32
        %dma_start3A_1093 = tpu.memref_slice %arg7[%dma_start3A_1084, %dma_start3A_1091, %dma_start3A_1092] : memref<4x5x64xi32, #tpu.memory_space<vmem>> -> memref<1x5x64xi32, #tpu.memory_space<vmem>>
        %dma_start3A_1094 = tpu.memref_squeeze %dma_start3A_1093 : memref<1x5x64xi32, #tpu.memory_space<vmem>> -> memref<5x64xi32, #tpu.memory_space<vmem>>
        %dma_start3A_1095 = arith.constant 0 : i32
        %dma_start3A_1096 = tpu.memref_slice %arg3[%add3A_1083, %dma_start3A_1095] : memref<5000x64xi32, #tpu.memory_space<hbm>> -> memref<5x64xi32, #tpu.memory_space<hbm>>
        tpu.enqueue_dma source(%dma_start3A_1096 : memref<5x64xi32, #tpu.memory_space<hbm>>) target(%dma_start3A_1094 : memref<5x64xi32, #tpu.memory_space<vmem>>) target_semaphore(%arg24 : memref<!tpu.dma_semaphore, #tpu.memory_space<semaphore_mem>>)
        %mul3A_1097 = arith.constant 5 : i32
        %mul3A_1098 = arith.muli %add3A_1080, %mul3A_1097 : i32
        %add3A_1099 = arith.addi %mul3A_43, %mul3A_1098 : i32
        %dma_start3A_1100 = arith.constant 2 : i32
        %dma_start3A_1101 = arith.constant 0 : i32
        %dma_start3A_1102 = arith.constant 0 : i32
        %dma_start3A_1103 = tpu.memref_slice %arg8[%dma_start3A_1100, %dma_start3A_1101, %dma_start3A_1102] : memref<4x5x64xi32, #tpu.memory_space<vmem>> -> memref<1x5x64xi32, #tpu.memory_space<vmem>>
        %dma_start3A_1104 = tpu.memref_squeeze %dma_start3A_1103 : memref<1x5x64xi32, #tpu.memory_space<vmem>> -> memref<5x64xi32, #tpu.memory_space<vmem>>
        %dma_start3A_1105 = arith.constant 0 : i32
        %dma_start3A_1106 = tpu.memref_slice %arg4[%add3A_1099, %dma_start3A_1105] : memref<5000x64xi32, #tpu.memory_space<hbm>> -> memref<5x64xi32, #tpu.memory_space<hbm>>
        %dma_start3A_1107 = arith.constant 0 : i32
        %dma_start3A_1108 = arith.constant 0 : i32
        %dma_start3A_1109 = tpu.memref_slice %arg8[%dma_start3A_1100, %dma_start3A_1107, %dma_start3A_1108] : memref<4x5x64xi32, #tpu.memory_space<vmem>> -> memref<1x5x64xi32, #tpu.memory_space<vmem>>
        %dma_start3A_1110 = tpu.memref_squeeze %dma_start3A_1109 : memref<1x5x64xi32, #tpu.memory_space<vmem>> -> memref<5x64xi32, #tpu.memory_space<vmem>>
        %dma_start3A_1111 = arith.constant 0 : i32
        %dma_start3A_1112 = tpu.memref_slice %arg4[%add3A_1099, %dma_start3A_1111] : memref<5000x64xi32, #tpu.memory_space<hbm>> -> memref<5x64xi32, #tpu.memory_space<hbm>>
        tpu.enqueue_dma source(%dma_start3A_1112 : memref<5x64xi32, #tpu.memory_space<hbm>>) target(%dma_start3A_1110 : memref<5x64xi32, #tpu.memory_space<vmem>>) target_semaphore(%arg28 : memref<!tpu.dma_semaphore, #tpu.memory_space<semaphore_mem>>)
      } else {
      }
    }
    %while3A_293 = arith.constant 1 : i32
    scf.for %while3A_377 = %while3A_291 to %while3A_287 step %while3A_293  : i32 {
      %mul3A_378 = arith.constant 4 : i32
      %mul3A_379 = arith.muli %while3A_377, %mul3A_378 : i32
      %add3A_380 = arith.constant 0 : i32
      %add3A_381 = arith.addi %mul3A_379, %add3A_380 : i32
      %add3A_382 = arith.constant 1 : i32
      %add3A_383 = arith.addi %add3A_381, %add3A_382 : i32
      %lt3A = arith.cmpi slt, %add3A_383, %select_n3A_63 : i32
      %convert_element_type3A = arith.extui %lt3A : i1 to i32
      %cond3A = arith.constant 0 : i32
      %cond3A_384 = arith.cmpi ne, %convert_element_type3A, %cond3A : i32
      scf.if %cond3A_384 {
        %dma_wait3A_1079 = arith.constant 1 : i32
        %dma_wait3A_1080 = arith.constant 0 : i32
        %dma_wait3A_1081 = arith.constant 0 : i32
        %dma_wait3A_1082 = tpu.memref_slice %arg7[%dma_wait3A_1079, %dma_wait3A_1080, %dma_wait3A_1081] : memref<4x5x64xi32, #tpu.memory_space<vmem>> -> memref<1x5x64xi32, #tpu.memory_space<vmem>>
        %dma_wait3A_1083 = tpu.memref_squeeze %dma_wait3A_1082 : memref<1x5x64xi32, #tpu.memory_space<vmem>> -> memref<5x64xi32, #tpu.memory_space<vmem>>
        %dma_wait3A_1084 = arith.constant 0 : i32
        %dma_wait3A_1085 = arith.constant 0 : i32
        %dma_wait3A_1086 = tpu.memref_slice %arg3[%dma_wait3A_1084, %dma_wait3A_1085] : memref<5000x64xi32, #tpu.memory_space<hbm>> -> memref<5x64xi32, #tpu.memory_space<hbm>>
        %dma_wait3A_1087 = arith.constant 0 : i32
        %dma_wait3A_1088 = arith.constant 0 : i32
        %dma_wait3A_1089 = tpu.memref_slice %arg7[%dma_wait3A_1079, %dma_wait3A_1087, %dma_wait3A_1088] : memref<4x5x64xi32, #tpu.memory_space<vmem>> -> memref<1x5x64xi32, #tpu.memory_space<vmem>>
        %dma_wait3A_1090 = tpu.memref_squeeze %dma_wait3A_1089 : memref<1x5x64xi32, #tpu.memory_space<vmem>> -> memref<5x64xi32, #tpu.memory_space<vmem>>
        %dma_wait3A_1091 = arith.constant 0 : i32
        %dma_wait3A_1092 = arith.constant 0 : i32
        %dma_wait3A_1093 = tpu.memref_slice %arg3[%dma_wait3A_1091, %dma_wait3A_1092] : memref<5000x64xi32, #tpu.memory_space<hbm>> -> memref<5x64xi32, #tpu.memory_space<hbm>>
        tpu.wait_dma2 semaphore(%arg23 : memref<!tpu.dma_semaphore, #tpu.memory_space<semaphore_mem>>) src(%dma_wait3A_1093 : memref<5x64xi32, #tpu.memory_space<hbm>>) dst(%dma_wait3A_1090 : memref<5x64xi32, #tpu.memory_space<vmem>>)
        %dma_wait3A_1094 = arith.constant 1 : i32
        %dma_wait3A_1095 = arith.constant 0 : i32
        %dma_wait3A_1096 = arith.constant 0 : i32
        %dma_wait3A_1097 = tpu.memref_slice %arg8[%dma_wait3A_1094, %dma_wait3A_1095, %dma_wait3A_1096] : memref<4x5x64xi32, #tpu.memory_space<vmem>> -> memref<1x5x64xi32, #tpu.memory_space<vmem>>
        %dma_wait3A_1098 = tpu.memref_squeeze %dma_wait3A_1097 : memref<1x5x64xi32, #tpu.memory_space<vmem>> -> memref<5x64xi32, #tpu.memory_space<vmem>>
        %dma_wait3A_1099 = arith.constant 0 : i32
        %dma_wait3A_1100 = arith.constant 0 : i32
        %dma_wait3A_1101 = tpu.memref_slice %arg4[%dma_wait3A_1099, %dma_wait3A_1100] : memref<5000x64xi32, #tpu.memory_space<hbm>> -> memref<5x64xi32, #tpu.memory_space<hbm>>
        %dma_wait3A_1102 = arith.constant 0 : i32
        %dma_wait3A_1103 = arith.constant 0 : i32
        %dma_wait3A_1104 = tpu.memref_slice %arg8[%dma_wait3A_1094, %dma_wait3A_1102, %dma_wait3A_1103] : memref<4x5x64xi32, #tpu.memory_space<vmem>> -> memref<1x5x64xi32, #tpu.memory_space<vmem>>
        %dma_wait3A_1105 = tpu.memref_squeeze %dma_wait3A_1104 : memref<1x5x64xi32, #tpu.memory_space<vmem>> -> memref<5x64xi32, #tpu.memory_space<vmem>>
        %dma_wait3A_1106 = arith.constant 0 : i32
        %dma_wait3A_1107 = arith.constant 0 : i32
        %dma_wait3A_1108 = tpu.memref_slice %arg4[%dma_wait3A_1106, %dma_wait3A_1107] : memref<5000x64xi32, #tpu.memory_space<hbm>> -> memref<5x64xi32, #tpu.memory_space<hbm>>
        tpu.wait_dma2 semaphore(%arg27 : memref<!tpu.dma_semaphore, #tpu.memory_space<semaphore_mem>>) src(%dma_wait3A_1108 : memref<5x64xi32, #tpu.memory_space<hbm>>) dst(%dma_wait3A_1105 : memref<5x64xi32, #tpu.memory_space<vmem>>)
      } else {
      }
      %dma_wait3A_385 = arith.constant 0 : i32
      %dma_wait3A_386 = arith.constant 0 : i32
      %dma_wait3A_387 = arith.constant 0 : i32
      %dma_wait3A_388 = tpu.memref_slice %arg9[%dma_wait3A_385, %dma_wait3A_386, %dma_wait3A_387] : memref<5x64x80xf32, #tpu.memory_space<vmem>> -> memref<1x64x80xf32, #tpu.memory_space<vmem>>
      %dma_wait3A_389 = tpu.memref_squeeze %dma_wait3A_388 : memref<1x64x80xf32, #tpu.memory_space<vmem>> -> memref<64x80xf32, #tpu.memory_space<vmem>>
      %dma_wait3A_390 = arith.constant 0 : i32
      %dma_wait3A_391 = arith.constant 0 : i32
      %dma_wait3A_392 = tpu.memref_slice %arg6[%dma_wait3A_390, %dma_wait3A_391] : memref<20480x80xf32, #tpu.memory_space<hbm>> -> memref<64x80xf32, #tpu.memory_space<hbm>>
      %dma_wait3A_393 = arith.constant 0 : i32
      %dma_wait3A_394 = arith.constant 0 : i32
      %dma_wait3A_395 = tpu.memref_slice %arg9[%dma_wait3A_385, %dma_wait3A_393, %dma_wait3A_394] : memref<5x64x80xf32, #tpu.memory_space<vmem>> -> memref<1x64x80xf32, #tpu.memory_space<vmem>>
      %dma_wait3A_396 = tpu.memref_squeeze %dma_wait3A_395 : memref<1x64x80xf32, #tpu.memory_space<vmem>> -> memref<64x80xf32, #tpu.memory_space<vmem>>
      %dma_wait3A_397 = arith.constant 0 : i32
      %dma_wait3A_398 = arith.constant 0 : i32
      %dma_wait3A_399 = tpu.memref_slice %arg6[%dma_wait3A_397, %dma_wait3A_398] : memref<20480x80xf32, #tpu.memory_space<hbm>> -> memref<64x80xf32, #tpu.memory_space<hbm>>
      tpu.wait_dma2 semaphore(%arg12 : memref<!tpu.dma_semaphore, #tpu.memory_space<semaphore_mem>>) src(%dma_wait3A_399 : memref<64x80xf32, #tpu.memory_space<hbm>>) dst(%dma_wait3A_396 : memref<64x80xf32, #tpu.memory_space<vmem>>)
      %dma_start3A_400 = arith.constant 0 : i32
      %dma_start3A_401 = arith.constant 0 : i32
      %dma_start3A_402 = arith.constant 0 : i32
      %dma_start3A_403 = arith.constant 0 : i32
      %dma_start3A_404 = arith.constant 0 : i32
      %dma_start3A_405 = tpu.memref_slice %arg9[%dma_start3A_400, %dma_start3A_403, %dma_start3A_404] : memref<5x64x80xf32, #tpu.memory_space<vmem>> -> memref<1x64x80xf32, #tpu.memory_space<vmem>>
      %dma_start3A_406 = tpu.memref_squeeze %dma_start3A_405 : memref<1x64x80xf32, #tpu.memory_space<vmem>> -> memref<64x80xf32, #tpu.memory_space<vmem>>
      %dma_start3A_407 = arith.constant 0 : i32
      %dma_start3A_408 = tpu.memref_slice %arg8[%dma_start3A_401, %dma_start3A_402, %dma_start3A_407] : memref<4x5x64xi32, #tpu.memory_space<vmem>> -> memref<1x1x64xi32, #tpu.memory_space<vmem>>
      %dma_start3A_409 = tpu.memref_squeeze %dma_start3A_408 : memref<1x1x64xi32, #tpu.memory_space<vmem>> -> memref<64xi32, #tpu.memory_space<vmem>>
      %dma_start3A_410 = arith.constant 0 : i32
      %dma_start3A_411 = arith.constant 0 : i32
      %dma_start3A_412 = tpu.memref_slice %arg10[%dma_start3A_410, %dma_start3A_411] : memref<10240x80xf32, #tpu.memory_space<vmem_shared>> -> memref<10240x80xf32, #tpu.memory_space<vmem_shared>>
      tpu.enqueue_indirect_dma source(%dma_start3A_406 : memref<64x80xf32, #tpu.memory_space<vmem>>) target(%dma_start3A_412 : memref<10240x80xf32, #tpu.memory_space<vmem_shared>>) offsets(%dma_start3A_409 : memref<64xi32, #tpu.memory_space<vmem>>) semaphore(%arg17 : memref<!tpu.dma_semaphore, #tpu.memory_space<semaphore_mem>>) {add = true}
      %convert_element_type3A_413 = arith.extui %lt3A : i1 to i32
      %cond3A_414 = arith.constant 0 : i32
      %cond3A_415 = arith.constant 0 : i32
      %cond3A_416 = arith.cmpi ne, %convert_element_type3A_413, %cond3A_415 : i32
      scf.if %cond3A_416 {
        %dma_wait3A_1079 = arith.constant 0 : i32
        %dma_wait3A_1080 = arith.constant 0 : i32
        %dma_wait3A_1081 = tpu.memref_slice %arg9[%cond3A_414, %dma_wait3A_1079, %dma_wait3A_1080] : memref<5x64x80xf32, #tpu.memory_space<vmem>> -> memref<1x64x80xf32, #tpu.memory_space<vmem>>
        %dma_wait3A_1082 = tpu.memref_squeeze %dma_wait3A_1081 : memref<1x64x80xf32, #tpu.memory_space<vmem>> -> memref<64x80xf32, #tpu.memory_space<vmem>>
        %dma_wait3A_1083 = arith.constant 0 : i32
        %dma_wait3A_1084 = arith.constant 0 : i32
        %dma_wait3A_1085 = tpu.memref_slice %arg6[%dma_wait3A_1083, %dma_wait3A_1084] : memref<20480x80xf32, #tpu.memory_space<hbm>> -> memref<64x80xf32, #tpu.memory_space<hbm>>
        %dma_wait3A_1086 = arith.constant 0 : i32
        %dma_wait3A_1087 = arith.constant 0 : i32
        %dma_wait3A_1088 = tpu.memref_slice %arg9[%cond3A_414, %dma_wait3A_1086, %dma_wait3A_1087] : memref<5x64x80xf32, #tpu.memory_space<vmem>> -> memref<1x64x80xf32, #tpu.memory_space<vmem>>
        %dma_wait3A_1089 = tpu.memref_squeeze %dma_wait3A_1088 : memref<1x64x80xf32, #tpu.memory_space<vmem>> -> memref<64x80xf32, #tpu.memory_space<vmem>>
        %dma_wait3A_1090 = arith.constant 0 : i32
        %dma_wait3A_1091 = arith.constant 0 : i32
        %dma_wait3A_1092 = tpu.memref_slice %arg6[%dma_wait3A_1090, %dma_wait3A_1091] : memref<20480x80xf32, #tpu.memory_space<hbm>> -> memref<64x80xf32, #tpu.memory_space<hbm>>
        tpu.wait_dma2 semaphore(%arg17 : memref<!tpu.dma_semaphore, #tpu.memory_space<semaphore_mem>>) src(%dma_wait3A_1092 : memref<64x80xf32, #tpu.memory_space<hbm>>) dst(%dma_wait3A_1089 : memref<64x80xf32, #tpu.memory_space<vmem>>)
        %dma_start3A_1093 = arith.constant 1 : i32
        %dma_start3A_1094 = arith.constant 0 : i32
        %dma_start3A_1095 = arith.constant 0 : i32
        %dma_start3A_1096 = tpu.memref_slice %arg9[%cond3A_414, %dma_start3A_1094, %dma_start3A_1095] : memref<5x64x80xf32, #tpu.memory_space<vmem>> -> memref<1x64x80xf32, #tpu.memory_space<vmem>>
        %dma_start3A_1097 = tpu.memref_squeeze %dma_start3A_1096 : memref<1x64x80xf32, #tpu.memory_space<vmem>> -> memref<64x80xf32, #tpu.memory_space<vmem>>
        %dma_start3A_1098 = arith.constant 0 : i32
        %dma_start3A_1099 = tpu.memref_slice %arg7[%dma_start3A_1093, %cond3A_414, %dma_start3A_1098] : memref<4x5x64xi32, #tpu.memory_space<vmem>> -> memref<1x1x64xi32, #tpu.memory_space<vmem>>
        %dma_start3A_1100 = tpu.memref_squeeze %dma_start3A_1099 : memref<1x1x64xi32, #tpu.memory_space<vmem>> -> memref<64xi32, #tpu.memory_space<vmem>>
        %dma_start3A_1101 = arith.constant 0 : i32
        %dma_start3A_1102 = arith.constant 0 : i32
        %dma_start3A_1103 = tpu.memref_slice %arg11[%dma_start3A_1101, %dma_start3A_1102] : memref<10000x80xf32, #tpu.memory_space<vmem_shared>> -> memref<10000x80xf32, #tpu.memory_space<vmem_shared>>
        tpu.enqueue_indirect_dma source(%dma_start3A_1103 : memref<10000x80xf32, #tpu.memory_space<vmem_shared>>) target(%dma_start3A_1097 : memref<64x80xf32, #tpu.memory_space<vmem>>) offsets(%dma_start3A_1100 : memref<64xi32, #tpu.memory_space<vmem>>) semaphore(%arg12 : memref<!tpu.dma_semaphore, #tpu.memory_space<semaphore_mem>>)
      } else {
      }
      %dma_wait3A_417 = arith.constant 1 : i32
      %dma_wait3A_418 = arith.constant 0 : i32
      %dma_wait3A_419 = arith.constant 0 : i32
      %dma_wait3A_420 = tpu.memref_slice %arg9[%dma_wait3A_417, %dma_wait3A_418, %dma_wait3A_419] : memref<5x64x80xf32, #tpu.memory_space<vmem>> -> memref<1x64x80xf32, #tpu.memory_space<vmem>>
      %dma_wait3A_421 = tpu.memref_squeeze %dma_wait3A_420 : memref<1x64x80xf32, #tpu.memory_space<vmem>> -> memref<64x80xf32, #tpu.memory_space<vmem>>
      %dma_wait3A_422 = arith.constant 0 : i32
      %dma_wait3A_423 = arith.constant 0 : i32
      %dma_wait3A_424 = tpu.memref_slice %arg6[%dma_wait3A_422, %dma_wait3A_423] : memref<20480x80xf32, #tpu.memory_space<hbm>> -> memref<64x80xf32, #tpu.memory_space<hbm>>
      %dma_wait3A_425 = arith.constant 0 : i32
      %dma_wait3A_426 = arith.constant 0 : i32
      %dma_wait3A_427 = tpu.memref_slice %arg9[%dma_wait3A_417, %dma_wait3A_425, %dma_wait3A_426] : memref<5x64x80xf32, #tpu.memory_space<vmem>> -> memref<1x64x80xf32, #tpu.memory_space<vmem>>
      %dma_wait3A_428 = tpu.memref_squeeze %dma_wait3A_427 : memref<1x64x80xf32, #tpu.memory_space<vmem>> -> memref<64x80xf32, #tpu.memory_space<vmem>>
      %dma_wait3A_429 = arith.constant 0 : i32
      %dma_wait3A_430 = arith.constant 0 : i32
      %dma_wait3A_431 = tpu.memref_slice %arg6[%dma_wait3A_429, %dma_wait3A_430] : memref<20480x80xf32, #tpu.memory_space<hbm>> -> memref<64x80xf32, #tpu.memory_space<hbm>>
      tpu.wait_dma2 semaphore(%arg13 : memref<!tpu.dma_semaphore, #tpu.memory_space<semaphore_mem>>) src(%dma_wait3A_431 : memref<64x80xf32, #tpu.memory_space<hbm>>) dst(%dma_wait3A_428 : memref<64x80xf32, #tpu.memory_space<vmem>>)
      %dma_start3A_432 = arith.constant 1 : i32
      %dma_start3A_433 = arith.constant 0 : i32
      %dma_start3A_434 = arith.constant 1 : i32
      %dma_start3A_435 = arith.constant 0 : i32
      %dma_start3A_436 = arith.constant 0 : i32
      %dma_start3A_437 = tpu.memref_slice %arg9[%dma_start3A_432, %dma_start3A_435, %dma_start3A_436] : memref<5x64x80xf32, #tpu.memory_space<vmem>> -> memref<1x64x80xf32, #tpu.memory_space<vmem>>
      %dma_start3A_438 = tpu.memref_squeeze %dma_start3A_437 : memref<1x64x80xf32, #tpu.memory_space<vmem>> -> memref<64x80xf32, #tpu.memory_space<vmem>>
      %dma_start3A_439 = arith.constant 0 : i32
      %dma_start3A_440 = tpu.memref_slice %arg8[%dma_start3A_433, %dma_start3A_434, %dma_start3A_439] : memref<4x5x64xi32, #tpu.memory_space<vmem>> -> memref<1x1x64xi32, #tpu.memory_space<vmem>>
      %dma_start3A_441 = tpu.memref_squeeze %dma_start3A_440 : memref<1x1x64xi32, #tpu.memory_space<vmem>> -> memref<64xi32, #tpu.memory_space<vmem>>
      %dma_start3A_442 = arith.constant 0 : i32
      %dma_start3A_443 = arith.constant 0 : i32
      %dma_start3A_444 = tpu.memref_slice %arg10[%dma_start3A_442, %dma_start3A_443] : memref<10240x80xf32, #tpu.memory_space<vmem_shared>> -> memref<10240x80xf32, #tpu.memory_space<vmem_shared>>
      tpu.enqueue_indirect_dma source(%dma_start3A_438 : memref<64x80xf32, #tpu.memory_space<vmem>>) target(%dma_start3A_444 : memref<10240x80xf32, #tpu.memory_space<vmem_shared>>) offsets(%dma_start3A_441 : memref<64xi32, #tpu.memory_space<vmem>>) semaphore(%arg18 : memref<!tpu.dma_semaphore, #tpu.memory_space<semaphore_mem>>) {add = true}
      %convert_element_type3A_445 = arith.extui %lt3A : i1 to i32
      %cond3A_446 = arith.constant 1 : i32
      %cond3A_447 = arith.constant 0 : i32
      %cond3A_448 = arith.cmpi ne, %convert_element_type3A_445, %cond3A_447 : i32
      scf.if %cond3A_448 {
        %dma_wait3A_1079 = arith.constant 0 : i32
        %dma_wait3A_1080 = arith.constant 0 : i32
        %dma_wait3A_1081 = tpu.memref_slice %arg9[%cond3A_446, %dma_wait3A_1079, %dma_wait3A_1080] : memref<5x64x80xf32, #tpu.memory_space<vmem>> -> memref<1x64x80xf32, #tpu.memory_space<vmem>>
        %dma_wait3A_1082 = tpu.memref_squeeze %dma_wait3A_1081 : memref<1x64x80xf32, #tpu.memory_space<vmem>> -> memref<64x80xf32, #tpu.memory_space<vmem>>
        %dma_wait3A_1083 = arith.constant 0 : i32
        %dma_wait3A_1084 = arith.constant 0 : i32
        %dma_wait3A_1085 = tpu.memref_slice %arg6[%dma_wait3A_1083, %dma_wait3A_1084] : memref<20480x80xf32, #tpu.memory_space<hbm>> -> memref<64x80xf32, #tpu.memory_space<hbm>>
        %dma_wait3A_1086 = arith.constant 0 : i32
        %dma_wait3A_1087 = arith.constant 0 : i32
        %dma_wait3A_1088 = tpu.memref_slice %arg9[%cond3A_446, %dma_wait3A_1086, %dma_wait3A_1087] : memref<5x64x80xf32, #tpu.memory_space<vmem>> -> memref<1x64x80xf32, #tpu.memory_space<vmem>>
        %dma_wait3A_1089 = tpu.memref_squeeze %dma_wait3A_1088 : memref<1x64x80xf32, #tpu.memory_space<vmem>> -> memref<64x80xf32, #tpu.memory_space<vmem>>
        %dma_wait3A_1090 = arith.constant 0 : i32
        %dma_wait3A_1091 = arith.constant 0 : i32
        %dma_wait3A_1092 = tpu.memref_slice %arg6[%dma_wait3A_1090, %dma_wait3A_1091] : memref<20480x80xf32, #tpu.memory_space<hbm>> -> memref<64x80xf32, #tpu.memory_space<hbm>>
        tpu.wait_dma2 semaphore(%arg18 : memref<!tpu.dma_semaphore, #tpu.memory_space<semaphore_mem>>) src(%dma_wait3A_1092 : memref<64x80xf32, #tpu.memory_space<hbm>>) dst(%dma_wait3A_1089 : memref<64x80xf32, #tpu.memory_space<vmem>>)
        %dma_start3A_1093 = arith.constant 1 : i32
        %dma_start3A_1094 = arith.constant 0 : i32
        %dma_start3A_1095 = arith.constant 0 : i32
        %dma_start3A_1096 = tpu.memref_slice %arg9[%cond3A_446, %dma_start3A_1094, %dma_start3A_1095] : memref<5x64x80xf32, #tpu.memory_space<vmem>> -> memref<1x64x80xf32, #tpu.memory_space<vmem>>
        %dma_start3A_1097 = tpu.memref_squeeze %dma_start3A_1096 : memref<1x64x80xf32, #tpu.memory_space<vmem>> -> memref<64x80xf32, #tpu.memory_space<vmem>>
        %dma_start3A_1098 = arith.constant 0 : i32
        %dma_start3A_1099 = tpu.memref_slice %arg7[%dma_start3A_1093, %cond3A_446, %dma_start3A_1098] : memref<4x5x64xi32, #tpu.memory_space<vmem>> -> memref<1x1x64xi32, #tpu.memory_space<vmem>>
        %dma_start3A_1100 = tpu.memref_squeeze %dma_start3A_1099 : memref<1x1x64xi32, #tpu.memory_space<vmem>> -> memref<64xi32, #tpu.memory_space<vmem>>
        %dma_start3A_1101 = arith.constant 0 : i32
        %dma_start3A_1102 = arith.constant 0 : i32
        %dma_start3A_1103 = tpu.memref_slice %arg11[%dma_start3A_1101, %dma_start3A_1102] : memref<10000x80xf32, #tpu.memory_space<vmem_shared>> -> memref<10000x80xf32, #tpu.memory_space<vmem_shared>>
        tpu.enqueue_indirect_dma source(%dma_start3A_1103 : memref<10000x80xf32, #tpu.memory_space<vmem_shared>>) target(%dma_start3A_1097 : memref<64x80xf32, #tpu.memory_space<vmem>>) offsets(%dma_start3A_1100 : memref<64xi32, #tpu.memory_space<vmem>>) semaphore(%arg13 : memref<!tpu.dma_semaphore, #tpu.memory_space<semaphore_mem>>)
      } else {
      }
      %dma_wait3A_449 = arith.constant 2 : i32
      %dma_wait3A_450 = arith.constant 0 : i32
      %dma_wait3A_451 = arith.constant 0 : i32
      %dma_wait3A_452 = tpu.memref_slice %arg9[%dma_wait3A_449, %dma_wait3A_450, %dma_wait3A_451] : memref<5x64x80xf32, #tpu.memory_space<vmem>> -> memref<1x64x80xf32, #tpu.memory_space<vmem>>
      %dma_wait3A_453 = tpu.memref_squeeze %dma_wait3A_452 : memref<1x64x80xf32, #tpu.memory_space<vmem>> -> memref<64x80xf32, #tpu.memory_space<vmem>>
      %dma_wait3A_454 = arith.constant 0 : i32
      %dma_wait3A_455 = arith.constant 0 : i32
      %dma_wait3A_456 = tpu.memref_slice %arg6[%dma_wait3A_454, %dma_wait3A_455] : memref<20480x80xf32, #tpu.memory_space<hbm>> -> memref<64x80xf32, #tpu.memory_space<hbm>>
      %dma_wait3A_457 = arith.constant 0 : i32
      %dma_wait3A_458 = arith.constant 0 : i32
      %dma_wait3A_459 = tpu.memref_slice %arg9[%dma_wait3A_449, %dma_wait3A_457, %dma_wait3A_458] : memref<5x64x80xf32, #tpu.memory_space<vmem>> -> memref<1x64x80xf32, #tpu.memory_space<vmem>>
      %dma_wait3A_460 = tpu.memref_squeeze %dma_wait3A_459 : memref<1x64x80xf32, #tpu.memory_space<vmem>> -> memref<64x80xf32, #tpu.memory_space<vmem>>
      %dma_wait3A_461 = arith.constant 0 : i32
      %dma_wait3A_462 = arith.constant 0 : i32
      %dma_wait3A_463 = tpu.memref_slice %arg6[%dma_wait3A_461, %dma_wait3A_462] : memref<20480x80xf32, #tpu.memory_space<hbm>> -> memref<64x80xf32, #tpu.memory_space<hbm>>
      tpu.wait_dma2 semaphore(%arg14 : memref<!tpu.dma_semaphore, #tpu.memory_space<semaphore_mem>>) src(%dma_wait3A_463 : memref<64x80xf32, #tpu.memory_space<hbm>>) dst(%dma_wait3A_460 : memref<64x80xf32, #tpu.memory_space<vmem>>)
      %dma_start3A_464 = arith.constant 2 : i32
      %dma_start3A_465 = arith.constant 0 : i32
      %dma_start3A_466 = arith.constant 2 : i32
      %dma_start3A_467 = arith.constant 0 : i32
      %dma_start3A_468 = arith.constant 0 : i32
      %dma_start3A_469 = tpu.memref_slice %arg9[%dma_start3A_464, %dma_start3A_467, %dma_start3A_468] : memref<5x64x80xf32, #tpu.memory_space<vmem>> -> memref<1x64x80xf32, #tpu.memory_space<vmem>>
      %dma_start3A_470 = tpu.memref_squeeze %dma_start3A_469 : memref<1x64x80xf32, #tpu.memory_space<vmem>> -> memref<64x80xf32, #tpu.memory_space<vmem>>
      %dma_start3A_471 = arith.constant 0 : i32
      %dma_start3A_472 = tpu.memref_slice %arg8[%dma_start3A_465, %dma_start3A_466, %dma_start3A_471] : memref<4x5x64xi32, #tpu.memory_space<vmem>> -> memref<1x1x64xi32, #tpu.memory_space<vmem>>
      %dma_start3A_473 = tpu.memref_squeeze %dma_start3A_472 : memref<1x1x64xi32, #tpu.memory_space<vmem>> -> memref<64xi32, #tpu.memory_space<vmem>>
      %dma_start3A_474 = arith.constant 0 : i32
      %dma_start3A_475 = arith.constant 0 : i32
      %dma_start3A_476 = tpu.memref_slice %arg10[%dma_start3A_474, %dma_start3A_475] : memref<10240x80xf32, #tpu.memory_space<vmem_shared>> -> memref<10240x80xf32, #tpu.memory_space<vmem_shared>>
      tpu.enqueue_indirect_dma source(%dma_start3A_470 : memref<64x80xf32, #tpu.memory_space<vmem>>) target(%dma_start3A_476 : memref<10240x80xf32, #tpu.memory_space<vmem_shared>>) offsets(%dma_start3A_473 : memref<64xi32, #tpu.memory_space<vmem>>) semaphore(%arg19 : memref<!tpu.dma_semaphore, #tpu.memory_space<semaphore_mem>>) {add = true}
      %convert_element_type3A_477 = arith.extui %lt3A : i1 to i32
      %cond3A_478 = arith.constant 2 : i32
      %cond3A_479 = arith.constant 0 : i32
      %cond3A_480 = arith.cmpi ne, %convert_element_type3A_477, %cond3A_479 : i32
      scf.if %cond3A_480 {
        %dma_wait3A_1079 = arith.constant 0 : i32
        %dma_wait3A_1080 = arith.constant 0 : i32
        %dma_wait3A_1081 = tpu.memref_slice %arg9[%cond3A_478, %dma_wait3A_1079, %dma_wait3A_1080] : memref<5x64x80xf32, #tpu.memory_space<vmem>> -> memref<1x64x80xf32, #tpu.memory_space<vmem>>
        %dma_wait3A_1082 = tpu.memref_squeeze %dma_wait3A_1081 : memref<1x64x80xf32, #tpu.memory_space<vmem>> -> memref<64x80xf32, #tpu.memory_space<vmem>>
        %dma_wait3A_1083 = arith.constant 0 : i32
        %dma_wait3A_1084 = arith.constant 0 : i32
        %dma_wait3A_1085 = tpu.memref_slice %arg6[%dma_wait3A_1083, %dma_wait3A_1084] : memref<20480x80xf32, #tpu.memory_space<hbm>> -> memref<64x80xf32, #tpu.memory_space<hbm>>
        %dma_wait3A_1086 = arith.constant 0 : i32
        %dma_wait3A_1087 = arith.constant 0 : i32
        %dma_wait3A_1088 = tpu.memref_slice %arg9[%cond3A_478, %dma_wait3A_1086, %dma_wait3A_1087] : memref<5x64x80xf32, #tpu.memory_space<vmem>> -> memref<1x64x80xf32, #tpu.memory_space<vmem>>
        %dma_wait3A_1089 = tpu.memref_squeeze %dma_wait3A_1088 : memref<1x64x80xf32, #tpu.memory_space<vmem>> -> memref<64x80xf32, #tpu.memory_space<vmem>>
        %dma_wait3A_1090 = arith.constant 0 : i32
        %dma_wait3A_1091 = arith.constant 0 : i32
        %dma_wait3A_1092 = tpu.memref_slice %arg6[%dma_wait3A_1090, %dma_wait3A_1091] : memref<20480x80xf32, #tpu.memory_space<hbm>> -> memref<64x80xf32, #tpu.memory_space<hbm>>
        tpu.wait_dma2 semaphore(%arg19 : memref<!tpu.dma_semaphore, #tpu.memory_space<semaphore_mem>>) src(%dma_wait3A_1092 : memref<64x80xf32, #tpu.memory_space<hbm>>) dst(%dma_wait3A_1089 : memref<64x80xf32, #tpu.memory_space<vmem>>)
        %dma_start3A_1093 = arith.constant 1 : i32
        %dma_start3A_1094 = arith.constant 0 : i32
        %dma_start3A_1095 = arith.constant 0 : i32
        %dma_start3A_1096 = tpu.memref_slice %arg9[%cond3A_478, %dma_start3A_1094, %dma_start3A_1095] : memref<5x64x80xf32, #tpu.memory_space<vmem>> -> memref<1x64x80xf32, #tpu.memory_space<vmem>>
        %dma_start3A_1097 = tpu.memref_squeeze %dma_start3A_1096 : memref<1x64x80xf32, #tpu.memory_space<vmem>> -> memref<64x80xf32, #tpu.memory_space<vmem>>
        %dma_start3A_1098 = arith.constant 0 : i32
        %dma_start3A_1099 = tpu.memref_slice %arg7[%dma_start3A_1093, %cond3A_478, %dma_start3A_1098] : memref<4x5x64xi32, #tpu.memory_space<vmem>> -> memref<1x1x64xi32, #tpu.memory_space<vmem>>
        %dma_start3A_1100 = tpu.memref_squeeze %dma_start3A_1099 : memref<1x1x64xi32, #tpu.memory_space<vmem>> -> memref<64xi32, #tpu.memory_space<vmem>>
        %dma_start3A_1101 = arith.constant 0 : i32
        %dma_start3A_1102 = arith.constant 0 : i32
        %dma_start3A_1103 = tpu.memref_slice %arg11[%dma_start3A_1101, %dma_start3A_1102] : memref<10000x80xf32, #tpu.memory_space<vmem_shared>> -> memref<10000x80xf32, #tpu.memory_space<vmem_shared>>
        tpu.enqueue_indirect_dma source(%dma_start3A_1103 : memref<10000x80xf32, #tpu.memory_space<vmem_shared>>) target(%dma_start3A_1097 : memref<64x80xf32, #tpu.memory_space<vmem>>) offsets(%dma_start3A_1100 : memref<64xi32, #tpu.memory_space<vmem>>) semaphore(%arg14 : memref<!tpu.dma_semaphore, #tpu.memory_space<semaphore_mem>>)
      } else {
      }
      %dma_wait3A_481 = arith.constant 3 : i32
      %dma_wait3A_482 = arith.constant 0 : i32
      %dma_wait3A_483 = arith.constant 0 : i32
      %dma_wait3A_484 = tpu.memref_slice %arg9[%dma_wait3A_481, %dma_wait3A_482, %dma_wait3A_483] : memref<5x64x80xf32, #tpu.memory_space<vmem>> -> memref<1x64x80xf32, #tpu.memory_space<vmem>>
      %dma_wait3A_485 = tpu.memref_squeeze %dma_wait3A_484 : memref<1x64x80xf32, #tpu.memory_space<vmem>> -> memref<64x80xf32, #tpu.memory_space<vmem>>
      %dma_wait3A_486 = arith.constant 0 : i32
      %dma_wait3A_487 = arith.constant 0 : i32
      %dma_wait3A_488 = tpu.memref_slice %arg6[%dma_wait3A_486, %dma_wait3A_487] : memref<20480x80xf32, #tpu.memory_space<hbm>> -> memref<64x80xf32, #tpu.memory_space<hbm>>
      %dma_wait3A_489 = arith.constant 0 : i32
      %dma_wait3A_490 = arith.constant 0 : i32
      %dma_wait3A_491 = tpu.memref_slice %arg9[%dma_wait3A_481, %dma_wait3A_489, %dma_wait3A_490] : memref<5x64x80xf32, #tpu.memory_space<vmem>> -> memref<1x64x80xf32, #tpu.memory_space<vmem>>
      %dma_wait3A_492 = tpu.memref_squeeze %dma_wait3A_491 : memref<1x64x80xf32, #tpu.memory_space<vmem>> -> memref<64x80xf32, #tpu.memory_space<vmem>>
      %dma_wait3A_493 = arith.constant 0 : i32
      %dma_wait3A_494 = arith.constant 0 : i32
      %dma_wait3A_495 = tpu.memref_slice %arg6[%dma_wait3A_493, %dma_wait3A_494] : memref<20480x80xf32, #tpu.memory_space<hbm>> -> memref<64x80xf32, #tpu.memory_space<hbm>>
      tpu.wait_dma2 semaphore(%arg15 : memref<!tpu.dma_semaphore, #tpu.memory_space<semaphore_mem>>) src(%dma_wait3A_495 : memref<64x80xf32, #tpu.memory_space<hbm>>) dst(%dma_wait3A_492 : memref<64x80xf32, #tpu.memory_space<vmem>>)
      %dma_start3A_496 = arith.constant 3 : i32
      %dma_start3A_497 = arith.constant 0 : i32
      %dma_start3A_498 = arith.constant 3 : i32
      %dma_start3A_499 = arith.constant 0 : i32
      %dma_start3A_500 = arith.constant 0 : i32
      %dma_start3A_501 = tpu.memref_slice %arg9[%dma_start3A_496, %dma_start3A_499, %dma_start3A_500] : memref<5x64x80xf32, #tpu.memory_space<vmem>> -> memref<1x64x80xf32, #tpu.memory_space<vmem>>
      %dma_start3A_502 = tpu.memref_squeeze %dma_start3A_501 : memref<1x64x80xf32, #tpu.memory_space<vmem>> -> memref<64x80xf32, #tpu.memory_space<vmem>>
      %dma_start3A_503 = arith.constant 0 : i32
      %dma_start3A_504 = tpu.memref_slice %arg8[%dma_start3A_497, %dma_start3A_498, %dma_start3A_503] : memref<4x5x64xi32, #tpu.memory_space<vmem>> -> memref<1x1x64xi32, #tpu.memory_space<vmem>>
      %dma_start3A_505 = tpu.memref_squeeze %dma_start3A_504 : memref<1x1x64xi32, #tpu.memory_space<vmem>> -> memref<64xi32, #tpu.memory_space<vmem>>
      %dma_start3A_506 = arith.constant 0 : i32
      %dma_start3A_507 = arith.constant 0 : i32
      %dma_start3A_508 = tpu.memref_slice %arg10[%dma_start3A_506, %dma_start3A_507] : memref<10240x80xf32, #tpu.memory_space<vmem_shared>> -> memref<10240x80xf32, #tpu.memory_space<vmem_shared>>
      tpu.enqueue_indirect_dma source(%dma_start3A_502 : memref<64x80xf32, #tpu.memory_space<vmem>>) target(%dma_start3A_508 : memref<10240x80xf32, #tpu.memory_space<vmem_shared>>) offsets(%dma_start3A_505 : memref<64xi32, #tpu.memory_space<vmem>>) semaphore(%arg20 : memref<!tpu.dma_semaphore, #tpu.memory_space<semaphore_mem>>) {add = true}
      %convert_element_type3A_509 = arith.extui %lt3A : i1 to i32
      %cond3A_510 = arith.constant 3 : i32
      %cond3A_511 = arith.constant 0 : i32
      %cond3A_512 = arith.cmpi ne, %convert_element_type3A_509, %cond3A_511 : i32
      scf.if %cond3A_512 {
        %dma_wait3A_1079 = arith.constant 0 : i32
        %dma_wait3A_1080 = arith.constant 0 : i32
        %dma_wait3A_1081 = tpu.memref_slice %arg9[%cond3A_510, %dma_wait3A_1079, %dma_wait3A_1080] : memref<5x64x80xf32, #tpu.memory_space<vmem>> -> memref<1x64x80xf32, #tpu.memory_space<vmem>>
        %dma_wait3A_1082 = tpu.memref_squeeze %dma_wait3A_1081 : memref<1x64x80xf32, #tpu.memory_space<vmem>> -> memref<64x80xf32, #tpu.memory_space<vmem>>
        %dma_wait3A_1083 = arith.constant 0 : i32
        %dma_wait3A_1084 = arith.constant 0 : i32
        %dma_wait3A_1085 = tpu.memref_slice %arg6[%dma_wait3A_1083, %dma_wait3A_1084] : memref<20480x80xf32, #tpu.memory_space<hbm>> -> memref<64x80xf32, #tpu.memory_space<hbm>>
        %dma_wait3A_1086 = arith.constant 0 : i32
        %dma_wait3A_1087 = arith.constant 0 : i32
        %dma_wait3A_1088 = tpu.memref_slice %arg9[%cond3A_510, %dma_wait3A_1086, %dma_wait3A_1087] : memref<5x64x80xf32, #tpu.memory_space<vmem>> -> memref<1x64x80xf32, #tpu.memory_space<vmem>>
        %dma_wait3A_1089 = tpu.memref_squeeze %dma_wait3A_1088 : memref<1x64x80xf32, #tpu.memory_space<vmem>> -> memref<64x80xf32, #tpu.memory_space<vmem>>
        %dma_wait3A_1090 = arith.constant 0 : i32
        %dma_wait3A_1091 = arith.constant 0 : i32
        %dma_wait3A_1092 = tpu.memref_slice %arg6[%dma_wait3A_1090, %dma_wait3A_1091] : memref<20480x80xf32, #tpu.memory_space<hbm>> -> memref<64x80xf32, #tpu.memory_space<hbm>>
        tpu.wait_dma2 semaphore(%arg20 : memref<!tpu.dma_semaphore, #tpu.memory_space<semaphore_mem>>) src(%dma_wait3A_1092 : memref<64x80xf32, #tpu.memory_space<hbm>>) dst(%dma_wait3A_1089 : memref<64x80xf32, #tpu.memory_space<vmem>>)
        %dma_start3A_1093 = arith.constant 1 : i32
        %dma_start3A_1094 = arith.constant 0 : i32
        %dma_start3A_1095 = arith.constant 0 : i32
        %dma_start3A_1096 = tpu.memref_slice %arg9[%cond3A_510, %dma_start3A_1094, %dma_start3A_1095] : memref<5x64x80xf32, #tpu.memory_space<vmem>> -> memref<1x64x80xf32, #tpu.memory_space<vmem>>
        %dma_start3A_1097 = tpu.memref_squeeze %dma_start3A_1096 : memref<1x64x80xf32, #tpu.memory_space<vmem>> -> memref<64x80xf32, #tpu.memory_space<vmem>>
        %dma_start3A_1098 = arith.constant 0 : i32
        %dma_start3A_1099 = tpu.memref_slice %arg7[%dma_start3A_1093, %cond3A_510, %dma_start3A_1098] : memref<4x5x64xi32, #tpu.memory_space<vmem>> -> memref<1x1x64xi32, #tpu.memory_space<vmem>>
        %dma_start3A_1100 = tpu.memref_squeeze %dma_start3A_1099 : memref<1x1x64xi32, #tpu.memory_space<vmem>> -> memref<64xi32, #tpu.memory_space<vmem>>
        %dma_start3A_1101 = arith.constant 0 : i32
        %dma_start3A_1102 = arith.constant 0 : i32
        %dma_start3A_1103 = tpu.memref_slice %arg11[%dma_start3A_1101, %dma_start3A_1102] : memref<10000x80xf32, #tpu.memory_space<vmem_shared>> -> memref<10000x80xf32, #tpu.memory_space<vmem_shared>>
        tpu.enqueue_indirect_dma source(%dma_start3A_1103 : memref<10000x80xf32, #tpu.memory_space<vmem_shared>>) target(%dma_start3A_1097 : memref<64x80xf32, #tpu.memory_space<vmem>>) offsets(%dma_start3A_1100 : memref<64xi32, #tpu.memory_space<vmem>>) semaphore(%arg15 : memref<!tpu.dma_semaphore, #tpu.memory_space<semaphore_mem>>)
      } else {
      }
      %dma_wait3A_513 = arith.constant 4 : i32
      %dma_wait3A_514 = arith.constant 0 : i32
      %dma_wait3A_515 = arith.constant 0 : i32
      %dma_wait3A_516 = tpu.memref_slice %arg9[%dma_wait3A_513, %dma_wait3A_514, %dma_wait3A_515] : memref<5x64x80xf32, #tpu.memory_space<vmem>> -> memref<1x64x80xf32, #tpu.memory_space<vmem>>
      %dma_wait3A_517 = tpu.memref_squeeze %dma_wait3A_516 : memref<1x64x80xf32, #tpu.memory_space<vmem>> -> memref<64x80xf32, #tpu.memory_space<vmem>>
      %dma_wait3A_518 = arith.constant 0 : i32
      %dma_wait3A_519 = arith.constant 0 : i32
      %dma_wait3A_520 = tpu.memref_slice %arg6[%dma_wait3A_518, %dma_wait3A_519] : memref<20480x80xf32, #tpu.memory_space<hbm>> -> memref<64x80xf32, #tpu.memory_space<hbm>>
      %dma_wait3A_521 = arith.constant 0 : i32
      %dma_wait3A_522 = arith.constant 0 : i32
      %dma_wait3A_523 = tpu.memref_slice %arg9[%dma_wait3A_513, %dma_wait3A_521, %dma_wait3A_522] : memref<5x64x80xf32, #tpu.memory_space<vmem>> -> memref<1x64x80xf32, #tpu.memory_space<vmem>>
      %dma_wait3A_524 = tpu.memref_squeeze %dma_wait3A_523 : memref<1x64x80xf32, #tpu.memory_space<vmem>> -> memref<64x80xf32, #tpu.memory_space<vmem>>
      %dma_wait3A_525 = arith.constant 0 : i32
      %dma_wait3A_526 = arith.constant 0 : i32
      %dma_wait3A_527 = tpu.memref_slice %arg6[%dma_wait3A_525, %dma_wait3A_526] : memref<20480x80xf32, #tpu.memory_space<hbm>> -> memref<64x80xf32, #tpu.memory_space<hbm>>
      tpu.wait_dma2 semaphore(%arg16 : memref<!tpu.dma_semaphore, #tpu.memory_space<semaphore_mem>>) src(%dma_wait3A_527 : memref<64x80xf32, #tpu.memory_space<hbm>>) dst(%dma_wait3A_524 : memref<64x80xf32, #tpu.memory_space<vmem>>)
      %dma_start3A_528 = arith.constant 4 : i32
      %dma_start3A_529 = arith.constant 0 : i32
      %dma_start3A_530 = arith.constant 4 : i32
      %dma_start3A_531 = arith.constant 0 : i32
      %dma_start3A_532 = arith.constant 0 : i32
      %dma_start3A_533 = tpu.memref_slice %arg9[%dma_start3A_528, %dma_start3A_531, %dma_start3A_532] : memref<5x64x80xf32, #tpu.memory_space<vmem>> -> memref<1x64x80xf32, #tpu.memory_space<vmem>>
      %dma_start3A_534 = tpu.memref_squeeze %dma_start3A_533 : memref<1x64x80xf32, #tpu.memory_space<vmem>> -> memref<64x80xf32, #tpu.memory_space<vmem>>
      %dma_start3A_535 = arith.constant 0 : i32
      %dma_start3A_536 = tpu.memref_slice %arg8[%dma_start3A_529, %dma_start3A_530, %dma_start3A_535] : memref<4x5x64xi32, #tpu.memory_space<vmem>> -> memref<1x1x64xi32, #tpu.memory_space<vmem>>
      %dma_start3A_537 = tpu.memref_squeeze %dma_start3A_536 : memref<1x1x64xi32, #tpu.memory_space<vmem>> -> memref<64xi32, #tpu.memory_space<vmem>>
      %dma_start3A_538 = arith.constant 0 : i32
      %dma_start3A_539 = arith.constant 0 : i32
      %dma_start3A_540 = tpu.memref_slice %arg10[%dma_start3A_538, %dma_start3A_539] : memref<10240x80xf32, #tpu.memory_space<vmem_shared>> -> memref<10240x80xf32, #tpu.memory_space<vmem_shared>>
      tpu.enqueue_indirect_dma source(%dma_start3A_534 : memref<64x80xf32, #tpu.memory_space<vmem>>) target(%dma_start3A_540 : memref<10240x80xf32, #tpu.memory_space<vmem_shared>>) offsets(%dma_start3A_537 : memref<64xi32, #tpu.memory_space<vmem>>) semaphore(%arg21 : memref<!tpu.dma_semaphore, #tpu.memory_space<semaphore_mem>>) {add = true}
      %convert_element_type3A_541 = arith.extui %lt3A : i1 to i32
      %cond3A_542 = arith.constant 4 : i32
      %cond3A_543 = arith.constant 0 : i32
      %cond3A_544 = arith.cmpi ne, %convert_element_type3A_541, %cond3A_543 : i32
      scf.if %cond3A_544 {
        %dma_wait3A_1079 = arith.constant 0 : i32
        %dma_wait3A_1080 = arith.constant 0 : i32
        %dma_wait3A_1081 = tpu.memref_slice %arg9[%cond3A_542, %dma_wait3A_1079, %dma_wait3A_1080] : memref<5x64x80xf32, #tpu.memory_space<vmem>> -> memref<1x64x80xf32, #tpu.memory_space<vmem>>
        %dma_wait3A_1082 = tpu.memref_squeeze %dma_wait3A_1081 : memref<1x64x80xf32, #tpu.memory_space<vmem>> -> memref<64x80xf32, #tpu.memory_space<vmem>>
        %dma_wait3A_1083 = arith.constant 0 : i32
        %dma_wait3A_1084 = arith.constant 0 : i32
        %dma_wait3A_1085 = tpu.memref_slice %arg6[%dma_wait3A_1083, %dma_wait3A_1084] : memref<20480x80xf32, #tpu.memory_space<hbm>> -> memref<64x80xf32, #tpu.memory_space<hbm>>
        %dma_wait3A_1086 = arith.constant 0 : i32
        %dma_wait3A_1087 = arith.constant 0 : i32
        %dma_wait3A_1088 = tpu.memref_slice %arg9[%cond3A_542, %dma_wait3A_1086, %dma_wait3A_1087] : memref<5x64x80xf32, #tpu.memory_space<vmem>> -> memref<1x64x80xf32, #tpu.memory_space<vmem>>
        %dma_wait3A_1089 = tpu.memref_squeeze %dma_wait3A_1088 : memref<1x64x80xf32, #tpu.memory_space<vmem>> -> memref<64x80xf32, #tpu.memory_space<vmem>>
        %dma_wait3A_1090 = arith.constant 0 : i32
        %dma_wait3A_1091 = arith.constant 0 : i32
        %dma_wait3A_1092 = tpu.memref_slice %arg6[%dma_wait3A_1090, %dma_wait3A_1091] : memref<20480x80xf32, #tpu.memory_space<hbm>> -> memref<64x80xf32, #tpu.memory_space<hbm>>
        tpu.wait_dma2 semaphore(%arg21 : memref<!tpu.dma_semaphore, #tpu.memory_space<semaphore_mem>>) src(%dma_wait3A_1092 : memref<64x80xf32, #tpu.memory_space<hbm>>) dst(%dma_wait3A_1089 : memref<64x80xf32, #tpu.memory_space<vmem>>)
        %dma_start3A_1093 = arith.constant 1 : i32
        %dma_start3A_1094 = arith.constant 0 : i32
        %dma_start3A_1095 = arith.constant 0 : i32
        %dma_start3A_1096 = tpu.memref_slice %arg9[%cond3A_542, %dma_start3A_1094, %dma_start3A_1095] : memref<5x64x80xf32, #tpu.memory_space<vmem>> -> memref<1x64x80xf32, #tpu.memory_space<vmem>>
        %dma_start3A_1097 = tpu.memref_squeeze %dma_start3A_1096 : memref<1x64x80xf32, #tpu.memory_space<vmem>> -> memref<64x80xf32, #tpu.memory_space<vmem>>
        %dma_start3A_1098 = arith.constant 0 : i32
        %dma_start3A_1099 = tpu.memref_slice %arg7[%dma_start3A_1093, %cond3A_542, %dma_start3A_1098] : memref<4x5x64xi32, #tpu.memory_space<vmem>> -> memref<1x1x64xi32, #tpu.memory_space<vmem>>
        %dma_start3A_1100 = tpu.memref_squeeze %dma_start3A_1099 : memref<1x1x64xi32, #tpu.memory_space<vmem>> -> memref<64xi32, #tpu.memory_space<vmem>>
        %dma_start3A_1101 = arith.constant 0 : i32
        %dma_start3A_1102 = arith.constant 0 : i32
        %dma_start3A_1103 = tpu.memref_slice %arg11[%dma_start3A_1101, %dma_start3A_1102] : memref<10000x80xf32, #tpu.memory_space<vmem_shared>> -> memref<10000x80xf32, #tpu.memory_space<vmem_shared>>
        tpu.enqueue_indirect_dma source(%dma_start3A_1103 : memref<10000x80xf32, #tpu.memory_space<vmem_shared>>) target(%dma_start3A_1097 : memref<64x80xf32, #tpu.memory_space<vmem>>) offsets(%dma_start3A_1100 : memref<64xi32, #tpu.memory_space<vmem>>) semaphore(%arg16 : memref<!tpu.dma_semaphore, #tpu.memory_space<semaphore_mem>>)
      } else {
      }
      %add3A_545 = arith.constant 3 : i32
      %add3A_546 = arith.addi %add3A_381, %add3A_545 : i32
      %lt3A_547 = arith.cmpi slt, %add3A_546, %select_n3A_63 : i32
      %convert_element_type3A_548 = arith.extui %lt3A_547 : i1 to i32
      %cond3A_549 = arith.constant 0 : i32
      %cond3A_550 = arith.cmpi ne, %convert_element_type3A_548, %cond3A_549 : i32
      scf.if %cond3A_550 {
        %add3A_1079 = arith.constant 3 : i32
        %add3A_1080 = arith.addi %add3A_381, %add3A_1079 : i32
        %mul3A_1081 = arith.constant 5 : i32
        %mul3A_1082 = arith.muli %add3A_1080, %mul3A_1081 : i32
        %add3A_1083 = arith.addi %mul3A_43, %mul3A_1082 : i32
        %dma_start3A_1084 = arith.constant 3 : i32
        %dma_start3A_1085 = arith.constant 0 : i32
        %dma_start3A_1086 = arith.constant 0 : i32
        %dma_start3A_1087 = tpu.memref_slice %arg7[%dma_start3A_1084, %dma_start3A_1085, %dma_start3A_1086] : memref<4x5x64xi32, #tpu.memory_space<vmem>> -> memref<1x5x64xi32, #tpu.memory_space<vmem>>
        %dma_start3A_1088 = tpu.memref_squeeze %dma_start3A_1087 : memref<1x5x64xi32, #tpu.memory_space<vmem>> -> memref<5x64xi32, #tpu.memory_space<vmem>>
        %dma_start3A_1089 = arith.constant 0 : i32
        %dma_start3A_1090 = tpu.memref_slice %arg3[%add3A_1083, %dma_start3A_1089] : memref<5000x64xi32, #tpu.memory_space<hbm>> -> memref<5x64xi32, #tpu.memory_space<hbm>>
        %dma_start3A_1091 = arith.constant 0 : i32
        %dma_start3A_1092 = arith.constant 0 : i32
        %dma_start3A_1093 = tpu.memref_slice %arg7[%dma_start3A_1084, %dma_start3A_1091, %dma_start3A_1092] : memref<4x5x64xi32, #tpu.memory_space<vmem>> -> memref<1x5x64xi32, #tpu.memory_space<vmem>>
        %dma_start3A_1094 = tpu.memref_squeeze %dma_start3A_1093 : memref<1x5x64xi32, #tpu.memory_space<vmem>> -> memref<5x64xi32, #tpu.memory_space<vmem>>
        %dma_start3A_1095 = arith.constant 0 : i32
        %dma_start3A_1096 = tpu.memref_slice %arg3[%add3A_1083, %dma_start3A_1095] : memref<5000x64xi32, #tpu.memory_space<hbm>> -> memref<5x64xi32, #tpu.memory_space<hbm>>
        tpu.enqueue_dma source(%dma_start3A_1096 : memref<5x64xi32, #tpu.memory_space<hbm>>) target(%dma_start3A_1094 : memref<5x64xi32, #tpu.memory_space<vmem>>) target_semaphore(%arg25 : memref<!tpu.dma_semaphore, #tpu.memory_space<semaphore_mem>>)
        %mul3A_1097 = arith.constant 5 : i32
        %mul3A_1098 = arith.muli %add3A_1080, %mul3A_1097 : i32
        %add3A_1099 = arith.addi %mul3A_43, %mul3A_1098 : i32
        %dma_start3A_1100 = arith.constant 3 : i32
        %dma_start3A_1101 = arith.constant 0 : i32
        %dma_start3A_1102 = arith.constant 0 : i32
        %dma_start3A_1103 = tpu.memref_slice %arg8[%dma_start3A_1100, %dma_start3A_1101, %dma_start3A_1102] : memref<4x5x64xi32, #tpu.memory_space<vmem>> -> memref<1x5x64xi32, #tpu.memory_space<vmem>>
        %dma_start3A_1104 = tpu.memref_squeeze %dma_start3A_1103 : memref<1x5x64xi32, #tpu.memory_space<vmem>> -> memref<5x64xi32, #tpu.memory_space<vmem>>
        %dma_start3A_1105 = arith.constant 0 : i32
        %dma_start3A_1106 = tpu.memref_slice %arg4[%add3A_1099, %dma_start3A_1105] : memref<5000x64xi32, #tpu.memory_space<hbm>> -> memref<5x64xi32, #tpu.memory_space<hbm>>
        %dma_start3A_1107 = arith.constant 0 : i32
        %dma_start3A_1108 = arith.constant 0 : i32
        %dma_start3A_1109 = tpu.memref_slice %arg8[%dma_start3A_1100, %dma_start3A_1107, %dma_start3A_1108] : memref<4x5x64xi32, #tpu.memory_space<vmem>> -> memref<1x5x64xi32, #tpu.memory_space<vmem>>
        %dma_start3A_1110 = tpu.memref_squeeze %dma_start3A_1109 : memref<1x5x64xi32, #tpu.memory_space<vmem>> -> memref<5x64xi32, #tpu.memory_space<vmem>>
        %dma_start3A_1111 = arith.constant 0 : i32
        %dma_start3A_1112 = tpu.memref_slice %arg4[%add3A_1099, %dma_start3A_1111] : memref<5000x64xi32, #tpu.memory_space<hbm>> -> memref<5x64xi32, #tpu.memory_space<hbm>>
        tpu.enqueue_dma source(%dma_start3A_1112 : memref<5x64xi32, #tpu.memory_space<hbm>>) target(%dma_start3A_1110 : memref<5x64xi32, #tpu.memory_space<vmem>>) target_semaphore(%arg29 : memref<!tpu.dma_semaphore, #tpu.memory_space<semaphore_mem>>)
      } else {
      }
      %mul3A_551 = arith.constant 4 : i32
      %mul3A_552 = arith.muli %while3A_377, %mul3A_551 : i32
      %add3A_553 = arith.constant 1 : i32
      %add3A_554 = arith.addi %mul3A_552, %add3A_553 : i32
      %add3A_555 = arith.constant 1 : i32
      %add3A_556 = arith.addi %add3A_554, %add3A_555 : i32
      %lt3A_557 = arith.cmpi slt, %add3A_556, %select_n3A_63 : i32
      %convert_element_type3A_558 = arith.extui %lt3A_557 : i1 to i32
      %cond3A_559 = arith.constant 0 : i32
      %cond3A_560 = arith.cmpi ne, %convert_element_type3A_558, %cond3A_559 : i32
      scf.if %cond3A_560 {
        %dma_wait3A_1079 = arith.constant 2 : i32
        %dma_wait3A_1080 = arith.constant 0 : i32
        %dma_wait3A_1081 = arith.constant 0 : i32
        %dma_wait3A_1082 = tpu.memref_slice %arg7[%dma_wait3A_1079, %dma_wait3A_1080, %dma_wait3A_1081] : memref<4x5x64xi32, #tpu.memory_space<vmem>> -> memref<1x5x64xi32, #tpu.memory_space<vmem>>
        %dma_wait3A_1083 = tpu.memref_squeeze %dma_wait3A_1082 : memref<1x5x64xi32, #tpu.memory_space<vmem>> -> memref<5x64xi32, #tpu.memory_space<vmem>>
        %dma_wait3A_1084 = arith.constant 0 : i32
        %dma_wait3A_1085 = arith.constant 0 : i32
        %dma_wait3A_1086 = tpu.memref_slice %arg3[%dma_wait3A_1084, %dma_wait3A_1085] : memref<5000x64xi32, #tpu.memory_space<hbm>> -> memref<5x64xi32, #tpu.memory_space<hbm>>
        %dma_wait3A_1087 = arith.constant 0 : i32
        %dma_wait3A_1088 = arith.constant 0 : i32
        %dma_wait3A_1089 = tpu.memref_slice %arg7[%dma_wait3A_1079, %dma_wait3A_1087, %dma_wait3A_1088] : memref<4x5x64xi32, #tpu.memory_space<vmem>> -> memref<1x5x64xi32, #tpu.memory_space<vmem>>
        %dma_wait3A_1090 = tpu.memref_squeeze %dma_wait3A_1089 : memref<1x5x64xi32, #tpu.memory_space<vmem>> -> memref<5x64xi32, #tpu.memory_space<vmem>>
        %dma_wait3A_1091 = arith.constant 0 : i32
        %dma_wait3A_1092 = arith.constant 0 : i32
        %dma_wait3A_1093 = tpu.memref_slice %arg3[%dma_wait3A_1091, %dma_wait3A_1092] : memref<5000x64xi32, #tpu.memory_space<hbm>> -> memref<5x64xi32, #tpu.memory_space<hbm>>
        tpu.wait_dma2 semaphore(%arg24 : memref<!tpu.dma_semaphore, #tpu.memory_space<semaphore_mem>>) src(%dma_wait3A_1093 : memref<5x64xi32, #tpu.memory_space<hbm>>) dst(%dma_wait3A_1090 : memref<5x64xi32, #tpu.memory_space<vmem>>)
        %dma_wait3A_1094 = arith.constant 2 : i32
        %dma_wait3A_1095 = arith.constant 0 : i32
        %dma_wait3A_1096 = arith.constant 0 : i32
        %dma_wait3A_1097 = tpu.memref_slice %arg8[%dma_wait3A_1094, %dma_wait3A_1095, %dma_wait3A_1096] : memref<4x5x64xi32, #tpu.memory_space<vmem>> -> memref<1x5x64xi32, #tpu.memory_space<vmem>>
        %dma_wait3A_1098 = tpu.memref_squeeze %dma_wait3A_1097 : memref<1x5x64xi32, #tpu.memory_space<vmem>> -> memref<5x64xi32, #tpu.memory_space<vmem>>
        %dma_wait3A_1099 = arith.constant 0 : i32
        %dma_wait3A_1100 = arith.constant 0 : i32
        %dma_wait3A_1101 = tpu.memref_slice %arg4[%dma_wait3A_1099, %dma_wait3A_1100] : memref<5000x64xi32, #tpu.memory_space<hbm>> -> memref<5x64xi32, #tpu.memory_space<hbm>>
        %dma_wait3A_1102 = arith.constant 0 : i32
        %dma_wait3A_1103 = arith.constant 0 : i32
        %dma_wait3A_1104 = tpu.memref_slice %arg8[%dma_wait3A_1094, %dma_wait3A_1102, %dma_wait3A_1103] : memref<4x5x64xi32, #tpu.memory_space<vmem>> -> memref<1x5x64xi32, #tpu.memory_space<vmem>>
        %dma_wait3A_1105 = tpu.memref_squeeze %dma_wait3A_1104 : memref<1x5x64xi32, #tpu.memory_space<vmem>> -> memref<5x64xi32, #tpu.memory_space<vmem>>
        %dma_wait3A_1106 = arith.constant 0 : i32
        %dma_wait3A_1107 = arith.constant 0 : i32
        %dma_wait3A_1108 = tpu.memref_slice %arg4[%dma_wait3A_1106, %dma_wait3A_1107] : memref<5000x64xi32, #tpu.memory_space<hbm>> -> memref<5x64xi32, #tpu.memory_space<hbm>>
        tpu.wait_dma2 semaphore(%arg28 : memref<!tpu.dma_semaphore, #tpu.memory_space<semaphore_mem>>) src(%dma_wait3A_1108 : memref<5x64xi32, #tpu.memory_space<hbm>>) dst(%dma_wait3A_1105 : memref<5x64xi32, #tpu.memory_space<vmem>>)
      } else {
      }
      %dma_wait3A_561 = arith.constant 0 : i32
      %dma_wait3A_562 = arith.constant 0 : i32
      %dma_wait3A_563 = arith.constant 0 : i32
      %dma_wait3A_564 = tpu.memref_slice %arg9[%dma_wait3A_561, %dma_wait3A_562, %dma_wait3A_563] : memref<5x64x80xf32, #tpu.memory_space<vmem>> -> memref<1x64x80xf32, #tpu.memory_space<vmem>>
      %dma_wait3A_565 = tpu.memref_squeeze %dma_wait3A_564 : memref<1x64x80xf32, #tpu.memory_space<vmem>> -> memref<64x80xf32, #tpu.memory_space<vmem>>
      %dma_wait3A_566 = arith.constant 0 : i32
      %dma_wait3A_567 = arith.constant 0 : i32
      %dma_wait3A_568 = tpu.memref_slice %arg6[%dma_wait3A_566, %dma_wait3A_567] : memref<20480x80xf32, #tpu.memory_space<hbm>> -> memref<64x80xf32, #tpu.memory_space<hbm>>
      %dma_wait3A_569 = arith.constant 0 : i32
      %dma_wait3A_570 = arith.constant 0 : i32
      %dma_wait3A_571 = tpu.memref_slice %arg9[%dma_wait3A_561, %dma_wait3A_569, %dma_wait3A_570] : memref<5x64x80xf32, #tpu.memory_space<vmem>> -> memref<1x64x80xf32, #tpu.memory_space<vmem>>
      %dma_wait3A_572 = tpu.memref_squeeze %dma_wait3A_571 : memref<1x64x80xf32, #tpu.memory_space<vmem>> -> memref<64x80xf32, #tpu.memory_space<vmem>>
      %dma_wait3A_573 = arith.constant 0 : i32
      %dma_wait3A_574 = arith.constant 0 : i32
      %dma_wait3A_575 = tpu.memref_slice %arg6[%dma_wait3A_573, %dma_wait3A_574] : memref<20480x80xf32, #tpu.memory_space<hbm>> -> memref<64x80xf32, #tpu.memory_space<hbm>>
      tpu.wait_dma2 semaphore(%arg12 : memref<!tpu.dma_semaphore, #tpu.memory_space<semaphore_mem>>) src(%dma_wait3A_575 : memref<64x80xf32, #tpu.memory_space<hbm>>) dst(%dma_wait3A_572 : memref<64x80xf32, #tpu.memory_space<vmem>>)
      %dma_start3A_576 = arith.constant 0 : i32
      %dma_start3A_577 = arith.constant 1 : i32
      %dma_start3A_578 = arith.constant 0 : i32
      %dma_start3A_579 = arith.constant 0 : i32
      %dma_start3A_580 = arith.constant 0 : i32
      %dma_start3A_581 = tpu.memref_slice %arg9[%dma_start3A_576, %dma_start3A_579, %dma_start3A_580] : memref<5x64x80xf32, #tpu.memory_space<vmem>> -> memref<1x64x80xf32, #tpu.memory_space<vmem>>
      %dma_start3A_582 = tpu.memref_squeeze %dma_start3A_581 : memref<1x64x80xf32, #tpu.memory_space<vmem>> -> memref<64x80xf32, #tpu.memory_space<vmem>>
      %dma_start3A_583 = arith.constant 0 : i32
      %dma_start3A_584 = tpu.memref_slice %arg8[%dma_start3A_577, %dma_start3A_578, %dma_start3A_583] : memref<4x5x64xi32, #tpu.memory_space<vmem>> -> memref<1x1x64xi32, #tpu.memory_space<vmem>>
      %dma_start3A_585 = tpu.memref_squeeze %dma_start3A_584 : memref<1x1x64xi32, #tpu.memory_space<vmem>> -> memref<64xi32, #tpu.memory_space<vmem>>
      %dma_start3A_586 = arith.constant 0 : i32
      %dma_start3A_587 = arith.constant 0 : i32
      %dma_start3A_588 = tpu.memref_slice %arg10[%dma_start3A_586, %dma_start3A_587] : memref<10240x80xf32, #tpu.memory_space<vmem_shared>> -> memref<10240x80xf32, #tpu.memory_space<vmem_shared>>
      tpu.enqueue_indirect_dma source(%dma_start3A_582 : memref<64x80xf32, #tpu.memory_space<vmem>>) target(%dma_start3A_588 : memref<10240x80xf32, #tpu.memory_space<vmem_shared>>) offsets(%dma_start3A_585 : memref<64xi32, #tpu.memory_space<vmem>>) semaphore(%arg17 : memref<!tpu.dma_semaphore, #tpu.memory_space<semaphore_mem>>) {add = true}
      %convert_element_type3A_589 = arith.extui %lt3A_557 : i1 to i32
      %cond3A_590 = arith.constant 0 : i32
      %cond3A_591 = arith.constant 0 : i32
      %cond3A_592 = arith.cmpi ne, %convert_element_type3A_589, %cond3A_591 : i32
      scf.if %cond3A_592 {
        %dma_wait3A_1079 = arith.constant 0 : i32
        %dma_wait3A_1080 = arith.constant 0 : i32
        %dma_wait3A_1081 = tpu.memref_slice %arg9[%cond3A_590, %dma_wait3A_1079, %dma_wait3A_1080] : memref<5x64x80xf32, #tpu.memory_space<vmem>> -> memref<1x64x80xf32, #tpu.memory_space<vmem>>
        %dma_wait3A_1082 = tpu.memref_squeeze %dma_wait3A_1081 : memref<1x64x80xf32, #tpu.memory_space<vmem>> -> memref<64x80xf32, #tpu.memory_space<vmem>>
        %dma_wait3A_1083 = arith.constant 0 : i32
        %dma_wait3A_1084 = arith.constant 0 : i32
        %dma_wait3A_1085 = tpu.memref_slice %arg6[%dma_wait3A_1083, %dma_wait3A_1084] : memref<20480x80xf32, #tpu.memory_space<hbm>> -> memref<64x80xf32, #tpu.memory_space<hbm>>
        %dma_wait3A_1086 = arith.constant 0 : i32
        %dma_wait3A_1087 = arith.constant 0 : i32
        %dma_wait3A_1088 = tpu.memref_slice %arg9[%cond3A_590, %dma_wait3A_1086, %dma_wait3A_1087] : memref<5x64x80xf32, #tpu.memory_space<vmem>> -> memref<1x64x80xf32, #tpu.memory_space<vmem>>
        %dma_wait3A_1089 = tpu.memref_squeeze %dma_wait3A_1088 : memref<1x64x80xf32, #tpu.memory_space<vmem>> -> memref<64x80xf32, #tpu.memory_space<vmem>>
        %dma_wait3A_1090 = arith.constant 0 : i32
        %dma_wait3A_1091 = arith.constant 0 : i32
        %dma_wait3A_1092 = tpu.memref_slice %arg6[%dma_wait3A_1090, %dma_wait3A_1091] : memref<20480x80xf32, #tpu.memory_space<hbm>> -> memref<64x80xf32, #tpu.memory_space<hbm>>
        tpu.wait_dma2 semaphore(%arg17 : memref<!tpu.dma_semaphore, #tpu.memory_space<semaphore_mem>>) src(%dma_wait3A_1092 : memref<64x80xf32, #tpu.memory_space<hbm>>) dst(%dma_wait3A_1089 : memref<64x80xf32, #tpu.memory_space<vmem>>)
        %dma_start3A_1093 = arith.constant 2 : i32
        %dma_start3A_1094 = arith.constant 0 : i32
        %dma_start3A_1095 = arith.constant 0 : i32
        %dma_start3A_1096 = tpu.memref_slice %arg9[%cond3A_590, %dma_start3A_1094, %dma_start3A_1095] : memref<5x64x80xf32, #tpu.memory_space<vmem>> -> memref<1x64x80xf32, #tpu.memory_space<vmem>>
        %dma_start3A_1097 = tpu.memref_squeeze %dma_start3A_1096 : memref<1x64x80xf32, #tpu.memory_space<vmem>> -> memref<64x80xf32, #tpu.memory_space<vmem>>
        %dma_start3A_1098 = arith.constant 0 : i32
        %dma_start3A_1099 = tpu.memref_slice %arg7[%dma_start3A_1093, %cond3A_590, %dma_start3A_1098] : memref<4x5x64xi32, #tpu.memory_space<vmem>> -> memref<1x1x64xi32, #tpu.memory_space<vmem>>
        %dma_start3A_1100 = tpu.memref_squeeze %dma_start3A_1099 : memref<1x1x64xi32, #tpu.memory_space<vmem>> -> memref<64xi32, #tpu.memory_space<vmem>>
        %dma_start3A_1101 = arith.constant 0 : i32
        %dma_start3A_1102 = arith.constant 0 : i32
        %dma_start3A_1103 = tpu.memref_slice %arg11[%dma_start3A_1101, %dma_start3A_1102] : memref<10000x80xf32, #tpu.memory_space<vmem_shared>> -> memref<10000x80xf32, #tpu.memory_space<vmem_shared>>
        tpu.enqueue_indirect_dma source(%dma_start3A_1103 : memref<10000x80xf32, #tpu.memory_space<vmem_shared>>) target(%dma_start3A_1097 : memref<64x80xf32, #tpu.memory_space<vmem>>) offsets(%dma_start3A_1100 : memref<64xi32, #tpu.memory_space<vmem>>) semaphore(%arg12 : memref<!tpu.dma_semaphore, #tpu.memory_space<semaphore_mem>>)
      } else {
      }
      %dma_wait3A_593 = arith.constant 1 : i32
      %dma_wait3A_594 = arith.constant 0 : i32
      %dma_wait3A_595 = arith.constant 0 : i32
      %dma_wait3A_596 = tpu.memref_slice %arg9[%dma_wait3A_593, %dma_wait3A_594, %dma_wait3A_595] : memref<5x64x80xf32, #tpu.memory_space<vmem>> -> memref<1x64x80xf32, #tpu.memory_space<vmem>>
      %dma_wait3A_597 = tpu.memref_squeeze %dma_wait3A_596 : memref<1x64x80xf32, #tpu.memory_space<vmem>> -> memref<64x80xf32, #tpu.memory_space<vmem>>
      %dma_wait3A_598 = arith.constant 0 : i32
      %dma_wait3A_599 = arith.constant 0 : i32
      %dma_wait3A_600 = tpu.memref_slice %arg6[%dma_wait3A_598, %dma_wait3A_599] : memref<20480x80xf32, #tpu.memory_space<hbm>> -> memref<64x80xf32, #tpu.memory_space<hbm>>
      %dma_wait3A_601 = arith.constant 0 : i32
      %dma_wait3A_602 = arith.constant 0 : i32
      %dma_wait3A_603 = tpu.memref_slice %arg9[%dma_wait3A_593, %dma_wait3A_601, %dma_wait3A_602] : memref<5x64x80xf32, #tpu.memory_space<vmem>> -> memref<1x64x80xf32, #tpu.memory_space<vmem>>
      %dma_wait3A_604 = tpu.memref_squeeze %dma_wait3A_603 : memref<1x64x80xf32, #tpu.memory_space<vmem>> -> memref<64x80xf32, #tpu.memory_space<vmem>>
      %dma_wait3A_605 = arith.constant 0 : i32
      %dma_wait3A_606 = arith.constant 0 : i32
      %dma_wait3A_607 = tpu.memref_slice %arg6[%dma_wait3A_605, %dma_wait3A_606] : memref<20480x80xf32, #tpu.memory_space<hbm>> -> memref<64x80xf32, #tpu.memory_space<hbm>>
      tpu.wait_dma2 semaphore(%arg13 : memref<!tpu.dma_semaphore, #tpu.memory_space<semaphore_mem>>) src(%dma_wait3A_607 : memref<64x80xf32, #tpu.memory_space<hbm>>) dst(%dma_wait3A_604 : memref<64x80xf32, #tpu.memory_space<vmem>>)
      %dma_start3A_608 = arith.constant 1 : i32
      %dma_start3A_609 = arith.constant 1 : i32
      %dma_start3A_610 = arith.constant 1 : i32
      %dma_start3A_611 = arith.constant 0 : i32
      %dma_start3A_612 = arith.constant 0 : i32
      %dma_start3A_613 = tpu.memref_slice %arg9[%dma_start3A_608, %dma_start3A_611, %dma_start3A_612] : memref<5x64x80xf32, #tpu.memory_space<vmem>> -> memref<1x64x80xf32, #tpu.memory_space<vmem>>
      %dma_start3A_614 = tpu.memref_squeeze %dma_start3A_613 : memref<1x64x80xf32, #tpu.memory_space<vmem>> -> memref<64x80xf32, #tpu.memory_space<vmem>>
      %dma_start3A_615 = arith.constant 0 : i32
      %dma_start3A_616 = tpu.memref_slice %arg8[%dma_start3A_609, %dma_start3A_610, %dma_start3A_615] : memref<4x5x64xi32, #tpu.memory_space<vmem>> -> memref<1x1x64xi32, #tpu.memory_space<vmem>>
      %dma_start3A_617 = tpu.memref_squeeze %dma_start3A_616 : memref<1x1x64xi32, #tpu.memory_space<vmem>> -> memref<64xi32, #tpu.memory_space<vmem>>
      %dma_start3A_618 = arith.constant 0 : i32
      %dma_start3A_619 = arith.constant 0 : i32
      %dma_start3A_620 = tpu.memref_slice %arg10[%dma_start3A_618, %dma_start3A_619] : memref<10240x80xf32, #tpu.memory_space<vmem_shared>> -> memref<10240x80xf32, #tpu.memory_space<vmem_shared>>
      tpu.enqueue_indirect_dma source(%dma_start3A_614 : memref<64x80xf32, #tpu.memory_space<vmem>>) target(%dma_start3A_620 : memref<10240x80xf32, #tpu.memory_space<vmem_shared>>) offsets(%dma_start3A_617 : memref<64xi32, #tpu.memory_space<vmem>>) semaphore(%arg18 : memref<!tpu.dma_semaphore, #tpu.memory_space<semaphore_mem>>) {add = true}
      %convert_element_type3A_621 = arith.extui %lt3A_557 : i1 to i32
      %cond3A_622 = arith.constant 1 : i32
      %cond3A_623 = arith.constant 0 : i32
      %cond3A_624 = arith.cmpi ne, %convert_element_type3A_621, %cond3A_623 : i32
      scf.if %cond3A_624 {
        %dma_wait3A_1079 = arith.constant 0 : i32
        %dma_wait3A_1080 = arith.constant 0 : i32
        %dma_wait3A_1081 = tpu.memref_slice %arg9[%cond3A_622, %dma_wait3A_1079, %dma_wait3A_1080] : memref<5x64x80xf32, #tpu.memory_space<vmem>> -> memref<1x64x80xf32, #tpu.memory_space<vmem>>
        %dma_wait3A_1082 = tpu.memref_squeeze %dma_wait3A_1081 : memref<1x64x80xf32, #tpu.memory_space<vmem>> -> memref<64x80xf32, #tpu.memory_space<vmem>>
        %dma_wait3A_1083 = arith.constant 0 : i32
        %dma_wait3A_1084 = arith.constant 0 : i32
        %dma_wait3A_1085 = tpu.memref_slice %arg6[%dma_wait3A_1083, %dma_wait3A_1084] : memref<20480x80xf32, #tpu.memory_space<hbm>> -> memref<64x80xf32, #tpu.memory_space<hbm>>
        %dma_wait3A_1086 = arith.constant 0 : i32
        %dma_wait3A_1087 = arith.constant 0 : i32
        %dma_wait3A_1088 = tpu.memref_slice %arg9[%cond3A_622, %dma_wait3A_1086, %dma_wait3A_1087] : memref<5x64x80xf32, #tpu.memory_space<vmem>> -> memref<1x64x80xf32, #tpu.memory_space<vmem>>
        %dma_wait3A_1089 = tpu.memref_squeeze %dma_wait3A_1088 : memref<1x64x80xf32, #tpu.memory_space<vmem>> -> memref<64x80xf32, #tpu.memory_space<vmem>>
        %dma_wait3A_1090 = arith.constant 0 : i32
        %dma_wait3A_1091 = arith.constant 0 : i32
        %dma_wait3A_1092 = tpu.memref_slice %arg6[%dma_wait3A_1090, %dma_wait3A_1091] : memref<20480x80xf32, #tpu.memory_space<hbm>> -> memref<64x80xf32, #tpu.memory_space<hbm>>
        tpu.wait_dma2 semaphore(%arg18 : memref<!tpu.dma_semaphore, #tpu.memory_space<semaphore_mem>>) src(%dma_wait3A_1092 : memref<64x80xf32, #tpu.memory_space<hbm>>) dst(%dma_wait3A_1089 : memref<64x80xf32, #tpu.memory_space<vmem>>)
        %dma_start3A_1093 = arith.constant 2 : i32
        %dma_start3A_1094 = arith.constant 0 : i32
        %dma_start3A_1095 = arith.constant 0 : i32
        %dma_start3A_1096 = tpu.memref_slice %arg9[%cond3A_622, %dma_start3A_1094, %dma_start3A_1095] : memref<5x64x80xf32, #tpu.memory_space<vmem>> -> memref<1x64x80xf32, #tpu.memory_space<vmem>>
        %dma_start3A_1097 = tpu.memref_squeeze %dma_start3A_1096 : memref<1x64x80xf32, #tpu.memory_space<vmem>> -> memref<64x80xf32, #tpu.memory_space<vmem>>
        %dma_start3A_1098 = arith.constant 0 : i32
        %dma_start3A_1099 = tpu.memref_slice %arg7[%dma_start3A_1093, %cond3A_622, %dma_start3A_1098] : memref<4x5x64xi32, #tpu.memory_space<vmem>> -> memref<1x1x64xi32, #tpu.memory_space<vmem>>
        %dma_start3A_1100 = tpu.memref_squeeze %dma_start3A_1099 : memref<1x1x64xi32, #tpu.memory_space<vmem>> -> memref<64xi32, #tpu.memory_space<vmem>>
        %dma_start3A_1101 = arith.constant 0 : i32
        %dma_start3A_1102 = arith.constant 0 : i32
        %dma_start3A_1103 = tpu.memref_slice %arg11[%dma_start3A_1101, %dma_start3A_1102] : memref<10000x80xf32, #tpu.memory_space<vmem_shared>> -> memref<10000x80xf32, #tpu.memory_space<vmem_shared>>
        tpu.enqueue_indirect_dma source(%dma_start3A_1103 : memref<10000x80xf32, #tpu.memory_space<vmem_shared>>) target(%dma_start3A_1097 : memref<64x80xf32, #tpu.memory_space<vmem>>) offsets(%dma_start3A_1100 : memref<64xi32, #tpu.memory_space<vmem>>) semaphore(%arg13 : memref<!tpu.dma_semaphore, #tpu.memory_space<semaphore_mem>>)
      } else {
      }
      %dma_wait3A_625 = arith.constant 2 : i32
      %dma_wait3A_626 = arith.constant 0 : i32
      %dma_wait3A_627 = arith.constant 0 : i32
      %dma_wait3A_628 = tpu.memref_slice %arg9[%dma_wait3A_625, %dma_wait3A_626, %dma_wait3A_627] : memref<5x64x80xf32, #tpu.memory_space<vmem>> -> memref<1x64x80xf32, #tpu.memory_space<vmem>>
      %dma_wait3A_629 = tpu.memref_squeeze %dma_wait3A_628 : memref<1x64x80xf32, #tpu.memory_space<vmem>> -> memref<64x80xf32, #tpu.memory_space<vmem>>
      %dma_wait3A_630 = arith.constant 0 : i32
      %dma_wait3A_631 = arith.constant 0 : i32
      %dma_wait3A_632 = tpu.memref_slice %arg6[%dma_wait3A_630, %dma_wait3A_631] : memref<20480x80xf32, #tpu.memory_space<hbm>> -> memref<64x80xf32, #tpu.memory_space<hbm>>
      %dma_wait3A_633 = arith.constant 0 : i32
      %dma_wait3A_634 = arith.constant 0 : i32
      %dma_wait3A_635 = tpu.memref_slice %arg9[%dma_wait3A_625, %dma_wait3A_633, %dma_wait3A_634] : memref<5x64x80xf32, #tpu.memory_space<vmem>> -> memref<1x64x80xf32, #tpu.memory_space<vmem>>
      %dma_wait3A_636 = tpu.memref_squeeze %dma_wait3A_635 : memref<1x64x80xf32, #tpu.memory_space<vmem>> -> memref<64x80xf32, #tpu.memory_space<vmem>>
      %dma_wait3A_637 = arith.constant 0 : i32
      %dma_wait3A_638 = arith.constant 0 : i32
      %dma_wait3A_639 = tpu.memref_slice %arg6[%dma_wait3A_637, %dma_wait3A_638] : memref<20480x80xf32, #tpu.memory_space<hbm>> -> memref<64x80xf32, #tpu.memory_space<hbm>>
      tpu.wait_dma2 semaphore(%arg14 : memref<!tpu.dma_semaphore, #tpu.memory_space<semaphore_mem>>) src(%dma_wait3A_639 : memref<64x80xf32, #tpu.memory_space<hbm>>) dst(%dma_wait3A_636 : memref<64x80xf32, #tpu.memory_space<vmem>>)
      %dma_start3A_640 = arith.constant 2 : i32
      %dma_start3A_641 = arith.constant 1 : i32
      %dma_start3A_642 = arith.constant 2 : i32
      %dma_start3A_643 = arith.constant 0 : i32
      %dma_start3A_644 = arith.constant 0 : i32
      %dma_start3A_645 = tpu.memref_slice %arg9[%dma_start3A_640, %dma_start3A_643, %dma_start3A_644] : memref<5x64x80xf32, #tpu.memory_space<vmem>> -> memref<1x64x80xf32, #tpu.memory_space<vmem>>
      %dma_start3A_646 = tpu.memref_squeeze %dma_start3A_645 : memref<1x64x80xf32, #tpu.memory_space<vmem>> -> memref<64x80xf32, #tpu.memory_space<vmem>>
      %dma_start3A_647 = arith.constant 0 : i32
      %dma_start3A_648 = tpu.memref_slice %arg8[%dma_start3A_641, %dma_start3A_642, %dma_start3A_647] : memref<4x5x64xi32, #tpu.memory_space<vmem>> -> memref<1x1x64xi32, #tpu.memory_space<vmem>>
      %dma_start3A_649 = tpu.memref_squeeze %dma_start3A_648 : memref<1x1x64xi32, #tpu.memory_space<vmem>> -> memref<64xi32, #tpu.memory_space<vmem>>
      %dma_start3A_650 = arith.constant 0 : i32
      %dma_start3A_651 = arith.constant 0 : i32
      %dma_start3A_652 = tpu.memref_slice %arg10[%dma_start3A_650, %dma_start3A_651] : memref<10240x80xf32, #tpu.memory_space<vmem_shared>> -> memref<10240x80xf32, #tpu.memory_space<vmem_shared>>
      tpu.enqueue_indirect_dma source(%dma_start3A_646 : memref<64x80xf32, #tpu.memory_space<vmem>>) target(%dma_start3A_652 : memref<10240x80xf32, #tpu.memory_space<vmem_shared>>) offsets(%dma_start3A_649 : memref<64xi32, #tpu.memory_space<vmem>>) semaphore(%arg19 : memref<!tpu.dma_semaphore, #tpu.memory_space<semaphore_mem>>) {add = true}
      %convert_element_type3A_653 = arith.extui %lt3A_557 : i1 to i32
      %cond3A_654 = arith.constant 2 : i32
      %cond3A_655 = arith.constant 0 : i32
      %cond3A_656 = arith.cmpi ne, %convert_element_type3A_653, %cond3A_655 : i32
      scf.if %cond3A_656 {
        %dma_wait3A_1079 = arith.constant 0 : i32
        %dma_wait3A_1080 = arith.constant 0 : i32
        %dma_wait3A_1081 = tpu.memref_slice %arg9[%cond3A_654, %dma_wait3A_1079, %dma_wait3A_1080] : memref<5x64x80xf32, #tpu.memory_space<vmem>> -> memref<1x64x80xf32, #tpu.memory_space<vmem>>
        %dma_wait3A_1082 = tpu.memref_squeeze %dma_wait3A_1081 : memref<1x64x80xf32, #tpu.memory_space<vmem>> -> memref<64x80xf32, #tpu.memory_space<vmem>>
        %dma_wait3A_1083 = arith.constant 0 : i32
        %dma_wait3A_1084 = arith.constant 0 : i32
        %dma_wait3A_1085 = tpu.memref_slice %arg6[%dma_wait3A_1083, %dma_wait3A_1084] : memref<20480x80xf32, #tpu.memory_space<hbm>> -> memref<64x80xf32, #tpu.memory_space<hbm>>
        %dma_wait3A_1086 = arith.constant 0 : i32
        %dma_wait3A_1087 = arith.constant 0 : i32
        %dma_wait3A_1088 = tpu.memref_slice %arg9[%cond3A_654, %dma_wait3A_1086, %dma_wait3A_1087] : memref<5x64x80xf32, #tpu.memory_space<vmem>> -> memref<1x64x80xf32, #tpu.memory_space<vmem>>
        %dma_wait3A_1089 = tpu.memref_squeeze %dma_wait3A_1088 : memref<1x64x80xf32, #tpu.memory_space<vmem>> -> memref<64x80xf32, #tpu.memory_space<vmem>>
        %dma_wait3A_1090 = arith.constant 0 : i32
        %dma_wait3A_1091 = arith.constant 0 : i32
        %dma_wait3A_1092 = tpu.memref_slice %arg6[%dma_wait3A_1090, %dma_wait3A_1091] : memref<20480x80xf32, #tpu.memory_space<hbm>> -> memref<64x80xf32, #tpu.memory_space<hbm>>
        tpu.wait_dma2 semaphore(%arg19 : memref<!tpu.dma_semaphore, #tpu.memory_space<semaphore_mem>>) src(%dma_wait3A_1092 : memref<64x80xf32, #tpu.memory_space<hbm>>) dst(%dma_wait3A_1089 : memref<64x80xf32, #tpu.memory_space<vmem>>)
        %dma_start3A_1093 = arith.constant 2 : i32
        %dma_start3A_1094 = arith.constant 0 : i32
        %dma_start3A_1095 = arith.constant 0 : i32
        %dma_start3A_1096 = tpu.memref_slice %arg9[%cond3A_654, %dma_start3A_1094, %dma_start3A_1095] : memref<5x64x80xf32, #tpu.memory_space<vmem>> -> memref<1x64x80xf32, #tpu.memory_space<vmem>>
        %dma_start3A_1097 = tpu.memref_squeeze %dma_start3A_1096 : memref<1x64x80xf32, #tpu.memory_space<vmem>> -> memref<64x80xf32, #tpu.memory_space<vmem>>
        %dma_start3A_1098 = arith.constant 0 : i32
        %dma_start3A_1099 = tpu.memref_slice %arg7[%dma_start3A_1093, %cond3A_654, %dma_start3A_1098] : memref<4x5x64xi32, #tpu.memory_space<vmem>> -> memref<1x1x64xi32, #tpu.memory_space<vmem>>
        %dma_start3A_1100 = tpu.memref_squeeze %dma_start3A_1099 : memref<1x1x64xi32, #tpu.memory_space<vmem>> -> memref<64xi32, #tpu.memory_space<vmem>>
        %dma_start3A_1101 = arith.constant 0 : i32
        %dma_start3A_1102 = arith.constant 0 : i32
        %dma_start3A_1103 = tpu.memref_slice %arg11[%dma_start3A_1101, %dma_start3A_1102] : memref<10000x80xf32, #tpu.memory_space<vmem_shared>> -> memref<10000x80xf32, #tpu.memory_space<vmem_shared>>
        tpu.enqueue_indirect_dma source(%dma_start3A_1103 : memref<10000x80xf32, #tpu.memory_space<vmem_shared>>) target(%dma_start3A_1097 : memref<64x80xf32, #tpu.memory_space<vmem>>) offsets(%dma_start3A_1100 : memref<64xi32, #tpu.memory_space<vmem>>) semaphore(%arg14 : memref<!tpu.dma_semaphore, #tpu.memory_space<semaphore_mem>>)
      } else {
      }
      %dma_wait3A_657 = arith.constant 3 : i32
      %dma_wait3A_658 = arith.constant 0 : i32
      %dma_wait3A_659 = arith.constant 0 : i32
      %dma_wait3A_660 = tpu.memref_slice %arg9[%dma_wait3A_657, %dma_wait3A_658, %dma_wait3A_659] : memref<5x64x80xf32, #tpu.memory_space<vmem>> -> memref<1x64x80xf32, #tpu.memory_space<vmem>>
      %dma_wait3A_661 = tpu.memref_squeeze %dma_wait3A_660 : memref<1x64x80xf32, #tpu.memory_space<vmem>> -> memref<64x80xf32, #tpu.memory_space<vmem>>
      %dma_wait3A_662 = arith.constant 0 : i32
      %dma_wait3A_663 = arith.constant 0 : i32
      %dma_wait3A_664 = tpu.memref_slice %arg6[%dma_wait3A_662, %dma_wait3A_663] : memref<20480x80xf32, #tpu.memory_space<hbm>> -> memref<64x80xf32, #tpu.memory_space<hbm>>
      %dma_wait3A_665 = arith.constant 0 : i32
      %dma_wait3A_666 = arith.constant 0 : i32
      %dma_wait3A_667 = tpu.memref_slice %arg9[%dma_wait3A_657, %dma_wait3A_665, %dma_wait3A_666] : memref<5x64x80xf32, #tpu.memory_space<vmem>> -> memref<1x64x80xf32, #tpu.memory_space<vmem>>
      %dma_wait3A_668 = tpu.memref_squeeze %dma_wait3A_667 : memref<1x64x80xf32, #tpu.memory_space<vmem>> -> memref<64x80xf32, #tpu.memory_space<vmem>>
      %dma_wait3A_669 = arith.constant 0 : i32
      %dma_wait3A_670 = arith.constant 0 : i32
      %dma_wait3A_671 = tpu.memref_slice %arg6[%dma_wait3A_669, %dma_wait3A_670] : memref<20480x80xf32, #tpu.memory_space<hbm>> -> memref<64x80xf32, #tpu.memory_space<hbm>>
      tpu.wait_dma2 semaphore(%arg15 : memref<!tpu.dma_semaphore, #tpu.memory_space<semaphore_mem>>) src(%dma_wait3A_671 : memref<64x80xf32, #tpu.memory_space<hbm>>) dst(%dma_wait3A_668 : memref<64x80xf32, #tpu.memory_space<vmem>>)
      %dma_start3A_672 = arith.constant 3 : i32
      %dma_start3A_673 = arith.constant 1 : i32
      %dma_start3A_674 = arith.constant 3 : i32
      %dma_start3A_675 = arith.constant 0 : i32
      %dma_start3A_676 = arith.constant 0 : i32
      %dma_start3A_677 = tpu.memref_slice %arg9[%dma_start3A_672, %dma_start3A_675, %dma_start3A_676] : memref<5x64x80xf32, #tpu.memory_space<vmem>> -> memref<1x64x80xf32, #tpu.memory_space<vmem>>
      %dma_start3A_678 = tpu.memref_squeeze %dma_start3A_677 : memref<1x64x80xf32, #tpu.memory_space<vmem>> -> memref<64x80xf32, #tpu.memory_space<vmem>>
      %dma_start3A_679 = arith.constant 0 : i32
      %dma_start3A_680 = tpu.memref_slice %arg8[%dma_start3A_673, %dma_start3A_674, %dma_start3A_679] : memref<4x5x64xi32, #tpu.memory_space<vmem>> -> memref<1x1x64xi32, #tpu.memory_space<vmem>>
      %dma_start3A_681 = tpu.memref_squeeze %dma_start3A_680 : memref<1x1x64xi32, #tpu.memory_space<vmem>> -> memref<64xi32, #tpu.memory_space<vmem>>
      %dma_start3A_682 = arith.constant 0 : i32
      %dma_start3A_683 = arith.constant 0 : i32
      %dma_start3A_684 = tpu.memref_slice %arg10[%dma_start3A_682, %dma_start3A_683] : memref<10240x80xf32, #tpu.memory_space<vmem_shared>> -> memref<10240x80xf32, #tpu.memory_space<vmem_shared>>
      tpu.enqueue_indirect_dma source(%dma_start3A_678 : memref<64x80xf32, #tpu.memory_space<vmem>>) target(%dma_start3A_684 : memref<10240x80xf32, #tpu.memory_space<vmem_shared>>) offsets(%dma_start3A_681 : memref<64xi32, #tpu.memory_space<vmem>>) semaphore(%arg20 : memref<!tpu.dma_semaphore, #tpu.memory_space<semaphore_mem>>) {add = true}
      %convert_element_type3A_685 = arith.extui %lt3A_557 : i1 to i32
      %cond3A_686 = arith.constant 3 : i32
      %cond3A_687 = arith.constant 0 : i32
      %cond3A_688 = arith.cmpi ne, %convert_element_type3A_685, %cond3A_687 : i32
      scf.if %cond3A_688 {
        %dma_wait3A_1079 = arith.constant 0 : i32
        %dma_wait3A_1080 = arith.constant 0 : i32
        %dma_wait3A_1081 = tpu.memref_slice %arg9[%cond3A_686, %dma_wait3A_1079, %dma_wait3A_1080] : memref<5x64x80xf32, #tpu.memory_space<vmem>> -> memref<1x64x80xf32, #tpu.memory_space<vmem>>
        %dma_wait3A_1082 = tpu.memref_squeeze %dma_wait3A_1081 : memref<1x64x80xf32, #tpu.memory_space<vmem>> -> memref<64x80xf32, #tpu.memory_space<vmem>>
        %dma_wait3A_1083 = arith.constant 0 : i32
        %dma_wait3A_1084 = arith.constant 0 : i32
        %dma_wait3A_1085 = tpu.memref_slice %arg6[%dma_wait3A_1083, %dma_wait3A_1084] : memref<20480x80xf32, #tpu.memory_space<hbm>> -> memref<64x80xf32, #tpu.memory_space<hbm>>
        %dma_wait3A_1086 = arith.constant 0 : i32
        %dma_wait3A_1087 = arith.constant 0 : i32
        %dma_wait3A_1088 = tpu.memref_slice %arg9[%cond3A_686, %dma_wait3A_1086, %dma_wait3A_1087] : memref<5x64x80xf32, #tpu.memory_space<vmem>> -> memref<1x64x80xf32, #tpu.memory_space<vmem>>
        %dma_wait3A_1089 = tpu.memref_squeeze %dma_wait3A_1088 : memref<1x64x80xf32, #tpu.memory_space<vmem>> -> memref<64x80xf32, #tpu.memory_space<vmem>>
        %dma_wait3A_1090 = arith.constant 0 : i32
        %dma_wait3A_1091 = arith.constant 0 : i32
        %dma_wait3A_1092 = tpu.memref_slice %arg6[%dma_wait3A_1090, %dma_wait3A_1091] : memref<20480x80xf32, #tpu.memory_space<hbm>> -> memref<64x80xf32, #tpu.memory_space<hbm>>
        tpu.wait_dma2 semaphore(%arg20 : memref<!tpu.dma_semaphore, #tpu.memory_space<semaphore_mem>>) src(%dma_wait3A_1092 : memref<64x80xf32, #tpu.memory_space<hbm>>) dst(%dma_wait3A_1089 : memref<64x80xf32, #tpu.memory_space<vmem>>)
        %dma_start3A_1093 = arith.constant 2 : i32
        %dma_start3A_1094 = arith.constant 0 : i32
        %dma_start3A_1095 = arith.constant 0 : i32
        %dma_start3A_1096 = tpu.memref_slice %arg9[%cond3A_686, %dma_start3A_1094, %dma_start3A_1095] : memref<5x64x80xf32, #tpu.memory_space<vmem>> -> memref<1x64x80xf32, #tpu.memory_space<vmem>>
        %dma_start3A_1097 = tpu.memref_squeeze %dma_start3A_1096 : memref<1x64x80xf32, #tpu.memory_space<vmem>> -> memref<64x80xf32, #tpu.memory_space<vmem>>
        %dma_start3A_1098 = arith.constant 0 : i32
        %dma_start3A_1099 = tpu.memref_slice %arg7[%dma_start3A_1093, %cond3A_686, %dma_start3A_1098] : memref<4x5x64xi32, #tpu.memory_space<vmem>> -> memref<1x1x64xi32, #tpu.memory_space<vmem>>
        %dma_start3A_1100 = tpu.memref_squeeze %dma_start3A_1099 : memref<1x1x64xi32, #tpu.memory_space<vmem>> -> memref<64xi32, #tpu.memory_space<vmem>>
        %dma_start3A_1101 = arith.constant 0 : i32
        %dma_start3A_1102 = arith.constant 0 : i32
        %dma_start3A_1103 = tpu.memref_slice %arg11[%dma_start3A_1101, %dma_start3A_1102] : memref<10000x80xf32, #tpu.memory_space<vmem_shared>> -> memref<10000x80xf32, #tpu.memory_space<vmem_shared>>
        tpu.enqueue_indirect_dma source(%dma_start3A_1103 : memref<10000x80xf32, #tpu.memory_space<vmem_shared>>) target(%dma_start3A_1097 : memref<64x80xf32, #tpu.memory_space<vmem>>) offsets(%dma_start3A_1100 : memref<64xi32, #tpu.memory_space<vmem>>) semaphore(%arg15 : memref<!tpu.dma_semaphore, #tpu.memory_space<semaphore_mem>>)
      } else {
      }
      %dma_wait3A_689 = arith.constant 4 : i32
      %dma_wait3A_690 = arith.constant 0 : i32
      %dma_wait3A_691 = arith.constant 0 : i32
      %dma_wait3A_692 = tpu.memref_slice %arg9[%dma_wait3A_689, %dma_wait3A_690, %dma_wait3A_691] : memref<5x64x80xf32, #tpu.memory_space<vmem>> -> memref<1x64x80xf32, #tpu.memory_space<vmem>>
      %dma_wait3A_693 = tpu.memref_squeeze %dma_wait3A_692 : memref<1x64x80xf32, #tpu.memory_space<vmem>> -> memref<64x80xf32, #tpu.memory_space<vmem>>
      %dma_wait3A_694 = arith.constant 0 : i32
      %dma_wait3A_695 = arith.constant 0 : i32
      %dma_wait3A_696 = tpu.memref_slice %arg6[%dma_wait3A_694, %dma_wait3A_695] : memref<20480x80xf32, #tpu.memory_space<hbm>> -> memref<64x80xf32, #tpu.memory_space<hbm>>
      %dma_wait3A_697 = arith.constant 0 : i32
      %dma_wait3A_698 = arith.constant 0 : i32
      %dma_wait3A_699 = tpu.memref_slice %arg9[%dma_wait3A_689, %dma_wait3A_697, %dma_wait3A_698] : memref<5x64x80xf32, #tpu.memory_space<vmem>> -> memref<1x64x80xf32, #tpu.memory_space<vmem>>
      %dma_wait3A_700 = tpu.memref_squeeze %dma_wait3A_699 : memref<1x64x80xf32, #tpu.memory_space<vmem>> -> memref<64x80xf32, #tpu.memory_space<vmem>>
      %dma_wait3A_701 = arith.constant 0 : i32
      %dma_wait3A_702 = arith.constant 0 : i32
      %dma_wait3A_703 = tpu.memref_slice %arg6[%dma_wait3A_701, %dma_wait3A_702] : memref<20480x80xf32, #tpu.memory_space<hbm>> -> memref<64x80xf32, #tpu.memory_space<hbm>>
      tpu.wait_dma2 semaphore(%arg16 : memref<!tpu.dma_semaphore, #tpu.memory_space<semaphore_mem>>) src(%dma_wait3A_703 : memref<64x80xf32, #tpu.memory_space<hbm>>) dst(%dma_wait3A_700 : memref<64x80xf32, #tpu.memory_space<vmem>>)
      %dma_start3A_704 = arith.constant 4 : i32
      %dma_start3A_705 = arith.constant 1 : i32
      %dma_start3A_706 = arith.constant 4 : i32
      %dma_start3A_707 = arith.constant 0 : i32
      %dma_start3A_708 = arith.constant 0 : i32
      %dma_start3A_709 = tpu.memref_slice %arg9[%dma_start3A_704, %dma_start3A_707, %dma_start3A_708] : memref<5x64x80xf32, #tpu.memory_space<vmem>> -> memref<1x64x80xf32, #tpu.memory_space<vmem>>
      %dma_start3A_710 = tpu.memref_squeeze %dma_start3A_709 : memref<1x64x80xf32, #tpu.memory_space<vmem>> -> memref<64x80xf32, #tpu.memory_space<vmem>>
      %dma_start3A_711 = arith.constant 0 : i32
      %dma_start3A_712 = tpu.memref_slice %arg8[%dma_start3A_705, %dma_start3A_706, %dma_start3A_711] : memref<4x5x64xi32, #tpu.memory_space<vmem>> -> memref<1x1x64xi32, #tpu.memory_space<vmem>>
      %dma_start3A_713 = tpu.memref_squeeze %dma_start3A_712 : memref<1x1x64xi32, #tpu.memory_space<vmem>> -> memref<64xi32, #tpu.memory_space<vmem>>
      %dma_start3A_714 = arith.constant 0 : i32
      %dma_start3A_715 = arith.constant 0 : i32
      %dma_start3A_716 = tpu.memref_slice %arg10[%dma_start3A_714, %dma_start3A_715] : memref<10240x80xf32, #tpu.memory_space<vmem_shared>> -> memref<10240x80xf32, #tpu.memory_space<vmem_shared>>
      tpu.enqueue_indirect_dma source(%dma_start3A_710 : memref<64x80xf32, #tpu.memory_space<vmem>>) target(%dma_start3A_716 : memref<10240x80xf32, #tpu.memory_space<vmem_shared>>) offsets(%dma_start3A_713 : memref<64xi32, #tpu.memory_space<vmem>>) semaphore(%arg21 : memref<!tpu.dma_semaphore, #tpu.memory_space<semaphore_mem>>) {add = true}
      %convert_element_type3A_717 = arith.extui %lt3A_557 : i1 to i32
      %cond3A_718 = arith.constant 4 : i32
      %cond3A_719 = arith.constant 0 : i32
      %cond3A_720 = arith.cmpi ne, %convert_element_type3A_717, %cond3A_719 : i32
      scf.if %cond3A_720 {
        %dma_wait3A_1079 = arith.constant 0 : i32
        %dma_wait3A_1080 = arith.constant 0 : i32
        %dma_wait3A_1081 = tpu.memref_slice %arg9[%cond3A_718, %dma_wait3A_1079, %dma_wait3A_1080] : memref<5x64x80xf32, #tpu.memory_space<vmem>> -> memref<1x64x80xf32, #tpu.memory_space<vmem>>
        %dma_wait3A_1082 = tpu.memref_squeeze %dma_wait3A_1081 : memref<1x64x80xf32, #tpu.memory_space<vmem>> -> memref<64x80xf32, #tpu.memory_space<vmem>>
        %dma_wait3A_1083 = arith.constant 0 : i32
        %dma_wait3A_1084 = arith.constant 0 : i32
        %dma_wait3A_1085 = tpu.memref_slice %arg6[%dma_wait3A_1083, %dma_wait3A_1084] : memref<20480x80xf32, #tpu.memory_space<hbm>> -> memref<64x80xf32, #tpu.memory_space<hbm>>
        %dma_wait3A_1086 = arith.constant 0 : i32
        %dma_wait3A_1087 = arith.constant 0 : i32
        %dma_wait3A_1088 = tpu.memref_slice %arg9[%cond3A_718, %dma_wait3A_1086, %dma_wait3A_1087] : memref<5x64x80xf32, #tpu.memory_space<vmem>> -> memref<1x64x80xf32, #tpu.memory_space<vmem>>
        %dma_wait3A_1089 = tpu.memref_squeeze %dma_wait3A_1088 : memref<1x64x80xf32, #tpu.memory_space<vmem>> -> memref<64x80xf32, #tpu.memory_space<vmem>>
        %dma_wait3A_1090 = arith.constant 0 : i32
        %dma_wait3A_1091 = arith.constant 0 : i32
        %dma_wait3A_1092 = tpu.memref_slice %arg6[%dma_wait3A_1090, %dma_wait3A_1091] : memref<20480x80xf32, #tpu.memory_space<hbm>> -> memref<64x80xf32, #tpu.memory_space<hbm>>
        tpu.wait_dma2 semaphore(%arg21 : memref<!tpu.dma_semaphore, #tpu.memory_space<semaphore_mem>>) src(%dma_wait3A_1092 : memref<64x80xf32, #tpu.memory_space<hbm>>) dst(%dma_wait3A_1089 : memref<64x80xf32, #tpu.memory_space<vmem>>)
        %dma_start3A_1093 = arith.constant 2 : i32
        %dma_start3A_1094 = arith.constant 0 : i32
        %dma_start3A_1095 = arith.constant 0 : i32
        %dma_start3A_1096 = tpu.memref_slice %arg9[%cond3A_718, %dma_start3A_1094, %dma_start3A_1095] : memref<5x64x80xf32, #tpu.memory_space<vmem>> -> memref<1x64x80xf32, #tpu.memory_space<vmem>>
        %dma_start3A_1097 = tpu.memref_squeeze %dma_start3A_1096 : memref<1x64x80xf32, #tpu.memory_space<vmem>> -> memref<64x80xf32, #tpu.memory_space<vmem>>
        %dma_start3A_1098 = arith.constant 0 : i32
        %dma_start3A_1099 = tpu.memref_slice %arg7[%dma_start3A_1093, %cond3A_718, %dma_start3A_1098] : memref<4x5x64xi32, #tpu.memory_space<vmem>> -> memref<1x1x64xi32, #tpu.memory_space<vmem>>
        %dma_start3A_1100 = tpu.memref_squeeze %dma_start3A_1099 : memref<1x1x64xi32, #tpu.memory_space<vmem>> -> memref<64xi32, #tpu.memory_space<vmem>>
        %dma_start3A_1101 = arith.constant 0 : i32
        %dma_start3A_1102 = arith.constant 0 : i32
        %dma_start3A_1103 = tpu.memref_slice %arg11[%dma_start3A_1101, %dma_start3A_1102] : memref<10000x80xf32, #tpu.memory_space<vmem_shared>> -> memref<10000x80xf32, #tpu.memory_space<vmem_shared>>
        tpu.enqueue_indirect_dma source(%dma_start3A_1103 : memref<10000x80xf32, #tpu.memory_space<vmem_shared>>) target(%dma_start3A_1097 : memref<64x80xf32, #tpu.memory_space<vmem>>) offsets(%dma_start3A_1100 : memref<64xi32, #tpu.memory_space<vmem>>) semaphore(%arg16 : memref<!tpu.dma_semaphore, #tpu.memory_space<semaphore_mem>>)
      } else {
      }
      %add3A_721 = arith.constant 3 : i32
      %add3A_722 = arith.addi %add3A_554, %add3A_721 : i32
      %lt3A_723 = arith.cmpi slt, %add3A_722, %select_n3A_63 : i32
      %convert_element_type3A_724 = arith.extui %lt3A_723 : i1 to i32
      %cond3A_725 = arith.constant 0 : i32
      %cond3A_726 = arith.cmpi ne, %convert_element_type3A_724, %cond3A_725 : i32
      scf.if %cond3A_726 {
        %add3A_1079 = arith.constant 3 : i32
        %add3A_1080 = arith.addi %add3A_554, %add3A_1079 : i32
        %mul3A_1081 = arith.constant 5 : i32
        %mul3A_1082 = arith.muli %add3A_1080, %mul3A_1081 : i32
        %add3A_1083 = arith.addi %mul3A_43, %mul3A_1082 : i32
        %dma_start3A_1084 = arith.constant 0 : i32
        %dma_start3A_1085 = arith.constant 0 : i32
        %dma_start3A_1086 = arith.constant 0 : i32
        %dma_start3A_1087 = tpu.memref_slice %arg7[%dma_start3A_1084, %dma_start3A_1085, %dma_start3A_1086] : memref<4x5x64xi32, #tpu.memory_space<vmem>> -> memref<1x5x64xi32, #tpu.memory_space<vmem>>
        %dma_start3A_1088 = tpu.memref_squeeze %dma_start3A_1087 : memref<1x5x64xi32, #tpu.memory_space<vmem>> -> memref<5x64xi32, #tpu.memory_space<vmem>>
        %dma_start3A_1089 = arith.constant 0 : i32
        %dma_start3A_1090 = tpu.memref_slice %arg3[%add3A_1083, %dma_start3A_1089] : memref<5000x64xi32, #tpu.memory_space<hbm>> -> memref<5x64xi32, #tpu.memory_space<hbm>>
        %dma_start3A_1091 = arith.constant 0 : i32
        %dma_start3A_1092 = arith.constant 0 : i32
        %dma_start3A_1093 = tpu.memref_slice %arg7[%dma_start3A_1084, %dma_start3A_1091, %dma_start3A_1092] : memref<4x5x64xi32, #tpu.memory_space<vmem>> -> memref<1x5x64xi32, #tpu.memory_space<vmem>>
        %dma_start3A_1094 = tpu.memref_squeeze %dma_start3A_1093 : memref<1x5x64xi32, #tpu.memory_space<vmem>> -> memref<5x64xi32, #tpu.memory_space<vmem>>
        %dma_start3A_1095 = arith.constant 0 : i32
        %dma_start3A_1096 = tpu.memref_slice %arg3[%add3A_1083, %dma_start3A_1095] : memref<5000x64xi32, #tpu.memory_space<hbm>> -> memref<5x64xi32, #tpu.memory_space<hbm>>
        tpu.enqueue_dma source(%dma_start3A_1096 : memref<5x64xi32, #tpu.memory_space<hbm>>) target(%dma_start3A_1094 : memref<5x64xi32, #tpu.memory_space<vmem>>) target_semaphore(%arg22 : memref<!tpu.dma_semaphore, #tpu.memory_space<semaphore_mem>>)
        %mul3A_1097 = arith.constant 5 : i32
        %mul3A_1098 = arith.muli %add3A_1080, %mul3A_1097 : i32
        %add3A_1099 = arith.addi %mul3A_43, %mul3A_1098 : i32
        %dma_start3A_1100 = arith.constant 0 : i32
        %dma_start3A_1101 = arith.constant 0 : i32
        %dma_start3A_1102 = arith.constant 0 : i32
        %dma_start3A_1103 = tpu.memref_slice %arg8[%dma_start3A_1100, %dma_start3A_1101, %dma_start3A_1102] : memref<4x5x64xi32, #tpu.memory_space<vmem>> -> memref<1x5x64xi32, #tpu.memory_space<vmem>>
        %dma_start3A_1104 = tpu.memref_squeeze %dma_start3A_1103 : memref<1x5x64xi32, #tpu.memory_space<vmem>> -> memref<5x64xi32, #tpu.memory_space<vmem>>
        %dma_start3A_1105 = arith.constant 0 : i32
        %dma_start3A_1106 = tpu.memref_slice %arg4[%add3A_1099, %dma_start3A_1105] : memref<5000x64xi32, #tpu.memory_space<hbm>> -> memref<5x64xi32, #tpu.memory_space<hbm>>
        %dma_start3A_1107 = arith.constant 0 : i32
        %dma_start3A_1108 = arith.constant 0 : i32
        %dma_start3A_1109 = tpu.memref_slice %arg8[%dma_start3A_1100, %dma_start3A_1107, %dma_start3A_1108] : memref<4x5x64xi32, #tpu.memory_space<vmem>> -> memref<1x5x64xi32, #tpu.memory_space<vmem>>
        %dma_start3A_1110 = tpu.memref_squeeze %dma_start3A_1109 : memref<1x5x64xi32, #tpu.memory_space<vmem>> -> memref<5x64xi32, #tpu.memory_space<vmem>>
        %dma_start3A_1111 = arith.constant 0 : i32
        %dma_start3A_1112 = tpu.memref_slice %arg4[%add3A_1099, %dma_start3A_1111] : memref<5000x64xi32, #tpu.memory_space<hbm>> -> memref<5x64xi32, #tpu.memory_space<hbm>>
        tpu.enqueue_dma source(%dma_start3A_1112 : memref<5x64xi32, #tpu.memory_space<hbm>>) target(%dma_start3A_1110 : memref<5x64xi32, #tpu.memory_space<vmem>>) target_semaphore(%arg26 : memref<!tpu.dma_semaphore, #tpu.memory_space<semaphore_mem>>)
      } else {
      }
      %mul3A_727 = arith.constant 4 : i32
      %mul3A_728 = arith.muli %while3A_377, %mul3A_727 : i32
      %add3A_729 = arith.constant 2 : i32
      %add3A_730 = arith.addi %mul3A_728, %add3A_729 : i32
      %add3A_731 = arith.constant 1 : i32
      %add3A_732 = arith.addi %add3A_730, %add3A_731 : i32
      %lt3A_733 = arith.cmpi slt, %add3A_732, %select_n3A_63 : i32
      %convert_element_type3A_734 = arith.extui %lt3A_733 : i1 to i32
      %cond3A_735 = arith.constant 0 : i32
      %cond3A_736 = arith.cmpi ne, %convert_element_type3A_734, %cond3A_735 : i32
      scf.if %cond3A_736 {
        %dma_wait3A_1079 = arith.constant 3 : i32
        %dma_wait3A_1080 = arith.constant 0 : i32
        %dma_wait3A_1081 = arith.constant 0 : i32
        %dma_wait3A_1082 = tpu.memref_slice %arg7[%dma_wait3A_1079, %dma_wait3A_1080, %dma_wait3A_1081] : memref<4x5x64xi32, #tpu.memory_space<vmem>> -> memref<1x5x64xi32, #tpu.memory_space<vmem>>
        %dma_wait3A_1083 = tpu.memref_squeeze %dma_wait3A_1082 : memref<1x5x64xi32, #tpu.memory_space<vmem>> -> memref<5x64xi32, #tpu.memory_space<vmem>>
        %dma_wait3A_1084 = arith.constant 0 : i32
        %dma_wait3A_1085 = arith.constant 0 : i32
        %dma_wait3A_1086 = tpu.memref_slice %arg3[%dma_wait3A_1084, %dma_wait3A_1085] : memref<5000x64xi32, #tpu.memory_space<hbm>> -> memref<5x64xi32, #tpu.memory_space<hbm>>
        %dma_wait3A_1087 = arith.constant 0 : i32
        %dma_wait3A_1088 = arith.constant 0 : i32
        %dma_wait3A_1089 = tpu.memref_slice %arg7[%dma_wait3A_1079, %dma_wait3A_1087, %dma_wait3A_1088] : memref<4x5x64xi32, #tpu.memory_space<vmem>> -> memref<1x5x64xi32, #tpu.memory_space<vmem>>
        %dma_wait3A_1090 = tpu.memref_squeeze %dma_wait3A_1089 : memref<1x5x64xi32, #tpu.memory_space<vmem>> -> memref<5x64xi32, #tpu.memory_space<vmem>>
        %dma_wait3A_1091 = arith.constant 0 : i32
        %dma_wait3A_1092 = arith.constant 0 : i32
        %dma_wait3A_1093 = tpu.memref_slice %arg3[%dma_wait3A_1091, %dma_wait3A_1092] : memref<5000x64xi32, #tpu.memory_space<hbm>> -> memref<5x64xi32, #tpu.memory_space<hbm>>
        tpu.wait_dma2 semaphore(%arg25 : memref<!tpu.dma_semaphore, #tpu.memory_space<semaphore_mem>>) src(%dma_wait3A_1093 : memref<5x64xi32, #tpu.memory_space<hbm>>) dst(%dma_wait3A_1090 : memref<5x64xi32, #tpu.memory_space<vmem>>)
        %dma_wait3A_1094 = arith.constant 3 : i32
        %dma_wait3A_1095 = arith.constant 0 : i32
        %dma_wait3A_1096 = arith.constant 0 : i32
        %dma_wait3A_1097 = tpu.memref_slice %arg8[%dma_wait3A_1094, %dma_wait3A_1095, %dma_wait3A_1096] : memref<4x5x64xi32, #tpu.memory_space<vmem>> -> memref<1x5x64xi32, #tpu.memory_space<vmem>>
        %dma_wait3A_1098 = tpu.memref_squeeze %dma_wait3A_1097 : memref<1x5x64xi32, #tpu.memory_space<vmem>> -> memref<5x64xi32, #tpu.memory_space<vmem>>
        %dma_wait3A_1099 = arith.constant 0 : i32
        %dma_wait3A_1100 = arith.constant 0 : i32
        %dma_wait3A_1101 = tpu.memref_slice %arg4[%dma_wait3A_1099, %dma_wait3A_1100] : memref<5000x64xi32, #tpu.memory_space<hbm>> -> memref<5x64xi32, #tpu.memory_space<hbm>>
        %dma_wait3A_1102 = arith.constant 0 : i32
        %dma_wait3A_1103 = arith.constant 0 : i32
        %dma_wait3A_1104 = tpu.memref_slice %arg8[%dma_wait3A_1094, %dma_wait3A_1102, %dma_wait3A_1103] : memref<4x5x64xi32, #tpu.memory_space<vmem>> -> memref<1x5x64xi32, #tpu.memory_space<vmem>>
        %dma_wait3A_1105 = tpu.memref_squeeze %dma_wait3A_1104 : memref<1x5x64xi32, #tpu.memory_space<vmem>> -> memref<5x64xi32, #tpu.memory_space<vmem>>
        %dma_wait3A_1106 = arith.constant 0 : i32
        %dma_wait3A_1107 = arith.constant 0 : i32
        %dma_wait3A_1108 = tpu.memref_slice %arg4[%dma_wait3A_1106, %dma_wait3A_1107] : memref<5000x64xi32, #tpu.memory_space<hbm>> -> memref<5x64xi32, #tpu.memory_space<hbm>>
        tpu.wait_dma2 semaphore(%arg29 : memref<!tpu.dma_semaphore, #tpu.memory_space<semaphore_mem>>) src(%dma_wait3A_1108 : memref<5x64xi32, #tpu.memory_space<hbm>>) dst(%dma_wait3A_1105 : memref<5x64xi32, #tpu.memory_space<vmem>>)
      } else {
      }
      %dma_wait3A_737 = arith.constant 0 : i32
      %dma_wait3A_738 = arith.constant 0 : i32
      %dma_wait3A_739 = arith.constant 0 : i32
      %dma_wait3A_740 = tpu.memref_slice %arg9[%dma_wait3A_737, %dma_wait3A_738, %dma_wait3A_739] : memref<5x64x80xf32, #tpu.memory_space<vmem>> -> memref<1x64x80xf32, #tpu.memory_space<vmem>>
      %dma_wait3A_741 = tpu.memref_squeeze %dma_wait3A_740 : memref<1x64x80xf32, #tpu.memory_space<vmem>> -> memref<64x80xf32, #tpu.memory_space<vmem>>
      %dma_wait3A_742 = arith.constant 0 : i32
      %dma_wait3A_743 = arith.constant 0 : i32
      %dma_wait3A_744 = tpu.memref_slice %arg6[%dma_wait3A_742, %dma_wait3A_743] : memref<20480x80xf32, #tpu.memory_space<hbm>> -> memref<64x80xf32, #tpu.memory_space<hbm>>
      %dma_wait3A_745 = arith.constant 0 : i32
      %dma_wait3A_746 = arith.constant 0 : i32
      %dma_wait3A_747 = tpu.memref_slice %arg9[%dma_wait3A_737, %dma_wait3A_745, %dma_wait3A_746] : memref<5x64x80xf32, #tpu.memory_space<vmem>> -> memref<1x64x80xf32, #tpu.memory_space<vmem>>
      %dma_wait3A_748 = tpu.memref_squeeze %dma_wait3A_747 : memref<1x64x80xf32, #tpu.memory_space<vmem>> -> memref<64x80xf32, #tpu.memory_space<vmem>>
      %dma_wait3A_749 = arith.constant 0 : i32
      %dma_wait3A_750 = arith.constant 0 : i32
      %dma_wait3A_751 = tpu.memref_slice %arg6[%dma_wait3A_749, %dma_wait3A_750] : memref<20480x80xf32, #tpu.memory_space<hbm>> -> memref<64x80xf32, #tpu.memory_space<hbm>>
      tpu.wait_dma2 semaphore(%arg12 : memref<!tpu.dma_semaphore, #tpu.memory_space<semaphore_mem>>) src(%dma_wait3A_751 : memref<64x80xf32, #tpu.memory_space<hbm>>) dst(%dma_wait3A_748 : memref<64x80xf32, #tpu.memory_space<vmem>>)
      %dma_start3A_752 = arith.constant 0 : i32
      %dma_start3A_753 = arith.constant 2 : i32
      %dma_start3A_754 = arith.constant 0 : i32
      %dma_start3A_755 = arith.constant 0 : i32
      %dma_start3A_756 = arith.constant 0 : i32
      %dma_start3A_757 = tpu.memref_slice %arg9[%dma_start3A_752, %dma_start3A_755, %dma_start3A_756] : memref<5x64x80xf32, #tpu.memory_space<vmem>> -> memref<1x64x80xf32, #tpu.memory_space<vmem>>
      %dma_start3A_758 = tpu.memref_squeeze %dma_start3A_757 : memref<1x64x80xf32, #tpu.memory_space<vmem>> -> memref<64x80xf32, #tpu.memory_space<vmem>>
      %dma_start3A_759 = arith.constant 0 : i32
      %dma_start3A_760 = tpu.memref_slice %arg8[%dma_start3A_753, %dma_start3A_754, %dma_start3A_759] : memref<4x5x64xi32, #tpu.memory_space<vmem>> -> memref<1x1x64xi32, #tpu.memory_space<vmem>>
      %dma_start3A_761 = tpu.memref_squeeze %dma_start3A_760 : memref<1x1x64xi32, #tpu.memory_space<vmem>> -> memref<64xi32, #tpu.memory_space<vmem>>
      %dma_start3A_762 = arith.constant 0 : i32
      %dma_start3A_763 = arith.constant 0 : i32
      %dma_start3A_764 = tpu.memref_slice %arg10[%dma_start3A_762, %dma_start3A_763] : memref<10240x80xf32, #tpu.memory_space<vmem_shared>> -> memref<10240x80xf32, #tpu.memory_space<vmem_shared>>
      tpu.enqueue_indirect_dma source(%dma_start3A_758 : memref<64x80xf32, #tpu.memory_space<vmem>>) target(%dma_start3A_764 : memref<10240x80xf32, #tpu.memory_space<vmem_shared>>) offsets(%dma_start3A_761 : memref<64xi32, #tpu.memory_space<vmem>>) semaphore(%arg17 : memref<!tpu.dma_semaphore, #tpu.memory_space<semaphore_mem>>) {add = true}
      %convert_element_type3A_765 = arith.extui %lt3A_733 : i1 to i32
      %cond3A_766 = arith.constant 0 : i32
      %cond3A_767 = arith.constant 0 : i32
      %cond3A_768 = arith.cmpi ne, %convert_element_type3A_765, %cond3A_767 : i32
      scf.if %cond3A_768 {
        %dma_wait3A_1079 = arith.constant 0 : i32
        %dma_wait3A_1080 = arith.constant 0 : i32
        %dma_wait3A_1081 = tpu.memref_slice %arg9[%cond3A_766, %dma_wait3A_1079, %dma_wait3A_1080] : memref<5x64x80xf32, #tpu.memory_space<vmem>> -> memref<1x64x80xf32, #tpu.memory_space<vmem>>
        %dma_wait3A_1082 = tpu.memref_squeeze %dma_wait3A_1081 : memref<1x64x80xf32, #tpu.memory_space<vmem>> -> memref<64x80xf32, #tpu.memory_space<vmem>>
        %dma_wait3A_1083 = arith.constant 0 : i32
        %dma_wait3A_1084 = arith.constant 0 : i32
        %dma_wait3A_1085 = tpu.memref_slice %arg6[%dma_wait3A_1083, %dma_wait3A_1084] : memref<20480x80xf32, #tpu.memory_space<hbm>> -> memref<64x80xf32, #tpu.memory_space<hbm>>
        %dma_wait3A_1086 = arith.constant 0 : i32
        %dma_wait3A_1087 = arith.constant 0 : i32
        %dma_wait3A_1088 = tpu.memref_slice %arg9[%cond3A_766, %dma_wait3A_1086, %dma_wait3A_1087] : memref<5x64x80xf32, #tpu.memory_space<vmem>> -> memref<1x64x80xf32, #tpu.memory_space<vmem>>
        %dma_wait3A_1089 = tpu.memref_squeeze %dma_wait3A_1088 : memref<1x64x80xf32, #tpu.memory_space<vmem>> -> memref<64x80xf32, #tpu.memory_space<vmem>>
        %dma_wait3A_1090 = arith.constant 0 : i32
        %dma_wait3A_1091 = arith.constant 0 : i32
        %dma_wait3A_1092 = tpu.memref_slice %arg6[%dma_wait3A_1090, %dma_wait3A_1091] : memref<20480x80xf32, #tpu.memory_space<hbm>> -> memref<64x80xf32, #tpu.memory_space<hbm>>
        tpu.wait_dma2 semaphore(%arg17 : memref<!tpu.dma_semaphore, #tpu.memory_space<semaphore_mem>>) src(%dma_wait3A_1092 : memref<64x80xf32, #tpu.memory_space<hbm>>) dst(%dma_wait3A_1089 : memref<64x80xf32, #tpu.memory_space<vmem>>)
        %dma_start3A_1093 = arith.constant 3 : i32
        %dma_start3A_1094 = arith.constant 0 : i32
        %dma_start3A_1095 = arith.constant 0 : i32
        %dma_start3A_1096 = tpu.memref_slice %arg9[%cond3A_766, %dma_start3A_1094, %dma_start3A_1095] : memref<5x64x80xf32, #tpu.memory_space<vmem>> -> memref<1x64x80xf32, #tpu.memory_space<vmem>>
        %dma_start3A_1097 = tpu.memref_squeeze %dma_start3A_1096 : memref<1x64x80xf32, #tpu.memory_space<vmem>> -> memref<64x80xf32, #tpu.memory_space<vmem>>
        %dma_start3A_1098 = arith.constant 0 : i32
        %dma_start3A_1099 = tpu.memref_slice %arg7[%dma_start3A_1093, %cond3A_766, %dma_start3A_1098] : memref<4x5x64xi32, #tpu.memory_space<vmem>> -> memref<1x1x64xi32, #tpu.memory_space<vmem>>
        %dma_start3A_1100 = tpu.memref_squeeze %dma_start3A_1099 : memref<1x1x64xi32, #tpu.memory_space<vmem>> -> memref<64xi32, #tpu.memory_space<vmem>>
        %dma_start3A_1101 = arith.constant 0 : i32
        %dma_start3A_1102 = arith.constant 0 : i32
        %dma_start3A_1103 = tpu.memref_slice %arg11[%dma_start3A_1101, %dma_start3A_1102] : memref<10000x80xf32, #tpu.memory_space<vmem_shared>> -> memref<10000x80xf32, #tpu.memory_space<vmem_shared>>
        tpu.enqueue_indirect_dma source(%dma_start3A_1103 : memref<10000x80xf32, #tpu.memory_space<vmem_shared>>) target(%dma_start3A_1097 : memref<64x80xf32, #tpu.memory_space<vmem>>) offsets(%dma_start3A_1100 : memref<64xi32, #tpu.memory_space<vmem>>) semaphore(%arg12 : memref<!tpu.dma_semaphore, #tpu.memory_space<semaphore_mem>>)
      } else {
      }
      %dma_wait3A_769 = arith.constant 1 : i32
      %dma_wait3A_770 = arith.constant 0 : i32
      %dma_wait3A_771 = arith.constant 0 : i32
      %dma_wait3A_772 = tpu.memref_slice %arg9[%dma_wait3A_769, %dma_wait3A_770, %dma_wait3A_771] : memref<5x64x80xf32, #tpu.memory_space<vmem>> -> memref<1x64x80xf32, #tpu.memory_space<vmem>>
      %dma_wait3A_773 = tpu.memref_squeeze %dma_wait3A_772 : memref<1x64x80xf32, #tpu.memory_space<vmem>> -> memref<64x80xf32, #tpu.memory_space<vmem>>
      %dma_wait3A_774 = arith.constant 0 : i32
      %dma_wait3A_775 = arith.constant 0 : i32
      %dma_wait3A_776 = tpu.memref_slice %arg6[%dma_wait3A_774, %dma_wait3A_775] : memref<20480x80xf32, #tpu.memory_space<hbm>> -> memref<64x80xf32, #tpu.memory_space<hbm>>
      %dma_wait3A_777 = arith.constant 0 : i32
      %dma_wait3A_778 = arith.constant 0 : i32
      %dma_wait3A_779 = tpu.memref_slice %arg9[%dma_wait3A_769, %dma_wait3A_777, %dma_wait3A_778] : memref<5x64x80xf32, #tpu.memory_space<vmem>> -> memref<1x64x80xf32, #tpu.memory_space<vmem>>
      %dma_wait3A_780 = tpu.memref_squeeze %dma_wait3A_779 : memref<1x64x80xf32, #tpu.memory_space<vmem>> -> memref<64x80xf32, #tpu.memory_space<vmem>>
      %dma_wait3A_781 = arith.constant 0 : i32
      %dma_wait3A_782 = arith.constant 0 : i32
      %dma_wait3A_783 = tpu.memref_slice %arg6[%dma_wait3A_781, %dma_wait3A_782] : memref<20480x80xf32, #tpu.memory_space<hbm>> -> memref<64x80xf32, #tpu.memory_space<hbm>>
      tpu.wait_dma2 semaphore(%arg13 : memref<!tpu.dma_semaphore, #tpu.memory_space<semaphore_mem>>) src(%dma_wait3A_783 : memref<64x80xf32, #tpu.memory_space<hbm>>) dst(%dma_wait3A_780 : memref<64x80xf32, #tpu.memory_space<vmem>>)
      %dma_start3A_784 = arith.constant 1 : i32
      %dma_start3A_785 = arith.constant 2 : i32
      %dma_start3A_786 = arith.constant 1 : i32
      %dma_start3A_787 = arith.constant 0 : i32
      %dma_start3A_788 = arith.constant 0 : i32
      %dma_start3A_789 = tpu.memref_slice %arg9[%dma_start3A_784, %dma_start3A_787, %dma_start3A_788] : memref<5x64x80xf32, #tpu.memory_space<vmem>> -> memref<1x64x80xf32, #tpu.memory_space<vmem>>
      %dma_start3A_790 = tpu.memref_squeeze %dma_start3A_789 : memref<1x64x80xf32, #tpu.memory_space<vmem>> -> memref<64x80xf32, #tpu.memory_space<vmem>>
      %dma_start3A_791 = arith.constant 0 : i32
      %dma_start3A_792 = tpu.memref_slice %arg8[%dma_start3A_785, %dma_start3A_786, %dma_start3A_791] : memref<4x5x64xi32, #tpu.memory_space<vmem>> -> memref<1x1x64xi32, #tpu.memory_space<vmem>>
      %dma_start3A_793 = tpu.memref_squeeze %dma_start3A_792 : memref<1x1x64xi32, #tpu.memory_space<vmem>> -> memref<64xi32, #tpu.memory_space<vmem>>
      %dma_start3A_794 = arith.constant 0 : i32
      %dma_start3A_795 = arith.constant 0 : i32
      %dma_start3A_796 = tpu.memref_slice %arg10[%dma_start3A_794, %dma_start3A_795] : memref<10240x80xf32, #tpu.memory_space<vmem_shared>> -> memref<10240x80xf32, #tpu.memory_space<vmem_shared>>
      tpu.enqueue_indirect_dma source(%dma_start3A_790 : memref<64x80xf32, #tpu.memory_space<vmem>>) target(%dma_start3A_796 : memref<10240x80xf32, #tpu.memory_space<vmem_shared>>) offsets(%dma_start3A_793 : memref<64xi32, #tpu.memory_space<vmem>>) semaphore(%arg18 : memref<!tpu.dma_semaphore, #tpu.memory_space<semaphore_mem>>) {add = true}
      %convert_element_type3A_797 = arith.extui %lt3A_733 : i1 to i32
      %cond3A_798 = arith.constant 1 : i32
      %cond3A_799 = arith.constant 0 : i32
      %cond3A_800 = arith.cmpi ne, %convert_element_type3A_797, %cond3A_799 : i32
      scf.if %cond3A_800 {
        %dma_wait3A_1079 = arith.constant 0 : i32
        %dma_wait3A_1080 = arith.constant 0 : i32
        %dma_wait3A_1081 = tpu.memref_slice %arg9[%cond3A_798, %dma_wait3A_1079, %dma_wait3A_1080] : memref<5x64x80xf32, #tpu.memory_space<vmem>> -> memref<1x64x80xf32, #tpu.memory_space<vmem>>
        %dma_wait3A_1082 = tpu.memref_squeeze %dma_wait3A_1081 : memref<1x64x80xf32, #tpu.memory_space<vmem>> -> memref<64x80xf32, #tpu.memory_space<vmem>>
        %dma_wait3A_1083 = arith.constant 0 : i32
        %dma_wait3A_1084 = arith.constant 0 : i32
        %dma_wait3A_1085 = tpu.memref_slice %arg6[%dma_wait3A_1083, %dma_wait3A_1084] : memref<20480x80xf32, #tpu.memory_space<hbm>> -> memref<64x80xf32, #tpu.memory_space<hbm>>
        %dma_wait3A_1086 = arith.constant 0 : i32
        %dma_wait3A_1087 = arith.constant 0 : i32
        %dma_wait3A_1088 = tpu.memref_slice %arg9[%cond3A_798, %dma_wait3A_1086, %dma_wait3A_1087] : memref<5x64x80xf32, #tpu.memory_space<vmem>> -> memref<1x64x80xf32, #tpu.memory_space<vmem>>
        %dma_wait3A_1089 = tpu.memref_squeeze %dma_wait3A_1088 : memref<1x64x80xf32, #tpu.memory_space<vmem>> -> memref<64x80xf32, #tpu.memory_space<vmem>>
        %dma_wait3A_1090 = arith.constant 0 : i32
        %dma_wait3A_1091 = arith.constant 0 : i32
        %dma_wait3A_1092 = tpu.memref_slice %arg6[%dma_wait3A_1090, %dma_wait3A_1091] : memref<20480x80xf32, #tpu.memory_space<hbm>> -> memref<64x80xf32, #tpu.memory_space<hbm>>
        tpu.wait_dma2 semaphore(%arg18 : memref<!tpu.dma_semaphore, #tpu.memory_space<semaphore_mem>>) src(%dma_wait3A_1092 : memref<64x80xf32, #tpu.memory_space<hbm>>) dst(%dma_wait3A_1089 : memref<64x80xf32, #tpu.memory_space<vmem>>)
        %dma_start3A_1093 = arith.constant 3 : i32
        %dma_start3A_1094 = arith.constant 0 : i32
        %dma_start3A_1095 = arith.constant 0 : i32
        %dma_start3A_1096 = tpu.memref_slice %arg9[%cond3A_798, %dma_start3A_1094, %dma_start3A_1095] : memref<5x64x80xf32, #tpu.memory_space<vmem>> -> memref<1x64x80xf32, #tpu.memory_space<vmem>>
        %dma_start3A_1097 = tpu.memref_squeeze %dma_start3A_1096 : memref<1x64x80xf32, #tpu.memory_space<vmem>> -> memref<64x80xf32, #tpu.memory_space<vmem>>
        %dma_start3A_1098 = arith.constant 0 : i32
        %dma_start3A_1099 = tpu.memref_slice %arg7[%dma_start3A_1093, %cond3A_798, %dma_start3A_1098] : memref<4x5x64xi32, #tpu.memory_space<vmem>> -> memref<1x1x64xi32, #tpu.memory_space<vmem>>
        %dma_start3A_1100 = tpu.memref_squeeze %dma_start3A_1099 : memref<1x1x64xi32, #tpu.memory_space<vmem>> -> memref<64xi32, #tpu.memory_space<vmem>>
        %dma_start3A_1101 = arith.constant 0 : i32
        %dma_start3A_1102 = arith.constant 0 : i32
        %dma_start3A_1103 = tpu.memref_slice %arg11[%dma_start3A_1101, %dma_start3A_1102] : memref<10000x80xf32, #tpu.memory_space<vmem_shared>> -> memref<10000x80xf32, #tpu.memory_space<vmem_shared>>
        tpu.enqueue_indirect_dma source(%dma_start3A_1103 : memref<10000x80xf32, #tpu.memory_space<vmem_shared>>) target(%dma_start3A_1097 : memref<64x80xf32, #tpu.memory_space<vmem>>) offsets(%dma_start3A_1100 : memref<64xi32, #tpu.memory_space<vmem>>) semaphore(%arg13 : memref<!tpu.dma_semaphore, #tpu.memory_space<semaphore_mem>>)
      } else {
      }
      %dma_wait3A_801 = arith.constant 2 : i32
      %dma_wait3A_802 = arith.constant 0 : i32
      %dma_wait3A_803 = arith.constant 0 : i32
      %dma_wait3A_804 = tpu.memref_slice %arg9[%dma_wait3A_801, %dma_wait3A_802, %dma_wait3A_803] : memref<5x64x80xf32, #tpu.memory_space<vmem>> -> memref<1x64x80xf32, #tpu.memory_space<vmem>>
      %dma_wait3A_805 = tpu.memref_squeeze %dma_wait3A_804 : memref<1x64x80xf32, #tpu.memory_space<vmem>> -> memref<64x80xf32, #tpu.memory_space<vmem>>
      %dma_wait3A_806 = arith.constant 0 : i32
      %dma_wait3A_807 = arith.constant 0 : i32
      %dma_wait3A_808 = tpu.memref_slice %arg6[%dma_wait3A_806, %dma_wait3A_807] : memref<20480x80xf32, #tpu.memory_space<hbm>> -> memref<64x80xf32, #tpu.memory_space<hbm>>
      %dma_wait3A_809 = arith.constant 0 : i32
      %dma_wait3A_810 = arith.constant 0 : i32
      %dma_wait3A_811 = tpu.memref_slice %arg9[%dma_wait3A_801, %dma_wait3A_809, %dma_wait3A_810] : memref<5x64x80xf32, #tpu.memory_space<vmem>> -> memref<1x64x80xf32, #tpu.memory_space<vmem>>
      %dma_wait3A_812 = tpu.memref_squeeze %dma_wait3A_811 : memref<1x64x80xf32, #tpu.memory_space<vmem>> -> memref<64x80xf32, #tpu.memory_space<vmem>>
      %dma_wait3A_813 = arith.constant 0 : i32
      %dma_wait3A_814 = arith.constant 0 : i32
      %dma_wait3A_815 = tpu.memref_slice %arg6[%dma_wait3A_813, %dma_wait3A_814] : memref<20480x80xf32, #tpu.memory_space<hbm>> -> memref<64x80xf32, #tpu.memory_space<hbm>>
      tpu.wait_dma2 semaphore(%arg14 : memref<!tpu.dma_semaphore, #tpu.memory_space<semaphore_mem>>) src(%dma_wait3A_815 : memref<64x80xf32, #tpu.memory_space<hbm>>) dst(%dma_wait3A_812 : memref<64x80xf32, #tpu.memory_space<vmem>>)
      %dma_start3A_816 = arith.constant 2 : i32
      %dma_start3A_817 = arith.constant 2 : i32
      %dma_start3A_818 = arith.constant 2 : i32
      %dma_start3A_819 = arith.constant 0 : i32
      %dma_start3A_820 = arith.constant 0 : i32
      %dma_start3A_821 = tpu.memref_slice %arg9[%dma_start3A_816, %dma_start3A_819, %dma_start3A_820] : memref<5x64x80xf32, #tpu.memory_space<vmem>> -> memref<1x64x80xf32, #tpu.memory_space<vmem>>
      %dma_start3A_822 = tpu.memref_squeeze %dma_start3A_821 : memref<1x64x80xf32, #tpu.memory_space<vmem>> -> memref<64x80xf32, #tpu.memory_space<vmem>>
      %dma_start3A_823 = arith.constant 0 : i32
      %dma_start3A_824 = tpu.memref_slice %arg8[%dma_start3A_817, %dma_start3A_818, %dma_start3A_823] : memref<4x5x64xi32, #tpu.memory_space<vmem>> -> memref<1x1x64xi32, #tpu.memory_space<vmem>>
      %dma_start3A_825 = tpu.memref_squeeze %dma_start3A_824 : memref<1x1x64xi32, #tpu.memory_space<vmem>> -> memref<64xi32, #tpu.memory_space<vmem>>
      %dma_start3A_826 = arith.constant 0 : i32
      %dma_start3A_827 = arith.constant 0 : i32
      %dma_start3A_828 = tpu.memref_slice %arg10[%dma_start3A_826, %dma_start3A_827] : memref<10240x80xf32, #tpu.memory_space<vmem_shared>> -> memref<10240x80xf32, #tpu.memory_space<vmem_shared>>
      tpu.enqueue_indirect_dma source(%dma_start3A_822 : memref<64x80xf32, #tpu.memory_space<vmem>>) target(%dma_start3A_828 : memref<10240x80xf32, #tpu.memory_space<vmem_shared>>) offsets(%dma_start3A_825 : memref<64xi32, #tpu.memory_space<vmem>>) semaphore(%arg19 : memref<!tpu.dma_semaphore, #tpu.memory_space<semaphore_mem>>) {add = true}
      %convert_element_type3A_829 = arith.extui %lt3A_733 : i1 to i32
      %cond3A_830 = arith.constant 2 : i32
      %cond3A_831 = arith.constant 0 : i32
      %cond3A_832 = arith.cmpi ne, %convert_element_type3A_829, %cond3A_831 : i32
      scf.if %cond3A_832 {
        %dma_wait3A_1079 = arith.constant 0 : i32
        %dma_wait3A_1080 = arith.constant 0 : i32
        %dma_wait3A_1081 = tpu.memref_slice %arg9[%cond3A_830, %dma_wait3A_1079, %dma_wait3A_1080] : memref<5x64x80xf32, #tpu.memory_space<vmem>> -> memref<1x64x80xf32, #tpu.memory_space<vmem>>
        %dma_wait3A_1082 = tpu.memref_squeeze %dma_wait3A_1081 : memref<1x64x80xf32, #tpu.memory_space<vmem>> -> memref<64x80xf32, #tpu.memory_space<vmem>>
        %dma_wait3A_1083 = arith.constant 0 : i32
        %dma_wait3A_1084 = arith.constant 0 : i32
        %dma_wait3A_1085 = tpu.memref_slice %arg6[%dma_wait3A_1083, %dma_wait3A_1084] : memref<20480x80xf32, #tpu.memory_space<hbm>> -> memref<64x80xf32, #tpu.memory_space<hbm>>
        %dma_wait3A_1086 = arith.constant 0 : i32
        %dma_wait3A_1087 = arith.constant 0 : i32
        %dma_wait3A_1088 = tpu.memref_slice %arg9[%cond3A_830, %dma_wait3A_1086, %dma_wait3A_1087] : memref<5x64x80xf32, #tpu.memory_space<vmem>> -> memref<1x64x80xf32, #tpu.memory_space<vmem>>
        %dma_wait3A_1089 = tpu.memref_squeeze %dma_wait3A_1088 : memref<1x64x80xf32, #tpu.memory_space<vmem>> -> memref<64x80xf32, #tpu.memory_space<vmem>>
        %dma_wait3A_1090 = arith.constant 0 : i32
        %dma_wait3A_1091 = arith.constant 0 : i32
        %dma_wait3A_1092 = tpu.memref_slice %arg6[%dma_wait3A_1090, %dma_wait3A_1091] : memref<20480x80xf32, #tpu.memory_space<hbm>> -> memref<64x80xf32, #tpu.memory_space<hbm>>
        tpu.wait_dma2 semaphore(%arg19 : memref<!tpu.dma_semaphore, #tpu.memory_space<semaphore_mem>>) src(%dma_wait3A_1092 : memref<64x80xf32, #tpu.memory_space<hbm>>) dst(%dma_wait3A_1089 : memref<64x80xf32, #tpu.memory_space<vmem>>)
        %dma_start3A_1093 = arith.constant 3 : i32
        %dma_start3A_1094 = arith.constant 0 : i32
        %dma_start3A_1095 = arith.constant 0 : i32
        %dma_start3A_1096 = tpu.memref_slice %arg9[%cond3A_830, %dma_start3A_1094, %dma_start3A_1095] : memref<5x64x80xf32, #tpu.memory_space<vmem>> -> memref<1x64x80xf32, #tpu.memory_space<vmem>>
        %dma_start3A_1097 = tpu.memref_squeeze %dma_start3A_1096 : memref<1x64x80xf32, #tpu.memory_space<vmem>> -> memref<64x80xf32, #tpu.memory_space<vmem>>
        %dma_start3A_1098 = arith.constant 0 : i32
        %dma_start3A_1099 = tpu.memref_slice %arg7[%dma_start3A_1093, %cond3A_830, %dma_start3A_1098] : memref<4x5x64xi32, #tpu.memory_space<vmem>> -> memref<1x1x64xi32, #tpu.memory_space<vmem>>
        %dma_start3A_1100 = tpu.memref_squeeze %dma_start3A_1099 : memref<1x1x64xi32, #tpu.memory_space<vmem>> -> memref<64xi32, #tpu.memory_space<vmem>>
        %dma_start3A_1101 = arith.constant 0 : i32
        %dma_start3A_1102 = arith.constant 0 : i32
        %dma_start3A_1103 = tpu.memref_slice %arg11[%dma_start3A_1101, %dma_start3A_1102] : memref<10000x80xf32, #tpu.memory_space<vmem_shared>> -> memref<10000x80xf32, #tpu.memory_space<vmem_shared>>
        tpu.enqueue_indirect_dma source(%dma_start3A_1103 : memref<10000x80xf32, #tpu.memory_space<vmem_shared>>) target(%dma_start3A_1097 : memref<64x80xf32, #tpu.memory_space<vmem>>) offsets(%dma_start3A_1100 : memref<64xi32, #tpu.memory_space<vmem>>) semaphore(%arg14 : memref<!tpu.dma_semaphore, #tpu.memory_space<semaphore_mem>>)
      } else {
      }
      %dma_wait3A_833 = arith.constant 3 : i32
      %dma_wait3A_834 = arith.constant 0 : i32
      %dma_wait3A_835 = arith.constant 0 : i32
      %dma_wait3A_836 = tpu.memref_slice %arg9[%dma_wait3A_833, %dma_wait3A_834, %dma_wait3A_835] : memref<5x64x80xf32, #tpu.memory_space<vmem>> -> memref<1x64x80xf32, #tpu.memory_space<vmem>>
      %dma_wait3A_837 = tpu.memref_squeeze %dma_wait3A_836 : memref<1x64x80xf32, #tpu.memory_space<vmem>> -> memref<64x80xf32, #tpu.memory_space<vmem>>
      %dma_wait3A_838 = arith.constant 0 : i32
      %dma_wait3A_839 = arith.constant 0 : i32
      %dma_wait3A_840 = tpu.memref_slice %arg6[%dma_wait3A_838, %dma_wait3A_839] : memref<20480x80xf32, #tpu.memory_space<hbm>> -> memref<64x80xf32, #tpu.memory_space<hbm>>
      %dma_wait3A_841 = arith.constant 0 : i32
      %dma_wait3A_842 = arith.constant 0 : i32
      %dma_wait3A_843 = tpu.memref_slice %arg9[%dma_wait3A_833, %dma_wait3A_841, %dma_wait3A_842] : memref<5x64x80xf32, #tpu.memory_space<vmem>> -> memref<1x64x80xf32, #tpu.memory_space<vmem>>
      %dma_wait3A_844 = tpu.memref_squeeze %dma_wait3A_843 : memref<1x64x80xf32, #tpu.memory_space<vmem>> -> memref<64x80xf32, #tpu.memory_space<vmem>>
      %dma_wait3A_845 = arith.constant 0 : i32
      %dma_wait3A_846 = arith.constant 0 : i32
      %dma_wait3A_847 = tpu.memref_slice %arg6[%dma_wait3A_845, %dma_wait3A_846] : memref<20480x80xf32, #tpu.memory_space<hbm>> -> memref<64x80xf32, #tpu.memory_space<hbm>>
      tpu.wait_dma2 semaphore(%arg15 : memref<!tpu.dma_semaphore, #tpu.memory_space<semaphore_mem>>) src(%dma_wait3A_847 : memref<64x80xf32, #tpu.memory_space<hbm>>) dst(%dma_wait3A_844 : memref<64x80xf32, #tpu.memory_space<vmem>>)
      %dma_start3A_848 = arith.constant 3 : i32
      %dma_start3A_849 = arith.constant 2 : i32
      %dma_start3A_850 = arith.constant 3 : i32
      %dma_start3A_851 = arith.constant 0 : i32
      %dma_start3A_852 = arith.constant 0 : i32
      %dma_start3A_853 = tpu.memref_slice %arg9[%dma_start3A_848, %dma_start3A_851, %dma_start3A_852] : memref<5x64x80xf32, #tpu.memory_space<vmem>> -> memref<1x64x80xf32, #tpu.memory_space<vmem>>
      %dma_start3A_854 = tpu.memref_squeeze %dma_start3A_853 : memref<1x64x80xf32, #tpu.memory_space<vmem>> -> memref<64x80xf32, #tpu.memory_space<vmem>>
      %dma_start3A_855 = arith.constant 0 : i32
      %dma_start3A_856 = tpu.memref_slice %arg8[%dma_start3A_849, %dma_start3A_850, %dma_start3A_855] : memref<4x5x64xi32, #tpu.memory_space<vmem>> -> memref<1x1x64xi32, #tpu.memory_space<vmem>>
      %dma_start3A_857 = tpu.memref_squeeze %dma_start3A_856 : memref<1x1x64xi32, #tpu.memory_space<vmem>> -> memref<64xi32, #tpu.memory_space<vmem>>
      %dma_start3A_858 = arith.constant 0 : i32
      %dma_start3A_859 = arith.constant 0 : i32
      %dma_start3A_860 = tpu.memref_slice %arg10[%dma_start3A_858, %dma_start3A_859] : memref<10240x80xf32, #tpu.memory_space<vmem_shared>> -> memref<10240x80xf32, #tpu.memory_space<vmem_shared>>
      tpu.enqueue_indirect_dma source(%dma_start3A_854 : memref<64x80xf32, #tpu.memory_space<vmem>>) target(%dma_start3A_860 : memref<10240x80xf32, #tpu.memory_space<vmem_shared>>) offsets(%dma_start3A_857 : memref<64xi32, #tpu.memory_space<vmem>>) semaphore(%arg20 : memref<!tpu.dma_semaphore, #tpu.memory_space<semaphore_mem>>) {add = true}
      %convert_element_type3A_861 = arith.extui %lt3A_733 : i1 to i32
      %cond3A_862 = arith.constant 3 : i32
      %cond3A_863 = arith.constant 0 : i32
      %cond3A_864 = arith.cmpi ne, %convert_element_type3A_861, %cond3A_863 : i32
      scf.if %cond3A_864 {
        %dma_wait3A_1079 = arith.constant 0 : i32
        %dma_wait3A_1080 = arith.constant 0 : i32
        %dma_wait3A_1081 = tpu.memref_slice %arg9[%cond3A_862, %dma_wait3A_1079, %dma_wait3A_1080] : memref<5x64x80xf32, #tpu.memory_space<vmem>> -> memref<1x64x80xf32, #tpu.memory_space<vmem>>
        %dma_wait3A_1082 = tpu.memref_squeeze %dma_wait3A_1081 : memref<1x64x80xf32, #tpu.memory_space<vmem>> -> memref<64x80xf32, #tpu.memory_space<vmem>>
        %dma_wait3A_1083 = arith.constant 0 : i32
        %dma_wait3A_1084 = arith.constant 0 : i32
        %dma_wait3A_1085 = tpu.memref_slice %arg6[%dma_wait3A_1083, %dma_wait3A_1084] : memref<20480x80xf32, #tpu.memory_space<hbm>> -> memref<64x80xf32, #tpu.memory_space<hbm>>
        %dma_wait3A_1086 = arith.constant 0 : i32
        %dma_wait3A_1087 = arith.constant 0 : i32
        %dma_wait3A_1088 = tpu.memref_slice %arg9[%cond3A_862, %dma_wait3A_1086, %dma_wait3A_1087] : memref<5x64x80xf32, #tpu.memory_space<vmem>> -> memref<1x64x80xf32, #tpu.memory_space<vmem>>
        %dma_wait3A_1089 = tpu.memref_squeeze %dma_wait3A_1088 : memref<1x64x80xf32, #tpu.memory_space<vmem>> -> memref<64x80xf32, #tpu.memory_space<vmem>>
        %dma_wait3A_1090 = arith.constant 0 : i32
        %dma_wait3A_1091 = arith.constant 0 : i32
        %dma_wait3A_1092 = tpu.memref_slice %arg6[%dma_wait3A_1090, %dma_wait3A_1091] : memref<20480x80xf32, #tpu.memory_space<hbm>> -> memref<64x80xf32, #tpu.memory_space<hbm>>
        tpu.wait_dma2 semaphore(%arg20 : memref<!tpu.dma_semaphore, #tpu.memory_space<semaphore_mem>>) src(%dma_wait3A_1092 : memref<64x80xf32, #tpu.memory_space<hbm>>) dst(%dma_wait3A_1089 : memref<64x80xf32, #tpu.memory_space<vmem>>)
        %dma_start3A_1093 = arith.constant 3 : i32
        %dma_start3A_1094 = arith.constant 0 : i32
        %dma_start3A_1095 = arith.constant 0 : i32
        %dma_start3A_1096 = tpu.memref_slice %arg9[%cond3A_862, %dma_start3A_1094, %dma_start3A_1095] : memref<5x64x80xf32, #tpu.memory_space<vmem>> -> memref<1x64x80xf32, #tpu.memory_space<vmem>>
        %dma_start3A_1097 = tpu.memref_squeeze %dma_start3A_1096 : memref<1x64x80xf32, #tpu.memory_space<vmem>> -> memref<64x80xf32, #tpu.memory_space<vmem>>
        %dma_start3A_1098 = arith.constant 0 : i32
        %dma_start3A_1099 = tpu.memref_slice %arg7[%dma_start3A_1093, %cond3A_862, %dma_start3A_1098] : memref<4x5x64xi32, #tpu.memory_space<vmem>> -> memref<1x1x64xi32, #tpu.memory_space<vmem>>
        %dma_start3A_1100 = tpu.memref_squeeze %dma_start3A_1099 : memref<1x1x64xi32, #tpu.memory_space<vmem>> -> memref<64xi32, #tpu.memory_space<vmem>>
        %dma_start3A_1101 = arith.constant 0 : i32
        %dma_start3A_1102 = arith.constant 0 : i32
        %dma_start3A_1103 = tpu.memref_slice %arg11[%dma_start3A_1101, %dma_start3A_1102] : memref<10000x80xf32, #tpu.memory_space<vmem_shared>> -> memref<10000x80xf32, #tpu.memory_space<vmem_shared>>
        tpu.enqueue_indirect_dma source(%dma_start3A_1103 : memref<10000x80xf32, #tpu.memory_space<vmem_shared>>) target(%dma_start3A_1097 : memref<64x80xf32, #tpu.memory_space<vmem>>) offsets(%dma_start3A_1100 : memref<64xi32, #tpu.memory_space<vmem>>) semaphore(%arg15 : memref<!tpu.dma_semaphore, #tpu.memory_space<semaphore_mem>>)
      } else {
      }
      %dma_wait3A_865 = arith.constant 4 : i32
      %dma_wait3A_866 = arith.constant 0 : i32
      %dma_wait3A_867 = arith.constant 0 : i32
      %dma_wait3A_868 = tpu.memref_slice %arg9[%dma_wait3A_865, %dma_wait3A_866, %dma_wait3A_867] : memref<5x64x80xf32, #tpu.memory_space<vmem>> -> memref<1x64x80xf32, #tpu.memory_space<vmem>>
      %dma_wait3A_869 = tpu.memref_squeeze %dma_wait3A_868 : memref<1x64x80xf32, #tpu.memory_space<vmem>> -> memref<64x80xf32, #tpu.memory_space<vmem>>
      %dma_wait3A_870 = arith.constant 0 : i32
      %dma_wait3A_871 = arith.constant 0 : i32
      %dma_wait3A_872 = tpu.memref_slice %arg6[%dma_wait3A_870, %dma_wait3A_871] : memref<20480x80xf32, #tpu.memory_space<hbm>> -> memref<64x80xf32, #tpu.memory_space<hbm>>
      %dma_wait3A_873 = arith.constant 0 : i32
      %dma_wait3A_874 = arith.constant 0 : i32
      %dma_wait3A_875 = tpu.memref_slice %arg9[%dma_wait3A_865, %dma_wait3A_873, %dma_wait3A_874] : memref<5x64x80xf32, #tpu.memory_space<vmem>> -> memref<1x64x80xf32, #tpu.memory_space<vmem>>
      %dma_wait3A_876 = tpu.memref_squeeze %dma_wait3A_875 : memref<1x64x80xf32, #tpu.memory_space<vmem>> -> memref<64x80xf32, #tpu.memory_space<vmem>>
      %dma_wait3A_877 = arith.constant 0 : i32
      %dma_wait3A_878 = arith.constant 0 : i32
      %dma_wait3A_879 = tpu.memref_slice %arg6[%dma_wait3A_877, %dma_wait3A_878] : memref<20480x80xf32, #tpu.memory_space<hbm>> -> memref<64x80xf32, #tpu.memory_space<hbm>>
      tpu.wait_dma2 semaphore(%arg16 : memref<!tpu.dma_semaphore, #tpu.memory_space<semaphore_mem>>) src(%dma_wait3A_879 : memref<64x80xf32, #tpu.memory_space<hbm>>) dst(%dma_wait3A_876 : memref<64x80xf32, #tpu.memory_space<vmem>>)
      %dma_start3A_880 = arith.constant 4 : i32
      %dma_start3A_881 = arith.constant 2 : i32
      %dma_start3A_882 = arith.constant 4 : i32
      %dma_start3A_883 = arith.constant 0 : i32
      %dma_start3A_884 = arith.constant 0 : i32
      %dma_start3A_885 = tpu.memref_slice %arg9[%dma_start3A_880, %dma_start3A_883, %dma_start3A_884] : memref<5x64x80xf32, #tpu.memory_space<vmem>> -> memref<1x64x80xf32, #tpu.memory_space<vmem>>
      %dma_start3A_886 = tpu.memref_squeeze %dma_start3A_885 : memref<1x64x80xf32, #tpu.memory_space<vmem>> -> memref<64x80xf32, #tpu.memory_space<vmem>>
      %dma_start3A_887 = arith.constant 0 : i32
      %dma_start3A_888 = tpu.memref_slice %arg8[%dma_start3A_881, %dma_start3A_882, %dma_start3A_887] : memref<4x5x64xi32, #tpu.memory_space<vmem>> -> memref<1x1x64xi32, #tpu.memory_space<vmem>>
      %dma_start3A_889 = tpu.memref_squeeze %dma_start3A_888 : memref<1x1x64xi32, #tpu.memory_space<vmem>> -> memref<64xi32, #tpu.memory_space<vmem>>
      %dma_start3A_890 = arith.constant 0 : i32
      %dma_start3A_891 = arith.constant 0 : i32
      %dma_start3A_892 = tpu.memref_slice %arg10[%dma_start3A_890, %dma_start3A_891] : memref<10240x80xf32, #tpu.memory_space<vmem_shared>> -> memref<10240x80xf32, #tpu.memory_space<vmem_shared>>
      tpu.enqueue_indirect_dma source(%dma_start3A_886 : memref<64x80xf32, #tpu.memory_space<vmem>>) target(%dma_start3A_892 : memref<10240x80xf32, #tpu.memory_space<vmem_shared>>) offsets(%dma_start3A_889 : memref<64xi32, #tpu.memory_space<vmem>>) semaphore(%arg21 : memref<!tpu.dma_semaphore, #tpu.memory_space<semaphore_mem>>) {add = true}
      %convert_element_type3A_893 = arith.extui %lt3A_733 : i1 to i32
      %cond3A_894 = arith.constant 4 : i32
      %cond3A_895 = arith.constant 0 : i32
      %cond3A_896 = arith.cmpi ne, %convert_element_type3A_893, %cond3A_895 : i32
      scf.if %cond3A_896 {
        %dma_wait3A_1079 = arith.constant 0 : i32
        %dma_wait3A_1080 = arith.constant 0 : i32
        %dma_wait3A_1081 = tpu.memref_slice %arg9[%cond3A_894, %dma_wait3A_1079, %dma_wait3A_1080] : memref<5x64x80xf32, #tpu.memory_space<vmem>> -> memref<1x64x80xf32, #tpu.memory_space<vmem>>
        %dma_wait3A_1082 = tpu.memref_squeeze %dma_wait3A_1081 : memref<1x64x80xf32, #tpu.memory_space<vmem>> -> memref<64x80xf32, #tpu.memory_space<vmem>>
        %dma_wait3A_1083 = arith.constant 0 : i32
        %dma_wait3A_1084 = arith.constant 0 : i32
        %dma_wait3A_1085 = tpu.memref_slice %arg6[%dma_wait3A_1083, %dma_wait3A_1084] : memref<20480x80xf32, #tpu.memory_space<hbm>> -> memref<64x80xf32, #tpu.memory_space<hbm>>
        %dma_wait3A_1086 = arith.constant 0 : i32
        %dma_wait3A_1087 = arith.constant 0 : i32
        %dma_wait3A_1088 = tpu.memref_slice %arg9[%cond3A_894, %dma_wait3A_1086, %dma_wait3A_1087] : memref<5x64x80xf32, #tpu.memory_space<vmem>> -> memref<1x64x80xf32, #tpu.memory_space<vmem>>
        %dma_wait3A_1089 = tpu.memref_squeeze %dma_wait3A_1088 : memref<1x64x80xf32, #tpu.memory_space<vmem>> -> memref<64x80xf32, #tpu.memory_space<vmem>>
        %dma_wait3A_1090 = arith.constant 0 : i32
        %dma_wait3A_1091 = arith.constant 0 : i32
        %dma_wait3A_1092 = tpu.memref_slice %arg6[%dma_wait3A_1090, %dma_wait3A_1091] : memref<20480x80xf32, #tpu.memory_space<hbm>> -> memref<64x80xf32, #tpu.memory_space<hbm>>
        tpu.wait_dma2 semaphore(%arg21 : memref<!tpu.dma_semaphore, #tpu.memory_space<semaphore_mem>>) src(%dma_wait3A_1092 : memref<64x80xf32, #tpu.memory_space<hbm>>) dst(%dma_wait3A_1089 : memref<64x80xf32, #tpu.memory_space<vmem>>)
        %dma_start3A_1093 = arith.constant 3 : i32
        %dma_start3A_1094 = arith.constant 0 : i32
        %dma_start3A_1095 = arith.constant 0 : i32
        %dma_start3A_1096 = tpu.memref_slice %arg9[%cond3A_894, %dma_start3A_1094, %dma_start3A_1095] : memref<5x64x80xf32, #tpu.memory_space<vmem>> -> memref<1x64x80xf32, #tpu.memory_space<vmem>>
        %dma_start3A_1097 = tpu.memref_squeeze %dma_start3A_1096 : memref<1x64x80xf32, #tpu.memory_space<vmem>> -> memref<64x80xf32, #tpu.memory_space<vmem>>
        %dma_start3A_1098 = arith.constant 0 : i32
        %dma_start3A_1099 = tpu.memref_slice %arg7[%dma_start3A_1093, %cond3A_894, %dma_start3A_1098] : memref<4x5x64xi32, #tpu.memory_space<vmem>> -> memref<1x1x64xi32, #tpu.memory_space<vmem>>
        %dma_start3A_1100 = tpu.memref_squeeze %dma_start3A_1099 : memref<1x1x64xi32, #tpu.memory_space<vmem>> -> memref<64xi32, #tpu.memory_space<vmem>>
        %dma_start3A_1101 = arith.constant 0 : i32
        %dma_start3A_1102 = arith.constant 0 : i32
        %dma_start3A_1103 = tpu.memref_slice %arg11[%dma_start3A_1101, %dma_start3A_1102] : memref<10000x80xf32, #tpu.memory_space<vmem_shared>> -> memref<10000x80xf32, #tpu.memory_space<vmem_shared>>
        tpu.enqueue_indirect_dma source(%dma_start3A_1103 : memref<10000x80xf32, #tpu.memory_space<vmem_shared>>) target(%dma_start3A_1097 : memref<64x80xf32, #tpu.memory_space<vmem>>) offsets(%dma_start3A_1100 : memref<64xi32, #tpu.memory_space<vmem>>) semaphore(%arg16 : memref<!tpu.dma_semaphore, #tpu.memory_space<semaphore_mem>>)
      } else {
      }
      %add3A_897 = arith.constant 3 : i32
      %add3A_898 = arith.addi %add3A_730, %add3A_897 : i32
      %lt3A_899 = arith.cmpi slt, %add3A_898, %select_n3A_63 : i32
      %convert_element_type3A_900 = arith.extui %lt3A_899 : i1 to i32
      %cond3A_901 = arith.constant 0 : i32
      %cond3A_902 = arith.cmpi ne, %convert_element_type3A_900, %cond3A_901 : i32
      scf.if %cond3A_902 {
        %add3A_1079 = arith.constant 3 : i32
        %add3A_1080 = arith.addi %add3A_730, %add3A_1079 : i32
        %mul3A_1081 = arith.constant 5 : i32
        %mul3A_1082 = arith.muli %add3A_1080, %mul3A_1081 : i32
        %add3A_1083 = arith.addi %mul3A_43, %mul3A_1082 : i32
        %dma_start3A_1084 = arith.constant 1 : i32
        %dma_start3A_1085 = arith.constant 0 : i32
        %dma_start3A_1086 = arith.constant 0 : i32
        %dma_start3A_1087 = tpu.memref_slice %arg7[%dma_start3A_1084, %dma_start3A_1085, %dma_start3A_1086] : memref<4x5x64xi32, #tpu.memory_space<vmem>> -> memref<1x5x64xi32, #tpu.memory_space<vmem>>
        %dma_start3A_1088 = tpu.memref_squeeze %dma_start3A_1087 : memref<1x5x64xi32, #tpu.memory_space<vmem>> -> memref<5x64xi32, #tpu.memory_space<vmem>>
        %dma_start3A_1089 = arith.constant 0 : i32
        %dma_start3A_1090 = tpu.memref_slice %arg3[%add3A_1083, %dma_start3A_1089] : memref<5000x64xi32, #tpu.memory_space<hbm>> -> memref<5x64xi32, #tpu.memory_space<hbm>>
        %dma_start3A_1091 = arith.constant 0 : i32
        %dma_start3A_1092 = arith.constant 0 : i32
        %dma_start3A_1093 = tpu.memref_slice %arg7[%dma_start3A_1084, %dma_start3A_1091, %dma_start3A_1092] : memref<4x5x64xi32, #tpu.memory_space<vmem>> -> memref<1x5x64xi32, #tpu.memory_space<vmem>>
        %dma_start3A_1094 = tpu.memref_squeeze %dma_start3A_1093 : memref<1x5x64xi32, #tpu.memory_space<vmem>> -> memref<5x64xi32, #tpu.memory_space<vmem>>
        %dma_start3A_1095 = arith.constant 0 : i32
        %dma_start3A_1096 = tpu.memref_slice %arg3[%add3A_1083, %dma_start3A_1095] : memref<5000x64xi32, #tpu.memory_space<hbm>> -> memref<5x64xi32, #tpu.memory_space<hbm>>
        tpu.enqueue_dma source(%dma_start3A_1096 : memref<5x64xi32, #tpu.memory_space<hbm>>) target(%dma_start3A_1094 : memref<5x64xi32, #tpu.memory_space<vmem>>) target_semaphore(%arg23 : memref<!tpu.dma_semaphore, #tpu.memory_space<semaphore_mem>>)
        %mul3A_1097 = arith.constant 5 : i32
        %mul3A_1098 = arith.muli %add3A_1080, %mul3A_1097 : i32
        %add3A_1099 = arith.addi %mul3A_43, %mul3A_1098 : i32
        %dma_start3A_1100 = arith.constant 1 : i32
        %dma_start3A_1101 = arith.constant 0 : i32
        %dma_start3A_1102 = arith.constant 0 : i32
        %dma_start3A_1103 = tpu.memref_slice %arg8[%dma_start3A_1100, %dma_start3A_1101, %dma_start3A_1102] : memref<4x5x64xi32, #tpu.memory_space<vmem>> -> memref<1x5x64xi32, #tpu.memory_space<vmem>>
        %dma_start3A_1104 = tpu.memref_squeeze %dma_start3A_1103 : memref<1x5x64xi32, #tpu.memory_space<vmem>> -> memref<5x64xi32, #tpu.memory_space<vmem>>
        %dma_start3A_1105 = arith.constant 0 : i32
        %dma_start3A_1106 = tpu.memref_slice %arg4[%add3A_1099, %dma_start3A_1105] : memref<5000x64xi32, #tpu.memory_space<hbm>> -> memref<5x64xi32, #tpu.memory_space<hbm>>
        %dma_start3A_1107 = arith.constant 0 : i32
        %dma_start3A_1108 = arith.constant 0 : i32
        %dma_start3A_1109 = tpu.memref_slice %arg8[%dma_start3A_1100, %dma_start3A_1107, %dma_start3A_1108] : memref<4x5x64xi32, #tpu.memory_space<vmem>> -> memref<1x5x64xi32, #tpu.memory_space<vmem>>
        %dma_start3A_1110 = tpu.memref_squeeze %dma_start3A_1109 : memref<1x5x64xi32, #tpu.memory_space<vmem>> -> memref<5x64xi32, #tpu.memory_space<vmem>>
        %dma_start3A_1111 = arith.constant 0 : i32
        %dma_start3A_1112 = tpu.memref_slice %arg4[%add3A_1099, %dma_start3A_1111] : memref<5000x64xi32, #tpu.memory_space<hbm>> -> memref<5x64xi32, #tpu.memory_space<hbm>>
        tpu.enqueue_dma source(%dma_start3A_1112 : memref<5x64xi32, #tpu.memory_space<hbm>>) target(%dma_start3A_1110 : memref<5x64xi32, #tpu.memory_space<vmem>>) target_semaphore(%arg27 : memref<!tpu.dma_semaphore, #tpu.memory_space<semaphore_mem>>)
      } else {
      }
      %mul3A_903 = arith.constant 4 : i32
      %mul3A_904 = arith.muli %while3A_377, %mul3A_903 : i32
      %add3A_905 = arith.constant 3 : i32
      %add3A_906 = arith.addi %mul3A_904, %add3A_905 : i32
      %add3A_907 = arith.constant 1 : i32
      %add3A_908 = arith.addi %add3A_906, %add3A_907 : i32
      %lt3A_909 = arith.cmpi slt, %add3A_908, %select_n3A_63 : i32
      %convert_element_type3A_910 = arith.extui %lt3A_909 : i1 to i32
      %cond3A_911 = arith.constant 0 : i32
      %cond3A_912 = arith.cmpi ne, %convert_element_type3A_910, %cond3A_911 : i32
      scf.if %cond3A_912 {
        %dma_wait3A_1079 = arith.constant 0 : i32
        %dma_wait3A_1080 = arith.constant 0 : i32
        %dma_wait3A_1081 = arith.constant 0 : i32
        %dma_wait3A_1082 = tpu.memref_slice %arg7[%dma_wait3A_1079, %dma_wait3A_1080, %dma_wait3A_1081] : memref<4x5x64xi32, #tpu.memory_space<vmem>> -> memref<1x5x64xi32, #tpu.memory_space<vmem>>
        %dma_wait3A_1083 = tpu.memref_squeeze %dma_wait3A_1082 : memref<1x5x64xi32, #tpu.memory_space<vmem>> -> memref<5x64xi32, #tpu.memory_space<vmem>>
        %dma_wait3A_1084 = arith.constant 0 : i32
        %dma_wait3A_1085 = arith.constant 0 : i32
        %dma_wait3A_1086 = tpu.memref_slice %arg3[%dma_wait3A_1084, %dma_wait3A_1085] : memref<5000x64xi32, #tpu.memory_space<hbm>> -> memref<5x64xi32, #tpu.memory_space<hbm>>
        %dma_wait3A_1087 = arith.constant 0 : i32
        %dma_wait3A_1088 = arith.constant 0 : i32
        %dma_wait3A_1089 = tpu.memref_slice %arg7[%dma_wait3A_1079, %dma_wait3A_1087, %dma_wait3A_1088] : memref<4x5x64xi32, #tpu.memory_space<vmem>> -> memref<1x5x64xi32, #tpu.memory_space<vmem>>
        %dma_wait3A_1090 = tpu.memref_squeeze %dma_wait3A_1089 : memref<1x5x64xi32, #tpu.memory_space<vmem>> -> memref<5x64xi32, #tpu.memory_space<vmem>>
        %dma_wait3A_1091 = arith.constant 0 : i32
        %dma_wait3A_1092 = arith.constant 0 : i32
        %dma_wait3A_1093 = tpu.memref_slice %arg3[%dma_wait3A_1091, %dma_wait3A_1092] : memref<5000x64xi32, #tpu.memory_space<hbm>> -> memref<5x64xi32, #tpu.memory_space<hbm>>
        tpu.wait_dma2 semaphore(%arg22 : memref<!tpu.dma_semaphore, #tpu.memory_space<semaphore_mem>>) src(%dma_wait3A_1093 : memref<5x64xi32, #tpu.memory_space<hbm>>) dst(%dma_wait3A_1090 : memref<5x64xi32, #tpu.memory_space<vmem>>)
        %dma_wait3A_1094 = arith.constant 0 : i32
        %dma_wait3A_1095 = arith.constant 0 : i32
        %dma_wait3A_1096 = arith.constant 0 : i32
        %dma_wait3A_1097 = tpu.memref_slice %arg8[%dma_wait3A_1094, %dma_wait3A_1095, %dma_wait3A_1096] : memref<4x5x64xi32, #tpu.memory_space<vmem>> -> memref<1x5x64xi32, #tpu.memory_space<vmem>>
        %dma_wait3A_1098 = tpu.memref_squeeze %dma_wait3A_1097 : memref<1x5x64xi32, #tpu.memory_space<vmem>> -> memref<5x64xi32, #tpu.memory_space<vmem>>
        %dma_wait3A_1099 = arith.constant 0 : i32
        %dma_wait3A_1100 = arith.constant 0 : i32
        %dma_wait3A_1101 = tpu.memref_slice %arg4[%dma_wait3A_1099, %dma_wait3A_1100] : memref<5000x64xi32, #tpu.memory_space<hbm>> -> memref<5x64xi32, #tpu.memory_space<hbm>>
        %dma_wait3A_1102 = arith.constant 0 : i32
        %dma_wait3A_1103 = arith.constant 0 : i32
        %dma_wait3A_1104 = tpu.memref_slice %arg8[%dma_wait3A_1094, %dma_wait3A_1102, %dma_wait3A_1103] : memref<4x5x64xi32, #tpu.memory_space<vmem>> -> memref<1x5x64xi32, #tpu.memory_space<vmem>>
        %dma_wait3A_1105 = tpu.memref_squeeze %dma_wait3A_1104 : memref<1x5x64xi32, #tpu.memory_space<vmem>> -> memref<5x64xi32, #tpu.memory_space<vmem>>
        %dma_wait3A_1106 = arith.constant 0 : i32
        %dma_wait3A_1107 = arith.constant 0 : i32
        %dma_wait3A_1108 = tpu.memref_slice %arg4[%dma_wait3A_1106, %dma_wait3A_1107] : memref<5000x64xi32, #tpu.memory_space<hbm>> -> memref<5x64xi32, #tpu.memory_space<hbm>>
        tpu.wait_dma2 semaphore(%arg26 : memref<!tpu.dma_semaphore, #tpu.memory_space<semaphore_mem>>) src(%dma_wait3A_1108 : memref<5x64xi32, #tpu.memory_space<hbm>>) dst(%dma_wait3A_1105 : memref<5x64xi32, #tpu.memory_space<vmem>>)
      } else {
      }
      %dma_wait3A_913 = arith.constant 0 : i32
      %dma_wait3A_914 = arith.constant 0 : i32
      %dma_wait3A_915 = arith.constant 0 : i32
      %dma_wait3A_916 = tpu.memref_slice %arg9[%dma_wait3A_913, %dma_wait3A_914, %dma_wait3A_915] : memref<5x64x80xf32, #tpu.memory_space<vmem>> -> memref<1x64x80xf32, #tpu.memory_space<vmem>>
      %dma_wait3A_917 = tpu.memref_squeeze %dma_wait3A_916 : memref<1x64x80xf32, #tpu.memory_space<vmem>> -> memref<64x80xf32, #tpu.memory_space<vmem>>
      %dma_wait3A_918 = arith.constant 0 : i32
      %dma_wait3A_919 = arith.constant 0 : i32
      %dma_wait3A_920 = tpu.memref_slice %arg6[%dma_wait3A_918, %dma_wait3A_919] : memref<20480x80xf32, #tpu.memory_space<hbm>> -> memref<64x80xf32, #tpu.memory_space<hbm>>
      %dma_wait3A_921 = arith.constant 0 : i32
      %dma_wait3A_922 = arith.constant 0 : i32
      %dma_wait3A_923 = tpu.memref_slice %arg9[%dma_wait3A_913, %dma_wait3A_921, %dma_wait3A_922] : memref<5x64x80xf32, #tpu.memory_space<vmem>> -> memref<1x64x80xf32, #tpu.memory_space<vmem>>
      %dma_wait3A_924 = tpu.memref_squeeze %dma_wait3A_923 : memref<1x64x80xf32, #tpu.memory_space<vmem>> -> memref<64x80xf32, #tpu.memory_space<vmem>>
      %dma_wait3A_925 = arith.constant 0 : i32
      %dma_wait3A_926 = arith.constant 0 : i32
      %dma_wait3A_927 = tpu.memref_slice %arg6[%dma_wait3A_925, %dma_wait3A_926] : memref<20480x80xf32, #tpu.memory_space<hbm>> -> memref<64x80xf32, #tpu.memory_space<hbm>>
      tpu.wait_dma2 semaphore(%arg12 : memref<!tpu.dma_semaphore, #tpu.memory_space<semaphore_mem>>) src(%dma_wait3A_927 : memref<64x80xf32, #tpu.memory_space<hbm>>) dst(%dma_wait3A_924 : memref<64x80xf32, #tpu.memory_space<vmem>>)
      %dma_start3A_928 = arith.constant 0 : i32
      %dma_start3A_929 = arith.constant 3 : i32
      %dma_start3A_930 = arith.constant 0 : i32
      %dma_start3A_931 = arith.constant 0 : i32
      %dma_start3A_932 = arith.constant 0 : i32
      %dma_start3A_933 = tpu.memref_slice %arg9[%dma_start3A_928, %dma_start3A_931, %dma_start3A_932] : memref<5x64x80xf32, #tpu.memory_space<vmem>> -> memref<1x64x80xf32, #tpu.memory_space<vmem>>
      %dma_start3A_934 = tpu.memref_squeeze %dma_start3A_933 : memref<1x64x80xf32, #tpu.memory_space<vmem>> -> memref<64x80xf32, #tpu.memory_space<vmem>>
      %dma_start3A_935 = arith.constant 0 : i32
      %dma_start3A_936 = tpu.memref_slice %arg8[%dma_start3A_929, %dma_start3A_930, %dma_start3A_935] : memref<4x5x64xi32, #tpu.memory_space<vmem>> -> memref<1x1x64xi32, #tpu.memory_space<vmem>>
      %dma_start3A_937 = tpu.memref_squeeze %dma_start3A_936 : memref<1x1x64xi32, #tpu.memory_space<vmem>> -> memref<64xi32, #tpu.memory_space<vmem>>
      %dma_start3A_938 = arith.constant 0 : i32
      %dma_start3A_939 = arith.constant 0 : i32
      %dma_start3A_940 = tpu.memref_slice %arg10[%dma_start3A_938, %dma_start3A_939] : memref<10240x80xf32, #tpu.memory_space<vmem_shared>> -> memref<10240x80xf32, #tpu.memory_space<vmem_shared>>
      tpu.enqueue_indirect_dma source(%dma_start3A_934 : memref<64x80xf32, #tpu.memory_space<vmem>>) target(%dma_start3A_940 : memref<10240x80xf32, #tpu.memory_space<vmem_shared>>) offsets(%dma_start3A_937 : memref<64xi32, #tpu.memory_space<vmem>>) semaphore(%arg17 : memref<!tpu.dma_semaphore, #tpu.memory_space<semaphore_mem>>) {add = true}
      %convert_element_type3A_941 = arith.extui %lt3A_909 : i1 to i32
      %cond3A_942 = arith.constant 0 : i32
      %cond3A_943 = arith.constant 0 : i32
      %cond3A_944 = arith.cmpi ne, %convert_element_type3A_941, %cond3A_943 : i32
      scf.if %cond3A_944 {
        %dma_wait3A_1079 = arith.constant 0 : i32
        %dma_wait3A_1080 = arith.constant 0 : i32
        %dma_wait3A_1081 = tpu.memref_slice %arg9[%cond3A_942, %dma_wait3A_1079, %dma_wait3A_1080] : memref<5x64x80xf32, #tpu.memory_space<vmem>> -> memref<1x64x80xf32, #tpu.memory_space<vmem>>
        %dma_wait3A_1082 = tpu.memref_squeeze %dma_wait3A_1081 : memref<1x64x80xf32, #tpu.memory_space<vmem>> -> memref<64x80xf32, #tpu.memory_space<vmem>>
        %dma_wait3A_1083 = arith.constant 0 : i32
        %dma_wait3A_1084 = arith.constant 0 : i32
        %dma_wait3A_1085 = tpu.memref_slice %arg6[%dma_wait3A_1083, %dma_wait3A_1084] : memref<20480x80xf32, #tpu.memory_space<hbm>> -> memref<64x80xf32, #tpu.memory_space<hbm>>
        %dma_wait3A_1086 = arith.constant 0 : i32
        %dma_wait3A_1087 = arith.constant 0 : i32
        %dma_wait3A_1088 = tpu.memref_slice %arg9[%cond3A_942, %dma_wait3A_1086, %dma_wait3A_1087] : memref<5x64x80xf32, #tpu.memory_space<vmem>> -> memref<1x64x80xf32, #tpu.memory_space<vmem>>
        %dma_wait3A_1089 = tpu.memref_squeeze %dma_wait3A_1088 : memref<1x64x80xf32, #tpu.memory_space<vmem>> -> memref<64x80xf32, #tpu.memory_space<vmem>>
        %dma_wait3A_1090 = arith.constant 0 : i32
        %dma_wait3A_1091 = arith.constant 0 : i32
        %dma_wait3A_1092 = tpu.memref_slice %arg6[%dma_wait3A_1090, %dma_wait3A_1091] : memref<20480x80xf32, #tpu.memory_space<hbm>> -> memref<64x80xf32, #tpu.memory_space<hbm>>
        tpu.wait_dma2 semaphore(%arg17 : memref<!tpu.dma_semaphore, #tpu.memory_space<semaphore_mem>>) src(%dma_wait3A_1092 : memref<64x80xf32, #tpu.memory_space<hbm>>) dst(%dma_wait3A_1089 : memref<64x80xf32, #tpu.memory_space<vmem>>)
        %dma_start3A_1093 = arith.constant 0 : i32
        %dma_start3A_1094 = arith.constant 0 : i32
        %dma_start3A_1095 = arith.constant 0 : i32
        %dma_start3A_1096 = tpu.memref_slice %arg9[%cond3A_942, %dma_start3A_1094, %dma_start3A_1095] : memref<5x64x80xf32, #tpu.memory_space<vmem>> -> memref<1x64x80xf32, #tpu.memory_space<vmem>>
        %dma_start3A_1097 = tpu.memref_squeeze %dma_start3A_1096 : memref<1x64x80xf32, #tpu.memory_space<vmem>> -> memref<64x80xf32, #tpu.memory_space<vmem>>
        %dma_start3A_1098 = arith.constant 0 : i32
        %dma_start3A_1099 = tpu.memref_slice %arg7[%dma_start3A_1093, %cond3A_942, %dma_start3A_1098] : memref<4x5x64xi32, #tpu.memory_space<vmem>> -> memref<1x1x64xi32, #tpu.memory_space<vmem>>
        %dma_start3A_1100 = tpu.memref_squeeze %dma_start3A_1099 : memref<1x1x64xi32, #tpu.memory_space<vmem>> -> memref<64xi32, #tpu.memory_space<vmem>>
        %dma_start3A_1101 = arith.constant 0 : i32
        %dma_start3A_1102 = arith.constant 0 : i32
        %dma_start3A_1103 = tpu.memref_slice %arg11[%dma_start3A_1101, %dma_start3A_1102] : memref<10000x80xf32, #tpu.memory_space<vmem_shared>> -> memref<10000x80xf32, #tpu.memory_space<vmem_shared>>
        tpu.enqueue_indirect_dma source(%dma_start3A_1103 : memref<10000x80xf32, #tpu.memory_space<vmem_shared>>) target(%dma_start3A_1097 : memref<64x80xf32, #tpu.memory_space<vmem>>) offsets(%dma_start3A_1100 : memref<64xi32, #tpu.memory_space<vmem>>) semaphore(%arg12 : memref<!tpu.dma_semaphore, #tpu.memory_space<semaphore_mem>>)
      } else {
      }
      %dma_wait3A_945 = arith.constant 1 : i32
      %dma_wait3A_946 = arith.constant 0 : i32
      %dma_wait3A_947 = arith.constant 0 : i32
      %dma_wait3A_948 = tpu.memref_slice %arg9[%dma_wait3A_945, %dma_wait3A_946, %dma_wait3A_947] : memref<5x64x80xf32, #tpu.memory_space<vmem>> -> memref<1x64x80xf32, #tpu.memory_space<vmem>>
      %dma_wait3A_949 = tpu.memref_squeeze %dma_wait3A_948 : memref<1x64x80xf32, #tpu.memory_space<vmem>> -> memref<64x80xf32, #tpu.memory_space<vmem>>
      %dma_wait3A_950 = arith.constant 0 : i32
      %dma_wait3A_951 = arith.constant 0 : i32
      %dma_wait3A_952 = tpu.memref_slice %arg6[%dma_wait3A_950, %dma_wait3A_951] : memref<20480x80xf32, #tpu.memory_space<hbm>> -> memref<64x80xf32, #tpu.memory_space<hbm>>
      %dma_wait3A_953 = arith.constant 0 : i32
      %dma_wait3A_954 = arith.constant 0 : i32
      %dma_wait3A_955 = tpu.memref_slice %arg9[%dma_wait3A_945, %dma_wait3A_953, %dma_wait3A_954] : memref<5x64x80xf32, #tpu.memory_space<vmem>> -> memref<1x64x80xf32, #tpu.memory_space<vmem>>
      %dma_wait3A_956 = tpu.memref_squeeze %dma_wait3A_955 : memref<1x64x80xf32, #tpu.memory_space<vmem>> -> memref<64x80xf32, #tpu.memory_space<vmem>>
      %dma_wait3A_957 = arith.constant 0 : i32
      %dma_wait3A_958 = arith.constant 0 : i32
      %dma_wait3A_959 = tpu.memref_slice %arg6[%dma_wait3A_957, %dma_wait3A_958] : memref<20480x80xf32, #tpu.memory_space<hbm>> -> memref<64x80xf32, #tpu.memory_space<hbm>>
      tpu.wait_dma2 semaphore(%arg13 : memref<!tpu.dma_semaphore, #tpu.memory_space<semaphore_mem>>) src(%dma_wait3A_959 : memref<64x80xf32, #tpu.memory_space<hbm>>) dst(%dma_wait3A_956 : memref<64x80xf32, #tpu.memory_space<vmem>>)
      %dma_start3A_960 = arith.constant 1 : i32
      %dma_start3A_961 = arith.constant 3 : i32
      %dma_start3A_962 = arith.constant 1 : i32
      %dma_start3A_963 = arith.constant 0 : i32
      %dma_start3A_964 = arith.constant 0 : i32
      %dma_start3A_965 = tpu.memref_slice %arg9[%dma_start3A_960, %dma_start3A_963, %dma_start3A_964] : memref<5x64x80xf32, #tpu.memory_space<vmem>> -> memref<1x64x80xf32, #tpu.memory_space<vmem>>
      %dma_start3A_966 = tpu.memref_squeeze %dma_start3A_965 : memref<1x64x80xf32, #tpu.memory_space<vmem>> -> memref<64x80xf32, #tpu.memory_space<vmem>>
      %dma_start3A_967 = arith.constant 0 : i32
      %dma_start3A_968 = tpu.memref_slice %arg8[%dma_start3A_961, %dma_start3A_962, %dma_start3A_967] : memref<4x5x64xi32, #tpu.memory_space<vmem>> -> memref<1x1x64xi32, #tpu.memory_space<vmem>>
      %dma_start3A_969 = tpu.memref_squeeze %dma_start3A_968 : memref<1x1x64xi32, #tpu.memory_space<vmem>> -> memref<64xi32, #tpu.memory_space<vmem>>
      %dma_start3A_970 = arith.constant 0 : i32
      %dma_start3A_971 = arith.constant 0 : i32
      %dma_start3A_972 = tpu.memref_slice %arg10[%dma_start3A_970, %dma_start3A_971] : memref<10240x80xf32, #tpu.memory_space<vmem_shared>> -> memref<10240x80xf32, #tpu.memory_space<vmem_shared>>
      tpu.enqueue_indirect_dma source(%dma_start3A_966 : memref<64x80xf32, #tpu.memory_space<vmem>>) target(%dma_start3A_972 : memref<10240x80xf32, #tpu.memory_space<vmem_shared>>) offsets(%dma_start3A_969 : memref<64xi32, #tpu.memory_space<vmem>>) semaphore(%arg18 : memref<!tpu.dma_semaphore, #tpu.memory_space<semaphore_mem>>) {add = true}
      %convert_element_type3A_973 = arith.extui %lt3A_909 : i1 to i32
      %cond3A_974 = arith.constant 1 : i32
      %cond3A_975 = arith.constant 0 : i32
      %cond3A_976 = arith.cmpi ne, %convert_element_type3A_973, %cond3A_975 : i32
      scf.if %cond3A_976 {
        %dma_wait3A_1079 = arith.constant 0 : i32
        %dma_wait3A_1080 = arith.constant 0 : i32
        %dma_wait3A_1081 = tpu.memref_slice %arg9[%cond3A_974, %dma_wait3A_1079, %dma_wait3A_1080] : memref<5x64x80xf32, #tpu.memory_space<vmem>> -> memref<1x64x80xf32, #tpu.memory_space<vmem>>
        %dma_wait3A_1082 = tpu.memref_squeeze %dma_wait3A_1081 : memref<1x64x80xf32, #tpu.memory_space<vmem>> -> memref<64x80xf32, #tpu.memory_space<vmem>>
        %dma_wait3A_1083 = arith.constant 0 : i32
        %dma_wait3A_1084 = arith.constant 0 : i32
        %dma_wait3A_1085 = tpu.memref_slice %arg6[%dma_wait3A_1083, %dma_wait3A_1084] : memref<20480x80xf32, #tpu.memory_space<hbm>> -> memref<64x80xf32, #tpu.memory_space<hbm>>
        %dma_wait3A_1086 = arith.constant 0 : i32
        %dma_wait3A_1087 = arith.constant 0 : i32
        %dma_wait3A_1088 = tpu.memref_slice %arg9[%cond3A_974, %dma_wait3A_1086, %dma_wait3A_1087] : memref<5x64x80xf32, #tpu.memory_space<vmem>> -> memref<1x64x80xf32, #tpu.memory_space<vmem>>
        %dma_wait3A_1089 = tpu.memref_squeeze %dma_wait3A_1088 : memref<1x64x80xf32, #tpu.memory_space<vmem>> -> memref<64x80xf32, #tpu.memory_space<vmem>>
        %dma_wait3A_1090 = arith.constant 0 : i32
        %dma_wait3A_1091 = arith.constant 0 : i32
        %dma_wait3A_1092 = tpu.memref_slice %arg6[%dma_wait3A_1090, %dma_wait3A_1091] : memref<20480x80xf32, #tpu.memory_space<hbm>> -> memref<64x80xf32, #tpu.memory_space<hbm>>
        tpu.wait_dma2 semaphore(%arg18 : memref<!tpu.dma_semaphore, #tpu.memory_space<semaphore_mem>>) src(%dma_wait3A_1092 : memref<64x80xf32, #tpu.memory_space<hbm>>) dst(%dma_wait3A_1089 : memref<64x80xf32, #tpu.memory_space<vmem>>)
        %dma_start3A_1093 = arith.constant 0 : i32
        %dma_start3A_1094 = arith.constant 0 : i32
        %dma_start3A_1095 = arith.constant 0 : i32
        %dma_start3A_1096 = tpu.memref_slice %arg9[%cond3A_974, %dma_start3A_1094, %dma_start3A_1095] : memref<5x64x80xf32, #tpu.memory_space<vmem>> -> memref<1x64x80xf32, #tpu.memory_space<vmem>>
        %dma_start3A_1097 = tpu.memref_squeeze %dma_start3A_1096 : memref<1x64x80xf32, #tpu.memory_space<vmem>> -> memref<64x80xf32, #tpu.memory_space<vmem>>
        %dma_start3A_1098 = arith.constant 0 : i32
        %dma_start3A_1099 = tpu.memref_slice %arg7[%dma_start3A_1093, %cond3A_974, %dma_start3A_1098] : memref<4x5x64xi32, #tpu.memory_space<vmem>> -> memref<1x1x64xi32, #tpu.memory_space<vmem>>
        %dma_start3A_1100 = tpu.memref_squeeze %dma_start3A_1099 : memref<1x1x64xi32, #tpu.memory_space<vmem>> -> memref<64xi32, #tpu.memory_space<vmem>>
        %dma_start3A_1101 = arith.constant 0 : i32
        %dma_start3A_1102 = arith.constant 0 : i32
        %dma_start3A_1103 = tpu.memref_slice %arg11[%dma_start3A_1101, %dma_start3A_1102] : memref<10000x80xf32, #tpu.memory_space<vmem_shared>> -> memref<10000x80xf32, #tpu.memory_space<vmem_shared>>
        tpu.enqueue_indirect_dma source(%dma_start3A_1103 : memref<10000x80xf32, #tpu.memory_space<vmem_shared>>) target(%dma_start3A_1097 : memref<64x80xf32, #tpu.memory_space<vmem>>) offsets(%dma_start3A_1100 : memref<64xi32, #tpu.memory_space<vmem>>) semaphore(%arg13 : memref<!tpu.dma_semaphore, #tpu.memory_space<semaphore_mem>>)
      } else {
      }
      %dma_wait3A_977 = arith.constant 2 : i32
      %dma_wait3A_978 = arith.constant 0 : i32
      %dma_wait3A_979 = arith.constant 0 : i32
      %dma_wait3A_980 = tpu.memref_slice %arg9[%dma_wait3A_977, %dma_wait3A_978, %dma_wait3A_979] : memref<5x64x80xf32, #tpu.memory_space<vmem>> -> memref<1x64x80xf32, #tpu.memory_space<vmem>>
      %dma_wait3A_981 = tpu.memref_squeeze %dma_wait3A_980 : memref<1x64x80xf32, #tpu.memory_space<vmem>> -> memref<64x80xf32, #tpu.memory_space<vmem>>
      %dma_wait3A_982 = arith.constant 0 : i32
      %dma_wait3A_983 = arith.constant 0 : i32
      %dma_wait3A_984 = tpu.memref_slice %arg6[%dma_wait3A_982, %dma_wait3A_983] : memref<20480x80xf32, #tpu.memory_space<hbm>> -> memref<64x80xf32, #tpu.memory_space<hbm>>
      %dma_wait3A_985 = arith.constant 0 : i32
      %dma_wait3A_986 = arith.constant 0 : i32
      %dma_wait3A_987 = tpu.memref_slice %arg9[%dma_wait3A_977, %dma_wait3A_985, %dma_wait3A_986] : memref<5x64x80xf32, #tpu.memory_space<vmem>> -> memref<1x64x80xf32, #tpu.memory_space<vmem>>
      %dma_wait3A_988 = tpu.memref_squeeze %dma_wait3A_987 : memref<1x64x80xf32, #tpu.memory_space<vmem>> -> memref<64x80xf32, #tpu.memory_space<vmem>>
      %dma_wait3A_989 = arith.constant 0 : i32
      %dma_wait3A_990 = arith.constant 0 : i32
      %dma_wait3A_991 = tpu.memref_slice %arg6[%dma_wait3A_989, %dma_wait3A_990] : memref<20480x80xf32, #tpu.memory_space<hbm>> -> memref<64x80xf32, #tpu.memory_space<hbm>>
      tpu.wait_dma2 semaphore(%arg14 : memref<!tpu.dma_semaphore, #tpu.memory_space<semaphore_mem>>) src(%dma_wait3A_991 : memref<64x80xf32, #tpu.memory_space<hbm>>) dst(%dma_wait3A_988 : memref<64x80xf32, #tpu.memory_space<vmem>>)
      %dma_start3A_992 = arith.constant 2 : i32
      %dma_start3A_993 = arith.constant 3 : i32
      %dma_start3A_994 = arith.constant 2 : i32
      %dma_start3A_995 = arith.constant 0 : i32
      %dma_start3A_996 = arith.constant 0 : i32
      %dma_start3A_997 = tpu.memref_slice %arg9[%dma_start3A_992, %dma_start3A_995, %dma_start3A_996] : memref<5x64x80xf32, #tpu.memory_space<vmem>> -> memref<1x64x80xf32, #tpu.memory_space<vmem>>
      %dma_start3A_998 = tpu.memref_squeeze %dma_start3A_997 : memref<1x64x80xf32, #tpu.memory_space<vmem>> -> memref<64x80xf32, #tpu.memory_space<vmem>>
      %dma_start3A_999 = arith.constant 0 : i32
      %dma_start3A_1000 = tpu.memref_slice %arg8[%dma_start3A_993, %dma_start3A_994, %dma_start3A_999] : memref<4x5x64xi32, #tpu.memory_space<vmem>> -> memref<1x1x64xi32, #tpu.memory_space<vmem>>
      %dma_start3A_1001 = tpu.memref_squeeze %dma_start3A_1000 : memref<1x1x64xi32, #tpu.memory_space<vmem>> -> memref<64xi32, #tpu.memory_space<vmem>>
      %dma_start3A_1002 = arith.constant 0 : i32
      %dma_start3A_1003 = arith.constant 0 : i32
      %dma_start3A_1004 = tpu.memref_slice %arg10[%dma_start3A_1002, %dma_start3A_1003] : memref<10240x80xf32, #tpu.memory_space<vmem_shared>> -> memref<10240x80xf32, #tpu.memory_space<vmem_shared>>
      tpu.enqueue_indirect_dma source(%dma_start3A_998 : memref<64x80xf32, #tpu.memory_space<vmem>>) target(%dma_start3A_1004 : memref<10240x80xf32, #tpu.memory_space<vmem_shared>>) offsets(%dma_start3A_1001 : memref<64xi32, #tpu.memory_space<vmem>>) semaphore(%arg19 : memref<!tpu.dma_semaphore, #tpu.memory_space<semaphore_mem>>) {add = true}
      %convert_element_type3A_1005 = arith.extui %lt3A_909 : i1 to i32
      %cond3A_1006 = arith.constant 2 : i32
      %cond3A_1007 = arith.constant 0 : i32
      %cond3A_1008 = arith.cmpi ne, %convert_element_type3A_1005, %cond3A_1007 : i32
      scf.if %cond3A_1008 {
        %dma_wait3A_1079 = arith.constant 0 : i32
        %dma_wait3A_1080 = arith.constant 0 : i32
        %dma_wait3A_1081 = tpu.memref_slice %arg9[%cond3A_1006, %dma_wait3A_1079, %dma_wait3A_1080] : memref<5x64x80xf32, #tpu.memory_space<vmem>> -> memref<1x64x80xf32, #tpu.memory_space<vmem>>
        %dma_wait3A_1082 = tpu.memref_squeeze %dma_wait3A_1081 : memref<1x64x80xf32, #tpu.memory_space<vmem>> -> memref<64x80xf32, #tpu.memory_space<vmem>>
        %dma_wait3A_1083 = arith.constant 0 : i32
        %dma_wait3A_1084 = arith.constant 0 : i32
        %dma_wait3A_1085 = tpu.memref_slice %arg6[%dma_wait3A_1083, %dma_wait3A_1084] : memref<20480x80xf32, #tpu.memory_space<hbm>> -> memref<64x80xf32, #tpu.memory_space<hbm>>
        %dma_wait3A_1086 = arith.constant 0 : i32
        %dma_wait3A_1087 = arith.constant 0 : i32
        %dma_wait3A_1088 = tpu.memref_slice %arg9[%cond3A_1006, %dma_wait3A_1086, %dma_wait3A_1087] : memref<5x64x80xf32, #tpu.memory_space<vmem>> -> memref<1x64x80xf32, #tpu.memory_space<vmem>>
        %dma_wait3A_1089 = tpu.memref_squeeze %dma_wait3A_1088 : memref<1x64x80xf32, #tpu.memory_space<vmem>> -> memref<64x80xf32, #tpu.memory_space<vmem>>
        %dma_wait3A_1090 = arith.constant 0 : i32
        %dma_wait3A_1091 = arith.constant 0 : i32
        %dma_wait3A_1092 = tpu.memref_slice %arg6[%dma_wait3A_1090, %dma_wait3A_1091] : memref<20480x80xf32, #tpu.memory_space<hbm>> -> memref<64x80xf32, #tpu.memory_space<hbm>>
        tpu.wait_dma2 semaphore(%arg19 : memref<!tpu.dma_semaphore, #tpu.memory_space<semaphore_mem>>) src(%dma_wait3A_1092 : memref<64x80xf32, #tpu.memory_space<hbm>>) dst(%dma_wait3A_1089 : memref<64x80xf32, #tpu.memory_space<vmem>>)
        %dma_start3A_1093 = arith.constant 0 : i32
        %dma_start3A_1094 = arith.constant 0 : i32
        %dma_start3A_1095 = arith.constant 0 : i32
        %dma_start3A_1096 = tpu.memref_slice %arg9[%cond3A_1006, %dma_start3A_1094, %dma_start3A_1095] : memref<5x64x80xf32, #tpu.memory_space<vmem>> -> memref<1x64x80xf32, #tpu.memory_space<vmem>>
        %dma_start3A_1097 = tpu.memref_squeeze %dma_start3A_1096 : memref<1x64x80xf32, #tpu.memory_space<vmem>> -> memref<64x80xf32, #tpu.memory_space<vmem>>
        %dma_start3A_1098 = arith.constant 0 : i32
        %dma_start3A_1099 = tpu.memref_slice %arg7[%dma_start3A_1093, %cond3A_1006, %dma_start3A_1098] : memref<4x5x64xi32, #tpu.memory_space<vmem>> -> memref<1x1x64xi32, #tpu.memory_space<vmem>>
        %dma_start3A_1100 = tpu.memref_squeeze %dma_start3A_1099 : memref<1x1x64xi32, #tpu.memory_space<vmem>> -> memref<64xi32, #tpu.memory_space<vmem>>
        %dma_start3A_1101 = arith.constant 0 : i32
        %dma_start3A_1102 = arith.constant 0 : i32
        %dma_start3A_1103 = tpu.memref_slice %arg11[%dma_start3A_1101, %dma_start3A_1102] : memref<10000x80xf32, #tpu.memory_space<vmem_shared>> -> memref<10000x80xf32, #tpu.memory_space<vmem_shared>>
        tpu.enqueue_indirect_dma source(%dma_start3A_1103 : memref<10000x80xf32, #tpu.memory_space<vmem_shared>>) target(%dma_start3A_1097 : memref<64x80xf32, #tpu.memory_space<vmem>>) offsets(%dma_start3A_1100 : memref<64xi32, #tpu.memory_space<vmem>>) semaphore(%arg14 : memref<!tpu.dma_semaphore, #tpu.memory_space<semaphore_mem>>)
      } else {
      }
      %dma_wait3A_1009 = arith.constant 3 : i32
      %dma_wait3A_1010 = arith.constant 0 : i32
      %dma_wait3A_1011 = arith.constant 0 : i32
      %dma_wait3A_1012 = tpu.memref_slice %arg9[%dma_wait3A_1009, %dma_wait3A_1010, %dma_wait3A_1011] : memref<5x64x80xf32, #tpu.memory_space<vmem>> -> memref<1x64x80xf32, #tpu.memory_space<vmem>>
      %dma_wait3A_1013 = tpu.memref_squeeze %dma_wait3A_1012 : memref<1x64x80xf32, #tpu.memory_space<vmem>> -> memref<64x80xf32, #tpu.memory_space<vmem>>
      %dma_wait3A_1014 = arith.constant 0 : i32
      %dma_wait3A_1015 = arith.constant 0 : i32
      %dma_wait3A_1016 = tpu.memref_slice %arg6[%dma_wait3A_1014, %dma_wait3A_1015] : memref<20480x80xf32, #tpu.memory_space<hbm>> -> memref<64x80xf32, #tpu.memory_space<hbm>>
      %dma_wait3A_1017 = arith.constant 0 : i32
      %dma_wait3A_1018 = arith.constant 0 : i32
      %dma_wait3A_1019 = tpu.memref_slice %arg9[%dma_wait3A_1009, %dma_wait3A_1017, %dma_wait3A_1018] : memref<5x64x80xf32, #tpu.memory_space<vmem>> -> memref<1x64x80xf32, #tpu.memory_space<vmem>>
      %dma_wait3A_1020 = tpu.memref_squeeze %dma_wait3A_1019 : memref<1x64x80xf32, #tpu.memory_space<vmem>> -> memref<64x80xf32, #tpu.memory_space<vmem>>
      %dma_wait3A_1021 = arith.constant 0 : i32
      %dma_wait3A_1022 = arith.constant 0 : i32
      %dma_wait3A_1023 = tpu.memref_slice %arg6[%dma_wait3A_1021, %dma_wait3A_1022] : memref<20480x80xf32, #tpu.memory_space<hbm>> -> memref<64x80xf32, #tpu.memory_space<hbm>>
      tpu.wait_dma2 semaphore(%arg15 : memref<!tpu.dma_semaphore, #tpu.memory_space<semaphore_mem>>) src(%dma_wait3A_1023 : memref<64x80xf32, #tpu.memory_space<hbm>>) dst(%dma_wait3A_1020 : memref<64x80xf32, #tpu.memory_space<vmem>>)
      %dma_start3A_1024 = arith.constant 3 : i32
      %dma_start3A_1025 = arith.constant 3 : i32
      %dma_start3A_1026 = arith.constant 3 : i32
      %dma_start3A_1027 = arith.constant 0 : i32
      %dma_start3A_1028 = arith.constant 0 : i32
      %dma_start3A_1029 = tpu.memref_slice %arg9[%dma_start3A_1024, %dma_start3A_1027, %dma_start3A_1028] : memref<5x64x80xf32, #tpu.memory_space<vmem>> -> memref<1x64x80xf32, #tpu.memory_space<vmem>>
      %dma_start3A_1030 = tpu.memref_squeeze %dma_start3A_1029 : memref<1x64x80xf32, #tpu.memory_space<vmem>> -> memref<64x80xf32, #tpu.memory_space<vmem>>
      %dma_start3A_1031 = arith.constant 0 : i32
      %dma_start3A_1032 = tpu.memref_slice %arg8[%dma_start3A_1025, %dma_start3A_1026, %dma_start3A_1031] : memref<4x5x64xi32, #tpu.memory_space<vmem>> -> memref<1x1x64xi32, #tpu.memory_space<vmem>>
      %dma_start3A_1033 = tpu.memref_squeeze %dma_start3A_1032 : memref<1x1x64xi32, #tpu.memory_space<vmem>> -> memref<64xi32, #tpu.memory_space<vmem>>
      %dma_start3A_1034 = arith.constant 0 : i32
      %dma_start3A_1035 = arith.constant 0 : i32
      %dma_start3A_1036 = tpu.memref_slice %arg10[%dma_start3A_1034, %dma_start3A_1035] : memref<10240x80xf32, #tpu.memory_space<vmem_shared>> -> memref<10240x80xf32, #tpu.memory_space<vmem_shared>>
      tpu.enqueue_indirect_dma source(%dma_start3A_1030 : memref<64x80xf32, #tpu.memory_space<vmem>>) target(%dma_start3A_1036 : memref<10240x80xf32, #tpu.memory_space<vmem_shared>>) offsets(%dma_start3A_1033 : memref<64xi32, #tpu.memory_space<vmem>>) semaphore(%arg20 : memref<!tpu.dma_semaphore, #tpu.memory_space<semaphore_mem>>) {add = true}
      %convert_element_type3A_1037 = arith.extui %lt3A_909 : i1 to i32
      %cond3A_1038 = arith.constant 3 : i32
      %cond3A_1039 = arith.constant 0 : i32
      %cond3A_1040 = arith.cmpi ne, %convert_element_type3A_1037, %cond3A_1039 : i32
      scf.if %cond3A_1040 {
        %dma_wait3A_1079 = arith.constant 0 : i32
        %dma_wait3A_1080 = arith.constant 0 : i32
        %dma_wait3A_1081 = tpu.memref_slice %arg9[%cond3A_1038, %dma_wait3A_1079, %dma_wait3A_1080] : memref<5x64x80xf32, #tpu.memory_space<vmem>> -> memref<1x64x80xf32, #tpu.memory_space<vmem>>
        %dma_wait3A_1082 = tpu.memref_squeeze %dma_wait3A_1081 : memref<1x64x80xf32, #tpu.memory_space<vmem>> -> memref<64x80xf32, #tpu.memory_space<vmem>>
        %dma_wait3A_1083 = arith.constant 0 : i32
        %dma_wait3A_1084 = arith.constant 0 : i32
        %dma_wait3A_1085 = tpu.memref_slice %arg6[%dma_wait3A_1083, %dma_wait3A_1084] : memref<20480x80xf32, #tpu.memory_space<hbm>> -> memref<64x80xf32, #tpu.memory_space<hbm>>
        %dma_wait3A_1086 = arith.constant 0 : i32
        %dma_wait3A_1087 = arith.constant 0 : i32
        %dma_wait3A_1088 = tpu.memref_slice %arg9[%cond3A_1038, %dma_wait3A_1086, %dma_wait3A_1087] : memref<5x64x80xf32, #tpu.memory_space<vmem>> -> memref<1x64x80xf32, #tpu.memory_space<vmem>>
        %dma_wait3A_1089 = tpu.memref_squeeze %dma_wait3A_1088 : memref<1x64x80xf32, #tpu.memory_space<vmem>> -> memref<64x80xf32, #tpu.memory_space<vmem>>
        %dma_wait3A_1090 = arith.constant 0 : i32
        %dma_wait3A_1091 = arith.constant 0 : i32
        %dma_wait3A_1092 = tpu.memref_slice %arg6[%dma_wait3A_1090, %dma_wait3A_1091] : memref<20480x80xf32, #tpu.memory_space<hbm>> -> memref<64x80xf32, #tpu.memory_space<hbm>>
        tpu.wait_dma2 semaphore(%arg20 : memref<!tpu.dma_semaphore, #tpu.memory_space<semaphore_mem>>) src(%dma_wait3A_1092 : memref<64x80xf32, #tpu.memory_space<hbm>>) dst(%dma_wait3A_1089 : memref<64x80xf32, #tpu.memory_space<vmem>>)
        %dma_start3A_1093 = arith.constant 0 : i32
        %dma_start3A_1094 = arith.constant 0 : i32
        %dma_start3A_1095 = arith.constant 0 : i32
        %dma_start3A_1096 = tpu.memref_slice %arg9[%cond3A_1038, %dma_start3A_1094, %dma_start3A_1095] : memref<5x64x80xf32, #tpu.memory_space<vmem>> -> memref<1x64x80xf32, #tpu.memory_space<vmem>>
        %dma_start3A_1097 = tpu.memref_squeeze %dma_start3A_1096 : memref<1x64x80xf32, #tpu.memory_space<vmem>> -> memref<64x80xf32, #tpu.memory_space<vmem>>
        %dma_start3A_1098 = arith.constant 0 : i32
        %dma_start3A_1099 = tpu.memref_slice %arg7[%dma_start3A_1093, %cond3A_1038, %dma_start3A_1098] : memref<4x5x64xi32, #tpu.memory_space<vmem>> -> memref<1x1x64xi32, #tpu.memory_space<vmem>>
        %dma_start3A_1100 = tpu.memref_squeeze %dma_start3A_1099 : memref<1x1x64xi32, #tpu.memory_space<vmem>> -> memref<64xi32, #tpu.memory_space<vmem>>
        %dma_start3A_1101 = arith.constant 0 : i32
        %dma_start3A_1102 = arith.constant 0 : i32
        %dma_start3A_1103 = tpu.memref_slice %arg11[%dma_start3A_1101, %dma_start3A_1102] : memref<10000x80xf32, #tpu.memory_space<vmem_shared>> -> memref<10000x80xf32, #tpu.memory_space<vmem_shared>>
        tpu.enqueue_indirect_dma source(%dma_start3A_1103 : memref<10000x80xf32, #tpu.memory_space<vmem_shared>>) target(%dma_start3A_1097 : memref<64x80xf32, #tpu.memory_space<vmem>>) offsets(%dma_start3A_1100 : memref<64xi32, #tpu.memory_space<vmem>>) semaphore(%arg15 : memref<!tpu.dma_semaphore, #tpu.memory_space<semaphore_mem>>)
      } else {
      }
      %dma_wait3A_1041 = arith.constant 4 : i32
      %dma_wait3A_1042 = arith.constant 0 : i32
      %dma_wait3A_1043 = arith.constant 0 : i32
      %dma_wait3A_1044 = tpu.memref_slice %arg9[%dma_wait3A_1041, %dma_wait3A_1042, %dma_wait3A_1043] : memref<5x64x80xf32, #tpu.memory_space<vmem>> -> memref<1x64x80xf32, #tpu.memory_space<vmem>>
      %dma_wait3A_1045 = tpu.memref_squeeze %dma_wait3A_1044 : memref<1x64x80xf32, #tpu.memory_space<vmem>> -> memref<64x80xf32, #tpu.memory_space<vmem>>
      %dma_wait3A_1046 = arith.constant 0 : i32
      %dma_wait3A_1047 = arith.constant 0 : i32
      %dma_wait3A_1048 = tpu.memref_slice %arg6[%dma_wait3A_1046, %dma_wait3A_1047] : memref<20480x80xf32, #tpu.memory_space<hbm>> -> memref<64x80xf32, #tpu.memory_space<hbm>>
      %dma_wait3A_1049 = arith.constant 0 : i32
      %dma_wait3A_1050 = arith.constant 0 : i32
      %dma_wait3A_1051 = tpu.memref_slice %arg9[%dma_wait3A_1041, %dma_wait3A_1049, %dma_wait3A_1050] : memref<5x64x80xf32, #tpu.memory_space<vmem>> -> memref<1x64x80xf32, #tpu.memory_space<vmem>>
      %dma_wait3A_1052 = tpu.memref_squeeze %dma_wait3A_1051 : memref<1x64x80xf32, #tpu.memory_space<vmem>> -> memref<64x80xf32, #tpu.memory_space<vmem>>
      %dma_wait3A_1053 = arith.constant 0 : i32
      %dma_wait3A_1054 = arith.constant 0 : i32
      %dma_wait3A_1055 = tpu.memref_slice %arg6[%dma_wait3A_1053, %dma_wait3A_1054] : memref<20480x80xf32, #tpu.memory_space<hbm>> -> memref<64x80xf32, #tpu.memory_space<hbm>>
      tpu.wait_dma2 semaphore(%arg16 : memref<!tpu.dma_semaphore, #tpu.memory_space<semaphore_mem>>) src(%dma_wait3A_1055 : memref<64x80xf32, #tpu.memory_space<hbm>>) dst(%dma_wait3A_1052 : memref<64x80xf32, #tpu.memory_space<vmem>>)
      %dma_start3A_1056 = arith.constant 4 : i32
      %dma_start3A_1057 = arith.constant 3 : i32
      %dma_start3A_1058 = arith.constant 4 : i32
      %dma_start3A_1059 = arith.constant 0 : i32
      %dma_start3A_1060 = arith.constant 0 : i32
      %dma_start3A_1061 = tpu.memref_slice %arg9[%dma_start3A_1056, %dma_start3A_1059, %dma_start3A_1060] : memref<5x64x80xf32, #tpu.memory_space<vmem>> -> memref<1x64x80xf32, #tpu.memory_space<vmem>>
      %dma_start3A_1062 = tpu.memref_squeeze %dma_start3A_1061 : memref<1x64x80xf32, #tpu.memory_space<vmem>> -> memref<64x80xf32, #tpu.memory_space<vmem>>
      %dma_start3A_1063 = arith.constant 0 : i32
      %dma_start3A_1064 = tpu.memref_slice %arg8[%dma_start3A_1057, %dma_start3A_1058, %dma_start3A_1063] : memref<4x5x64xi32, #tpu.memory_space<vmem>> -> memref<1x1x64xi32, #tpu.memory_space<vmem>>
      %dma_start3A_1065 = tpu.memref_squeeze %dma_start3A_1064 : memref<1x1x64xi32, #tpu.memory_space<vmem>> -> memref<64xi32, #tpu.memory_space<vmem>>
      %dma_start3A_1066 = arith.constant 0 : i32
      %dma_start3A_1067 = arith.constant 0 : i32
      %dma_start3A_1068 = tpu.memref_slice %arg10[%dma_start3A_1066, %dma_start3A_1067] : memref<10240x80xf32, #tpu.memory_space<vmem_shared>> -> memref<10240x80xf32, #tpu.memory_space<vmem_shared>>
      tpu.enqueue_indirect_dma source(%dma_start3A_1062 : memref<64x80xf32, #tpu.memory_space<vmem>>) target(%dma_start3A_1068 : memref<10240x80xf32, #tpu.memory_space<vmem_shared>>) offsets(%dma_start3A_1065 : memref<64xi32, #tpu.memory_space<vmem>>) semaphore(%arg21 : memref<!tpu.dma_semaphore, #tpu.memory_space<semaphore_mem>>) {add = true}
      %convert_element_type3A_1069 = arith.extui %lt3A_909 : i1 to i32
      %cond3A_1070 = arith.constant 4 : i32
      %cond3A_1071 = arith.constant 0 : i32
      %cond3A_1072 = arith.cmpi ne, %convert_element_type3A_1069, %cond3A_1071 : i32
      scf.if %cond3A_1072 {
        %dma_wait3A_1079 = arith.constant 0 : i32
        %dma_wait3A_1080 = arith.constant 0 : i32
        %dma_wait3A_1081 = tpu.memref_slice %arg9[%cond3A_1070, %dma_wait3A_1079, %dma_wait3A_1080] : memref<5x64x80xf32, #tpu.memory_space<vmem>> -> memref<1x64x80xf32, #tpu.memory_space<vmem>>
        %dma_wait3A_1082 = tpu.memref_squeeze %dma_wait3A_1081 : memref<1x64x80xf32, #tpu.memory_space<vmem>> -> memref<64x80xf32, #tpu.memory_space<vmem>>
        %dma_wait3A_1083 = arith.constant 0 : i32
        %dma_wait3A_1084 = arith.constant 0 : i32
        %dma_wait3A_1085 = tpu.memref_slice %arg6[%dma_wait3A_1083, %dma_wait3A_1084] : memref<20480x80xf32, #tpu.memory_space<hbm>> -> memref<64x80xf32, #tpu.memory_space<hbm>>
        %dma_wait3A_1086 = arith.constant 0 : i32
        %dma_wait3A_1087 = arith.constant 0 : i32
        %dma_wait3A_1088 = tpu.memref_slice %arg9[%cond3A_1070, %dma_wait3A_1086, %dma_wait3A_1087] : memref<5x64x80xf32, #tpu.memory_space<vmem>> -> memref<1x64x80xf32, #tpu.memory_space<vmem>>
        %dma_wait3A_1089 = tpu.memref_squeeze %dma_wait3A_1088 : memref<1x64x80xf32, #tpu.memory_space<vmem>> -> memref<64x80xf32, #tpu.memory_space<vmem>>
        %dma_wait3A_1090 = arith.constant 0 : i32
        %dma_wait3A_1091 = arith.constant 0 : i32
        %dma_wait3A_1092 = tpu.memref_slice %arg6[%dma_wait3A_1090, %dma_wait3A_1091] : memref<20480x80xf32, #tpu.memory_space<hbm>> -> memref<64x80xf32, #tpu.memory_space<hbm>>
        tpu.wait_dma2 semaphore(%arg21 : memref<!tpu.dma_semaphore, #tpu.memory_space<semaphore_mem>>) src(%dma_wait3A_1092 : memref<64x80xf32, #tpu.memory_space<hbm>>) dst(%dma_wait3A_1089 : memref<64x80xf32, #tpu.memory_space<vmem>>)
        %dma_start3A_1093 = arith.constant 0 : i32
        %dma_start3A_1094 = arith.constant 0 : i32
        %dma_start3A_1095 = arith.constant 0 : i32
        %dma_start3A_1096 = tpu.memref_slice %arg9[%cond3A_1070, %dma_start3A_1094, %dma_start3A_1095] : memref<5x64x80xf32, #tpu.memory_space<vmem>> -> memref<1x64x80xf32, #tpu.memory_space<vmem>>
        %dma_start3A_1097 = tpu.memref_squeeze %dma_start3A_1096 : memref<1x64x80xf32, #tpu.memory_space<vmem>> -> memref<64x80xf32, #tpu.memory_space<vmem>>
        %dma_start3A_1098 = arith.constant 0 : i32
        %dma_start3A_1099 = tpu.memref_slice %arg7[%dma_start3A_1093, %cond3A_1070, %dma_start3A_1098] : memref<4x5x64xi32, #tpu.memory_space<vmem>> -> memref<1x1x64xi32, #tpu.memory_space<vmem>>
        %dma_start3A_1100 = tpu.memref_squeeze %dma_start3A_1099 : memref<1x1x64xi32, #tpu.memory_space<vmem>> -> memref<64xi32, #tpu.memory_space<vmem>>
        %dma_start3A_1101 = arith.constant 0 : i32
        %dma_start3A_1102 = arith.constant 0 : i32
        %dma_start3A_1103 = tpu.memref_slice %arg11[%dma_start3A_1101, %dma_start3A_1102] : memref<10000x80xf32, #tpu.memory_space<vmem_shared>> -> memref<10000x80xf32, #tpu.memory_space<vmem_shared>>
        tpu.enqueue_indirect_dma source(%dma_start3A_1103 : memref<10000x80xf32, #tpu.memory_space<vmem_shared>>) target(%dma_start3A_1097 : memref<64x80xf32, #tpu.memory_space<vmem>>) offsets(%dma_start3A_1100 : memref<64xi32, #tpu.memory_space<vmem>>) semaphore(%arg16 : memref<!tpu.dma_semaphore, #tpu.memory_space<semaphore_mem>>)
      } else {
      }
      %add3A_1073 = arith.constant 3 : i32
      %add3A_1074 = arith.addi %add3A_906, %add3A_1073 : i32
      %lt3A_1075 = arith.cmpi slt, %add3A_1074, %select_n3A_63 : i32
      %convert_element_type3A_1076 = arith.extui %lt3A_1075 : i1 to i32
      %cond3A_1077 = arith.constant 0 : i32
      %cond3A_1078 = arith.cmpi ne, %convert_element_type3A_1076, %cond3A_1077 : i32
      scf.if %cond3A_1078 {
        %add3A_1079 = arith.constant 3 : i32
        %add3A_1080 = arith.addi %add3A_906, %add3A_1079 : i32
        %mul3A_1081 = arith.constant 5 : i32
        %mul3A_1082 = arith.muli %add3A_1080, %mul3A_1081 : i32
        %add3A_1083 = arith.addi %mul3A_43, %mul3A_1082 : i32
        %dma_start3A_1084 = arith.constant 2 : i32
        %dma_start3A_1085 = arith.constant 0 : i32
        %dma_start3A_1086 = arith.constant 0 : i32
        %dma_start3A_1087 = tpu.memref_slice %arg7[%dma_start3A_1084, %dma_start3A_1085, %dma_start3A_1086] : memref<4x5x64xi32, #tpu.memory_space<vmem>> -> memref<1x5x64xi32, #tpu.memory_space<vmem>>
        %dma_start3A_1088 = tpu.memref_squeeze %dma_start3A_1087 : memref<1x5x64xi32, #tpu.memory_space<vmem>> -> memref<5x64xi32, #tpu.memory_space<vmem>>
        %dma_start3A_1089 = arith.constant 0 : i32
        %dma_start3A_1090 = tpu.memref_slice %arg3[%add3A_1083, %dma_start3A_1089] : memref<5000x64xi32, #tpu.memory_space<hbm>> -> memref<5x64xi32, #tpu.memory_space<hbm>>
        %dma_start3A_1091 = arith.constant 0 : i32
        %dma_start3A_1092 = arith.constant 0 : i32
        %dma_start3A_1093 = tpu.memref_slice %arg7[%dma_start3A_1084, %dma_start3A_1091, %dma_start3A_1092] : memref<4x5x64xi32, #tpu.memory_space<vmem>> -> memref<1x5x64xi32, #tpu.memory_space<vmem>>
        %dma_start3A_1094 = tpu.memref_squeeze %dma_start3A_1093 : memref<1x5x64xi32, #tpu.memory_space<vmem>> -> memref<5x64xi32, #tpu.memory_space<vmem>>
        %dma_start3A_1095 = arith.constant 0 : i32
        %dma_start3A_1096 = tpu.memref_slice %arg3[%add3A_1083, %dma_start3A_1095] : memref<5000x64xi32, #tpu.memory_space<hbm>> -> memref<5x64xi32, #tpu.memory_space<hbm>>
        tpu.enqueue_dma source(%dma_start3A_1096 : memref<5x64xi32, #tpu.memory_space<hbm>>) target(%dma_start3A_1094 : memref<5x64xi32, #tpu.memory_space<vmem>>) target_semaphore(%arg24 : memref<!tpu.dma_semaphore, #tpu.memory_space<semaphore_mem>>)
        %mul3A_1097 = arith.constant 5 : i32
        %mul3A_1098 = arith.muli %add3A_1080, %mul3A_1097 : i32
        %add3A_1099 = arith.addi %mul3A_43, %mul3A_1098 : i32
        %dma_start3A_1100 = arith.constant 2 : i32
        %dma_start3A_1101 = arith.constant 0 : i32
        %dma_start3A_1102 = arith.constant 0 : i32
        %dma_start3A_1103 = tpu.memref_slice %arg8[%dma_start3A_1100, %dma_start3A_1101, %dma_start3A_1102] : memref<4x5x64xi32, #tpu.memory_space<vmem>> -> memref<1x5x64xi32, #tpu.memory_space<vmem>>
        %dma_start3A_1104 = tpu.memref_squeeze %dma_start3A_1103 : memref<1x5x64xi32, #tpu.memory_space<vmem>> -> memref<5x64xi32, #tpu.memory_space<vmem>>
        %dma_start3A_1105 = arith.constant 0 : i32
        %dma_start3A_1106 = tpu.memref_slice %arg4[%add3A_1099, %dma_start3A_1105] : memref<5000x64xi32, #tpu.memory_space<hbm>> -> memref<5x64xi32, #tpu.memory_space<hbm>>
        %dma_start3A_1107 = arith.constant 0 : i32
        %dma_start3A_1108 = arith.constant 0 : i32
        %dma_start3A_1109 = tpu.memref_slice %arg8[%dma_start3A_1100, %dma_start3A_1107, %dma_start3A_1108] : memref<4x5x64xi32, #tpu.memory_space<vmem>> -> memref<1x5x64xi32, #tpu.memory_space<vmem>>
        %dma_start3A_1110 = tpu.memref_squeeze %dma_start3A_1109 : memref<1x5x64xi32, #tpu.memory_space<vmem>> -> memref<5x64xi32, #tpu.memory_space<vmem>>
        %dma_start3A_1111 = arith.constant 0 : i32
        %dma_start3A_1112 = tpu.memref_slice %arg4[%add3A_1099, %dma_start3A_1111] : memref<5000x64xi32, #tpu.memory_space<hbm>> -> memref<5x64xi32, #tpu.memory_space<hbm>>
        tpu.enqueue_dma source(%dma_start3A_1112 : memref<5x64xi32, #tpu.memory_space<hbm>>) target(%dma_start3A_1110 : memref<5x64xi32, #tpu.memory_space<vmem>>) target_semaphore(%arg28 : memref<!tpu.dma_semaphore, #tpu.memory_space<semaphore_mem>>)
      } else {
      }
    }
    %dma_wait3A_294 = arith.constant 0 : i32
    %dma_wait3A_295 = arith.constant 0 : i32
    %dma_wait3A_296 = arith.constant 0 : i32
    %dma_wait3A_297 = tpu.memref_slice %arg9[%dma_wait3A_294, %dma_wait3A_295, %dma_wait3A_296] : memref<5x64x80xf32, #tpu.memory_space<vmem>> -> memref<1x64x80xf32, #tpu.memory_space<vmem>>
    %dma_wait3A_298 = tpu.memref_squeeze %dma_wait3A_297 : memref<1x64x80xf32, #tpu.memory_space<vmem>> -> memref<64x80xf32, #tpu.memory_space<vmem>>
    %dma_wait3A_299 = arith.constant 0 : i32
    %dma_wait3A_300 = arith.constant 0 : i32
    %dma_wait3A_301 = tpu.memref_slice %arg6[%dma_wait3A_299, %dma_wait3A_300] : memref<20480x80xf32, #tpu.memory_space<hbm>> -> memref<64x80xf32, #tpu.memory_space<hbm>>
    %dma_wait3A_302 = arith.constant 0 : i32
    %dma_wait3A_303 = arith.constant 0 : i32
    %dma_wait3A_304 = tpu.memref_slice %arg9[%dma_wait3A_294, %dma_wait3A_302, %dma_wait3A_303] : memref<5x64x80xf32, #tpu.memory_space<vmem>> -> memref<1x64x80xf32, #tpu.memory_space<vmem>>
    %dma_wait3A_305 = tpu.memref_squeeze %dma_wait3A_304 : memref<1x64x80xf32, #tpu.memory_space<vmem>> -> memref<64x80xf32, #tpu.memory_space<vmem>>
    %dma_wait3A_306 = arith.constant 0 : i32
    %dma_wait3A_307 = arith.constant 0 : i32
    %dma_wait3A_308 = tpu.memref_slice %arg6[%dma_wait3A_306, %dma_wait3A_307] : memref<20480x80xf32, #tpu.memory_space<hbm>> -> memref<64x80xf32, #tpu.memory_space<hbm>>
    tpu.wait_dma2 semaphore(%arg17 : memref<!tpu.dma_semaphore, #tpu.memory_space<semaphore_mem>>) src(%dma_wait3A_308 : memref<64x80xf32, #tpu.memory_space<hbm>>) dst(%dma_wait3A_305 : memref<64x80xf32, #tpu.memory_space<vmem>>)
    %dma_wait3A_309 = arith.constant 1 : i32
    %dma_wait3A_310 = arith.constant 0 : i32
    %dma_wait3A_311 = arith.constant 0 : i32
    %dma_wait3A_312 = tpu.memref_slice %arg9[%dma_wait3A_309, %dma_wait3A_310, %dma_wait3A_311] : memref<5x64x80xf32, #tpu.memory_space<vmem>> -> memref<1x64x80xf32, #tpu.memory_space<vmem>>
    %dma_wait3A_313 = tpu.memref_squeeze %dma_wait3A_312 : memref<1x64x80xf32, #tpu.memory_space<vmem>> -> memref<64x80xf32, #tpu.memory_space<vmem>>
    %dma_wait3A_314 = arith.constant 0 : i32
    %dma_wait3A_315 = arith.constant 0 : i32
    %dma_wait3A_316 = tpu.memref_slice %arg6[%dma_wait3A_314, %dma_wait3A_315] : memref<20480x80xf32, #tpu.memory_space<hbm>> -> memref<64x80xf32, #tpu.memory_space<hbm>>
    %dma_wait3A_317 = arith.constant 0 : i32
    %dma_wait3A_318 = arith.constant 0 : i32
    %dma_wait3A_319 = tpu.memref_slice %arg9[%dma_wait3A_309, %dma_wait3A_317, %dma_wait3A_318] : memref<5x64x80xf32, #tpu.memory_space<vmem>> -> memref<1x64x80xf32, #tpu.memory_space<vmem>>
    %dma_wait3A_320 = tpu.memref_squeeze %dma_wait3A_319 : memref<1x64x80xf32, #tpu.memory_space<vmem>> -> memref<64x80xf32, #tpu.memory_space<vmem>>
    %dma_wait3A_321 = arith.constant 0 : i32
    %dma_wait3A_322 = arith.constant 0 : i32
    %dma_wait3A_323 = tpu.memref_slice %arg6[%dma_wait3A_321, %dma_wait3A_322] : memref<20480x80xf32, #tpu.memory_space<hbm>> -> memref<64x80xf32, #tpu.memory_space<hbm>>
    tpu.wait_dma2 semaphore(%arg18 : memref<!tpu.dma_semaphore, #tpu.memory_space<semaphore_mem>>) src(%dma_wait3A_323 : memref<64x80xf32, #tpu.memory_space<hbm>>) dst(%dma_wait3A_320 : memref<64x80xf32, #tpu.memory_space<vmem>>)
    %dma_wait3A_324 = arith.constant 2 : i32
    %dma_wait3A_325 = arith.constant 0 : i32
    %dma_wait3A_326 = arith.constant 0 : i32
    %dma_wait3A_327 = tpu.memref_slice %arg9[%dma_wait3A_324, %dma_wait3A_325, %dma_wait3A_326] : memref<5x64x80xf32, #tpu.memory_space<vmem>> -> memref<1x64x80xf32, #tpu.memory_space<vmem>>
    %dma_wait3A_328 = tpu.memref_squeeze %dma_wait3A_327 : memref<1x64x80xf32, #tpu.memory_space<vmem>> -> memref<64x80xf32, #tpu.memory_space<vmem>>
    %dma_wait3A_329 = arith.constant 0 : i32
    %dma_wait3A_330 = arith.constant 0 : i32
    %dma_wait3A_331 = tpu.memref_slice %arg6[%dma_wait3A_329, %dma_wait3A_330] : memref<20480x80xf32, #tpu.memory_space<hbm>> -> memref<64x80xf32, #tpu.memory_space<hbm>>
    %dma_wait3A_332 = arith.constant 0 : i32
    %dma_wait3A_333 = arith.constant 0 : i32
    %dma_wait3A_334 = tpu.memref_slice %arg9[%dma_wait3A_324, %dma_wait3A_332, %dma_wait3A_333] : memref<5x64x80xf32, #tpu.memory_space<vmem>> -> memref<1x64x80xf32, #tpu.memory_space<vmem>>
    %dma_wait3A_335 = tpu.memref_squeeze %dma_wait3A_334 : memref<1x64x80xf32, #tpu.memory_space<vmem>> -> memref<64x80xf32, #tpu.memory_space<vmem>>
    %dma_wait3A_336 = arith.constant 0 : i32
    %dma_wait3A_337 = arith.constant 0 : i32
    %dma_wait3A_338 = tpu.memref_slice %arg6[%dma_wait3A_336, %dma_wait3A_337] : memref<20480x80xf32, #tpu.memory_space<hbm>> -> memref<64x80xf32, #tpu.memory_space<hbm>>
    tpu.wait_dma2 semaphore(%arg19 : memref<!tpu.dma_semaphore, #tpu.memory_space<semaphore_mem>>) src(%dma_wait3A_338 : memref<64x80xf32, #tpu.memory_space<hbm>>) dst(%dma_wait3A_335 : memref<64x80xf32, #tpu.memory_space<vmem>>)
    %dma_wait3A_339 = arith.constant 3 : i32
    %dma_wait3A_340 = arith.constant 0 : i32
    %dma_wait3A_341 = arith.constant 0 : i32
    %dma_wait3A_342 = tpu.memref_slice %arg9[%dma_wait3A_339, %dma_wait3A_340, %dma_wait3A_341] : memref<5x64x80xf32, #tpu.memory_space<vmem>> -> memref<1x64x80xf32, #tpu.memory_space<vmem>>
    %dma_wait3A_343 = tpu.memref_squeeze %dma_wait3A_342 : memref<1x64x80xf32, #tpu.memory_space<vmem>> -> memref<64x80xf32, #tpu.memory_space<vmem>>
    %dma_wait3A_344 = arith.constant 0 : i32
    %dma_wait3A_345 = arith.constant 0 : i32
    %dma_wait3A_346 = tpu.memref_slice %arg6[%dma_wait3A_344, %dma_wait3A_345] : memref<20480x80xf32, #tpu.memory_space<hbm>> -> memref<64x80xf32, #tpu.memory_space<hbm>>
    %dma_wait3A_347 = arith.constant 0 : i32
    %dma_wait3A_348 = arith.constant 0 : i32
    %dma_wait3A_349 = tpu.memref_slice %arg9[%dma_wait3A_339, %dma_wait3A_347, %dma_wait3A_348] : memref<5x64x80xf32, #tpu.memory_space<vmem>> -> memref<1x64x80xf32, #tpu.memory_space<vmem>>
    %dma_wait3A_350 = tpu.memref_squeeze %dma_wait3A_349 : memref<1x64x80xf32, #tpu.memory_space<vmem>> -> memref<64x80xf32, #tpu.memory_space<vmem>>
    %dma_wait3A_351 = arith.constant 0 : i32
    %dma_wait3A_352 = arith.constant 0 : i32
    %dma_wait3A_353 = tpu.memref_slice %arg6[%dma_wait3A_351, %dma_wait3A_352] : memref<20480x80xf32, #tpu.memory_space<hbm>> -> memref<64x80xf32, #tpu.memory_space<hbm>>
    tpu.wait_dma2 semaphore(%arg20 : memref<!tpu.dma_semaphore, #tpu.memory_space<semaphore_mem>>) src(%dma_wait3A_353 : memref<64x80xf32, #tpu.memory_space<hbm>>) dst(%dma_wait3A_350 : memref<64x80xf32, #tpu.memory_space<vmem>>)
    %dma_wait3A_354 = arith.constant 4 : i32
    %dma_wait3A_355 = arith.constant 0 : i32
    %dma_wait3A_356 = arith.constant 0 : i32
    %dma_wait3A_357 = tpu.memref_slice %arg9[%dma_wait3A_354, %dma_wait3A_355, %dma_wait3A_356] : memref<5x64x80xf32, #tpu.memory_space<vmem>> -> memref<1x64x80xf32, #tpu.memory_space<vmem>>
    %dma_wait3A_358 = tpu.memref_squeeze %dma_wait3A_357 : memref<1x64x80xf32, #tpu.memory_space<vmem>> -> memref<64x80xf32, #tpu.memory_space<vmem>>
    %dma_wait3A_359 = arith.constant 0 : i32
    %dma_wait3A_360 = arith.constant 0 : i32
    %dma_wait3A_361 = tpu.memref_slice %arg6[%dma_wait3A_359, %dma_wait3A_360] : memref<20480x80xf32, #tpu.memory_space<hbm>> -> memref<64x80xf32, #tpu.memory_space<hbm>>
    %dma_wait3A_362 = arith.constant 0 : i32
    %dma_wait3A_363 = arith.constant 0 : i32
    %dma_wait3A_364 = tpu.memref_slice %arg9[%dma_wait3A_354, %dma_wait3A_362, %dma_wait3A_363] : memref<5x64x80xf32, #tpu.memory_space<vmem>> -> memref<1x64x80xf32, #tpu.memory_space<vmem>>
    %dma_wait3A_365 = tpu.memref_squeeze %dma_wait3A_364 : memref<1x64x80xf32, #tpu.memory_space<vmem>> -> memref<64x80xf32, #tpu.memory_space<vmem>>
    %dma_wait3A_366 = arith.constant 0 : i32
    %dma_wait3A_367 = arith.constant 0 : i32
    %dma_wait3A_368 = tpu.memref_slice %arg6[%dma_wait3A_366, %dma_wait3A_367] : memref<20480x80xf32, #tpu.memory_space<hbm>> -> memref<64x80xf32, #tpu.memory_space<hbm>>
    tpu.wait_dma2 semaphore(%arg21 : memref<!tpu.dma_semaphore, #tpu.memory_space<semaphore_mem>>) src(%dma_wait3A_368 : memref<64x80xf32, #tpu.memory_space<hbm>>) dst(%dma_wait3A_365 : memref<64x80xf32, #tpu.memory_space<vmem>>)
    %barrier3A_369 = arith.constant 0 : index
    tpu.barrier barrier_id(%barrier3A_369)
    %mul3A_370 = arith.constant 640 : i32
    %mul3A_371 = arith.muli %arg1, %mul3A_370 : i32
    %mul3A_372 = arith.constant 10240 : i32
    %mul3A_373 = arith.muli %arg0, %mul3A_372 : i32
    %mul3A_374 = arith.constant 640 : i32
    %mul3A_375 = arith.muli %arg1, %mul3A_374 : i32
    %add3A_376 = arith.addi %mul3A_373, %mul3A_375 : i32
    "tpu.region"() ({
      %run_scoped3A = tpu.sem_alloc : memref<!tpu.dma_semaphore, #tpu.memory_space<semaphore_mem>>
      %dma_start3A_377 = arith.constant 0 : i32
      %dma_start3A_378 = tpu.memref_slice %arg6[%add3A_376, %dma_start3A_377] : memref<20480x80xf32, #tpu.memory_space<hbm>> -> memref<640x80xf32, #tpu.memory_space<hbm>>
      %dma_start3A_379 = arith.constant 0 : i32
      %dma_start3A_380 = tpu.memref_slice %arg10[%mul3A_371, %dma_start3A_379] : memref<10240x80xf32, #tpu.memory_space<vmem_shared>> -> memref<640x80xf32, #tpu.memory_space<vmem_shared>>
      tpu.enqueue_dma source(%dma_start3A_380 : memref<640x80xf32, #tpu.memory_space<vmem_shared>>) target(%dma_start3A_378 : memref<640x80xf32, #tpu.memory_space<hbm>>) target_semaphore(%run_scoped3A : memref<!tpu.dma_semaphore, #tpu.memory_space<semaphore_mem>>)
      %dma_wait3A_381 = arith.constant 0 : i32
      %dma_wait3A_382 = tpu.memref_slice %arg6[%add3A_376, %dma_wait3A_381] : memref<20480x80xf32, #tpu.memory_space<hbm>> -> memref<640x80xf32, #tpu.memory_space<hbm>>
      %dma_wait3A_383 = arith.constant 0 : i32
      %dma_wait3A_384 = tpu.memref_slice %arg10[%mul3A_371, %dma_wait3A_383] : memref<10240x80xf32, #tpu.memory_space<vmem_shared>> -> memref<640x80xf32, #tpu.memory_space<vmem_shared>>
      tpu.wait_dma2 semaphore(%run_scoped3A : memref<!tpu.dma_semaphore, #tpu.memory_space<semaphore_mem>>) src(%dma_wait3A_384 : memref<640x80xf32, #tpu.memory_space<vmem_shared>>) dst(%dma_wait3A_382 : memref<640x80xf32, #tpu.memory_space<hbm>>)
      tpu.yield
    }) : () -> ()
    return
  }
}

module attributes {stable_mosaic.version = 14 : i64} {
  func.func @body(%arg0: i32, %arg1: memref<640x80xf32, #tpu.memory_space<vmem>>, %arg2: memref<640x80xf32, #tpu.memory_space<vmem>>, %arg3: memref<640x128xf32, #tpu.memory_space<vmem>>, %arg4: memref<128x64xf32, #tpu.memory_space<vmem>>, %arg5: memref<128x64xf32, #tpu.memory_space<vmem>>, %arg6: memref<128x128xf32, #tpu.memory_space<vmem>>, %arg7: memref<1x128xf32, #tpu.memory_space<vmem>>, %arg8: memref<640x128xf32, #tpu.memory_space<vmem>>) attributes {dimension_semantics = [#tpu.dimension_semantics<arbitrary>], iteration_bounds = array<i64: 16>, scalar_prefetch = 0 : i64, scratch_operands = 0 : i64, tpu.core_type = #tpu.core_type<tc>, window_params = [{transform_indices = @transform_0, window_bounds = array<i64: 640, 80>}, {transform_indices = @transform_1, window_bounds = array<i64: 640, 80>}, {transform_indices = @transform_2, window_bounds = array<i64: 640, 128>}, {pipeline_mode = #tpu.pipeline_mode<synchronous>, transform_indices = @transform_3, window_bounds = array<i64: 128, 64>}, {pipeline_mode = #tpu.pipeline_mode<synchronous>, transform_indices = @transform_4, window_bounds = array<i64: 128, 64>}, {pipeline_mode = #tpu.pipeline_mode<synchronous>, transform_indices = @transform_5, window_bounds = array<i64: 128, 128>}, {pipeline_mode = #tpu.pipeline_mode<synchronous>, transform_indices = @transform_6, window_bounds = array<i64: 1, 128>}, {transform_indices = @transform_7, window_bounds = array<i64: 640, 128>}]} {
    %get3A = arith.constant 0 : index
    %get3A_0 = arith.constant 0 : index
    %get3A_1 = vector.load %arg1[%get3A, %get3A_0] : memref<640x80xf32, #tpu.memory_space<vmem>>, vector<640x80xf32>
    %get3A_2 = arith.constant 0 : index
    %get3A_3 = arith.constant 0 : index
    %get3A_4 = vector.load %arg2[%get3A_2, %get3A_3] : memref<640x80xf32, #tpu.memory_space<vmem>>, vector<640x80xf32>
    %slice3A = vector.extract_strided_slice %get3A_1 {offsets = [0, 64], sizes = [640, 1], strides = [1, 1]} : vector<640x80xf32> to vector<640x1xf32>
    %max3A = arith.constant 1.000000e+00 : f32
    %max3A_5 = vector.broadcast %max3A : f32 to vector<640x1xf32>
    %max3A_6 = arith.maximumf %slice3A, %max3A_5 : vector<640x1xf32>
    %slice3A_7 = vector.extract_strided_slice %get3A_1 {offsets = [0, 0], sizes = [640, 64], strides = [1, 1]} : vector<640x80xf32> to vector<640x64xf32>
    %div3A = vector.broadcast %max3A_6 : vector<640x1xf32> to vector<640x64xf32>
    %div3A_8 = arith.divf %slice3A_7, %div3A : vector<640x64xf32>
    %slice3A_9 = vector.extract_strided_slice %get3A_4 {offsets = [0, 0], sizes = [640, 64], strides = [1, 1]} : vector<640x80xf32> to vector<640x64xf32>
    %div3A_10 = vector.broadcast %max3A_6 : vector<640x1xf32> to vector<640x64xf32>
    %div3A_11 = arith.divf %slice3A_9, %div3A_10 : vector<640x64xf32>
    %get3A_12 = arith.constant 0 : index
    %get3A_13 = arith.constant 0 : index
    %get3A_14 = vector.load %arg4[%get3A_12, %get3A_13] : memref<128x64xf32, #tpu.memory_space<vmem>>, vector<128x64xf32>
    %dot_general3A = arith.constant dense<0.000000e+00> : vector<640x128xf32>
    %dot_general3A_15 = tpu.matmul %div3A_8, %get3A_14, %dot_general3A {dimension_numbers = #tpu.dot_dimension_numbers<[1], [1], [0], [0], [0, 0, 1, 0], [], []>, transpose_lhs_hint = false} : vector<640x64xf32>, vector<128x64xf32>, vector<640x128xf32> -> vector<640x128xf32>
    %get3A_16 = arith.constant 0 : index
    %get3A_17 = arith.constant 0 : index
    %get3A_18 = vector.load %arg5[%get3A_16, %get3A_17] : memref<128x64xf32, #tpu.memory_space<vmem>>, vector<128x64xf32>
    %dot_general3A_19 = arith.constant dense<0.000000e+00> : vector<640x128xf32>
    %dot_general3A_20 = tpu.matmul %div3A_11, %get3A_18, %dot_general3A_19 {dimension_numbers = #tpu.dot_dimension_numbers<[1], [1], [0], [0], [0, 0, 1, 0], [], []>, transpose_lhs_hint = false} : vector<640x64xf32>, vector<128x64xf32>, vector<640x128xf32> -> vector<640x128xf32>
    %add3A = arith.addf %dot_general3A_15, %dot_general3A_20 : vector<640x128xf32>
    %get3A_21 = arith.constant 0 : index
    %get3A_22 = arith.constant 0 : index
    %get3A_23 = vector.load %arg3[%get3A_21, %get3A_22] : memref<640x128xf32, #tpu.memory_space<vmem>>, vector<640x128xf32>
    %get3A_24 = arith.constant 0 : index
    %get3A_25 = arith.constant 0 : index
    %get3A_26 = vector.load %arg6[%get3A_24, %get3A_25] : memref<128x128xf32, #tpu.memory_space<vmem>>, vector<128x128xf32>
    %dot_general3A_27 = arith.constant dense<0.000000e+00> : vector<640x128xf32>
    %dot_general3A_28 = tpu.matmul %get3A_23, %get3A_26, %dot_general3A_27 {dimension_numbers = #tpu.dot_dimension_numbers<[1], [1], [0], [0], [0, 0, 1, 0], [], []>, transpose_lhs_hint = false} : vector<640x128xf32>, vector<128x128xf32>, vector<640x128xf32> -> vector<640x128xf32>
    %add3A_29 = arith.addf %add3A, %dot_general3A_28 : vector<640x128xf32>
    %get3A_30 = arith.constant 0 : index
    %get3A_31 = arith.constant 0 : index
    %get3A_32 = vector.load %arg7[%get3A_30, %get3A_31] : memref<1x128xf32, #tpu.memory_space<vmem>>, vector<1x128xf32>
    %add3A_33 = vector.broadcast %get3A_32 : vector<1x128xf32> to vector<640x128xf32>
    %add3A_34 = arith.addf %add3A_29, %add3A_33 : vector<640x128xf32>
    %swap3A = arith.constant 0 : index
    %swap3A_35 = arith.constant 0 : index
    %swap3A_36 = vector.load %arg8[%swap3A, %swap3A_35] : memref<640x128xf32, #tpu.memory_space<vmem>>, vector<640x128xf32>
    tpu.vector_store %arg8[%swap3A, %swap3A_35], %add3A_34 {strides = array<i32>} : memref<640x128xf32, #tpu.memory_space<vmem>>, vector<640x128xf32>,
    return
  }
  func.func @transform_0(%arg0: i32) -> (i32, i32) {
    %c0_i32 = arith.constant 0 : i32
    %c0_i32_0 = arith.constant 0 : i32
    return %arg0, %c0_i32 : i32, i32
  }
  func.func @transform_1(%arg0: i32) -> (i32, i32) {
    %add3A = arith.constant 16 : i32
    %add3A_0 = arith.addi %arg0, %add3A : i32
    %c0_i32 = arith.constant 0 : i32
    %c0_i32_1 = arith.constant 0 : i32
    return %add3A_0, %c0_i32 : i32, i32
  }
  func.func @transform_2(%arg0: i32) -> (i32, i32) {
    %c0_i32 = arith.constant 0 : i32
    %c0_i32_0 = arith.constant 0 : i32
    return %arg0, %c0_i32 : i32, i32
  }
  func.func @transform_3(%arg0: i32) -> (i32, i32) {
    %c0_i32 = arith.constant 0 : i32
    %c0_i32_0 = arith.constant 0 : i32
    %c0_i32_1 = arith.constant 0 : i32
    return %c0_i32, %c0_i32_0 : i32, i32
  }
  func.func @transform_4(%arg0: i32) -> (i32, i32) {
    %c0_i32 = arith.constant 0 : i32
    %c0_i32_0 = arith.constant 0 : i32
    %c0_i32_1 = arith.constant 0 : i32
    return %c0_i32, %c0_i32_0 : i32, i32
  }
  func.func @transform_5(%arg0: i32) -> (i32, i32) {
    %c0_i32 = arith.constant 0 : i32
    %c0_i32_0 = arith.constant 0 : i32
    %c0_i32_1 = arith.constant 0 : i32
    return %c0_i32, %c0_i32_0 : i32, i32
  }
  func.func @transform_6(%arg0: i32) -> (i32, i32) {
    %c0_i32 = arith.constant 0 : i32
    %c0_i32_0 = arith.constant 0 : i32
    %c0_i32_1 = arith.constant 0 : i32
    return %c0_i32, %c0_i32_0 : i32, i32
  }
  func.func @transform_7(%arg0: i32) -> (i32, i32) {
    %c0_i32 = arith.constant 0 : i32
    %c0_i32_0 = arith.constant 0 : i32
    return %arg0, %c0_i32 : i32, i32
  }
}

</mosaic_0001>

<sc_bundles>
// kernel: kernel.4.cloned.1.call-start
scs
__scs_entry_jumppad:
0x0: {  	(pc) =	sbr.rel $0x88, $3  }
0x1: {  	(tag) =	ssettag $0x0;
	lr =	simm.s32 $0x1  }
0x2: {  	[smem:$0x3F9C] =	sst lr;
	_ =	strace $0xD0000000  }
0x3: {  	_ = 	snop  }
0x4: {  	_ = 	snop  }
0x5: {  	_ = 	snop  }
0x6: {  	_ = 	snop  }
0x7: {  	_ = 	snop  }
__scs_overlays_trampoline_lowered:
0x8: {  	[smem:$0x3FAB] =	sst s0  }
0x9: {  	[smem:$0x3FAC] =	sst s1  }
0xa: {  	[smem:$0x3FAD] =	sst s2  }
0xb: {  	[smem:$0x3FAE] =	sst s3  }
0xc: {  	[smem:$0x3FAF] =	sst s4  }
0xd: {  	[smem:$0x3FB0] =	sst s5  }
0xe: {  	[smem:$0x3FB1] =	sst s6  }
0xf: {  	[smem:$0x3FB2] =	sst s7  }
0x10: {  	[smem:$0x3FB3] =	sst s8  }
0x11: {  	[smem:$0x3FB4] =	sst s9;
	s0 =	simm.s32 @!p0 $0x0  }
0x12: {  	s1 =	sld [smem:$0x3F9A];
	s0 =	simm.s32 @p0 $0x1  }
0x13: {  	[smem:$0x3FB5] =	sst s0;
	s0 =	simm.s32 @!p1 $0x0  }
0x14: {  	s2 =	sld [smem:$0x3F99];
	s0 =	simm.s32 @p1 $0x1  }
0x15: {  	[smem:$0x3FB6] =	sst s0;
	s0 =	simm.s32 @!p2 $0x0  }
0x16: {  	s3 =	sld [smem:$0x3FDB];
	s0 =	simm.s32 @p2 $0x1  }
0x17: {  	s4 =	simm.s32 $0x1BF5;
	[smem:$0x3FB8] =	sst s0  }
0x18: {  	s0 =	sld [smem:$0x3F9B];
	_ =	swait.ge [sflag:s4], $0x0  }
0x19: {  	s7 =	sld [smem:$0x3F9C]  }
0x1a: {  	s8 =	sadd.s32 $0xFFFFE003, lr  }
0x1b: {  	s9 =	sadd.s32 $0xFFFFFEF7, lr;
	s5 =	simm.s32 $0xFFFFFFFF;
	p2 =	slt.u32 s8, $0xFFFFF086  }
0x1c: {  	p1 =	slt.u32 s9, $0xF7A;
	s5 =	simm.s32 @!p2 $0x0  }
0x1d: {  	s5 =	simm.s32 @p1 $0x1;
	p0 =	seq.s32 s7, s2  }
0x1e: {  	s7 =	smul.u32 @!p0 $0xF7A, s2;
	p2 =	seq.s32 @!p0 s5, $0x0  }
0x1f: {  	s9 =	smul.u32 $0xF7A, s1;
	s8 =	simm.s32 @!p0 $0x1BF5;
	p2 =	por !p2, p0  }
0x20: {  	[sflag:s8] =	ssyncset.s32 @!p0 $0xFFFFF086;
	s6 =	sadd.s32 @!p0 s3, s7;
	s7 =	simm.s32 @!p0 $0x108  }
0x21: {  	s3 =	sadd.s32 s3, s9;
	s6 =	sadd.s32 @!p0 $0x88, s6;
	s7 =	simm.s32 @p2 $0x1082  }
0x22: {  	[simem:s7], [sflag:s8] =	dma.local @!p0 [hbm:s6], $0xF7A  }
0x23: {  	s9 =	sor.u32 $0xD0000000, s2;
	s6 =	simm.s32 $0x108;
	_ =	swait.ge @!p0 [sflag:s8], $0x0  }
0x24: {  	s3 =	sadd.s32 $0x88, s3;
	s6 =	simm.s32 @!p1 $0x1082;
	[sflag:s4] =	ssyncset.s32 $0xFFFFF086  }
0x25: {  	[simem:s6], [sflag:s4] =	dma.local [hbm:s3], $0xF7A  }
0x26: {  	[smem:$0x3F9C] =	sst s1;
	(tag) =	ssettag s2;
	_ =	strace s9  }
0x27: {  	s1 =	sld [smem:$0x3FAC]  }
0x28: {  	s2 =	sld [smem:$0x3FAD]  }
0x29: {  	s4 =	sld [smem:$0x3FAF]  }
0x2a: {  	p0 =	seq.s32 s5, $0x0;
	s5 =	sld [smem:$0x3FB0]  }
0x2b: {  	s6 =	sld [smem:$0x3FB1]  }
0x2c: {  	s7 =	sld [smem:$0x3FB2]  }
0x2d: {  	s3 =	simm.s32 $0x108;
	s8 =	sld [smem:$0x3FB3]  }
0x2e: {  	s3 =	simm.s32 @!p0 $0x1082;
	s9 =	sld [smem:$0x3FB4]  }
0x2f: {  	lr =	sadd.s32 s0, s3;
	s0 =	sld [smem:$0x3FAB]  }
0x30: {  	s3 =	sld [smem:$0x3FAE]  }
0x31: {  	[smem:$0x3FB7] =	sst s10  }
0x32: {  	s10 =	sld [smem:$0x3FB5];
	_ =	sdelay $0x3  }
0x33: {  	p0 =	seq.s32 s10, $0x1;
	s10 =	sld [smem:$0x3FB7];
	_ =	sdelay $0x3  }
0x34: {  	[smem:$0x3FB7] =	sst s10  }
0x35: {  	s10 =	sld [smem:$0x3FB6];
	_ =	sdelay $0x3  }
0x36: {  	p1 =	seq.s32 s10, $0x1;
	s10 =	sld [smem:$0x3FB7];
	_ =	sdelay $0x3  }
0x37: {  	[smem:$0x3FB7] =	sst s10  }
0x38: {  	s10 =	sld [smem:$0x3FB8]  }
0x39: {  	_ = 	snop;
	(pc) =	sbr.ind lr, $3  }
0x3a: {  	_ = 	snop  }
0x3b: {  	_ = 	snop  }
0x3c: {  	p2 =	seq.s32 s10, $0x1;
	s10 =	sld [smem:$0x3FB7]  }
0x3d: {  	_ =	shalt  }
0x3e: {  	_ =	shalt  }
0x3f: {  	_ =	shalt  }
0x40: {  	_ =	shalt  }
0x41: {  	_ =	shalt  }
0x42: {  	_ =	shalt  }
0x43: {  	_ =	shalt  }
0x44: {  	_ =	shalt  }
0x45: {  	_ =	shalt  }
0x46: {  	_ =	shalt  }
0x47: {  	_ =	shalt  }
0x48: {  	_ =	shalt  }
0x49: {  	_ =	shalt  }
0x4a: {  	_ =	shalt  }
0x4b: {  	_ =	shalt  }
0x4c: {  	_ =	shalt  }
0x4d: {  	_ =	shalt  }
0x4e: {  	_ =	shalt  }
0x4f: {  	_ =	shalt  }
0x50: {  	_ =	shalt  }
0x51: {  	_ =	shalt  }
0x52: {  	_ =	shalt  }
0x53: {  	_ =	shalt  }
0x54: {  	_ =	shalt  }
0x55: {  	_ =	shalt  }
0x56: {  	_ =	shalt  }
0x57: {  	_ =	shalt  }
0x58: {  	_ =	shalt  }
0x59: {  	_ =	shalt  }
0x5a: {  	_ =	shalt  }
0x5b: {  	_ =	shalt  }
0x5c: {  	_ =	shalt  }
0x5d: {  	_ =	shalt  }
0x5e: {  	_ =	shalt  }
0x5f: {  	_ =	shalt  }
0x60: {  	_ =	shalt  }
0x61: {  	_ =	shalt  }
0x62: {  	_ =	shalt  }
0x63: {  	_ =	shalt  }
0x64: {  	_ =	shalt  }
0x65: {  	_ =	shalt  }
0x66: {  	_ =	shalt  }
0x67: {  	_ =	shalt  }
0x68: {  	_ =	shalt  }
0x69: {  	_ =	shalt  }
0x6a: {  	_ =	shalt  }
0x6b: {  	_ =	shalt  }
0x6c: {  	_ =	shalt  }
0x6d: {  	_ =	shalt  }
0x6e: {  	_ =	shalt  }
0x6f: {  	_ =	shalt  }
0x70: {  	_ =	shalt  }
0x71: {  	_ =	shalt  }
0x72: {  	_ =	shalt  }
0x73: {  	_ =	shalt  }
0x74: {  	_ =	shalt  }
0x75: {  	_ =	shalt  }
0x76: {  	_ =	shalt  }
0x77: {  	_ =	shalt  }
0x78: {  	_ =	shalt  }
0x79: {  	_ =	shalt  }
0x7a: {  	_ =	shalt  }
0x7b: {  	_ =	shalt  }
0x7c: {  	_ =	shalt  }
0x7d: {  	_ =	shalt  }
0x7e: {  	_ =	shalt  }
0x7f: {  	_ =	shalt  }
0x80: {  	_ =	shalt  }
0x81: {  	_ =	shalt  }
0x82: {  	_ =	shalt  }
0x83: {  	_ =	shalt  }
0x84: {  	_ =	shalt  }
0x85: {  	_ =	shalt  }
0x86: {  	_ =	shalt  }
0x87: {  	_ =	shalt  }
.Lfunc_end0:
.L_simem_size_0:
called_computation_lowered:
.L_overlay_start_0:
0x88: {  	s2 =	sld [smem:$0x3FD9]  }
0x89: {  	s3 =	sld [smem:$0x3FFE];
	_ =	sdelay $0x1  }
0x8a: {  	s1 =	srdreg.scid  }
0x8b: {  	s0 =	sand.u32 $0x1, s1  }
0x8c: {  	s17 =	sshll.u32 s0, $0xA;
	s2 =	sadd.s32 s3, s2  }
0x8d: {  	s2 =	sadd.s32 s2, s17  }
0x8e: {  	[smem:$0x3FC3] =	sst s2  }
0x8f: {  	_ = 	snop  }
0x90: {  	s2 =	sld [smem:$0x3FC9]  }
0x91: {  	s18 =	sld [smem:$0x3FD0];
	(tm) =	ssettm $0x1  }
0x92: {  	s4 =	sld [smem:$0x3FFB];
	_ =	sdelay $0x3  }
0x93: {  	_ =	strace s4  }
0x94: {  	s4 =	sld [smem:$0x3FFC];
	_ =	sdelay $0x3  }
0x95: {  	_ =	strace s4  }
0x96: {  	s4 =	sld [smem:$0x3FFD];
	_ =	sdelay $0x3  }
0x97: {  	_ =	strace s4  }
0x98: {  	_ =	strace $0x8FFFFFFF  }
0x99: {  	s19 =	sld [smem:$0x3FDB];
	_ =	sdelay $0x1  }
0x9a: {  	s5 =	simm.s32 $_scs_section_size  }
0x9b: {  	s6 =	simm.s32 $_size__tile_overlayer_lowered;
	s7 =	simm.s32 $_tile_overlayer_lowered  }
0x9c: {  	s22 =	simm.s32 $0x1BFF;
	s21 =	sshll.u32 s7, $0x1;
	s4 =	sadd.s32 s5, s19  }
0x9d: {  	s8 =	simm.s32 $0x0;
	s20 =	sshll.u32 s6, $0x1;
	s6 =	sadd.s32 s21, s4  }
0x9e: {  	[timem:s8], [sflag:s22] =	dma.local [hbm:s6], s20  }
0x9f: {  	_ =	swait.ge [sflag:s22], s20  }
0xa0: {  	s5 =	ssub.s32 $0x0, s20;
	[sflag:s22] =	ssyncset.done $0x0  }
0xa1: {  	[sflag:s22] =	ssyncadd.s32 s5;
	_ =	sdelay $0x1  }
0xa2: {  	s23 =	simm.s32 $0x1B8B  }
0xa3: {  	_ =	swait.ge [sflag:s23], $0x1  }
0xa4: {  	[sflag:s23] =	ssyncset.done $0x0  }
0xa5: {  	s25 =	simm.s32 $0x1B8E;
	s24 =	sld [smem:$0x3FFE];
	[sflag:s23] =	ssyncadd.s32 $0xFFFFFFFF  }
0xa6: {  	s26 =	simm.s32 $execute0_lowered;
	[smem:$0x3FD2] =	sst s25  }
0xa7: {  	s6 =	sshll.u32 s26, $0x1;
	_ =	strace $0x80000046;
	[dreg:$0x1] =	wrdreg $0xFFFFFFFF  }
0xa8: {  	s28 =	simm.s32 $_size_execute0_lowered;
	s4 =	sadd.s32 s4, s6;
	[dreg:$0x0] =	wrdreg $0x0  }
0xa9: {  	s6 =	sshll.u32 s28, $0x1;
	[dreg:$0x2] =	wrdreg s4  }
0xaa: {  	[dreg:$0x3] =	wrdreg s6  }
0xab: {  	[dreg:$0x4] =	wrdreg $0xC0  }
0xac: {  	_ =	task [dreg:s8], $0x5FFFF  }
0xad: {  	[dreg:$0x1] =	wrdreg $0xFFFFFFFF  }
0xae: {  	[dreg:$0x0] =	wrdreg $0x60  }
0xaf: {  	[dreg:$0x2] =	wrdreg s2  }
0xb0: {  	[dreg:$0x3] =	wrdreg s24  }
0xb1: {  	[dreg:$0x4] =	wrdreg s18  }
0xb2: {  	[dreg:$0x5] =	wrdreg $0x136000  }
0xb3: {  	[dreg:$0x6] =	wrdreg $0x6E000  }
0xb4: {  	[dreg:$0x7] =	wrdreg $0x9  }
0xb5: {  	_ =	task.clear_ibuf [dreg:s8], $0x8FFFF;
	_ =	strace $0x90000046  }
0xb6: {  	s29 =	simm.s32 $0x9;
	_ =	strace $0x80000048  }
0xb7: {  	_ =	swait.ge [sflag:s29], $0x1  }
0xb8: {  	[sflag:s29] =	ssyncadd.s32 $0xFFFFFFFF  }
0xb9: {  	_ =	strace $0x90000048  }
0xba: {  	_ =	sfence  }
0xbb: {  	s30 =	sld [smem:$0x0];
	_ =	sdelay $0x2  }
0xbc: {  	s31 =	sshll.u32 s1, $0xD;
	s1 =	sshrl.u32 s1, $0x2  }
0xbd: {  	s3 =	sand.u32 $0x4000, s31;
	s1 =	sadd.s32 s1, s30  }
0xbe: {  	s0 =	sor.u32 s3, s0;
	s1 =	sshll.u32 s1, $0x11  }
0xbf: {  	s0 =	sor.u32 s1, s0  }
0xc0: {  	s0 =	sadd.s32 $0x8F2B, s0  }
0xc1: {  	[sflag:s0] =	ssyncadd.remote.s32 $0x1  }
0xc2: {  	_ =	sfence.sel $0xFFFF  }
0xc3: {  	[dreg:$0x0] =	wrdreg $0xFFFFFFFF;
	(pc) =	sbr.abs _section_cstart, $3  }
0xc4: {  	[dreg:$0x1] =	wrdreg $0xFFFFFFFF  }
0xc5: {  	_ =	task.clear_ibuf [dreg:s8], $0x2FFFF;
	_ =	strace $0x9FFFFFFF  }
0xc6: {  	(tm) =	ssettm $0x7FFFFFFF  }
0xc7: {  	_ =	shalt  }
tec
execute0_lowered:
.L_overlay_start_1:
0x0: {  	(tag) =	ssettag $0x1  }
0x1: {  	s0 =	rddreg [dreg:$0x0]  }
0x2: {  	s4 =	rddreg [dreg:$0x1]  }
0x3: {  	s5 =	rddreg [dreg:$0x2]  }
0x4: {  	s1 =	rddreg [dreg:$0x3]  }
0x5: {  	s2 =	rddreg [dreg:$0x4];
	s3 =	simm.s32 $0x0  }
0x6: {  	s6 =	srdreg.scid;
	s13 =	stileid.u32;
	s12 =	simm.s32 $0x28  }
0x7: {  	s17 =	simm.s32 $0x540;
	s19 =	simm.s32 $0x5C0;
	s20 =	simm.s32 $0x680  }
0x8: {  	[smem:$0x7FF] =	sst s3;
	s14 =	sadd.s32 $0xA000, s4;
	s23 =	sshll.u32 s13, $0x6  }
0x9: {  	s15 =	sadd.s32 $0x200, s4;
	_ =	strace $0x80000047;
	[dreg:$0x13] =	wrdreg s23  }
0xa: {  	s6 =	sand.u32 $0x1, s6;
	s8 =	smul.u32 $0x13880, s13;
	[dreg:$0x8] =	wrdreg s17  }
0xb: {  	s11 =	smul.u32 $0x30D40, s13;
	s7 =	sadd.s32 $0x13E00, s4;
	[dreg:$0x9] =	wrdreg s19  }
0xc: {  	p0 =	seq.s32 s13, $0xF;
	s9 =	ssub.s32 $0x2, s6;
	[dreg:$0xa] =	wrdreg s20  }
0xd: {  	s10 =	sshll.u32 s6, $0x6;
	s12 =	simm.s32 @!p0 $0x40;
	[dreg:$0x10] =	wrdreg s14  }
0xe: {  	s21 =	sshrl.u32 s9, $0x1;
	s8 =	sor.u32 s10, s8;
	s30 =	sadd.s32 $0xFFFFFFFF, s12  }
0xf: {  	s22 =	sshrl.u32 s11, $0x2;
	s20 =	sshrl.u32 s12, $0x2;
	[dreg:$0x6] =	wrdreg s30  }
0x10: {  	s4 =	ssub.s32 s9, s21;
	s21 =	simm.s32 $0x700;
	[smem:$0x7F4] =	sst s20  }
0x11: {  	s8 =	sshrl.u32 s8, $0x3;
	s11 =	sadd.s32 s22, s1;
	[dreg:$0xb] =	wrdreg s21  }
0x12: {  	s0 =	sadd.s32 s0, s8;
	[dreg:$0x11] =	wrdreg s11  }
0x13: {  	s10 =	smul.u32 $0xA00, s13;
	s8 =	sadd.s32 $0xFFFFFFFE, s12;
	[dreg:$0x12] =	wrdreg s0  }
0x14: {  	s4 =	smax.u32 s4, $0x1;
	[dreg:$0x7] =	wrdreg s8  }
0x15: {  	s19 =	sadd.s32 s15, s10;
	[dreg:$0x1b] =	wrdreg s4  }
0x16: {  	s24 =	sor.u32 $0x28, s10;
	s0 =	sor.u32 $0x1C01, s23;
	[smem:$0x7F3] =	sst s19  }
0x17: {  	s29 =	sor.u32 $0x50, s10;
	s25 =	sadd.s32 s14, s24;
	[dreg:$0x14] =	wrdreg s0  }
0x18: {  	s16 =	sadd.s32 s14, s29;
	[dreg:$0x15] =	wrdreg s25  }
0x19: {  	s26 =	smul.u32 $0x19000, s6;
	s6 =	sadd.s32 s15, s29;
	[dreg:$0x17] =	wrdreg s16  }
0x1a: {  	s23 =	simm.s32 $0x7C0;
	[dreg:$0x18] =	wrdreg s6  }
0x1b: {  	s22 =	sadd.s32 $0x40, s11;
	s29 =	simm.s32 $0x900;
	[dreg:$0xc] =	wrdreg s23  }
0x1c: {  	s30 =	sadd.s32 $0x7570, s11;
	s4 =	sshrl.u32 s22, $0x3;
	[dreg:$0xe] =	wrdreg s29  }
0x1d: {  	s31 =	smul.u32 $0x1900, s13;
	s17 =	sshrl.u32 s30, $0x3;
	[dreg:$0x1c] =	wrdreg s4  }
0x1e: {  	s0 =	sadd.s32 s15, s24;
	s16 =	smul.u32 $0x32000, s13;
	[dreg:$0x1f] =	wrdreg s17  }
0x1f: {  	s24 =	sadd.s32 $0x2750, s11;
	s25 =	simm.s32 $0x840;
	[dreg:$0x16] =	wrdreg s0  }
0x20: {  	s0 =	sadd.s32 s31, s26;
	[dreg:$0xd] =	wrdreg s25;
	s31 =	simm.s32 $0x980  }
0x21: {  	s26 =	sadd.s32 $0x4E60, s11;
	s13 =	sshrl.u32 s24, $0x3;
	[dreg:$0xf] =	wrdreg s31  }
0x22: {  	s11 =	sadd.s32 $0x9C80, s11;
	s0 =	sadd.s32 s5, s0;
	[dreg:$0x1d] =	wrdreg s13  }
0x23: {  	s18 =	sshrl.u32 s16, $0x2;
	s16 =	sshrl.u32 s26, $0x3;
	[dreg:$0x19] =	wrdreg s0  }
0x24: {  	[dreg:$0x1e] =	wrdreg s16;
	s0 =	sshrl.u32 s11, $0x3  }
0x25: {  	s9 =	sadd.s32 s18, s2;
	s18 =	sadd.s32 s14, s10;
	[smem:$0x7F1] =	sst s0  }
0x26: {  	[smem:$0x7F2] =	sst s18  }
0x27: {  	s21 =	sadd.s32 $0x1400, s9;
	[dreg:$0x1a] =	wrdreg s9  }
0x28: {  	s22 =	sadd.s32 $0x2800, s9;
	[smem:$0x7F5] =	sst s21  }
0x29: {  	s23 =	sadd.s32 $0x3C00, s9;
	[smem:$0x7F6] =	sst s22  }
0x2a: {  	s24 =	sadd.s32 $0x5000, s9;
	[smem:$0x7F7] =	sst s23  }
0x2b: {  	s25 =	sadd.s32 $0x6400, s9;
	[smem:$0x7F8] =	sst s24  }
0x2c: {  	s28 =	simm.s32 $0x4;
	s26 =	sadd.s32 $0x7800, s9;
	[smem:$0x7F9] =	sst s25  }
0x2d: {  	s20 =	simm.s32 $0xA00;
	s29 =	sadd.s32 $0x8C00, s9;
	[smem:$0x7FA] =	sst s26  }
0x2e: {  	s17 =	simm.s32 $0x1;
	s30 =	sadd.s32 $0xA000, s9;
	[smem:$0x7FB] =	sst s29  }
0x2f: {  	s11 =	simm.s32 $0x13;
	s31 =	sadd.s32 $0xB400, s9;
	[smem:$0x7FC] =	sst s30  }
0x30: {  	s18 =	simm.s32 $0xA;
	[smem:$0x7FD] =	sst s31;
	s21 =	simm.s32 $0x2  }
0x31: {  	v0 =	vimm.f32 $0.0e+00;
	s24 =	simm.s32 $0x40;
	s25 =	simm.s32 $0x1E00;
	s26 =	simm.s32 $0x4600  }
.LBB2_1:
0x32: {  	s0 =	rddreg [dreg:$0x11]  }
0x33: {  	s31 =	rddreg [dreg:$0x12]  }
0x34: {  	s5 =	rddreg [dreg:$0x14];
	s6 =	simm.s32 $0x10;
	s4 =	sshrl.u32 s0, $0x3  }
0x35: {  	[spmem:s4@s18], [sflag:s5] =	dma.strided [hbm:s31@s6], $0x1388, s17, $0x8   }
0x36: {  	s5 =	simm.s32 $0x140;
	s4 =	simm.s32 $0x0  }
.LBB2_2:
0x37: {  	p0 =	sne.s32 s5, $0x4EC0;
	[tilespmem:s4+$0xA40] =	vst v0;
	s6 =	smov.u32 s5;
	s5 =	sadd.s32 $0x140, s5  }
.Ltmp0:
0x38: {  	[tilespmem:s4+$0xA30] =	vst v0;
	(pc) =	sbr.rel @p0 .LBB2_2-.Ltmp0, $4  }
0x39: {  	[tilespmem:s4+$0xA20] =	vst v0  }
0x3a: {  	[tilespmem:s4+$0xA00] =	vst v0  }
0x3b: {  	[tilespmem:s4+$0xA10] =	vst v0  }
0x3c: {  	s4 =	sshra.s32 s6, $0x2  }
0x3d: {  	[tilespmem:s4+$0xA40] =	vst v0  }
0x3e: {  	[tilespmem:s4+$0xA30] =	vst v0  }
0x3f: {  	[tilespmem:s4+$0xA20] =	vst v0  }
0x40: {  	[tilespmem:s4+$0xA00] =	vst v0  }
0x41: {  	[tilespmem:s4+$0xA10] =	vst v0  }
0x42: {  	_ =	swait.ge [sflag:s17], $0x1388  }
0x43: {  	[sflag:s17] =	ssyncset.done $0x0  }
0x44: {  	[sflag:s17] =	ssyncadd.s32 $0xFFFFEC78  }
0x45: {  	[spmem:s9] =	stream.linear.scatter [tilespmem:s20], [sflag:$0x13], $0x1400, $0x38;
	[tilespmem:$0x1F950] =	vst v63  }
0x46: {  	_ =	swait.ge [sflag:s11], $0x1400  }
0x47: {  	s0 =	sld [smem:$0x7F5]  }
0x48: {  	[sflag:s11] =	ssyncset.done $0x0  }
0x49: {  	[sflag:s11] =	ssyncadd.s32 $0xFFFFEC00  }
0x4a: {  	[spmem:s0] =	stream.linear.scatter [tilespmem:s20], [sflag:$0x13], $0x1400, $0x38;
	[tilespmem:$0x1F950] =	vst v63  }
0x4b: {  	_ =	swait.ge [sflag:s11], $0x1400  }
0x4c: {  	s4 =	sld [smem:$0x7F6]  }
0x4d: {  	[sflag:s11] =	ssyncset.done $0x0  }
0x4e: {  	[sflag:s11] =	ssyncadd.s32 $0xFFFFEC00  }
0x4f: {  	[spmem:s4] =	stream.linear.scatter [tilespmem:s20], [sflag:$0x13], $0x1400, $0x38;
	[tilespmem:$0x1F950] =	vst v63  }
0x50: {  	_ =	swait.ge [sflag:s11], $0x1400  }
0x51: {  	s5 =	sld [smem:$0x7F7]  }
0x52: {  	[sflag:s11] =	ssyncset.done $0x0  }
0x53: {  	[sflag:s11] =	ssyncadd.s32 $0xFFFFEC00  }
0x54: {  	[spmem:s5] =	stream.linear.scatter [tilespmem:s20], [sflag:$0x13], $0x1400, $0x38;
	[tilespmem:$0x1F950] =	vst v63  }
0x55: {  	_ =	swait.ge [sflag:s11], $0x1400  }
0x56: {  	s6 =	sld [smem:$0x7F8]  }
0x57: {  	[sflag:s11] =	ssyncset.done $0x0  }
0x58: {  	[sflag:s11] =	ssyncadd.s32 $0xFFFFEC00  }
0x59: {  	[spmem:s6] =	stream.linear.scatter [tilespmem:s20], [sflag:$0x13], $0x1400, $0x38;
	[tilespmem:$0x1F950] =	vst v63  }
0x5a: {  	_ =	swait.ge [sflag:s11], $0x1400  }
0x5b: {  	s8 =	sld [smem:$0x7F9]  }
0x5c: {  	[sflag:s11] =	ssyncset.done $0x0  }
0x5d: {  	[sflag:s11] =	ssyncadd.s32 $0xFFFFEC00  }
0x5e: {  	[spmem:s8] =	stream.linear.scatter [tilespmem:s20], [sflag:$0x13], $0x1400, $0x38;
	[tilespmem:$0x1F950] =	vst v63  }
0x5f: {  	_ =	swait.ge [sflag:s11], $0x1400  }
0x60: {  	s9 =	sld [smem:$0x7FA]  }
0x61: {  	[sflag:s11] =	ssyncset.done $0x0  }
0x62: {  	[sflag:s11] =	ssyncadd.s32 $0xFFFFEC00  }
0x63: {  	[spmem:s9] =	stream.linear.scatter [tilespmem:s20], [sflag:$0x13], $0x1400, $0x38;
	[tilespmem:$0x1F950] =	vst v63  }
0x64: {  	_ =	swait.ge [sflag:s11], $0x1400  }
0x65: {  	s13 =	sld [smem:$0x7FB]  }
0x66: {  	[sflag:s11] =	ssyncset.done $0x0  }
0x67: {  	[sflag:s11] =	ssyncadd.s32 $0xFFFFEC00  }
0x68: {  	[spmem:s13] =	stream.linear.scatter [tilespmem:s20], [sflag:$0x13], $0x1400, $0x38;
	[tilespmem:$0x1F950] =	vst v63  }
0x69: {  	_ =	swait.ge [sflag:s11], $0x1400  }
0x6a: {  	s14 =	sld [smem:$0x7FC]  }
0x6b: {  	[sflag:s11] =	ssyncset.done $0x0  }
0x6c: {  	[sflag:s11] =	ssyncadd.s32 $0xFFFFEC00  }
0x6d: {  	[spmem:s14] =	stream.linear.scatter [tilespmem:s20], [sflag:$0x13], $0x1400, $0x38;
	[tilespmem:$0x1F950] =	vst v63  }
0x6e: {  	_ =	swait.ge [sflag:s11], $0x1400  }
0x6f: {  	s16 =	sld [smem:$0x7FD]  }
0x70: {  	[sflag:s11] =	ssyncset.done $0x0  }
0x71: {  	[sflag:s11] =	ssyncadd.s32 $0xFFFFEC00  }
0x72: {  	[spmem:s16] =	stream.linear.scatter [tilespmem:s20], [sflag:$0x13], $0x1400, $0x38;
	[tilespmem:$0x1F950] =	vst v63  }
0x73: {  	_ =	swait.ge [sflag:s11], $0x1400  }
0x74: {  	[sflag:s11] =	ssyncset.done $0x0;
	s19 =	rddreg [dreg:$0x13]  }
0x75: {  	s22 =	rddreg [dreg:$0x1c];
	[sflag:s11] =	ssyncadd.s32 $0xFFFFEC00;
	s4 =	sor.u32 $0x1C13, s19  }
0x76: {  	[spmem:s22@s18], [sflag:s4] =	dma.strided [hbm:s7@s21], $0xFA, s17, $0x2   }
0x77: {  	_ =	swait.ge [sflag:s11], $0xFA  }
0x78: {  	[sflag:s11] =	ssyncset.done $0x0  }
0x79: {  	s23 =	rddreg [dreg:$0x1d];
	[sflag:s11] =	ssyncadd.s32 $0xFFFFFF06  }
0x7a: {  	[spmem:s23@s18], [sflag:s4] =	dma.strided [hbm:s7@s21], $0xFA, s17, $0x2   }
0x7b: {  	_ =	swait.ge [sflag:s11], $0xFA  }
0x7c: {  	[sflag:s11] =	ssyncset.done $0x0  }
0x7d: {  	s30 =	rddreg [dreg:$0x1e];
	[sflag:s11] =	ssyncadd.s32 $0xFFFFFF06  }
0x7e: {  	[spmem:s30@s18], [sflag:s4] =	dma.strided [hbm:s7@s21], $0xFA, s17, $0x2   }
0x7f: {  	_ =	swait.ge [sflag:s11], $0xFA  }
0x80: {  	[sflag:s11] =	ssyncset.done $0x0  }
0x81: {  	s31 =	rddreg [dreg:$0x1f];
	[sflag:s11] =	ssyncadd.s32 $0xFFFFFF06  }
0x82: {  	[spmem:s31@s18], [sflag:s4] =	dma.strided [hbm:s7@s21], $0xFA, s17, $0x2   }
0x83: {  	_ =	swait.ge [sflag:s11], $0xFA  }
0x84: {  	s5 =	sld [smem:$0x7F1]  }
0x85: {  	[sflag:s11] =	ssyncset.done $0x0  }
0x86: {  	[sflag:s11] =	ssyncadd.s32 $0xFFFFFF06  }
0x87: {  	[spmem:s5@s18], [sflag:s4] =	dma.strided [hbm:s7@s21], $0xFA, s17, $0x2   }
0x88: {  	_ =	swait.ge [sflag:s11], $0xFA  }
0x89: {  	[sflag:s11] =	ssyncset.done $0x0  }
0x8a: {  	[sflag:s11] =	ssyncadd.s32 $0xFFFFFF06  }
0x8b: {  	[bflag:$0x0] =	sbarrier.arrive $0xFFFF  }
0x8c: {  	s6 =	sld [smem:$0x7F2];
	_ =	sdelay $0x1  }
0x8d: {  	s9 =	simm.s32 $0x0;
	s8 =	sld [smem:$0x7F3]  }
0x8e: {  	[tilespmem:s9], [sflag:$0xB] =	stream.linear.gather [hbm4b:s6+s9], $0x140, $0x38;
	[tilespmem:$0x1F950] =	vst v63  }
0x8f: {  	s5 =	simm.s32 $0x500  }
0x90: {  	[tilespmem:s5], [sflag:$0xF] =	stream.linear.gather [hbm4b:s8+s9], $0x140, $0x38;
	[tilespmem:$0x1F950] =	vst v63  }
0x91: {  	s14 =	simm.s32 $0x140;
	s13 =	rddreg [dreg:$0x15]  }
0x92: {  	[tilespmem:s14], [sflag:$0xC] =	stream.linear.gather [hbm4b:s13+s9], $0x140, $0x38;
	[tilespmem:$0x1F950] =	vst v63  }
0x93: {  	s19 =	simm.s32 $0x640;
	s16 =	rddreg [dreg:$0x16]  }
0x94: {  	[tilespmem:s19], [sflag:$0x10] =	stream.linear.gather [hbm4b:s16+s9], $0x140, $0x38;
	[tilespmem:$0x1F950] =	vst v63  }
0x95: {  	s23 =	simm.s32 $0x280;
	s22 =	rddreg [dreg:$0x17]  }
0x96: {  	[tilespmem:s23], [sflag:$0xD] =	stream.linear.gather [hbm4b:s22+s9], $0x140, $0x38;
	[tilespmem:$0x1F950] =	vst v63  }
0x97: {  	s31 =	simm.s32 $0x780;
	s30 =	rddreg [dreg:$0x18];
	s5 =	simm.s32 $0xB  }
0x98: {  	[tilespmem:s31], [sflag:$0x11] =	stream.linear.gather [hbm4b:s30+s9], $0x140, $0x38;
	[tilespmem:$0x1F950] =	vst v63  }
0x99: {  	_ =	swait.ge [sflag:s5], $0x140  }
0x9a: {  	[sflag:s5] =	ssyncset.done $0x0  }
0x9b: {  	s6 =	simm.s32 $0xF;
	[sflag:s5] =	ssyncadd.s32 $0xFFFFFEC0  }
0x9c: {  	_ =	swait.ge [sflag:s6], $0x140  }
0x9d: {  	[sflag:s6] =	ssyncset.done $0x0  }
0x9e: {  	[sflag:s6] =	ssyncadd.s32 $0xFFFFFEC0  }
0x9f: {  	[tilespmem:s20], [sflag:$0x1] =	stream.indirect.gather [spmem:s1], $0x50, s9, s24, $0xb8;
	[tilespmem:$0x1F950] =	vst v63  }
0xa0: {  	_ = 	snop  }
0xa1: {  	[tilespmem:s25], [sflag:$0x2] =	stream.indirect.gather [spmem:s1], $0x50, s24, s24, $0xb8;
	[tilespmem:$0x1F950] =	vst v63  }
0xa2: {  	s8 =	simm.s32 $0x80;
	s13 =	simm.s32 $0x3200;
	s16 =	rddreg [dreg:$0x6]  }
0xa3: {  	[tilespmem:s13], [sflag:$0x3] =	stream.indirect.gather [spmem:s1], $0x50, s8, s24, $0xb8;
	[tilespmem:$0x1F950] =	vst v63  }
0xa4: {  	s14 =	simm.s32 $0xC0;
	p1 =	sle.s32 s16, $0x0  }
0xa5: {  	[tilespmem:s26], [sflag:$0x4] =	stream.indirect.gather [spmem:s1], $0x50, s14, s24, $0xb8;
	[tilespmem:$0x1F950] =	vst v63  }
0xa6: {  	s19 =	simm.s32 $0x100;
	s6 =	simm.s32 $0x5A00;
	s5 =	simm.s32 @p1 $0x1  }
0xa7: {  	[tilespmem:s6], [sflag:$0x5] =	stream.indirect.gather [spmem:s1], $0x50, s19, s24, $0xb8;
	[tilespmem:$0x1F950] =	vst v63  }
0xa8: {  	_ =	swait.ge @p1 [sflag:s5], $0x1400  }
0xa9: {  	s8 =	simm.s32 @!p1 $0xC;
	s13 =	simm.s32 @p1 $0x500;
	[sflag:s5] =	ssyncset.done @p1 $0x0  }
0xaa: {  	s6 =	simm.s32 @p1 $0xA00;
	[sflag:s5] =	ssyncadd.s32 @p1 $0xFFFFEC00;
	s5 =	simm.s32 @p1 $0x40  }
0xab: {  	[spmem:s2] =	stream.indirect.scatter.add.f32 @p1 [tilespmem:s6], [sflag:$0x6], $0x50, s13, s5, $0xb8;
	[tilespmem:$0x1F950] =	vst v63  }
0xac: {  	_ =	swait.ge @!p1 [sflag:s8], $0x140  }
0xad: {  	[sflag:s8] =	ssyncset.done @!p1 $0x0  }
0xae: {  	s6 =	simm.s32 @!p1 $0x10;
	[sflag:s8] =	ssyncadd.s32 @!p1 $0xFFFFFEC0  }
0xaf: {  	_ =	swait.ge @!p1 [sflag:s6], $0x140  }
0xb0: {  	[sflag:s6] =	ssyncset.done @!p1 $0x0  }
0xb1: {  	s8 =	simm.s32 @!p1 $0x1;
	[sflag:s6] =	ssyncadd.s32 @!p1 $0xFFFFFEC0  }
0xb2: {  	_ =	swait.ge @!p1 [sflag:s8], $0x1400  }
0xb3: {  	s16 =	simm.s32 @!p1 $0x6;
	s22 =	simm.s32 @!p1 $0x500;
	[sflag:s8] =	ssyncset.done @!p1 $0x0  }
0xb4: {  	s13 =	simm.s32 @!p1 $0xA00;
	s6 =	simm.s32 @!p1 $0x40;
	[sflag:s8] =	ssyncadd.s32 @!p1 $0xFFFFEC00  }
0xb5: {  	[spmem:s2] =	stream.indirect.scatter.add.f32 @!p1 [tilespmem:s13], [sflag:$0x6], $0x50, s22, s6, $0xb8;
	[tilespmem:$0x1F950] =	vst v63  }
0xb6: {  	_ =	swait.ge @!p1 [sflag:s16], $0x1400  }
0xb7: {  	[sflag:s16] =	ssyncset.done @!p1 $0x0  }
0xb8: {  	s8 =	simm.s32 @!p1 $0x140;
	[sflag:s16] =	ssyncadd.s32 @!p1 $0xFFFFEC00  }
0xb9: {  	[tilespmem:s13], [sflag:$0x1] =	stream.indirect.gather @!p1 [spmem:s1], $0x50, s8, s6, $0xb8;
	[tilespmem:$0x1F950] =	vst v63  }
0xba: {  	_ =	swait.ge [sflag:s21], $0x1400  }
0xbb: {  	[sflag:s21] =	ssyncset.done $0x0  }
0xbc: {  	s13 =	simm.s32 @p1 $0x3;
	s22 =	rddreg [dreg:$0x8];
	[sflag:s21] =	ssyncadd.s32 $0xFFFFEC00  }
0xbd: {  	[spmem:s2] =	stream.indirect.scatter.add.f32 [tilespmem:s25], [sflag:$0x7], $0x50, s22, s24, $0xb8;
	[tilespmem:$0x1F950] =	vst v63  }
0xbe: {  	_ =	swait.ge @p1 [sflag:s13], $0x1400  }
0xbf: {  	s16 =	simm.s32 @p1 $0x3200;
	[sflag:s13] =	ssyncset.done @p1 $0x0  }
0xc0: {  	s8 =	simm.s32 @!p1 $0x7;
	[sflag:s13] =	ssyncadd.s32 @p1 $0xFFFFEC00;
	s13 =	simm.s32 @p1 $0x580  }
0xc1: {  	[spmem:s2] =	stream.indirect.scatter.add.f32 @p1 [tilespmem:s16], [sflag:$0x8], $0x50, s13, s5, $0xb8;
	[tilespmem:$0x1F950] =	vst v63  }
0xc2: {  	_ =	swait.ge @!p1 [sflag:s8], $0x1400  }
0xc3: {  	s13 =	simm.s32 @!p1 $0x3;
	[sflag:s8] =	ssyncset.done @!p1 $0x0  }
0xc4: {  	s16 =	simm.s32 @!p1 $0x1E00;
	[sflag:s8] =	ssyncadd.s32 @!p1 $0xFFFFEC00;
	s8 =	simm.s32 @!p1 $0x180  }
0xc5: {  	[tilespmem:s16], [sflag:$0x2] =	stream.indirect.gather @!p1 [spmem:s1], $0x50, s8, s6, $0xb8;
	[tilespmem:$0x1F950] =	vst v63  }
0xc6: {  	_ =	swait.ge @!p1 [sflag:s13], $0x1400  }
0xc7: {  	s8 =	simm.s32 @!p1 $0x8;
	[sflag:s13] =	ssyncset.done @!p1 $0x0  }
0xc8: {  	s16 =	simm.s32 @!p1 $0x3200;
	[sflag:s13] =	ssyncadd.s32 @!p1 $0xFFFFEC00;
	s13 =	simm.s32 @!p1 $0x580  }
0xc9: {  	[spmem:s2] =	stream.indirect.scatter.add.f32 @!p1 [tilespmem:s16], [sflag:$0x8], $0x50, s13, s6, $0xb8;
	[tilespmem:$0x1F950] =	vst v63  }
0xca: {  	_ =	swait.ge @!p1 [sflag:s8], $0x1400  }
0xcb: {  	[sflag:s8] =	ssyncset.done @!p1 $0x0  }
0xcc: {  	[sflag:s8] =	ssyncadd.s32 @!p1 $0xFFFFEC00;
	s8 =	simm.s32 @!p1 $0x1C0  }
0xcd: {  	[tilespmem:s16], [sflag:$0x3] =	stream.indirect.gather @!p1 [spmem:s1], $0x50, s8, s6, $0xb8;
	[tilespmem:$0x1F950] =	vst v63  }
0xce: {  	_ =	swait.ge [sflag:s28], $0x1400  }
0xcf: {  	[sflag:s28] =	ssyncset.done $0x0  }
0xd0: {  	s13 =	simm.s32 @p1 $0x5;
	s23 =	rddreg [dreg:$0x9];
	[sflag:s28] =	ssyncadd.s32 $0xFFFFEC00  }
0xd1: {  	[spmem:s2] =	stream.indirect.scatter.add.f32 [tilespmem:s26], [sflag:$0x9], $0x50, s23, s24, $0xb8;
	[tilespmem:$0x1F950] =	vst v63  }
0xd2: {  	_ =	swait.ge @p1 [sflag:s13], $0x1400  }
0xd3: {  	s8 =	simm.s32 @!p1 $0x9;
	[sflag:s13] =	ssyncset.done @p1 $0x0  }
0xd4: {  	s16 =	simm.s32 @p1 $0x5A00;
	[sflag:s13] =	ssyncadd.s32 @p1 $0xFFFFEC00;
	s13 =	simm.s32 @p1 $0x600  }
0xd5: {  	[spmem:s2] =	stream.indirect.scatter.add.f32 @p1 [tilespmem:s16], [sflag:$0xA], $0x50, s13, s5, $0xb8;
	[tilespmem:$0x1F950] =	vst v63  }
0xd6: {  	_ =	swait.ge @!p1 [sflag:s8], $0x1400  }
0xd7: {  	s5 =	simm.s32 @!p1 $0x5;
	[sflag:s8] =	ssyncset.done @!p1 $0x0  }
0xd8: {  	s13 =	simm.s32 @!p1 $0x4600;
	[sflag:s8] =	ssyncadd.s32 @!p1 $0xFFFFEC00;
	s8 =	simm.s32 @!p1 $0x200  }
0xd9: {  	[tilespmem:s13], [sflag:$0x4] =	stream.indirect.gather @!p1 [spmem:s1], $0x50, s8, s6, $0xb8;
	[tilespmem:$0x1F950] =	vst v63  }
0xda: {  	_ =	swait.ge @!p1 [sflag:s5], $0x1400  }
0xdb: {  	s8 =	simm.s32 @!p1 $0x5A00;
	[sflag:s5] =	ssyncset.done @!p1 $0x0  }
0xdc: {  	s13 =	simm.s32 @!p1 $0xA;
	[sflag:s5] =	ssyncadd.s32 @!p1 $0xFFFFEC00;
	s5 =	simm.s32 @!p1 $0x600  }
0xdd: {  	[spmem:s2] =	stream.indirect.scatter.add.f32 @!p1 [tilespmem:s8], [sflag:$0xA], $0x50, s5, s6, $0xb8;
	[tilespmem:$0x1F950] =	vst v63  }
0xde: {  	_ =	swait.ge @!p1 [sflag:s13], $0x1400  }
0xdf: {  	p0 =	sle.u32 s12, $0x3;
	s0 =	rddreg [dreg:$0x10]  }
0xe0: {  	s5 =	simm.s32 @!p0 $0x3C0;
	[sflag:s13] =	ssyncset.done @!p1 $0x0;
	s30 =	rddreg [dreg:$0x7]  }
0xe1: {  	s16 =	sadd.s32 @!p0 s0, s10;
	[sflag:s13] =	ssyncadd.s32 @!p1 $0xFFFFEC00;
	s13 =	simm.s32 @!p1 $0x240  }
0xe2: {  	[tilespmem:s8], [sflag:$0x5] =	stream.indirect.gather @!p1 [spmem:s1], $0x50, s13, s6, $0xb8;
	[tilespmem:$0x1F950] =	vst v63  }
0xe3: {  	s6 =	sadd.s32 @!p0 $0x78, s16;
	s8 =	sadd.s32 @!p0 s15, s10;
	s13 =	simm.s32 @!p0 $0x0  }
0xe4: {  	[tilespmem:s5], [sflag:$0xE] =	stream.linear.gather @!p0 [hbm4b:s6+s13], $0x140, $0x38;
	[tilespmem:$0x1F950] =	vst v63  }
0xe5: {  	p2 =	sle.s32 s30, $0x0;
	s6 =	sadd.s32 @!p0 $0x78, s8;
	s8 =	simm.s32 @!p0 $0x8C0  }
0xe6: {  	[tilespmem:s8], [sflag:$0x12] =	stream.linear.gather @!p0 [hbm4b:s6+s13], $0x140, $0x38;
	[tilespmem:$0x1F950] =	vst v63  }
0xe7: {  	s6 =	simm.s32 @p2 $0x1  }
0xe8: {  	_ =	swait.ge @p2 [sflag:s6], $0x1400  }
0xe9: {  	s16 =	simm.s32 @p2 $0x640;
	s13 =	simm.s32 @p2 $0xA00;
	[sflag:s6] =	ssyncset.done @p2 $0x0  }
0xea: {  	s8 =	simm.s32 @p2 $0x40;
	[sflag:s6] =	ssyncadd.s32 @p2 $0xFFFFEC00;
	s6 =	simm.s32 @!p2 $0xD  }
0xeb: {  	[spmem:s2] =	stream.indirect.scatter.add.f32 @p2 [tilespmem:s13], [sflag:$0x6], $0x50, s16, s8, $0xb8;
	[tilespmem:$0x1F950] =	vst v63  }
0xec: {  	_ =	swait.ge @!p2 [sflag:s6], $0x140  }
0xed: {  	[sflag:s6] =	ssyncset.done @!p2 $0x0  }
0xee: {  	s13 =	simm.s32 @!p2 $0x11;
	[sflag:s6] =	ssyncadd.s32 @!p2 $0xFFFFFEC0  }
0xef: {  	_ =	swait.ge @!p2 [sflag:s13], $0x140  }
0xf0: {  	[sflag:s13] =	ssyncset.done @!p2 $0x0  }
0xf1: {  	s16 =	simm.s32 @!p2 $0x1;
	[sflag:s13] =	ssyncadd.s32 @!p2 $0xFFFFFEC0  }
0xf2: {  	_ =	swait.ge @!p2 [sflag:s16], $0x1400  }
0xf3: {  	s22 =	simm.s32 @!p2 $0x640;
	s6 =	simm.s32 @!p2 $0x40;
	[sflag:s16] =	ssyncset.done @!p2 $0x0  }
0xf4: {  	s13 =	simm.s32 @!p2 $0xA00;
	[sflag:s16] =	ssyncadd.s32 @!p2 $0xFFFFEC00;
	s16 =	simm.s32 @!p2 $0x6  }
0xf5: {  	[spmem:s2] =	stream.indirect.scatter.add.f32 @!p2 [tilespmem:s13], [sflag:$0x6], $0x50, s22, s6, $0xb8;
	[tilespmem:$0x1F950] =	vst v63  }
0xf6: {  	_ =	swait.ge @!p2 [sflag:s16], $0x1400  }
0xf7: {  	[sflag:s16] =	ssyncset.done @!p2 $0x0  }
0xf8: {  	s22 =	simm.s32 @!p2 $0x280;
	[sflag:s16] =	ssyncadd.s32 @!p2 $0xFFFFEC00  }
0xf9: {  	[tilespmem:s13], [sflag:$0x1] =	stream.indirect.gather @!p2 [spmem:s1], $0x50, s22, s6, $0xb8;
	[tilespmem:$0x1F950] =	vst v63  }
0xfa: {  	_ =	swait.ge [sflag:s21], $0x1400  }
0xfb: {  	[sflag:s21] =	ssyncset.done $0x0  }
0xfc: {  	s16 =	simm.s32 @p2 $0x3;
	s31 =	rddreg [dreg:$0xa];
	[sflag:s21] =	ssyncadd.s32 $0xFFFFEC00  }
0xfd: {  	[spmem:s2] =	stream.indirect.scatter.add.f32 [tilespmem:s25], [sflag:$0x7], $0x50, s31, s24, $0xb8;
	[tilespmem:$0x1F950] =	vst v63  }
0xfe: {  	_ =	swait.ge @p2 [sflag:s16], $0x1400  }
0xff: {  	s13 =	simm.s32 @p2 $0x6C0;
	[sflag:s16] =	ssyncset.done @p2 $0x0  }
0x100: {  	s22 =	simm.s32 @p2 $0x3200;
	[sflag:s16] =	ssyncadd.s32 @p2 $0xFFFFEC00;
	s16 =	simm.s32 @!p2 $0x7  }
0x101: {  	[spmem:s2] =	stream.indirect.scatter.add.f32 @p2 [tilespmem:s22], [sflag:$0x8], $0x50, s13, s8, $0xb8;
	[tilespmem:$0x1F950] =	vst v63  }
0x102: {  	_ =	swait.ge @!p2 [sflag:s16], $0x1400  }
0x103: {  	s13 =	simm.s32 @!p2 $0x2C0;
	[sflag:s16] =	ssyncset.done @!p2 $0x0  }
0x104: {  	s22 =	simm.s32 @!p2 $0x1E00;
	[sflag:s16] =	ssyncadd.s32 @!p2 $0xFFFFEC00;
	s16 =	simm.s32 @!p2 $0x3  }
0x105: {  	[tilespmem:s22], [sflag:$0x2] =	stream.indirect.gather @!p2 [spmem:s1], $0x50, s13, s6, $0xb8;
	[tilespmem:$0x1F950] =	vst v63  }
0x106: {  	_ =	swait.ge @!p2 [sflag:s16], $0x1400  }
0x107: {  	s13 =	simm.s32 @!p2 $0x6C0;
	[sflag:s16] =	ssyncset.done @!p2 $0x0  }
0x108: {  	s22 =	simm.s32 @!p2 $0x3200;
	[sflag:s16] =	ssyncadd.s32 @!p2 $0xFFFFEC00;
	s16 =	simm.s32 @!p2 $0x8  }
0x109: {  	[spmem:s2] =	stream.indirect.scatter.add.f32 @!p2 [tilespmem:s22], [sflag:$0x8], $0x50, s13, s6, $0xb8;
	[tilespmem:$0x1F950] =	vst v63  }
0x10a: {  	_ =	swait.ge @!p2 [sflag:s16], $0x1400  }
0x10b: {  	[sflag:s16] =	ssyncset.done @!p2 $0x0  }
0x10c: {  	s13 =	simm.s32 @!p2 $0x300;
	[sflag:s16] =	ssyncadd.s32 @!p2 $0xFFFFEC00  }
0x10d: {  	[tilespmem:s22], [sflag:$0x3] =	stream.indirect.gather @!p2 [spmem:s1], $0x50, s13, s6, $0xb8;
	[tilespmem:$0x1F950] =	vst v63  }
0x10e: {  	_ =	swait.ge [sflag:s28], $0x1400  }
0x10f: {  	[sflag:s28] =	ssyncset.done $0x0  }
0x110: {  	s16 =	simm.s32 @p2 $0x5;
	s14 =	rddreg [dreg:$0xb];
	[sflag:s28] =	ssyncadd.s32 $0xFFFFEC00  }
0x111: {  	[spmem:s2] =	stream.indirect.scatter.add.f32 [tilespmem:s26], [sflag:$0x9], $0x50, s14, s24, $0xb8;
	[tilespmem:$0x1F950] =	vst v63  }
0x112: {  	_ =	swait.ge @p2 [sflag:s16], $0x1400  }
0x113: {  	s13 =	simm.s32 @p2 $0x740;
	[sflag:s16] =	ssyncset.done @p2 $0x0  }
0x114: {  	s22 =	simm.s32 @p2 $0x5A00;
	[sflag:s16] =	ssyncadd.s32 @p2 $0xFFFFEC00;
	s16 =	simm.s32 @!p2 $0x9  }
0x115: {  	[spmem:s2] =	stream.indirect.scatter.add.f32 @p2 [tilespmem:s22], [sflag:$0xA], $0x50, s13, s8, $0xb8;
	[tilespmem:$0x1F950] =	vst v63  }
0x116: {  	_ =	swait.ge @!p2 [sflag:s16], $0x1400  }
0x117: {  	s8 =	simm.s32 @!p2 $0x340;
	[sflag:s16] =	ssyncset.done @!p2 $0x0  }
0x118: {  	s13 =	simm.s32 @!p2 $0x4600;
	[sflag:s16] =	ssyncadd.s32 @!p2 $0xFFFFEC00;
	s16 =	simm.s32 @!p2 $0x5  }
0x119: {  	[tilespmem:s13], [sflag:$0x4] =	stream.indirect.gather @!p2 [spmem:s1], $0x50, s8, s6, $0xb8;
	[tilespmem:$0x1F950] =	vst v63  }
0x11a: {  	_ =	swait.ge @!p2 [sflag:s16], $0x1400  }
0x11b: {  	s8 =	simm.s32 @!p2 $0x740;
	[sflag:s16] =	ssyncset.done @!p2 $0x0  }
0x11c: {  	s13 =	simm.s32 @!p2 $0x5A00;
	[sflag:s16] =	ssyncadd.s32 @!p2 $0xFFFFEC00;
	s16 =	simm.s32 @!p2 $0xA  }
0x11d: {  	[spmem:s2] =	stream.indirect.scatter.add.f32 @!p2 [tilespmem:s13], [sflag:$0xA], $0x50, s8, s6, $0xb8;
	[tilespmem:$0x1F950] =	vst v63  }
0x11e: {  	_ =	swait.ge @!p2 [sflag:s16], $0x1400  }
0x11f: {  	p1 =	sle.u32 s12, $0x4;
	[sflag:s16] =	ssyncset.done @!p2 $0x0  }
0x120: {  	s22 =	sadd.s32 @!p1 s0, s10;
	s8 =	simm.s32 @!p2 $0x380;
	[sflag:s16] =	ssyncadd.s32 @!p2 $0xFFFFEC00  }
0x121: {  	[tilespmem:s13], [sflag:$0x5] =	stream.indirect.gather @!p2 [spmem:s1], $0x50, s8, s6, $0xb8;
	[tilespmem:$0x1F950] =	vst v63  }
0x122: {  	s8 =	sadd.s32 @!p1 s15, s10;
	s13 =	sadd.s32 @!p1 $0xA0, s22;
	s6 =	simm.s32 @!p1 $0x0  }
0x123: {  	[tilespmem:s6], [sflag:$0xB] =	stream.linear.gather @!p1 [hbm4b:s13+s6], $0x140, $0x38;
	[tilespmem:$0x1F950] =	vst v63  }
0x124: {  	s16 =	simm.s32 @p0 $0x1;
	s8 =	sadd.s32 @!p1 $0xA0, s8;
	s13 =	simm.s32 @!p1 $0x500  }
0x125: {  	[tilespmem:s13], [sflag:$0xF] =	stream.linear.gather @!p1 [hbm4b:s8+s6], $0x140, $0x38;
	[tilespmem:$0x1F950] =	vst v63  }
0x126: {  	_ =	swait.ge @p0 [sflag:s16], $0x1400  }
0x127: {  	s22 =	simm.s32 @!p0 $0xE;
	s8 =	simm.s32 @p0 $0xA00;
	[sflag:s16] =	ssyncset.done @p0 $0x0  }
0x128: {  	s13 =	simm.s32 @p0 $0x40;
	[sflag:s16] =	ssyncadd.s32 @p0 $0xFFFFEC00;
	s16 =	simm.s32 @p0 $0x780  }
0x129: {  	[spmem:s2] =	stream.indirect.scatter.add.f32 @p0 [tilespmem:s8], [sflag:$0x6], $0x50, s16, s13, $0xb8;
	[tilespmem:$0x1F950] =	vst v63  }
0x12a: {  	_ =	swait.ge @!p0 [sflag:s22], $0x140  }
0x12b: {  	[sflag:s22] =	ssyncset.done @!p0 $0x0  }
0x12c: {  	s8 =	simm.s32 @!p0 $0x12;
	[sflag:s22] =	ssyncadd.s32 @!p0 $0xFFFFFEC0  }
0x12d: {  	_ =	swait.ge @!p0 [sflag:s8], $0x140  }
0x12e: {  	[sflag:s8] =	ssyncset.done @!p0 $0x0  }
0x12f: {  	s16 =	simm.s32 @!p0 $0x1;
	[sflag:s8] =	ssyncadd.s32 @!p0 $0xFFFFFEC0  }
0x130: {  	_ =	swait.ge @!p0 [sflag:s16], $0x1400  }
0x131: {  	s29 =	simm.s32 @!p0 $0x780;
	s23 =	simm.s32 @!p0 $0x6;
	[sflag:s16] =	ssyncset.done @!p0 $0x0  }
0x132: {  	s22 =	simm.s32 @!p0 $0xA00;
	s8 =	simm.s32 @!p0 $0x40;
	[sflag:s16] =	ssyncadd.s32 @!p0 $0xFFFFEC00  }
0x133: {  	[spmem:s2] =	stream.indirect.scatter.add.f32 @!p0 [tilespmem:s22], [sflag:$0x6], $0x50, s29, s8, $0xb8;
	[tilespmem:$0x1F950] =	vst v63  }
0x134: {  	_ =	swait.ge @!p0 [sflag:s23], $0x1400  }
0x135: {  	[sflag:s23] =	ssyncset.done @!p0 $0x0  }
0x136: {  	[sflag:s23] =	ssyncadd.s32 @!p0 $0xFFFFEC00  }
0x137: {  	[tilespmem:s22], [sflag:$0x1] =	stream.indirect.gather @!p0 [spmem:s1], $0x50, s5, s8, $0xb8;
	[tilespmem:$0x1F950] =	vst v63  }
0x138: {  	_ =	swait.ge [sflag:s21], $0x1400  }
0x139: {  	[sflag:s21] =	ssyncset.done $0x0  }
0x13a: {  	s16 =	simm.s32 @p0 $0x3;
	s19 =	rddreg [dreg:$0xc];
	[sflag:s21] =	ssyncadd.s32 $0xFFFFEC00  }
0x13b: {  	[spmem:s2] =	stream.indirect.scatter.add.f32 [tilespmem:s25], [sflag:$0x7], $0x50, s19, s24, $0xb8;
	[tilespmem:$0x1F950] =	vst v63  }
0x13c: {  	_ =	swait.ge @p0 [sflag:s16], $0x1400  }
0x13d: {  	s5 =	simm.s32 @!p0 $0x7;
	[sflag:s16] =	ssyncset.done @p0 $0x0  }
0x13e: {  	s22 =	simm.s32 @p0 $0x3200;
	[sflag:s16] =	ssyncadd.s32 @p0 $0xFFFFEC00;
	s16 =	simm.s32 @p0 $0x800  }
0x13f: {  	[spmem:s2] =	stream.indirect.scatter.add.f32 @p0 [tilespmem:s22], [sflag:$0x8], $0x50, s16, s13, $0xb8;
	[tilespmem:$0x1F950] =	vst v63  }
0x140: {  	_ =	swait.ge @!p0 [sflag:s5], $0x1400  }
0x141: {  	s16 =	simm.s32 @!p0 $0x3;
	[sflag:s5] =	ssyncset.done @!p0 $0x0  }
0x142: {  	s22 =	simm.s32 @!p0 $0x1E00;
	[sflag:s5] =	ssyncadd.s32 @!p0 $0xFFFFEC00;
	s5 =	simm.s32 @!p0 $0x400  }
0x143: {  	[tilespmem:s22], [sflag:$0x2] =	stream.indirect.gather @!p0 [spmem:s1], $0x50, s5, s8, $0xb8;
	[tilespmem:$0x1F950] =	vst v63  }
0x144: {  	_ =	swait.ge @!p0 [sflag:s16], $0x1400  }
0x145: {  	s5 =	simm.s32 @!p0 $0x8;
	[sflag:s16] =	ssyncset.done @!p0 $0x0  }
0x146: {  	s22 =	simm.s32 @!p0 $0x3200;
	[sflag:s16] =	ssyncadd.s32 @!p0 $0xFFFFEC00;
	s16 =	simm.s32 @!p0 $0x800  }
0x147: {  	[spmem:s2] =	stream.indirect.scatter.add.f32 @!p0 [tilespmem:s22], [sflag:$0x8], $0x50, s16, s8, $0xb8;
	[tilespmem:$0x1F950] =	vst v63  }
0x148: {  	_ =	swait.ge @!p0 [sflag:s5], $0x1400  }
0x149: {  	[sflag:s5] =	ssyncset.done @!p0 $0x0  }
0x14a: {  	[sflag:s5] =	ssyncadd.s32 @!p0 $0xFFFFEC00;
	s5 =	simm.s32 @!p0 $0x440  }
0x14b: {  	[tilespmem:s22], [sflag:$0x3] =	stream.indirect.gather @!p0 [spmem:s1], $0x50, s5, s8, $0xb8;
	[tilespmem:$0x1F950] =	vst v63  }
0x14c: {  	_ =	swait.ge [sflag:s28], $0x1400  }
0x14d: {  	[sflag:s28] =	ssyncset.done $0x0  }
0x14e: {  	s16 =	simm.s32 @p0 $0x5;
	s22 =	rddreg [dreg:$0xd];
	[sflag:s28] =	ssyncadd.s32 $0xFFFFEC00  }
0x14f: {  	[spmem:s2] =	stream.indirect.scatter.add.f32 [tilespmem:s26], [sflag:$0x9], $0x50, s22, s24, $0xb8;
	[tilespmem:$0x1F950] =	vst v63  }
0x150: {  	_ =	swait.ge @p0 [sflag:s16], $0x1400  }
0x151: {  	s5 =	simm.s32 @!p0 $0x9;
	[sflag:s16] =	ssyncset.done @p0 $0x0  }
0x152: {  	s22 =	simm.s32 @p0 $0x5A00;
	[sflag:s16] =	ssyncadd.s32 @p0 $0xFFFFEC00;
	s16 =	simm.s32 @p0 $0x880  }
0x153: {  	[spmem:s2] =	stream.indirect.scatter.add.f32 @p0 [tilespmem:s22], [sflag:$0xA], $0x50, s16, s13, $0xb8;
	[tilespmem:$0x1F950] =	vst v63  }
0x154: {  	_ =	swait.ge @!p0 [sflag:s5], $0x1400  }
0x155: {  	s13 =	simm.s32 @!p0 $0x5;
	[sflag:s5] =	ssyncset.done @!p0 $0x0  }
0x156: {  	s16 =	simm.s32 @!p0 $0x4600;
	[sflag:s5] =	ssyncadd.s32 @!p0 $0xFFFFEC00;
	s5 =	simm.s32 @!p0 $0x480  }
0x157: {  	[tilespmem:s16], [sflag:$0x4] =	stream.indirect.gather @!p0 [spmem:s1], $0x50, s5, s8, $0xb8;
	[tilespmem:$0x1F950] =	vst v63  }
0x158: {  	_ =	swait.ge @!p0 [sflag:s13], $0x1400  }
0x159: {  	s5 =	simm.s32 @!p0 $0xA;
	[sflag:s13] =	ssyncset.done @!p0 $0x0  }
0x15a: {  	s16 =	simm.s32 @!p0 $0x5A00;
	[sflag:s13] =	ssyncadd.s32 @!p0 $0xFFFFEC00;
	s13 =	simm.s32 @!p0 $0x880  }
0x15b: {  	[spmem:s2] =	stream.indirect.scatter.add.f32 @!p0 [tilespmem:s16], [sflag:$0xA], $0x50, s13, s8, $0xb8;
	[tilespmem:$0x1F950] =	vst v63  }
0x15c: {  	p2 =	sle.u32 s12, $0x5;
	_ =	swait.ge @!p0 [sflag:s5], $0x1400  }
0x15d: {  	s23 =	sadd.s32 @!p2 s15, s10;
	[sflag:s5] =	ssyncset.done @!p0 $0x0  }
0x15e: {  	s22 =	sadd.s32 @!p2 s0, s10;
	s13 =	simm.s32 @!p0 $0x4C0;
	[sflag:s5] =	ssyncadd.s32 @!p0 $0xFFFFEC00  }
0x15f: {  	[tilespmem:s16], [sflag:$0x5] =	stream.indirect.gather @!p0 [spmem:s1], $0x50, s13, s8, $0xb8;
	[tilespmem:$0x1F950] =	vst v63  }
0x160: {  	s5 =	sadd.s32 @!p2 $0xC8, s22;
	s8 =	simm.s32 @!p2 $0x0;
	s13 =	simm.s32 @!p2 $0x140  }
0x161: {  	[tilespmem:s13], [sflag:$0xC] =	stream.linear.gather @!p2 [hbm4b:s5+s8], $0x140, $0x38;
	[tilespmem:$0x1F950] =	vst v63  }
0x162: {  	s16 =	simm.s32 @p1 $0x1;
	s5 =	sadd.s32 @!p2 $0xC8, s23;
	s13 =	simm.s32 @!p2 $0x640  }
0x163: {  	[tilespmem:s13], [sflag:$0x10] =	stream.linear.gather @!p2 [hbm4b:s5+s8], $0x140, $0x38;
	[tilespmem:$0x1F950] =	vst v63  }
0x164: {  	_ =	swait.ge @p1 [sflag:s16], $0x1400  }
0x165: {  	s5 =	simm.s32 @p1 $0x40;
	s8 =	simm.s32 @p1 $0x8C0;
	[sflag:s16] =	ssyncset.done @p1 $0x0  }
0x166: {  	s13 =	simm.s32 @p1 $0xA00;
	[sflag:s16] =	ssyncadd.s32 @p1 $0xFFFFEC00;
	s16 =	simm.s32 @!p1 $0xB  }
0x167: {  	[spmem:s2] =	stream.indirect.scatter.add.f32 @p1 [tilespmem:s13], [sflag:$0x6], $0x50, s8, s5, $0xb8;
	[tilespmem:$0x1F950] =	vst v63  }
0x168: {  	_ =	swait.ge @!p1 [sflag:s16], $0x140  }
0x169: {  	[sflag:s16] =	ssyncset.done @!p1 $0x0  }
0x16a: {  	s8 =	simm.s32 @!p1 $0xF;
	[sflag:s16] =	ssyncadd.s32 @!p1 $0xFFFFFEC0  }
0x16b: {  	_ =	swait.ge @!p1 [sflag:s8], $0x140  }
0x16c: {  	[sflag:s8] =	ssyncset.done @!p1 $0x0  }
0x16d: {  	s13 =	simm.s32 @!p1 $0x1;
	[sflag:s8] =	ssyncadd.s32 @!p1 $0xFFFFFEC0  }
0x16e: {  	_ =	swait.ge @!p1 [sflag:s13], $0x1400  }
0x16f: {  	s22 =	simm.s32 @!p1 $0x40;
	s23 =	simm.s32 @!p1 $0x8C0;
	[sflag:s13] =	ssyncset.done @!p1 $0x0  }
0x170: {  	s16 =	simm.s32 @!p1 $0x6;
	s8 =	simm.s32 @!p1 $0xA00;
	[sflag:s13] =	ssyncadd.s32 @!p1 $0xFFFFEC00  }
0x171: {  	[spmem:s2] =	stream.indirect.scatter.add.f32 @!p1 [tilespmem:s8], [sflag:$0x6], $0x50, s23, s22, $0xb8;
	[tilespmem:$0x1F950] =	vst v63  }
0x172: {  	_ =	swait.ge @!p1 [sflag:s16], $0x1400  }
0x173: {  	[sflag:s16] =	ssyncset.done @!p1 $0x0  }
0x174: {  	[sflag:s16] =	ssyncadd.s32 @!p1 $0xFFFFEC00  }
0x175: {  	[tilespmem:s8], [sflag:$0x1] =	stream.indirect.gather @!p1 [spmem:s1], $0x50, s6, s22, $0xb8;
	[tilespmem:$0x1F950] =	vst v63  }
0x176: {  	_ =	swait.ge [sflag:s21], $0x1400  }
0x177: {  	[sflag:s21] =	ssyncset.done $0x0  }
0x178: {  	s8 =	simm.s32 @p1 $0x3;
	s23 =	rddreg [dreg:$0xe];
	[sflag:s21] =	ssyncadd.s32 $0xFFFFEC00  }
0x179: {  	[spmem:s2] =	stream.indirect.scatter.add.f32 [tilespmem:s25], [sflag:$0x7], $0x50, s23, s24, $0xb8;
	[tilespmem:$0x1F950] =	vst v63  }
0x17a: {  	_ =	swait.ge @p1 [sflag:s8], $0x1400  }
0x17b: {  	s13 =	simm.s32 @p1 $0x3200;
	[sflag:s8] =	ssyncset.done @p1 $0x0  }
0x17c: {  	s6 =	simm.s32 @p1 $0x940;
	[sflag:s8] =	ssyncadd.s32 @p1 $0xFFFFEC00;
	s8 =	simm.s32 @!p1 $0x7  }
0x17d: {  	[spmem:s2] =	stream.indirect.scatter.add.f32 @p1 [tilespmem:s13], [sflag:$0x8], $0x50, s6, s5, $0xb8;
	[tilespmem:$0x1F950] =	vst v63  }
0x17e: {  	_ =	swait.ge @!p1 [sflag:s8], $0x1400  }
0x17f: {  	[sflag:s8] =	ssyncset.done @!p1 $0x0  }
0x180: {  	s6 =	simm.s32 @!p1 $0x1E00;
	s13 =	simm.s32 @!p1 $0x3;
	[sflag:s8] =	ssyncadd.s32 @!p1 $0xFFFFEC00  }
0x181: {  	[tilespmem:s6], [sflag:$0x2] =	stream.indirect.gather @!p1 [spmem:s1], $0x50, s22, s22, $0xb8;
	[tilespmem:$0x1F950] =	vst v63  }
0x182: {  	_ =	swait.ge @!p1 [sflag:s13], $0x1400  }
0x183: {  	s8 =	simm.s32 @!p1 $0x3200;
	[sflag:s13] =	ssyncset.done @!p1 $0x0  }
0x184: {  	s6 =	simm.s32 @!p1 $0x940;
	[sflag:s13] =	ssyncadd.s32 @!p1 $0xFFFFEC00;
	s13 =	simm.s32 @!p1 $0x8  }
0x185: {  	[spmem:s2] =	stream.indirect.scatter.add.f32 @!p1 [tilespmem:s8], [sflag:$0x8], $0x50, s6, s22, $0xb8;
	[tilespmem:$0x1F950] =	vst v63  }
0x186: {  	_ =	swait.ge @!p1 [sflag:s13], $0x1400  }
0x187: {  	[sflag:s13] =	ssyncset.done @!p1 $0x0  }
0x188: {  	s6 =	simm.s32 @!p1 $0x80;
	[sflag:s13] =	ssyncadd.s32 @!p1 $0xFFFFEC00  }
0x189: {  	[tilespmem:s8], [sflag:$0x3] =	stream.indirect.gather @!p1 [spmem:s1], $0x50, s6, s22, $0xb8;
	[tilespmem:$0x1F950] =	vst v63  }
0x18a: {  	_ =	swait.ge [sflag:s28], $0x1400  }
0x18b: {  	[sflag:s28] =	ssyncset.done $0x0  }
0x18c: {  	s8 =	simm.s32 @p1 $0x5;
	s30 =	rddreg [dreg:$0xf];
	[sflag:s28] =	ssyncadd.s32 $0xFFFFEC00  }
0x18d: {  	[spmem:s2] =	stream.indirect.scatter.add.f32 [tilespmem:s26], [sflag:$0x9], $0x50, s30, s24, $0xb8;
	[tilespmem:$0x1F950] =	vst v63  }
0x18e: {  	_ =	swait.ge @p1 [sflag:s8], $0x1400  }
0x18f: {  	s13 =	simm.s32 @p1 $0x5A00;
	[sflag:s8] =	ssyncset.done @p1 $0x0  }
0x190: {  	s6 =	simm.s32 @p1 $0x9C0;
	[sflag:s8] =	ssyncadd.s32 @p1 $0xFFFFEC00;
	s8 =	simm.s32 @!p1 $0x9  }
0x191: {  	[spmem:s2] =	stream.indirect.scatter.add.f32 @p1 [tilespmem:s13], [sflag:$0xA], $0x50, s6, s5, $0xb8;
	[tilespmem:$0x1F950] =	vst v63  }
0x192: {  	_ =	swait.ge @!p1 [sflag:s8], $0x1400  }
0x193: {  	s31 =	sld [smem:$0x7F4];
	_ =	sdelay $0x2  }
0x194: {  	s30 =	simm.s32 @!p1 $0x5;
	s13 =	sadd.s32 $0xFFFFFFFF, s31  }
0x195: {  	s5 =	simm.s32 @!p1 $0xC0;
	[sflag:s8] =	ssyncset.done @!p1 $0x0;
	p0 =	sne.s32 s13, $0x0  }
.Ltmp1:
0x196: {  	s6 =	simm.s32 @!p1 $0x4600;
	[sflag:s8] =	ssyncadd.s32 @!p1 $0xFFFFEC00;
	(pc) =	sbr.rel @!p0 .LBB2_5-.Ltmp1, $4  }
0x197: {  	[tilespmem:s6], [sflag:$0x4] =	stream.indirect.gather @!p1 [spmem:s1], $0x50, s5, s22, $0xb8;
	[tilespmem:$0x1F950] =	vst v63  }
0x198: {  	s29 =	simm.s32 @!p1 $0x9C0;
	s16 =	simm.s32 $0x4;
	_ =	swait.ge @!p1 [sflag:s30], $0x1400  }
0x199: {  	s23 =	simm.s32 @!p1 $0x5A00;
	s8 =	simm.s32 @!p1 $0xA;
	[sflag:s30] =	ssyncset.done @!p1 $0x0  }
0x19a: {  	s5 =	smov.u32 s0;
	s6 =	smov.u32 s15;
	[sflag:s30] =	ssyncadd.s32 @!p1 $0xFFFFEC00  }
.LBB2_4:
0x19b: {  	[spmem:s2] =	stream.indirect.scatter.add.f32 @!p1 [tilespmem:s23], [sflag:$0xA], $0x50, s29, s22, $0xb8;
	[tilespmem:$0x1F950] =	vst v63  }
0x19c: {  	s9 =	sadd.s32 $0x6, s9  }
0x19d: {  	s29 =	simm.s32 @!p1 $0x100;
	_ =	swait.ge @!p1 [sflag:s8], $0x1400;
	p0 =	sge.u32 s9, s12  }
0x19e: {  	s30 =	rddreg [dreg:$0x6];
	[sflag:s8] =	ssyncset.done @!p1 $0x0;
	s9 =	sadd.s32 @!p0 s6, s10  }
0x19f: {  	s31 =	simm.s32 @!p0 $0x0;
	[sflag:s8] =	ssyncadd.s32 @!p1 $0xFFFFEC00;
	s8 =	sadd.s32 @!p0 s5, s10  }
0x1a0: {  	[tilespmem:s23], [sflag:$0x5] =	stream.indirect.gather @!p1 [spmem:s1], $0x50, s29, s22, $0xb8;
	[tilespmem:$0x1F950] =	vst v63  }
0x1a1: {  	s0 =	simm.s32 @!p0 $0x280;
	s8 =	sadd.s32 @!p0 $0xF0, s8;
	p1 =	sge.s32 s16, s30  }
0x1a2: {  	[tilespmem:s0], [sflag:$0xD] =	stream.linear.gather @!p0 [hbm4b:s8+s31], $0x140, $0x38;
	[tilespmem:$0x1F950] =	vst v63  }
0x1a3: {  	s22 =	sadd.s32 @!p0 $0xF0, s9;
	s23 =	simm.s32 @!p0 $0x780;
	s0 =	simm.s32 @p1 $0x1  }
0x1a4: {  	[tilespmem:s23], [sflag:$0x11] =	stream.linear.gather @!p0 [hbm4b:s22+s31], $0x140, $0x38;
	[tilespmem:$0x1F950] =	vst v63  }
0x1a5: {  	_ =	swait.ge @p1 [sflag:s0], $0x1400  }
0x1a6: {  	s8 =	simm.s32 @p1 $0xA00;
	s23 =	simm.s32 @!p1 $0xC;
	[sflag:s0] =	ssyncset.done @p1 $0x0  }
0x1a7: {  	s22 =	simm.s32 @p1 $0x40;
	[sflag:s0] =	ssyncadd.s32 @p1 $0xFFFFEC00;
	s0 =	simm.s32 @p1 $0x500  }
0x1a8: {  	[spmem:s2] =	stream.indirect.scatter.add.f32 @p1 [tilespmem:s8], [sflag:$0x6], $0x50, s0, s22, $0xb8;
	[tilespmem:$0x1F950] =	vst v63  }
0x1a9: {  	_ =	swait.ge @!p1 [sflag:s23], $0x140  }
0x1aa: {  	[sflag:s23] =	ssyncset.done @!p1 $0x0  }
0x1ab: {  	s0 =	simm.s32 @!p1 $0x10;
	[sflag:s23] =	ssyncadd.s32 @!p1 $0xFFFFFEC0  }
0x1ac: {  	_ =	swait.ge @!p1 [sflag:s0], $0x140  }
0x1ad: {  	[sflag:s0] =	ssyncset.done @!p1 $0x0  }
0x1ae: {  	s23 =	simm.s32 @!p1 $0x1;
	[sflag:s0] =	ssyncadd.s32 @!p1 $0xFFFFFEC0  }
0x1af: {  	_ =	swait.ge @!p1 [sflag:s23], $0x1400  }
0x1b0: {  	s29 =	simm.s32 @!p1 $0xA00;
	s30 =	simm.s32 @!p1 $0x6;
	[sflag:s23] =	ssyncset.done @!p1 $0x0  }
0x1b1: {  	s8 =	simm.s32 @!p1 $0x40;
	s0 =	simm.s32 @!p1 $0x500;
	[sflag:s23] =	ssyncadd.s32 @!p1 $0xFFFFEC00  }
0x1b2: {  	[spmem:s2] =	stream.indirect.scatter.add.f32 @!p1 [tilespmem:s29], [sflag:$0x6], $0x50, s0, s8, $0xb8;
	[tilespmem:$0x1F950] =	vst v63  }
0x1b3: {  	_ =	swait.ge @!p1 [sflag:s30], $0x1400  }
0x1b4: {  	[sflag:s30] =	ssyncset.done @!p1 $0x0  }
0x1b5: {  	s0 =	simm.s32 @!p1 $0x140;
	[sflag:s30] =	ssyncadd.s32 @!p1 $0xFFFFEC00  }
0x1b6: {  	[tilespmem:s29], [sflag:$0x1] =	stream.indirect.gather @!p1 [spmem:s1], $0x50, s0, s8, $0xb8;
	[tilespmem:$0x1F950] =	vst v63  }
0x1b7: {  	_ =	swait.ge [sflag:s21], $0x1400  }
0x1b8: {  	[sflag:s21] =	ssyncset.done $0x0  }
0x1b9: {  	s0 =	simm.s32 @p1 $0x3;
	s30 =	rddreg [dreg:$0x8];
	[sflag:s21] =	ssyncadd.s32 $0xFFFFEC00  }
0x1ba: {  	[spmem:s2] =	stream.indirect.scatter.add.f32 [tilespmem:s25], [sflag:$0x7], $0x50, s30, s24, $0xb8;
	[tilespmem:$0x1F950] =	vst v63  }
0x1bb: {  	_ =	swait.ge @p1 [sflag:s0], $0x1400  }
0x1bc: {  	s23 =	simm.s32 @!p1 $0x7;
	[sflag:s0] =	ssyncset.done @p1 $0x0  }
0x1bd: {  	s29 =	simm.s32 @p1 $0x3200;
	[sflag:s0] =	ssyncadd.s32 @p1 $0xFFFFEC00;
	s0 =	simm.s32 @p1 $0x580  }
0x1be: {  	[spmem:s2] =	stream.indirect.scatter.add.f32 @p1 [tilespmem:s29], [sflag:$0x8], $0x50, s0, s22, $0xb8;
	[tilespmem:$0x1F950] =	vst v63  }
0x1bf: {  	_ =	swait.ge @!p1 [sflag:s23], $0x1400  }
0x1c0: {  	s0 =	simm.s32 @!p1 $0x3;
	[sflag:s23] =	ssyncset.done @!p1 $0x0  }
0x1c1: {  	s29 =	simm.s32 @!p1 $0x1E00;
	[sflag:s23] =	ssyncadd.s32 @!p1 $0xFFFFEC00;
	s23 =	simm.s32 @!p1 $0x180  }
0x1c2: {  	[tilespmem:s29], [sflag:$0x2] =	stream.indirect.gather @!p1 [spmem:s1], $0x50, s23, s8, $0xb8;
	[tilespmem:$0x1F950] =	vst v63  }
0x1c3: {  	_ =	swait.ge @!p1 [sflag:s0], $0x1400  }
0x1c4: {  	s23 =	simm.s32 @!p1 $0x8;
	[sflag:s0] =	ssyncset.done @!p1 $0x0  }
0x1c5: {  	s29 =	simm.s32 @!p1 $0x3200;
	[sflag:s0] =	ssyncadd.s32 @!p1 $0xFFFFEC00;
	s0 =	simm.s32 @!p1 $0x580  }
0x1c6: {  	[spmem:s2] =	stream.indirect.scatter.add.f32 @!p1 [tilespmem:s29], [sflag:$0x8], $0x50, s0, s8, $0xb8;
	[tilespmem:$0x1F950] =	vst v63  }
0x1c7: {  	_ =	swait.ge @!p1 [sflag:s23], $0x1400  }
0x1c8: {  	[sflag:s23] =	ssyncset.done @!p1 $0x0  }
0x1c9: {  	s0 =	simm.s32 @!p1 $0x1C0;
	[sflag:s23] =	ssyncadd.s32 @!p1 $0xFFFFEC00  }
0x1ca: {  	[tilespmem:s29], [sflag:$0x3] =	stream.indirect.gather @!p1 [spmem:s1], $0x50, s0, s8, $0xb8;
	[tilespmem:$0x1F950] =	vst v63  }
0x1cb: {  	_ =	swait.ge [sflag:s28], $0x1400  }
0x1cc: {  	[sflag:s28] =	ssyncset.done $0x0  }
0x1cd: {  	s0 =	simm.s32 @p1 $0x5;
	s31 =	rddreg [dreg:$0x9];
	[sflag:s28] =	ssyncadd.s32 $0xFFFFEC00  }
0x1ce: {  	[spmem:s2] =	stream.indirect.scatter.add.f32 [tilespmem:s26], [sflag:$0x9], $0x50, s31, s24, $0xb8;
	[tilespmem:$0x1F950] =	vst v63  }
0x1cf: {  	_ =	swait.ge @p1 [sflag:s0], $0x1400  }
0x1d0: {  	s23 =	simm.s32 @!p1 $0x9;
	[sflag:s0] =	ssyncset.done @p1 $0x0  }
0x1d1: {  	s29 =	simm.s32 @p1 $0x5A00;
	[sflag:s0] =	ssyncadd.s32 @p1 $0xFFFFEC00;
	s0 =	simm.s32 @p1 $0x600  }
0x1d2: {  	[spmem:s2] =	stream.indirect.scatter.add.f32 @p1 [tilespmem:s29], [sflag:$0xA], $0x50, s0, s22, $0xb8;
	[tilespmem:$0x1F950] =	vst v63  }
0x1d3: {  	_ =	swait.ge @!p1 [sflag:s23], $0x1400  }
0x1d4: {  	s14 =	sadd.s32 $0x3, s16;
	s0 =	simm.s32 @!p1 $0x5;
	[sflag:s23] =	ssyncset.done @!p1 $0x0  }
0x1d5: {  	s22 =	simm.s32 @!p1 $0x200;
	[sflag:s23] =	ssyncadd.s32 @!p1 $0xFFFFEC00;
	s23 =	simm.s32 @!p1 $0x4600  }
0x1d6: {  	[tilespmem:s23], [sflag:$0x4] =	stream.indirect.gather @!p1 [spmem:s1], $0x50, s22, s8, $0xb8;
	[tilespmem:$0x1F950] =	vst v63  }
0x1d7: {  	p2 =	sge.u32 s14, s12;
	_ =	swait.ge @!p1 [sflag:s0], $0x1400  }
0x1d8: {  	s6 =	sadd.s32 $0xA0, s6;
	s29 =	simm.s32 @!p1 $0xA;
	[sflag:s0] =	ssyncset.done @!p1 $0x0  }
0x1d9: {  	s23 =	simm.s32 @!p1 $0x5A00;
	[sflag:s0] =	ssyncadd.s32 @!p1 $0xFFFFEC00;
	s0 =	simm.s32 @!p1 $0x600  }
0x1da: {  	[spmem:s2] =	stream.indirect.scatter.add.f32 @!p1 [tilespmem:s23], [sflag:$0xA], $0x50, s0, s8, $0xb8;
	[tilespmem:$0x1F950] =	vst v63  }
0x1db: {  	s5 =	sadd.s32 $0xA0, s5;
	s30 =	sadd.s32 @!p2 s6, s10;
	_ =	swait.ge @!p1 [sflag:s29], $0x1400  }
0x1dc: {  	s22 =	simm.s32 @!p2 $0x3C0;
	s0 =	sadd.s32 @!p2 s5, s10;
	[sflag:s29] =	ssyncset.done @!p1 $0x0  }
0x1dd: {  	s19 =	rddreg [dreg:$0x7];
	[sflag:s29] =	ssyncadd.s32 @!p1 $0xFFFFEC00;
	s29 =	simm.s32 @!p1 $0x240  }
0x1de: {  	[tilespmem:s23], [sflag:$0x5] =	stream.indirect.gather @!p1 [spmem:s1], $0x50, s29, s8, $0xb8;
	[tilespmem:$0x1F950] =	vst v63  }
0x1df: {  	s0 =	sadd.s32 @!p2 $0x78, s0;
	p3 =	sge.s32 s16, s19;
	s8 =	simm.s32 @!p2 $0x0  }
0x1e0: {  	[tilespmem:s22], [sflag:$0xE] =	stream.linear.gather @!p2 [hbm4b:s0+s8], $0x140, $0x38;
	[tilespmem:$0x1F950] =	vst v63  }
0x1e1: {  	s23 =	sadd.s32 @!p2 $0x78, s30;
	s29 =	simm.s32 @!p2 $0x8C0;
	s0 =	simm.s32 @p3 $0x1  }
0x1e2: {  	[tilespmem:s29], [sflag:$0x12] =	stream.linear.gather @!p2 [hbm4b:s23+s8], $0x140, $0x38;
	[tilespmem:$0x1F950] =	vst v63  }
0x1e3: {  	_ =	swait.ge @p3 [sflag:s0], $0x1400  }
0x1e4: {  	s23 =	simm.s32 @p3 $0xA00;
	s8 =	simm.s32 @p3 $0x40;
	[sflag:s0] =	ssyncset.done @p3 $0x0  }
0x1e5: {  	s29 =	simm.s32 @p3 $0x640;
	[sflag:s0] =	ssyncadd.s32 @p3 $0xFFFFEC00;
	s0 =	simm.s32 @!p3 $0xD  }
0x1e6: {  	[spmem:s2] =	stream.indirect.scatter.add.f32 @p3 [tilespmem:s23], [sflag:$0x6], $0x50, s29, s8, $0xb8;
	[tilespmem:$0x1F950] =	vst v63  }
0x1e7: {  	_ =	swait.ge @!p3 [sflag:s0], $0x140  }
0x1e8: {  	[sflag:s0] =	ssyncset.done @!p3 $0x0  }
0x1e9: {  	s23 =	simm.s32 @!p3 $0x11;
	[sflag:s0] =	ssyncadd.s32 @!p3 $0xFFFFFEC0  }
0x1ea: {  	_ =	swait.ge @!p3 [sflag:s23], $0x140  }
0x1eb: {  	[sflag:s23] =	ssyncset.done @!p3 $0x0  }
0x1ec: {  	s0 =	simm.s32 @!p3 $0x1;
	[sflag:s23] =	ssyncadd.s32 @!p3 $0xFFFFFEC0  }
0x1ed: {  	_ =	swait.ge @!p3 [sflag:s0], $0x1400  }
0x1ee: {  	s30 =	simm.s32 @!p3 $0x640;
	s29 =	simm.s32 @!p3 $0xA00;
	[sflag:s0] =	ssyncset.done @!p3 $0x0  }
0x1ef: {  	s23 =	simm.s32 @!p3 $0x40;
	[sflag:s0] =	ssyncadd.s32 @!p3 $0xFFFFEC00;
	s0 =	simm.s32 @!p3 $0x6  }
0x1f0: {  	[spmem:s2] =	stream.indirect.scatter.add.f32 @!p3 [tilespmem:s29], [sflag:$0x6], $0x50, s30, s23, $0xb8;
	[tilespmem:$0x1F950] =	vst v63  }
0x1f1: {  	_ =	swait.ge @!p3 [sflag:s0], $0x1400  }
0x1f2: {  	[sflag:s0] =	ssyncset.done @!p3 $0x0  }
0x1f3: {  	s30 =	simm.s32 @!p3 $0x280;
	[sflag:s0] =	ssyncadd.s32 @!p3 $0xFFFFEC00  }
0x1f4: {  	[tilespmem:s29], [sflag:$0x1] =	stream.indirect.gather @!p3 [spmem:s1], $0x50, s30, s23, $0xb8;
	[tilespmem:$0x1F950] =	vst v63  }
0x1f5: {  	_ =	swait.ge [sflag:s21], $0x1400  }
0x1f6: {  	[sflag:s21] =	ssyncset.done $0x0  }
0x1f7: {  	s29 =	simm.s32 @p3 $0x3;
	s31 =	rddreg [dreg:$0xa];
	[sflag:s21] =	ssyncadd.s32 $0xFFFFEC00  }
0x1f8: {  	[spmem:s2] =	stream.indirect.scatter.add.f32 [tilespmem:s25], [sflag:$0x7], $0x50, s31, s24, $0xb8;
	[tilespmem:$0x1F950] =	vst v63  }
0x1f9: {  	_ =	swait.ge @p3 [sflag:s29], $0x1400  }
0x1fa: {  	s0 =	simm.s32 @p3 $0x6C0;
	[sflag:s29] =	ssyncset.done @p3 $0x0  }
0x1fb: {  	s30 =	simm.s32 @p3 $0x3200;
	[sflag:s29] =	ssyncadd.s32 @p3 $0xFFFFEC00;
	s29 =	simm.s32 @!p3 $0x7  }
0x1fc: {  	[spmem:s2] =	stream.indirect.scatter.add.f32 @p3 [tilespmem:s30], [sflag:$0x8], $0x50, s0, s8, $0xb8;
	[tilespmem:$0x1F950] =	vst v63  }
0x1fd: {  	_ =	swait.ge @!p3 [sflag:s29], $0x1400  }
0x1fe: {  	s0 =	simm.s32 @!p3 $0x2C0;
	[sflag:s29] =	ssyncset.done @!p3 $0x0  }
0x1ff: {  	s30 =	simm.s32 @!p3 $0x1E00;
	[sflag:s29] =	ssyncadd.s32 @!p3 $0xFFFFEC00;
	s29 =	simm.s32 @!p3 $0x3  }
0x200: {  	[tilespmem:s30], [sflag:$0x2] =	stream.indirect.gather @!p3 [spmem:s1], $0x50, s0, s23, $0xb8;
	[tilespmem:$0x1F950] =	vst v63  }
0x201: {  	_ =	swait.ge @!p3 [sflag:s29], $0x1400  }
0x202: {  	s0 =	simm.s32 @!p3 $0x6C0;
	[sflag:s29] =	ssyncset.done @!p3 $0x0  }
0x203: {  	s30 =	simm.s32 @!p3 $0x3200;
	[sflag:s29] =	ssyncadd.s32 @!p3 $0xFFFFEC00;
	s29 =	simm.s32 @!p3 $0x8  }
0x204: {  	[spmem:s2] =	stream.indirect.scatter.add.f32 @!p3 [tilespmem:s30], [sflag:$0x8], $0x50, s0, s23, $0xb8;
	[tilespmem:$0x1F950] =	vst v63  }
0x205: {  	_ =	swait.ge @!p3 [sflag:s29], $0x1400  }
0x206: {  	[sflag:s29] =	ssyncset.done @!p3 $0x0  }
0x207: {  	s0 =	simm.s32 @!p3 $0x300;
	[sflag:s29] =	ssyncadd.s32 @!p3 $0xFFFFEC00  }
0x208: {  	[tilespmem:s30], [sflag:$0x3] =	stream.indirect.gather @!p3 [spmem:s1], $0x50, s0, s23, $0xb8;
	[tilespmem:$0x1F950] =	vst v63  }
0x209: {  	_ =	swait.ge [sflag:s28], $0x1400  }
0x20a: {  	[sflag:s28] =	ssyncset.done $0x0  }
0x20b: {  	s29 =	simm.s32 @p3 $0x5;
	s14 =	rddreg [dreg:$0xb];
	[sflag:s28] =	ssyncadd.s32 $0xFFFFEC00  }
0x20c: {  	[spmem:s2] =	stream.indirect.scatter.add.f32 [tilespmem:s26], [sflag:$0x9], $0x50, s14, s24, $0xb8;
	[tilespmem:$0x1F950] =	vst v63  }
0x20d: {  	_ =	swait.ge @p3 [sflag:s29], $0x1400  }
0x20e: {  	s0 =	simm.s32 @p3 $0x740;
	[sflag:s29] =	ssyncset.done @p3 $0x0  }
0x20f: {  	s30 =	simm.s32 @p3 $0x5A00;
	[sflag:s29] =	ssyncadd.s32 @p3 $0xFFFFEC00;
	s29 =	simm.s32 @!p3 $0x9  }
0x210: {  	[spmem:s2] =	stream.indirect.scatter.add.f32 @p3 [tilespmem:s30], [sflag:$0xA], $0x50, s0, s8, $0xb8;
	[tilespmem:$0x1F950] =	vst v63  }
0x211: {  	_ =	swait.ge @!p3 [sflag:s29], $0x1400  }
0x212: {  	s0 =	simm.s32 @!p3 $0x340;
	[sflag:s29] =	ssyncset.done @!p3 $0x0  }
0x213: {  	s8 =	simm.s32 @!p3 $0x4600;
	[sflag:s29] =	ssyncadd.s32 @!p3 $0xFFFFEC00;
	s29 =	simm.s32 @!p3 $0x5  }
0x214: {  	[tilespmem:s8], [sflag:$0x4] =	stream.indirect.gather @!p3 [spmem:s1], $0x50, s0, s23, $0xb8;
	[tilespmem:$0x1F950] =	vst v63  }
0x215: {  	_ =	swait.ge @!p3 [sflag:s29], $0x1400  }
0x216: {  	s30 =	simm.s32 @!p3 $0x5A00;
	[sflag:s29] =	ssyncset.done @!p3 $0x0  }
0x217: {  	s0 =	simm.s32 @!p3 $0x740;
	s8 =	simm.s32 @!p3 $0xA;
	[sflag:s29] =	ssyncadd.s32 @!p3 $0xFFFFEC00  }
0x218: {  	[spmem:s2] =	stream.indirect.scatter.add.f32 @!p3 [tilespmem:s30], [sflag:$0xA], $0x50, s0, s23, $0xb8;
	[tilespmem:$0x1F950] =	vst v63  }
0x219: {  	s9 =	smov.u32 s16;
	s16 =	sadd.s32 $0x4, s16;
	_ =	swait.ge @!p3 [sflag:s8], $0x1400  }
0x21a: {  	p1 =	sge.u32 s16, s12;
	[sflag:s8] =	ssyncset.done @!p3 $0x0  }
0x21b: {  	s29 =	sadd.s32 @!p1 s5, s10;
	s0 =	simm.s32 @!p3 $0x380;
	[sflag:s8] =	ssyncadd.s32 @!p3 $0xFFFFEC00  }
0x21c: {  	[tilespmem:s30], [sflag:$0x5] =	stream.indirect.gather @!p3 [spmem:s1], $0x50, s0, s23, $0xb8;
	[tilespmem:$0x1F950] =	vst v63  }
0x21d: {  	s31 =	sadd.s32 @!p1 s6, s10;
	s0 =	sadd.s32 @!p1 $0xA0, s29;
	s23 =	simm.s32 @!p1 $0x0  }
0x21e: {  	[tilespmem:s23], [sflag:$0xB] =	stream.linear.gather @!p1 [hbm4b:s0+s23], $0x140, $0x38;
	[tilespmem:$0x1F950] =	vst v63  }
0x21f: {  	s29 =	simm.s32 @!p1 $0x500;
	s30 =	simm.s32 @p2 $0x1;
	s0 =	sadd.s32 @!p1 $0xA0, s31  }
0x220: {  	[tilespmem:s29], [sflag:$0xF] =	stream.linear.gather @!p1 [hbm4b:s0+s23], $0x140, $0x38;
	[tilespmem:$0x1F950] =	vst v63  }
0x221: {  	_ =	swait.ge @p2 [sflag:s30], $0x1400  }
0x222: {  	s31 =	simm.s32 @p2 $0x780;
	s0 =	simm.s32 @p2 $0xA00;
	[sflag:s30] =	ssyncset.done @p2 $0x0  }
0x223: {  	s29 =	simm.s32 @!p2 $0xE;
	[sflag:s30] =	ssyncadd.s32 @p2 $0xFFFFEC00;
	s30 =	simm.s32 @p2 $0x40  }
0x224: {  	[spmem:s2] =	stream.indirect.scatter.add.f32 @p2 [tilespmem:s0], [sflag:$0x6], $0x50, s31, s30, $0xb8;
	[tilespmem:$0x1F950] =	vst v63  }
0x225: {  	_ =	swait.ge @!p2 [sflag:s29], $0x140  }
0x226: {  	[sflag:s29] =	ssyncset.done @!p2 $0x0  }
0x227: {  	s0 =	simm.s32 @!p2 $0x12;
	[sflag:s29] =	ssyncadd.s32 @!p2 $0xFFFFFEC0  }
0x228: {  	_ =	swait.ge @!p2 [sflag:s0], $0x140  }
0x229: {  	[sflag:s0] =	ssyncset.done @!p2 $0x0  }
0x22a: {  	s31 =	simm.s32 @!p2 $0x1;
	[sflag:s0] =	ssyncadd.s32 @!p2 $0xFFFFFEC0  }
0x22b: {  	_ =	swait.ge @!p2 [sflag:s31], $0x1400  }
0x22c: {  	s19 =	simm.s32 @!p2 $0xA00;
	s14 =	simm.s32 @!p2 $0x6;
	[sflag:s31] =	ssyncset.done @!p2 $0x0  }
0x22d: {  	s29 =	simm.s32 @!p2 $0x40;
	s0 =	simm.s32 @!p2 $0x780;
	[sflag:s31] =	ssyncadd.s32 @!p2 $0xFFFFEC00  }
0x22e: {  	[spmem:s2] =	stream.indirect.scatter.add.f32 @!p2 [tilespmem:s19], [sflag:$0x6], $0x50, s0, s29, $0xb8;
	[tilespmem:$0x1F950] =	vst v63  }
0x22f: {  	_ =	swait.ge @!p2 [sflag:s14], $0x1400  }
0x230: {  	[sflag:s14] =	ssyncset.done @!p2 $0x0  }
0x231: {  	[sflag:s14] =	ssyncadd.s32 @!p2 $0xFFFFEC00  }
0x232: {  	[tilespmem:s19], [sflag:$0x1] =	stream.indirect.gather @!p2 [spmem:s1], $0x50, s22, s29, $0xb8;
	[tilespmem:$0x1F950] =	vst v63  }
0x233: {  	_ =	swait.ge [sflag:s21], $0x1400  }
0x234: {  	[sflag:s21] =	ssyncset.done $0x0  }
0x235: {  	s0 =	simm.s32 @p2 $0x3;
	s19 =	rddreg [dreg:$0xc];
	[sflag:s21] =	ssyncadd.s32 $0xFFFFEC00  }
0x236: {  	[spmem:s2] =	stream.indirect.scatter.add.f32 [tilespmem:s25], [sflag:$0x7], $0x50, s19, s24, $0xb8;
	[tilespmem:$0x1F950] =	vst v63  }
0x237: {  	_ =	swait.ge @p2 [sflag:s0], $0x1400  }
0x238: {  	s14 =	simm.s32 @!p2 $0x7;
	[sflag:s0] =	ssyncset.done @p2 $0x0  }
0x239: {  	s19 =	simm.s32 @p2 $0x3200;
	[sflag:s0] =	ssyncadd.s32 @p2 $0xFFFFEC00;
	s0 =	simm.s32 @p2 $0x800  }
0x23a: {  	[spmem:s2] =	stream.indirect.scatter.add.f32 @p2 [tilespmem:s19], [sflag:$0x8], $0x50, s0, s30, $0xb8;
	[tilespmem:$0x1F950] =	vst v63  }
0x23b: {  	_ =	swait.ge @!p2 [sflag:s14], $0x1400  }
0x23c: {  	s0 =	simm.s32 @!p2 $0x3;
	[sflag:s14] =	ssyncset.done @!p2 $0x0  }
0x23d: {  	s19 =	simm.s32 @!p2 $0x1E00;
	[sflag:s14] =	ssyncadd.s32 @!p2 $0xFFFFEC00;
	s14 =	simm.s32 @!p2 $0x400  }
0x23e: {  	[tilespmem:s19], [sflag:$0x2] =	stream.indirect.gather @!p2 [spmem:s1], $0x50, s14, s29, $0xb8;
	[tilespmem:$0x1F950] =	vst v63  }
0x23f: {  	_ =	swait.ge @!p2 [sflag:s0], $0x1400  }
0x240: {  	s14 =	simm.s32 @!p2 $0x8;
	[sflag:s0] =	ssyncset.done @!p2 $0x0  }
0x241: {  	s19 =	simm.s32 @!p2 $0x3200;
	[sflag:s0] =	ssyncadd.s32 @!p2 $0xFFFFEC00;
	s0 =	simm.s32 @!p2 $0x800  }
0x242: {  	[spmem:s2] =	stream.indirect.scatter.add.f32 @!p2 [tilespmem:s19], [sflag:$0x8], $0x50, s0, s29, $0xb8;
	[tilespmem:$0x1F950] =	vst v63  }
0x243: {  	_ =	swait.ge @!p2 [sflag:s14], $0x1400  }
0x244: {  	[sflag:s14] =	ssyncset.done @!p2 $0x0  }
0x245: {  	s0 =	simm.s32 @!p2 $0x440;
	[sflag:s14] =	ssyncadd.s32 @!p2 $0xFFFFEC00  }
0x246: {  	[tilespmem:s19], [sflag:$0x3] =	stream.indirect.gather @!p2 [spmem:s1], $0x50, s0, s29, $0xb8;
	[tilespmem:$0x1F950] =	vst v63  }
0x247: {  	_ =	swait.ge [sflag:s28], $0x1400  }
0x248: {  	[sflag:s28] =	ssyncset.done $0x0  }
0x249: {  	s0 =	simm.s32 @p2 $0x5;
	s22 =	rddreg [dreg:$0xd];
	[sflag:s28] =	ssyncadd.s32 $0xFFFFEC00  }
0x24a: {  	[spmem:s2] =	stream.indirect.scatter.add.f32 [tilespmem:s26], [sflag:$0x9], $0x50, s22, s24, $0xb8;
	[tilespmem:$0x1F950] =	vst v63  }
0x24b: {  	_ =	swait.ge @p2 [sflag:s0], $0x1400  }
0x24c: {  	s14 =	simm.s32 @!p2 $0x9;
	[sflag:s0] =	ssyncset.done @p2 $0x0  }
0x24d: {  	s19 =	simm.s32 @p2 $0x5A00;
	[sflag:s0] =	ssyncadd.s32 @p2 $0xFFFFEC00;
	s0 =	simm.s32 @p2 $0x880  }
0x24e: {  	[spmem:s2] =	stream.indirect.scatter.add.f32 @p2 [tilespmem:s19], [sflag:$0xA], $0x50, s0, s30, $0xb8;
	[tilespmem:$0x1F950] =	vst v63  }
0x24f: {  	_ =	swait.ge @!p2 [sflag:s14], $0x1400  }
0x250: {  	s0 =	simm.s32 @!p2 $0x5;
	[sflag:s14] =	ssyncset.done @!p2 $0x0  }
0x251: {  	s19 =	simm.s32 @!p2 $0x4600;
	[sflag:s14] =	ssyncadd.s32 @!p2 $0xFFFFEC00;
	s14 =	simm.s32 @!p2 $0x480  }
0x252: {  	[tilespmem:s19], [sflag:$0x4] =	stream.indirect.gather @!p2 [spmem:s1], $0x50, s14, s29, $0xb8;
	[tilespmem:$0x1F950] =	vst v63  }
0x253: {  	_ =	swait.ge @!p2 [sflag:s0], $0x1400  }
0x254: {  	s31 =	sadd.s32 $0x5, s9;
	s22 =	simm.s32 @!p2 $0x5A00;
	[sflag:s0] =	ssyncset.done @!p2 $0x0  }
0x255: {  	s14 =	simm.s32 @!p2 $0xA;
	[sflag:s0] =	ssyncadd.s32 @!p2 $0xFFFFEC00;
	s0 =	simm.s32 @!p2 $0x880  }
0x256: {  	[spmem:s2] =	stream.indirect.scatter.add.f32 @!p2 [tilespmem:s22], [sflag:$0xA], $0x50, s0, s29, $0xb8;
	[tilespmem:$0x1F950] =	vst v63  }
0x257: {  	p3 =	sge.u32 s31, s12;
	_ =	swait.ge @!p2 [sflag:s14], $0x1400  }
0x258: {  	s30 =	sadd.s32 @!p3 s6, s10;
	[sflag:s14] =	ssyncset.done @!p2 $0x0  }
0x259: {  	s19 =	sadd.s32 @!p3 s5, s10;
	s0 =	simm.s32 @!p2 $0x4C0;
	[sflag:s14] =	ssyncadd.s32 @!p2 $0xFFFFEC00  }
0x25a: {  	[tilespmem:s22], [sflag:$0x5] =	stream.indirect.gather @!p2 [spmem:s1], $0x50, s0, s29, $0xb8;
	[tilespmem:$0x1F950] =	vst v63  }
0x25b: {  	s14 =	sadd.s32 @!p3 $0xC8, s19;
	s0 =	simm.s32 @!p3 $0x0;
	s22 =	simm.s32 @!p3 $0x140  }
0x25c: {  	[tilespmem:s22], [sflag:$0xC] =	stream.linear.gather @!p3 [hbm4b:s14+s0], $0x140, $0x38;
	[tilespmem:$0x1F950] =	vst v63  }
0x25d: {  	s19 =	sadd.s32 @!p3 $0xC8, s30;
	s29 =	simm.s32 @!p3 $0x640;
	s14 =	simm.s32 @p1 $0x1  }
0x25e: {  	[tilespmem:s29], [sflag:$0x10] =	stream.linear.gather @!p3 [hbm4b:s19+s0], $0x140, $0x38;
	[tilespmem:$0x1F950] =	vst v63  }
0x25f: {  	_ =	swait.ge @p1 [sflag:s14], $0x1400  }
0x260: {  	s29 =	simm.s32 @p1 $0x40;
	s0 =	simm.s32 @p1 $0x8C0;
	[sflag:s14] =	ssyncset.done @p1 $0x0  }
0x261: {  	s19 =	simm.s32 @!p1 $0xB;
	[sflag:s14] =	ssyncadd.s32 @p1 $0xFFFFEC00;
	s14 =	simm.s32 @p1 $0xA00  }
0x262: {  	[spmem:s2] =	stream.indirect.scatter.add.f32 @p1 [tilespmem:s14], [sflag:$0x6], $0x50, s0, s29, $0xb8;
	[tilespmem:$0x1F950] =	vst v63  }
0x263: {  	_ =	swait.ge @!p1 [sflag:s19], $0x140  }
0x264: {  	[sflag:s19] =	ssyncset.done @!p1 $0x0  }
0x265: {  	s0 =	simm.s32 @!p1 $0xF;
	[sflag:s19] =	ssyncadd.s32 @!p1 $0xFFFFFEC0  }
0x266: {  	_ =	swait.ge @!p1 [sflag:s0], $0x140  }
0x267: {  	[sflag:s0] =	ssyncset.done @!p1 $0x0  }
0x268: {  	s14 =	simm.s32 @!p1 $0x1;
	[sflag:s0] =	ssyncadd.s32 @!p1 $0xFFFFFEC0  }
0x269: {  	_ =	swait.ge @!p1 [sflag:s14], $0x1400  }
0x26a: {  	s30 =	simm.s32 @!p1 $0x8C0;
	s22 =	simm.s32 @!p1 $0x40;
	[sflag:s14] =	ssyncset.done @!p1 $0x0  }
0x26b: {  	s19 =	simm.s32 @!p1 $0x6;
	s0 =	simm.s32 @!p1 $0xA00;
	[sflag:s14] =	ssyncadd.s32 @!p1 $0xFFFFEC00  }
0x26c: {  	[spmem:s2] =	stream.indirect.scatter.add.f32 @!p1 [tilespmem:s0], [sflag:$0x6], $0x50, s30, s22, $0xb8;
	[tilespmem:$0x1F950] =	vst v63  }
0x26d: {  	_ =	swait.ge @!p1 [sflag:s19], $0x1400  }
0x26e: {  	[sflag:s19] =	ssyncset.done @!p1 $0x0  }
0x26f: {  	[sflag:s19] =	ssyncadd.s32 @!p1 $0xFFFFEC00  }
0x270: {  	[tilespmem:s0], [sflag:$0x1] =	stream.indirect.gather @!p1 [spmem:s1], $0x50, s23, s22, $0xb8;
	[tilespmem:$0x1F950] =	vst v63  }
0x271: {  	_ =	swait.ge [sflag:s21], $0x1400  }
0x272: {  	[sflag:s21] =	ssyncset.done $0x0  }
0x273: {  	s14 =	simm.s32 @p1 $0x3;
	s30 =	rddreg [dreg:$0xe];
	[sflag:s21] =	ssyncadd.s32 $0xFFFFEC00  }
0x274: {  	[spmem:s2] =	stream.indirect.scatter.add.f32 [tilespmem:s25], [sflag:$0x7], $0x50, s30, s24, $0xb8;
	[tilespmem:$0x1F950] =	vst v63  }
0x275: {  	_ =	swait.ge @p1 [sflag:s14], $0x1400  }
0x276: {  	s19 =	simm.s32 @p1 $0x3200;
	[sflag:s14] =	ssyncset.done @p1 $0x0  }
0x277: {  	s0 =	simm.s32 @p1 $0x940;
	[sflag:s14] =	ssyncadd.s32 @p1 $0xFFFFEC00;
	s14 =	simm.s32 @!p1 $0x7  }
0x278: {  	[spmem:s2] =	stream.indirect.scatter.add.f32 @p1 [tilespmem:s19], [sflag:$0x8], $0x50, s0, s29, $0xb8;
	[tilespmem:$0x1F950] =	vst v63  }
0x279: {  	_ =	swait.ge @!p1 [sflag:s14], $0x1400  }
0x27a: {  	[sflag:s14] =	ssyncset.done @!p1 $0x0  }
0x27b: {  	s0 =	simm.s32 @!p1 $0x1E00;
	s19 =	simm.s32 @!p1 $0x3;
	[sflag:s14] =	ssyncadd.s32 @!p1 $0xFFFFEC00  }
0x27c: {  	[tilespmem:s0], [sflag:$0x2] =	stream.indirect.gather @!p1 [spmem:s1], $0x50, s22, s22, $0xb8;
	[tilespmem:$0x1F950] =	vst v63  }
0x27d: {  	_ =	swait.ge @!p1 [sflag:s19], $0x1400  }
0x27e: {  	s14 =	simm.s32 @!p1 $0x3200;
	[sflag:s19] =	ssyncset.done @!p1 $0x0  }
0x27f: {  	s0 =	simm.s32 @!p1 $0x940;
	[sflag:s19] =	ssyncadd.s32 @!p1 $0xFFFFEC00;
	s19 =	simm.s32 @!p1 $0x8  }
0x280: {  	[spmem:s2] =	stream.indirect.scatter.add.f32 @!p1 [tilespmem:s14], [sflag:$0x8], $0x50, s0, s22, $0xb8;
	[tilespmem:$0x1F950] =	vst v63  }
0x281: {  	_ =	swait.ge @!p1 [sflag:s19], $0x1400  }
0x282: {  	[sflag:s19] =	ssyncset.done @!p1 $0x0  }
0x283: {  	s0 =	simm.s32 @!p1 $0x80;
	[sflag:s19] =	ssyncadd.s32 @!p1 $0xFFFFEC00  }
0x284: {  	[tilespmem:s14], [sflag:$0x3] =	stream.indirect.gather @!p1 [spmem:s1], $0x50, s0, s22, $0xb8;
	[tilespmem:$0x1F950] =	vst v63  }
0x285: {  	_ =	swait.ge [sflag:s28], $0x1400  }
0x286: {  	[sflag:s28] =	ssyncset.done $0x0  }
0x287: {  	s14 =	simm.s32 @p1 $0x5;
	s31 =	rddreg [dreg:$0xf];
	[sflag:s28] =	ssyncadd.s32 $0xFFFFEC00  }
0x288: {  	[spmem:s2] =	stream.indirect.scatter.add.f32 [tilespmem:s26], [sflag:$0x9], $0x50, s31, s24, $0xb8;
	[tilespmem:$0x1F950] =	vst v63  }
0x289: {  	_ =	swait.ge @p1 [sflag:s14], $0x1400  }
0x28a: {  	s13 =	sadd.s32 $0xFFFFFFFF, s13;
	s19 =	simm.s32 @p1 $0x5A00;
	[sflag:s14] =	ssyncset.done @p1 $0x0  }
0x28b: {  	s0 =	simm.s32 @p1 $0x9C0;
	[sflag:s14] =	ssyncadd.s32 @p1 $0xFFFFEC00;
	s14 =	simm.s32 @!p1 $0x9  }
0x28c: {  	[spmem:s2] =	stream.indirect.scatter.add.f32 @p1 [tilespmem:s19], [sflag:$0xA], $0x50, s0, s29, $0xb8;
	[tilespmem:$0x1F950] =	vst v63  }
0x28d: {  	p0 =	sne.s32 s13, $0x0;
	_ =	swait.ge @!p1 [sflag:s14], $0x1400  }
0x28e: {  	s0 =	simm.s32 @!p1 $0xC0;
	s19 =	simm.s32 @!p1 $0x4600;
	[sflag:s14] =	ssyncset.done @!p1 $0x0  }
.Ltmp2:
0x28f: {  	[sflag:s14] =	ssyncadd.s32 @!p1 $0xFFFFEC00;
	s14 =	simm.s32 @!p1 $0x5;
	(pc) =	sbr.rel @p0 .LBB2_4-.Ltmp2, $4  }
0x290: {  	[tilespmem:s19], [sflag:$0x4] =	stream.indirect.gather @!p1 [spmem:s1], $0x50, s0, s22, $0xb8;
	[tilespmem:$0x1F950] =	vst v63  }
0x291: {  	_ =	swait.ge @!p1 [sflag:s14], $0x1400  }
0x292: {  	s8 =	simm.s32 @!p1 $0xA;
	[sflag:s14] =	ssyncset.done @!p1 $0x0  }
0x293: {  	s23 =	simm.s32 @!p1 $0x5A00;
	s29 =	simm.s32 @!p1 $0x9C0;
	[sflag:s14] =	ssyncadd.s32 @!p1 $0xFFFFEC00  }
.LBB2_5:
0x294: {  	[spmem:s2] =	stream.indirect.scatter.add.f32 @!p1 [tilespmem:s23], [sflag:$0xA], $0x50, s29, s22, $0xb8;
	[tilespmem:$0x1F950] =	vst v63  }
0x295: {  	s0 =	sadd.s32 $0x6, s9;
	_ =	swait.ge @!p1 [sflag:s8], $0x1400  }
0x296: {  	s9 =	simm.s32 @!p1 $0x100;
	p0 =	sge.u32 s0, s12;
	[sflag:s8] =	ssyncset.done @!p1 $0x0  }
0x297: {  	s0 =	sadd.s32 @!p0 s5, s10;
	s5 =	sadd.s32 @!p0 s6, s10;
	[sflag:s8] =	ssyncadd.s32 @!p1 $0xFFFFEC00  }
0x298: {  	[tilespmem:s23], [sflag:$0x5] =	stream.indirect.gather @!p1 [spmem:s1], $0x50, s9, s22, $0xb8;
	[tilespmem:$0x1F950] =	vst v63  }
0x299: {  	s6 =	simm.s32 @!p0 $0x0;
	s0 =	sadd.s32 @!p0 $0xF0, s0;
	s8 =	simm.s32 @!p0 $0x280  }
0x29a: {  	[tilespmem:s8], [sflag:$0xD] =	stream.linear.gather @!p0 [hbm4b:s0+s6], $0x140, $0x38;
	[tilespmem:$0x1F950] =	vst v63  }
0x29b: {  	s16 =	simm.s32 $0x6;
	s0 =	sadd.s32 @!p0 $0xF0, s5;
	s5 =	simm.s32 @!p0 $0x780  }
0x29c: {  	[tilespmem:s5], [sflag:$0x11] =	stream.linear.gather @!p0 [hbm4b:s0+s6], $0x140, $0x38;
	[tilespmem:$0x1F950] =	vst v63  }
0x29d: {  	_ =	swait.ge [sflag:s16], $0x1400  }
0x29e: {  	[sflag:s16] =	ssyncset.done $0x0  }
0x29f: {  	s19 =	simm.s32 $0x7;
	[sflag:s16] =	ssyncadd.s32 $0xFFFFEC00  }
0x2a0: {  	_ =	swait.ge [sflag:s19], $0x1400  }
0x2a1: {  	[sflag:s19] =	ssyncset.done $0x0  }
0x2a2: {  	s22 =	simm.s32 $0x8;
	[sflag:s19] =	ssyncadd.s32 $0xFFFFEC00  }
0x2a3: {  	_ =	swait.ge [sflag:s22], $0x1400  }
0x2a4: {  	[sflag:s22] =	ssyncset.done $0x0  }
0x2a5: {  	s23 =	simm.s32 $0x9;
	[sflag:s22] =	ssyncadd.s32 $0xFFFFEC00  }
0x2a6: {  	_ =	swait.ge [sflag:s23], $0x1400  }
0x2a7: {  	[sflag:s23] =	ssyncset.done $0x0  }
0x2a8: {  	[sflag:s23] =	ssyncadd.s32 $0xFFFFEC00  }
0x2a9: {  	_ =	swait.ge [sflag:s18], $0x1400  }
0x2aa: {  	[sflag:s18] =	ssyncset.done $0x0  }
0x2ab: {  	[sflag:s18] =	ssyncadd.s32 $0xFFFFEC00  }
0x2ac: {  	[bflag:$0x0] =	sbarrier.arrive $0xFFFF  }
0x2ad: {  	s9 =	rddreg [dreg:$0x1a]  }
0x2ae: {  	s30 =	rddreg [dreg:$0x19];
	s29 =	sshrl.u32 s9, $0x3  }
0x2af: {  	[hbm:s30], [sflag:s4] =	dma.local [spmem:s29], $0x1900  }
0x2b0: {  	_ =	swait.ge [sflag:s11], $0x1900  }
0x2b1: {  	s3 =	sadd.s32 $0x1, s3;
	s31 =	rddreg [dreg:$0x1b]  }
0x2b2: {  	p0 =	sne.s32 s3, s31  }
.Ltmp3:
0x2b3: {  	_ = 	snop;
	(pc) =	sbr.rel @p0 .LBB2_1-.Ltmp3, $3  }
0x2b4: {  	_ =	sdelay $0x1  }
0x2b5: {  	[sflag:s11] =	ssyncset.done $0x0  }
0x2b6: {  	[sflag:s11] =	ssyncadd.s32 $0xFFFFE700  }
0x2b7: {  	_ =	sfence.sel $0x180000  }
0x2b8: {  	[bflag:$0x0] =	sbarrier.arrive $0xFFFF  }
0x2b9: {  	_ =	strace $0x90000047  }
0x2ba: {  	s0 =	stileid.u32;
	[bflag:$0x2] =	sbarrier.arrive $0xFFFF  }
0x2bb: {  	p0 =	sne.s32 s0, $0x0;
	s0 =	rddreg [dreg:$0x5]  }
0x2bc: {  	s0 =	sadd.s32 @!p0 $0x100000, s0  }
0x2bd: {  	[sflag:s0] =	ssyncadd.tile.s32 @!p0 $0x1;
	_ =	shalt  }
.Lfunc_end2:
_tile_overlayer_lowered:
.L_overlay_start_2:
0x2be: {  	(tag) =	ssettag $0x2  }
0x2bf: {  	s0 =	rddreg [dreg:$0x0];
	s2 =	stileid.u32  }
0x2c0: {  	s1 =	rddreg [dreg:$0x1];
	p0 =	sne.s32 s2, $0x0  }
0x2c1: {  	s3 =	rddreg [dreg:$0x2];
	[bflag:$0x3] =	sbarrier.arrive $0xFFFF;
	s2 =	simm.s32 @!p0 $0x1C13  }
0x2c2: {  	[timem:s3], [sflag:s2] =	dma.local @!p0 [hbm:s0], s1  }
0x2c3: {  	s0 =	simm.s32 @!p0 $0x13  }
0x2c4: {  	_ =	swait.ge @!p0 [sflag:s0], s1  }
0x2c5: {  	s1 =	ssub.s32 @!p0 $0x0, s1;
	[sflag:s0] =	ssyncset.done @!p0 $0x0  }
0x2c6: {  	[sflag:s0] =	ssyncadd.s32 @!p0 s1  }
0x2c7: {  	[bflag:$0x3] =	sbarrier.arrive $0xFFFF  }
0x2c8: {  	_ =	shalt  }

</sc_bundles>
